<compile_context>
chip_gen: v7x
topology: tpu7x:2x2x1
jax: 0.10.2.dev20260603
libtpu: 0.0.44.dev20260713+nightly
codegen_flags: <defaults>
</compile_context>

<pallas_src>
import functools

import jax
import jax.numpy as jnp
from jax import lax
from jax.experimental import pallas as pl
from jax.experimental.pallas import tpu as pltpu
from jax.experimental.pallas import tpu_sc as plsc

H = 16
B = 16384
NC = 2
NS = 16
NW = NC * NS
BPW = B // NW
G = 16
NG = BPW // G
BLK = 8 * H

_mesh = plsc.VectorSubcoreMesh(core_axis_name="c", subcore_axis_name="s")


@functools.partial(
    pl.kernel,
    out_type=jax.ShapeDtypeStruct((NW, H), jnp.float32),
    mesh=_mesh,
    scratch_types=[
        pltpu.VMEM((BPW,), jnp.int32),
        pltpu.VMEM((BPW,), jnp.int32),
        pltpu.VMEM((2, G, H), jnp.float32),
        pltpu.VMEM((2, G, BLK), jnp.float32),
        pltpu.VMEM((H,), jnp.float32),
        pltpu.SemaphoreType.DMA,
        pltpu.SemaphoreType.DMA,
    ],
    compiler_params=pltpu.CompilerParams(needs_layout_passes=False),
)
def _partials_sc(rid_hbm, pid_hbm, rlin_hbm, plin_hbm, out_hbm,
                 idx_r, idx_p, rblk, pblk, acc_v, semA, semB):
    wid = lax.axis_index("s") * NC + lax.axis_index("c")
    base = wid * BPW
    pltpu.sync_copy(rid_hbm.at[pl.ds(base, BPW)], idx_r)
    pltpu.sync_copy(pid_hbm.at[pl.ds(base, BPW)], idx_p)

    iota16 = lax.iota(jnp.int32, 16)
    sems = (semA, semB)

    def vecs(group):
        off = pl.multiple_of(group * G, G)
        return idx_r[pl.ds(off, G)], idx_p[pl.ds(off, G)]

    def enqueue(group, bset):
        sem = sems[bset]
        rvec, pvec = vecs(group)
        pq = lax.shift_right_logical(pvec, 3)
        pltpu.async_copy(plin_hbm.at[pq], pblk.at[bset], sem)
        for e in range(G):
            pltpu.async_copy(rlin_hbm.at[rvec[e]], rblk.at[bset, e], sem)

    def process(group, bset, acc):
        sem = sems[bset]
        rvec, pvec = vecs(group)
        pq = lax.shift_right_logical(pvec, 3)
        pltpu.make_async_copy(plin_hbm.at[pq], pblk.at[bset], sem).wait()
        for e in range(G):
            pltpu.make_async_copy(rlin_hbm.at[0], rblk.at[bset, e], sem).wait()
        for e in range(G):
            rv = rblk[bset, e]
            psub = jnp.bitwise_and(pvec[e], 7) * H
            pv = plsc.load_gather(pblk.at[bset, e], [iota16 + psub])
            acc = acc + rv * pv
        return acc

    enqueue(0, 0)
    enqueue(1, 1)

    def body(h, acc):
        g = h * 2
        acc = process(g, 0, acc)

        @pl.when(g + 2 < NG)
        def _():
            enqueue(g + 2, 0)

        acc = process(g + 1, 1, acc)

        @pl.when(g + 3 < NG)
        def _():
            enqueue(g + 3, 1)

        return acc

    acc = lax.fori_loop(0, NG // 2, body, jnp.zeros((H,), jnp.float32))

    acc_v[...] = acc
    pltpu.sync_copy(acc_v, out_hbm.at[wid])


def _sum_tc(p_ref, o_ref):
    o_ref[...] = jnp.sum(p_ref[...], axis=0, keepdims=True)


@jax.jit
def kernel(reviewer_id, product_id, reviewer_table, product_table):
    rlin = reviewer_table
    plin = product_table.reshape(product_table.shape[0] // 8, BLK)
    partials = _partials_sc(reviewer_id, product_id, rlin, plin)
    out = pl.pallas_call(
        _sum_tc,
        out_shape=jax.ShapeDtypeStruct((1, H), jnp.float32),
    )(partials)
    return out.reshape(H)

# --- scband reference (transcript-rebuilt; emitter-appended) ---
"""Pipeline reference for scband-model-89069031784837 (READ-ONLY COPY).

The authoritative reference and input builder live on the scoring server;
editing this copy changes nothing except your own understanding.
"""

import jax, jax.numpy as jnp
import numpy as np

NUM_REVIEWERS = 1000000
NUM_PRODUCTS = 100000
HIDDEN_DIM = 16
BATCH = 16384

def setup_inputs(seed: int = 0) -> dict:
    key = jax.random.key(seed)
    k1, k2, k3, k4 = jax.random.split(key, 4)
    reviewer_id = jax.random.randint(k1, (BATCH,), 0, NUM_REVIEWERS, dtype=jnp.int64 if jax.config.jax_enable_x64 else jnp.int32).astype(jnp.int32)
    product_id = jax.random.randint(k2, (BATCH,), 0, NUM_PRODUCTS, dtype=jnp.int32)
    reviewer_table = jax.random.normal(k3, (NUM_REVIEWERS, HIDDEN_DIM), dtype=jnp.float32)
    product_table = jax.random.normal(k4, (NUM_PRODUCTS, HIDDEN_DIM), dtype=jnp.float32)
    return {
        "reviewer_id": reviewer_id,
        "product_id": product_id,
        "reviewer_table": reviewer_table,
        "product_table": product_table,
    }

def reference(reviewer_id, product_id, reviewer_table, product_table):
    # Embedding lookups (gathers)
    r_emb = jnp.take(reviewer_table, reviewer_id, axis=0)  # [B, H]
    p_emb = jnp.take(product_table, product_id, axis=0)    # [B, H]
    # Python sum(tensor) in torch iterates over dim 0 -> equivalent to sum over axis 0
    return jnp.sum(r_emb * p_emb, axis=0)  # [H]

if __name__ == "__main__":
    import jax
    _d = setup_inputs()
    print(jax.jit(kernel)(*tuple(_d.values())))

</pallas_src>

<mosaic_0001>
#map = affine_map<(d0, d1) -> (0)>
#map1 = affine_map<(d0, d1) -> (0, 0)>
module attributes {stable_mosaic.version = 14 : i64} {
  func.func @_partials_sc(%arg0: i32, %arg1: i32, %arg2: memref<16384xi32, #tpu.memory_space<hbm>>, %arg3: memref<16384xi32, #tpu.memory_space<hbm>>, %arg4: memref<1000000x16xf32, #tpu.memory_space<hbm>>, %arg5: memref<12500x128xf32, #tpu.memory_space<hbm>>, %arg6: memref<32x16xf32, #tpu.memory_space<hbm>>, %arg7: memref<512xi32, #tpu.memory_space<vmem>>, %arg8: memref<512xi32, #tpu.memory_space<vmem>>, %arg9: memref<2x16x16xf32, #tpu.memory_space<vmem>>, %arg10: memref<2x16x128xf32, #tpu.memory_space<vmem>>, %arg11: memref<16xf32, #tpu.memory_space<vmem>>, %arg12: memref<!tpu.dma_semaphore, #tpu.memory_space<semaphore_mem>>, %arg13: memref<!tpu.dma_semaphore, #tpu.memory_space<semaphore_mem>>) attributes {dimension_semantics = [#tpu.dimension_semantics<core_parallel>, #tpu.dimension_semantics<subcore_parallel>], iteration_bounds = array<i64: 2, 16>, scalar_prefetch = 0 : i64, scratch_operands = 7 : i64, tpu.core_type = #tpu.core_type<sc_vector_subcore>, window_params = [{transform_indices = #map}, {transform_indices = #map}, {transform_indices = #map1}, {transform_indices = #map1}, {transform_indices = #map1}]} {
    %mul3A = arith.constant 2 : i32
    %mul3A_0 = arith.muli %arg1, %mul3A : i32
    %add3A = arith.addi %mul3A_0, %arg0 : i32
    %mul3A_1 = arith.constant 512 : i32
    %mul3A_2 = arith.muli %add3A, %mul3A_1 : i32
    "tpu.region"() ({
      %run_scoped3A = tpu.sem_alloc : memref<!tpu.dma_semaphore, #tpu.memory_space<semaphore_mem>>
      %dma_start3A_550 = tpu.memref_slice %arg2[%mul3A_2] : memref<16384xi32, #tpu.memory_space<hbm>> -> memref<512xi32, #tpu.memory_space<hbm>>
      %dma_start3A_551 = tpu.memref_slice %arg2[%mul3A_2] : memref<16384xi32, #tpu.memory_space<hbm>> -> memref<512xi32, #tpu.memory_space<hbm>>
      tpu.enqueue_dma source(%dma_start3A_551 : memref<512xi32, #tpu.memory_space<hbm>>) target(%arg7 : memref<512xi32, #tpu.memory_space<vmem>>) target_semaphore(%run_scoped3A : memref<!tpu.dma_semaphore, #tpu.memory_space<semaphore_mem>>)
      %dma_wait3A = tpu.memref_slice %arg2[%mul3A_2] : memref<16384xi32, #tpu.memory_space<hbm>> -> memref<512xi32, #tpu.memory_space<hbm>>
      %dma_wait3A_552 = tpu.memref_slice %arg2[%mul3A_2] : memref<16384xi32, #tpu.memory_space<hbm>> -> memref<512xi32, #tpu.memory_space<hbm>>
      tpu.wait_dma2 semaphore(%run_scoped3A : memref<!tpu.dma_semaphore, #tpu.memory_space<semaphore_mem>>) src(%dma_wait3A_552 : memref<512xi32, #tpu.memory_space<hbm>>) dst(%arg7 : memref<512xi32, #tpu.memory_space<vmem>>)
      tpu.yield
    }) : () -> ()
    "tpu.region"() ({
      %run_scoped3A = tpu.sem_alloc : memref<!tpu.dma_semaphore, #tpu.memory_space<semaphore_mem>>
      %dma_start3A_550 = tpu.memref_slice %arg3[%mul3A_2] : memref<16384xi32, #tpu.memory_space<hbm>> -> memref<512xi32, #tpu.memory_space<hbm>>
      %dma_start3A_551 = tpu.memref_slice %arg3[%mul3A_2] : memref<16384xi32, #tpu.memory_space<hbm>> -> memref<512xi32, #tpu.memory_space<hbm>>
      tpu.enqueue_dma source(%dma_start3A_551 : memref<512xi32, #tpu.memory_space<hbm>>) target(%arg8 : memref<512xi32, #tpu.memory_space<vmem>>) target_semaphore(%run_scoped3A : memref<!tpu.dma_semaphore, #tpu.memory_space<semaphore_mem>>)
      %dma_wait3A = tpu.memref_slice %arg3[%mul3A_2] : memref<16384xi32, #tpu.memory_space<hbm>> -> memref<512xi32, #tpu.memory_space<hbm>>
      %dma_wait3A_552 = tpu.memref_slice %arg3[%mul3A_2] : memref<16384xi32, #tpu.memory_space<hbm>> -> memref<512xi32, #tpu.memory_space<hbm>>
      tpu.wait_dma2 semaphore(%run_scoped3A : memref<!tpu.dma_semaphore, #tpu.memory_space<semaphore_mem>>) src(%dma_wait3A_552 : memref<512xi32, #tpu.memory_space<hbm>>) dst(%arg8 : memref<512xi32, #tpu.memory_space<vmem>>)
      tpu.yield
    }) : () -> ()
    %iota3A = tpu.iota {dimensions = array<i32: 0>} : vector<16xi32>
    %multiple_of3A = arith.constant 0 : i32
    %multiple_of3A_3 = tpu.assume_multiple %multiple_of3A, 16 : i32
    %get3A = arith.index_cast %multiple_of3A_3 : i32 to index
    %get3A_4 = tpu.vector_load %arg7[%get3A] {strides = array<i32>} : memref<512xi32, #tpu.memory_space<vmem>>, vector<16xi32>,
    %get3A_5 = arith.index_cast %multiple_of3A_3 : i32 to index
    %get3A_6 = tpu.vector_load %arg8[%get3A_5] {strides = array<i32>} : memref<512xi32, #tpu.memory_space<vmem>>, vector<16xi32>,
    %shift_right_logical3A = arith.constant 3 : i32
    %shift_right_logical3A_7 = vector.broadcast %shift_right_logical3A : i32 to vector<16xi32>
    %shift_right_logical3A_8 = arith.shrui %get3A_6, %shift_right_logical3A_7 : vector<16xi32>
    %dma_start3A = arith.constant 0 : i32
    %dma_start3A_9 = arith.constant 0 : i32
    %dma_start3A_10 = arith.constant 0 : i32
    %dma_start3A_11 = tpu.memref_slice %arg10[%dma_start3A, %dma_start3A_9, %dma_start3A_10] : memref<2x16x128xf32, #tpu.memory_space<vmem>> -> memref<1x16x128xf32, #tpu.memory_space<vmem>>
    %dma_start3A_12 = tpu.memref_squeeze %dma_start3A_11 : memref<1x16x128xf32, #tpu.memory_space<vmem>> -> memref<16x128xf32, #tpu.memory_space<vmem>>
    %dma_start3A_13 = arith.constant 0 : i32
    %dma_start3A_14 = arith.constant 0 : i32
    %dma_start3A_15 = tpu.memref_slice %arg5[%dma_start3A_13, %dma_start3A_14] : memref<12500x128xf32, #tpu.memory_space<hbm>> -> memref<12500x128xf32, #tpu.memory_space<hbm>>
    tpu.enqueue_indirect_dma source(%dma_start3A_15 : memref<12500x128xf32, #tpu.memory_space<hbm>>) target(%dma_start3A_12 : memref<16x128xf32, #tpu.memory_space<vmem>>) offsets(%shift_right_logical3A_8 : vector<16xi32>) semaphore(%arg12 : memref<!tpu.dma_semaphore, #tpu.memory_space<semaphore_mem>>)
    %slice3A = vector.extract_strided_slice %get3A_4 {offsets = [0], sizes = [1], strides = [1]} : vector<16xi32> to vector<1xi32>
    %squeeze3A = vector.extract %slice3A[0] : i32 from vector<1xi32>
    %dma_start3A_16 = arith.constant 0 : i32
    %dma_start3A_17 = arith.constant 0 : i32
    %dma_start3A_18 = arith.constant 0 : i32
    %dma_start3A_19 = tpu.memref_slice %arg9[%dma_start3A_16, %dma_start3A_17, %dma_start3A_18] : memref<2x16x16xf32, #tpu.memory_space<vmem>> -> memref<1x1x16xf32, #tpu.memory_space<vmem>>
    %dma_start3A_20 = tpu.memref_squeeze %dma_start3A_19 : memref<1x1x16xf32, #tpu.memory_space<vmem>> -> memref<16xf32, #tpu.memory_space<vmem>>
    %dma_start3A_21 = arith.constant 0 : i32
    %dma_start3A_22 = tpu.memref_slice %arg4[%squeeze3A, %dma_start3A_21] : memref<1000000x16xf32, #tpu.memory_space<hbm>> -> memref<1x16xf32, #tpu.memory_space<hbm>>
    %dma_start3A_23 = tpu.memref_squeeze %dma_start3A_22 : memref<1x16xf32, #tpu.memory_space<hbm>> -> memref<16xf32, #tpu.memory_space<hbm>>
    %dma_start3A_24 = arith.constant 0 : i32
    %dma_start3A_25 = tpu.memref_slice %arg9[%dma_start3A_16, %dma_start3A_17, %dma_start3A_24] : memref<2x16x16xf32, #tpu.memory_space<vmem>> -> memref<1x1x16xf32, #tpu.memory_space<vmem>>
    %dma_start3A_26 = tpu.memref_squeeze %dma_start3A_25 : memref<1x1x16xf32, #tpu.memory_space<vmem>> -> memref<16xf32, #tpu.memory_space<vmem>>
    %dma_start3A_27 = arith.constant 0 : i32
    %dma_start3A_28 = tpu.memref_slice %arg4[%squeeze3A, %dma_start3A_27] : memref<1000000x16xf32, #tpu.memory_space<hbm>> -> memref<1x16xf32, #tpu.memory_space<hbm>>
    %dma_start3A_29 = tpu.memref_squeeze %dma_start3A_28 : memref<1x16xf32, #tpu.memory_space<hbm>> -> memref<16xf32, #tpu.memory_space<hbm>>
    tpu.enqueue_dma source(%dma_start3A_29 : memref<16xf32, #tpu.memory_space<hbm>>) target(%dma_start3A_26 : memref<16xf32, #tpu.memory_space<vmem>>) target_semaphore(%arg12 : memref<!tpu.dma_semaphore, #tpu.memory_space<semaphore_mem>>)
    %slice3A_30 = vector.extract_strided_slice %get3A_4 {offsets = [1], sizes = [1], strides = [1]} : vector<16xi32> to vector<1xi32>
    %squeeze3A_31 = vector.extract %slice3A_30[0] : i32 from vector<1xi32>
    %dma_start3A_32 = arith.constant 0 : i32
    %dma_start3A_33 = arith.constant 1 : i32
    %dma_start3A_34 = arith.constant 0 : i32
    %dma_start3A_35 = tpu.memref_slice %arg9[%dma_start3A_32, %dma_start3A_33, %dma_start3A_34] : memref<2x16x16xf32, #tpu.memory_space<vmem>> -> memref<1x1x16xf32, #tpu.memory_space<vmem>>
    %dma_start3A_36 = tpu.memref_squeeze %dma_start3A_35 : memref<1x1x16xf32, #tpu.memory_space<vmem>> -> memref<16xf32, #tpu.memory_space<vmem>>
    %dma_start3A_37 = arith.constant 0 : i32
    %dma_start3A_38 = tpu.memref_slice %arg4[%squeeze3A_31, %dma_start3A_37] : memref<1000000x16xf32, #tpu.memory_space<hbm>> -> memref<1x16xf32, #tpu.memory_space<hbm>>
    %dma_start3A_39 = tpu.memref_squeeze %dma_start3A_38 : memref<1x16xf32, #tpu.memory_space<hbm>> -> memref<16xf32, #tpu.memory_space<hbm>>
    %dma_start3A_40 = arith.constant 0 : i32
    %dma_start3A_41 = tpu.memref_slice %arg9[%dma_start3A_32, %dma_start3A_33, %dma_start3A_40] : memref<2x16x16xf32, #tpu.memory_space<vmem>> -> memref<1x1x16xf32, #tpu.memory_space<vmem>>
    %dma_start3A_42 = tpu.memref_squeeze %dma_start3A_41 : memref<1x1x16xf32, #tpu.memory_space<vmem>> -> memref<16xf32, #tpu.memory_space<vmem>>
    %dma_start3A_43 = arith.constant 0 : i32
    %dma_start3A_44 = tpu.memref_slice %arg4[%squeeze3A_31, %dma_start3A_43] : memref<1000000x16xf32, #tpu.memory_space<hbm>> -> memref<1x16xf32, #tpu.memory_space<hbm>>
    %dma_start3A_45 = tpu.memref_squeeze %dma_start3A_44 : memref<1x16xf32, #tpu.memory_space<hbm>> -> memref<16xf32, #tpu.memory_space<hbm>>
    tpu.enqueue_dma source(%dma_start3A_45 : memref<16xf32, #tpu.memory_space<hbm>>) target(%dma_start3A_42 : memref<16xf32, #tpu.memory_space<vmem>>) target_semaphore(%arg12 : memref<!tpu.dma_semaphore, #tpu.memory_space<semaphore_mem>>)
    %slice3A_46 = vector.extract_strided_slice %get3A_4 {offsets = [2], sizes = [1], strides = [1]} : vector<16xi32> to vector<1xi32>
    %squeeze3A_47 = vector.extract %slice3A_46[0] : i32 from vector<1xi32>
    %dma_start3A_48 = arith.constant 0 : i32
    %dma_start3A_49 = arith.constant 2 : i32
    %dma_start3A_50 = arith.constant 0 : i32
    %dma_start3A_51 = tpu.memref_slice %arg9[%dma_start3A_48, %dma_start3A_49, %dma_start3A_50] : memref<2x16x16xf32, #tpu.memory_space<vmem>> -> memref<1x1x16xf32, #tpu.memory_space<vmem>>
    %dma_start3A_52 = tpu.memref_squeeze %dma_start3A_51 : memref<1x1x16xf32, #tpu.memory_space<vmem>> -> memref<16xf32, #tpu.memory_space<vmem>>
    %dma_start3A_53 = arith.constant 0 : i32
    %dma_start3A_54 = tpu.memref_slice %arg4[%squeeze3A_47, %dma_start3A_53] : memref<1000000x16xf32, #tpu.memory_space<hbm>> -> memref<1x16xf32, #tpu.memory_space<hbm>>
    %dma_start3A_55 = tpu.memref_squeeze %dma_start3A_54 : memref<1x16xf32, #tpu.memory_space<hbm>> -> memref<16xf32, #tpu.memory_space<hbm>>
    %dma_start3A_56 = arith.constant 0 : i32
    %dma_start3A_57 = tpu.memref_slice %arg9[%dma_start3A_48, %dma_start3A_49, %dma_start3A_56] : memref<2x16x16xf32, #tpu.memory_space<vmem>> -> memref<1x1x16xf32, #tpu.memory_space<vmem>>
    %dma_start3A_58 = tpu.memref_squeeze %dma_start3A_57 : memref<1x1x16xf32, #tpu.memory_space<vmem>> -> memref<16xf32, #tpu.memory_space<vmem>>
    %dma_start3A_59 = arith.constant 0 : i32
    %dma_start3A_60 = tpu.memref_slice %arg4[%squeeze3A_47, %dma_start3A_59] : memref<1000000x16xf32, #tpu.memory_space<hbm>> -> memref<1x16xf32, #tpu.memory_space<hbm>>
    %dma_start3A_61 = tpu.memref_squeeze %dma_start3A_60 : memref<1x16xf32, #tpu.memory_space<hbm>> -> memref<16xf32, #tpu.memory_space<hbm>>
    tpu.enqueue_dma source(%dma_start3A_61 : memref<16xf32, #tpu.memory_space<hbm>>) target(%dma_start3A_58 : memref<16xf32, #tpu.memory_space<vmem>>) target_semaphore(%arg12 : memref<!tpu.dma_semaphore, #tpu.memory_space<semaphore_mem>>)
    %slice3A_62 = vector.extract_strided_slice %get3A_4 {offsets = [3], sizes = [1], strides = [1]} : vector<16xi32> to vector<1xi32>
    %squeeze3A_63 = vector.extract %slice3A_62[0] : i32 from vector<1xi32>
    %dma_start3A_64 = arith.constant 0 : i32
    %dma_start3A_65 = arith.constant 3 : i32
    %dma_start3A_66 = arith.constant 0 : i32
    %dma_start3A_67 = tpu.memref_slice %arg9[%dma_start3A_64, %dma_start3A_65, %dma_start3A_66] : memref<2x16x16xf32, #tpu.memory_space<vmem>> -> memref<1x1x16xf32, #tpu.memory_space<vmem>>
    %dma_start3A_68 = tpu.memref_squeeze %dma_start3A_67 : memref<1x1x16xf32, #tpu.memory_space<vmem>> -> memref<16xf32, #tpu.memory_space<vmem>>
    %dma_start3A_69 = arith.constant 0 : i32
    %dma_start3A_70 = tpu.memref_slice %arg4[%squeeze3A_63, %dma_start3A_69] : memref<1000000x16xf32, #tpu.memory_space<hbm>> -> memref<1x16xf32, #tpu.memory_space<hbm>>
    %dma_start3A_71 = tpu.memref_squeeze %dma_start3A_70 : memref<1x16xf32, #tpu.memory_space<hbm>> -> memref<16xf32, #tpu.memory_space<hbm>>
    %dma_start3A_72 = arith.constant 0 : i32
    %dma_start3A_73 = tpu.memref_slice %arg9[%dma_start3A_64, %dma_start3A_65, %dma_start3A_72] : memref<2x16x16xf32, #tpu.memory_space<vmem>> -> memref<1x1x16xf32, #tpu.memory_space<vmem>>
    %dma_start3A_74 = tpu.memref_squeeze %dma_start3A_73 : memref<1x1x16xf32, #tpu.memory_space<vmem>> -> memref<16xf32, #tpu.memory_space<vmem>>
    %dma_start3A_75 = arith.constant 0 : i32
    %dma_start3A_76 = tpu.memref_slice %arg4[%squeeze3A_63, %dma_start3A_75] : memref<1000000x16xf32, #tpu.memory_space<hbm>> -> memref<1x16xf32, #tpu.memory_space<hbm>>
    %dma_start3A_77 = tpu.memref_squeeze %dma_start3A_76 : memref<1x16xf32, #tpu.memory_space<hbm>> -> memref<16xf32, #tpu.memory_space<hbm>>
    tpu.enqueue_dma source(%dma_start3A_77 : memref<16xf32, #tpu.memory_space<hbm>>) target(%dma_start3A_74 : memref<16xf32, #tpu.memory_space<vmem>>) target_semaphore(%arg12 : memref<!tpu.dma_semaphore, #tpu.memory_space<semaphore_mem>>)
    %slice3A_78 = vector.extract_strided_slice %get3A_4 {offsets = [4], sizes = [1], strides = [1]} : vector<16xi32> to vector<1xi32>
    %squeeze3A_79 = vector.extract %slice3A_78[0] : i32 from vector<1xi32>
    %dma_start3A_80 = arith.constant 0 : i32
    %dma_start3A_81 = arith.constant 4 : i32
    %dma_start3A_82 = arith.constant 0 : i32
    %dma_start3A_83 = tpu.memref_slice %arg9[%dma_start3A_80, %dma_start3A_81, %dma_start3A_82] : memref<2x16x16xf32, #tpu.memory_space<vmem>> -> memref<1x1x16xf32, #tpu.memory_space<vmem>>
    %dma_start3A_84 = tpu.memref_squeeze %dma_start3A_83 : memref<1x1x16xf32, #tpu.memory_space<vmem>> -> memref<16xf32, #tpu.memory_space<vmem>>
    %dma_start3A_85 = arith.constant 0 : i32
    %dma_start3A_86 = tpu.memref_slice %arg4[%squeeze3A_79, %dma_start3A_85] : memref<1000000x16xf32, #tpu.memory_space<hbm>> -> memref<1x16xf32, #tpu.memory_space<hbm>>
    %dma_start3A_87 = tpu.memref_squeeze %dma_start3A_86 : memref<1x16xf32, #tpu.memory_space<hbm>> -> memref<16xf32, #tpu.memory_space<hbm>>
    %dma_start3A_88 = arith.constant 0 : i32
    %dma_start3A_89 = tpu.memref_slice %arg9[%dma_start3A_80, %dma_start3A_81, %dma_start3A_88] : memref<2x16x16xf32, #tpu.memory_space<vmem>> -> memref<1x1x16xf32, #tpu.memory_space<vmem>>
    %dma_start3A_90 = tpu.memref_squeeze %dma_start3A_89 : memref<1x1x16xf32, #tpu.memory_space<vmem>> -> memref<16xf32, #tpu.memory_space<vmem>>
    %dma_start3A_91 = arith.constant 0 : i32
    %dma_start3A_92 = tpu.memref_slice %arg4[%squeeze3A_79, %dma_start3A_91] : memref<1000000x16xf32, #tpu.memory_space<hbm>> -> memref<1x16xf32, #tpu.memory_space<hbm>>
    %dma_start3A_93 = tpu.memref_squeeze %dma_start3A_92 : memref<1x16xf32, #tpu.memory_space<hbm>> -> memref<16xf32, #tpu.memory_space<hbm>>
    tpu.enqueue_dma source(%dma_start3A_93 : memref<16xf32, #tpu.memory_space<hbm>>) target(%dma_start3A_90 : memref<16xf32, #tpu.memory_space<vmem>>) target_semaphore(%arg12 : memref<!tpu.dma_semaphore, #tpu.memory_space<semaphore_mem>>)
    %slice3A_94 = vector.extract_strided_slice %get3A_4 {offsets = [5], sizes = [1], strides = [1]} : vector<16xi32> to vector<1xi32>
    %squeeze3A_95 = vector.extract %slice3A_94[0] : i32 from vector<1xi32>
    %dma_start3A_96 = arith.constant 0 : i32
    %dma_start3A_97 = arith.constant 5 : i32
    %dma_start3A_98 = arith.constant 0 : i32
    %dma_start3A_99 = tpu.memref_slice %arg9[%dma_start3A_96, %dma_start3A_97, %dma_start3A_98] : memref<2x16x16xf32, #tpu.memory_space<vmem>> -> memref<1x1x16xf32, #tpu.memory_space<vmem>>
    %dma_start3A_100 = tpu.memref_squeeze %dma_start3A_99 : memref<1x1x16xf32, #tpu.memory_space<vmem>> -> memref<16xf32, #tpu.memory_space<vmem>>
    %dma_start3A_101 = arith.constant 0 : i32
    %dma_start3A_102 = tpu.memref_slice %arg4[%squeeze3A_95, %dma_start3A_101] : memref<1000000x16xf32, #tpu.memory_space<hbm>> -> memref<1x16xf32, #tpu.memory_space<hbm>>
    %dma_start3A_103 = tpu.memref_squeeze %dma_start3A_102 : memref<1x16xf32, #tpu.memory_space<hbm>> -> memref<16xf32, #tpu.memory_space<hbm>>
    %dma_start3A_104 = arith.constant 0 : i32
    %dma_start3A_105 = tpu.memref_slice %arg9[%dma_start3A_96, %dma_start3A_97, %dma_start3A_104] : memref<2x16x16xf32, #tpu.memory_space<vmem>> -> memref<1x1x16xf32, #tpu.memory_space<vmem>>
    %dma_start3A_106 = tpu.memref_squeeze %dma_start3A_105 : memref<1x1x16xf32, #tpu.memory_space<vmem>> -> memref<16xf32, #tpu.memory_space<vmem>>
    %dma_start3A_107 = arith.constant 0 : i32
    %dma_start3A_108 = tpu.memref_slice %arg4[%squeeze3A_95, %dma_start3A_107] : memref<1000000x16xf32, #tpu.memory_space<hbm>> -> memref<1x16xf32, #tpu.memory_space<hbm>>
    %dma_start3A_109 = tpu.memref_squeeze %dma_start3A_108 : memref<1x16xf32, #tpu.memory_space<hbm>> -> memref<16xf32, #tpu.memory_space<hbm>>
    tpu.enqueue_dma source(%dma_start3A_109 : memref<16xf32, #tpu.memory_space<hbm>>) target(%dma_start3A_106 : memref<16xf32, #tpu.memory_space<vmem>>) target_semaphore(%arg12 : memref<!tpu.dma_semaphore, #tpu.memory_space<semaphore_mem>>)
    %slice3A_110 = vector.extract_strided_slice %get3A_4 {offsets = [6], sizes = [1], strides = [1]} : vector<16xi32> to vector<1xi32>
    %squeeze3A_111 = vector.extract %slice3A_110[0] : i32 from vector<1xi32>
    %dma_start3A_112 = arith.constant 0 : i32
    %dma_start3A_113 = arith.constant 6 : i32
    %dma_start3A_114 = arith.constant 0 : i32
    %dma_start3A_115 = tpu.memref_slice %arg9[%dma_start3A_112, %dma_start3A_113, %dma_start3A_114] : memref<2x16x16xf32, #tpu.memory_space<vmem>> -> memref<1x1x16xf32, #tpu.memory_space<vmem>>
    %dma_start3A_116 = tpu.memref_squeeze %dma_start3A_115 : memref<1x1x16xf32, #tpu.memory_space<vmem>> -> memref<16xf32, #tpu.memory_space<vmem>>
    %dma_start3A_117 = arith.constant 0 : i32
    %dma_start3A_118 = tpu.memref_slice %arg4[%squeeze3A_111, %dma_start3A_117] : memref<1000000x16xf32, #tpu.memory_space<hbm>> -> memref<1x16xf32, #tpu.memory_space<hbm>>
    %dma_start3A_119 = tpu.memref_squeeze %dma_start3A_118 : memref<1x16xf32, #tpu.memory_space<hbm>> -> memref<16xf32, #tpu.memory_space<hbm>>
    %dma_start3A_120 = arith.constant 0 : i32
    %dma_start3A_121 = tpu.memref_slice %arg9[%dma_start3A_112, %dma_start3A_113, %dma_start3A_120] : memref<2x16x16xf32, #tpu.memory_space<vmem>> -> memref<1x1x16xf32, #tpu.memory_space<vmem>>
    %dma_start3A_122 = tpu.memref_squeeze %dma_start3A_121 : memref<1x1x16xf32, #tpu.memory_space<vmem>> -> memref<16xf32, #tpu.memory_space<vmem>>
    %dma_start3A_123 = arith.constant 0 : i32
    %dma_start3A_124 = tpu.memref_slice %arg4[%squeeze3A_111, %dma_start3A_123] : memref<1000000x16xf32, #tpu.memory_space<hbm>> -> memref<1x16xf32, #tpu.memory_space<hbm>>
    %dma_start3A_125 = tpu.memref_squeeze %dma_start3A_124 : memref<1x16xf32, #tpu.memory_space<hbm>> -> memref<16xf32, #tpu.memory_space<hbm>>
    tpu.enqueue_dma source(%dma_start3A_125 : memref<16xf32, #tpu.memory_space<hbm>>) target(%dma_start3A_122 : memref<16xf32, #tpu.memory_space<vmem>>) target_semaphore(%arg12 : memref<!tpu.dma_semaphore, #tpu.memory_space<semaphore_mem>>)
    %slice3A_126 = vector.extract_strided_slice %get3A_4 {offsets = [7], sizes = [1], strides = [1]} : vector<16xi32> to vector<1xi32>
    %squeeze3A_127 = vector.extract %slice3A_126[0] : i32 from vector<1xi32>
    %dma_start3A_128 = arith.constant 0 : i32
    %dma_start3A_129 = arith.constant 7 : i32
    %dma_start3A_130 = arith.constant 0 : i32
    %dma_start3A_131 = tpu.memref_slice %arg9[%dma_start3A_128, %dma_start3A_129, %dma_start3A_130] : memref<2x16x16xf32, #tpu.memory_space<vmem>> -> memref<1x1x16xf32, #tpu.memory_space<vmem>>
    %dma_start3A_132 = tpu.memref_squeeze %dma_start3A_131 : memref<1x1x16xf32, #tpu.memory_space<vmem>> -> memref<16xf32, #tpu.memory_space<vmem>>
    %dma_start3A_133 = arith.constant 0 : i32
    %dma_start3A_134 = tpu.memref_slice %arg4[%squeeze3A_127, %dma_start3A_133] : memref<1000000x16xf32, #tpu.memory_space<hbm>> -> memref<1x16xf32, #tpu.memory_space<hbm>>
    %dma_start3A_135 = tpu.memref_squeeze %dma_start3A_134 : memref<1x16xf32, #tpu.memory_space<hbm>> -> memref<16xf32, #tpu.memory_space<hbm>>
    %dma_start3A_136 = arith.constant 0 : i32
    %dma_start3A_137 = tpu.memref_slice %arg9[%dma_start3A_128, %dma_start3A_129, %dma_start3A_136] : memref<2x16x16xf32, #tpu.memory_space<vmem>> -> memref<1x1x16xf32, #tpu.memory_space<vmem>>
    %dma_start3A_138 = tpu.memref_squeeze %dma_start3A_137 : memref<1x1x16xf32, #tpu.memory_space<vmem>> -> memref<16xf32, #tpu.memory_space<vmem>>
    %dma_start3A_139 = arith.constant 0 : i32
    %dma_start3A_140 = tpu.memref_slice %arg4[%squeeze3A_127, %dma_start3A_139] : memref<1000000x16xf32, #tpu.memory_space<hbm>> -> memref<1x16xf32, #tpu.memory_space<hbm>>
    %dma_start3A_141 = tpu.memref_squeeze %dma_start3A_140 : memref<1x16xf32, #tpu.memory_space<hbm>> -> memref<16xf32, #tpu.memory_space<hbm>>
    tpu.enqueue_dma source(%dma_start3A_141 : memref<16xf32, #tpu.memory_space<hbm>>) target(%dma_start3A_138 : memref<16xf32, #tpu.memory_space<vmem>>) target_semaphore(%arg12 : memref<!tpu.dma_semaphore, #tpu.memory_space<semaphore_mem>>)
    %slice3A_142 = vector.extract_strided_slice %get3A_4 {offsets = [8], sizes = [1], strides = [1]} : vector<16xi32> to vector<1xi32>
    %squeeze3A_143 = vector.extract %slice3A_142[0] : i32 from vector<1xi32>
    %dma_start3A_144 = arith.constant 0 : i32
    %dma_start3A_145 = arith.constant 8 : i32
    %dma_start3A_146 = arith.constant 0 : i32
    %dma_start3A_147 = tpu.memref_slice %arg9[%dma_start3A_144, %dma_start3A_145, %dma_start3A_146] : memref<2x16x16xf32, #tpu.memory_space<vmem>> -> memref<1x1x16xf32, #tpu.memory_space<vmem>>
    %dma_start3A_148 = tpu.memref_squeeze %dma_start3A_147 : memref<1x1x16xf32, #tpu.memory_space<vmem>> -> memref<16xf32, #tpu.memory_space<vmem>>
    %dma_start3A_149 = arith.constant 0 : i32
    %dma_start3A_150 = tpu.memref_slice %arg4[%squeeze3A_143, %dma_start3A_149] : memref<1000000x16xf32, #tpu.memory_space<hbm>> -> memref<1x16xf32, #tpu.memory_space<hbm>>
    %dma_start3A_151 = tpu.memref_squeeze %dma_start3A_150 : memref<1x16xf32, #tpu.memory_space<hbm>> -> memref<16xf32, #tpu.memory_space<hbm>>
    %dma_start3A_152 = arith.constant 0 : i32
    %dma_start3A_153 = tpu.memref_slice %arg9[%dma_start3A_144, %dma_start3A_145, %dma_start3A_152] : memref<2x16x16xf32, #tpu.memory_space<vmem>> -> memref<1x1x16xf32, #tpu.memory_space<vmem>>
    %dma_start3A_154 = tpu.memref_squeeze %dma_start3A_153 : memref<1x1x16xf32, #tpu.memory_space<vmem>> -> memref<16xf32, #tpu.memory_space<vmem>>
    %dma_start3A_155 = arith.constant 0 : i32
    %dma_start3A_156 = tpu.memref_slice %arg4[%squeeze3A_143, %dma_start3A_155] : memref<1000000x16xf32, #tpu.memory_space<hbm>> -> memref<1x16xf32, #tpu.memory_space<hbm>>
    %dma_start3A_157 = tpu.memref_squeeze %dma_start3A_156 : memref<1x16xf32, #tpu.memory_space<hbm>> -> memref<16xf32, #tpu.memory_space<hbm>>
    tpu.enqueue_dma source(%dma_start3A_157 : memref<16xf32, #tpu.memory_space<hbm>>) target(%dma_start3A_154 : memref<16xf32, #tpu.memory_space<vmem>>) target_semaphore(%arg12 : memref<!tpu.dma_semaphore, #tpu.memory_space<semaphore_mem>>)
    %slice3A_158 = vector.extract_strided_slice %get3A_4 {offsets = [9], sizes = [1], strides = [1]} : vector<16xi32> to vector<1xi32>
    %squeeze3A_159 = vector.extract %slice3A_158[0] : i32 from vector<1xi32>
    %dma_start3A_160 = arith.constant 0 : i32
    %dma_start3A_161 = arith.constant 9 : i32
    %dma_start3A_162 = arith.constant 0 : i32
    %dma_start3A_163 = tpu.memref_slice %arg9[%dma_start3A_160, %dma_start3A_161, %dma_start3A_162] : memref<2x16x16xf32, #tpu.memory_space<vmem>> -> memref<1x1x16xf32, #tpu.memory_space<vmem>>
    %dma_start3A_164 = tpu.memref_squeeze %dma_start3A_163 : memref<1x1x16xf32, #tpu.memory_space<vmem>> -> memref<16xf32, #tpu.memory_space<vmem>>
    %dma_start3A_165 = arith.constant 0 : i32
    %dma_start3A_166 = tpu.memref_slice %arg4[%squeeze3A_159, %dma_start3A_165] : memref<1000000x16xf32, #tpu.memory_space<hbm>> -> memref<1x16xf32, #tpu.memory_space<hbm>>
    %dma_start3A_167 = tpu.memref_squeeze %dma_start3A_166 : memref<1x16xf32, #tpu.memory_space<hbm>> -> memref<16xf32, #tpu.memory_space<hbm>>
    %dma_start3A_168 = arith.constant 0 : i32
    %dma_start3A_169 = tpu.memref_slice %arg9[%dma_start3A_160, %dma_start3A_161, %dma_start3A_168] : memref<2x16x16xf32, #tpu.memory_space<vmem>> -> memref<1x1x16xf32, #tpu.memory_space<vmem>>
    %dma_start3A_170 = tpu.memref_squeeze %dma_start3A_169 : memref<1x1x16xf32, #tpu.memory_space<vmem>> -> memref<16xf32, #tpu.memory_space<vmem>>
    %dma_start3A_171 = arith.constant 0 : i32
    %dma_start3A_172 = tpu.memref_slice %arg4[%squeeze3A_159, %dma_start3A_171] : memref<1000000x16xf32, #tpu.memory_space<hbm>> -> memref<1x16xf32, #tpu.memory_space<hbm>>
    %dma_start3A_173 = tpu.memref_squeeze %dma_start3A_172 : memref<1x16xf32, #tpu.memory_space<hbm>> -> memref<16xf32, #tpu.memory_space<hbm>>
    tpu.enqueue_dma source(%dma_start3A_173 : memref<16xf32, #tpu.memory_space<hbm>>) target(%dma_start3A_170 : memref<16xf32, #tpu.memory_space<vmem>>) target_semaphore(%arg12 : memref<!tpu.dma_semaphore, #tpu.memory_space<semaphore_mem>>)
    %slice3A_174 = vector.extract_strided_slice %get3A_4 {offsets = [10], sizes = [1], strides = [1]} : vector<16xi32> to vector<1xi32>
    %squeeze3A_175 = vector.extract %slice3A_174[0] : i32 from vector<1xi32>
    %dma_start3A_176 = arith.constant 0 : i32
    %dma_start3A_177 = arith.constant 10 : i32
    %dma_start3A_178 = arith.constant 0 : i32
    %dma_start3A_179 = tpu.memref_slice %arg9[%dma_start3A_176, %dma_start3A_177, %dma_start3A_178] : memref<2x16x16xf32, #tpu.memory_space<vmem>> -> memref<1x1x16xf32, #tpu.memory_space<vmem>>
    %dma_start3A_180 = tpu.memref_squeeze %dma_start3A_179 : memref<1x1x16xf32, #tpu.memory_space<vmem>> -> memref<16xf32, #tpu.memory_space<vmem>>
    %dma_start3A_181 = arith.constant 0 : i32
    %dma_start3A_182 = tpu.memref_slice %arg4[%squeeze3A_175, %dma_start3A_181] : memref<1000000x16xf32, #tpu.memory_space<hbm>> -> memref<1x16xf32, #tpu.memory_space<hbm>>
    %dma_start3A_183 = tpu.memref_squeeze %dma_start3A_182 : memref<1x16xf32, #tpu.memory_space<hbm>> -> memref<16xf32, #tpu.memory_space<hbm>>
    %dma_start3A_184 = arith.constant 0 : i32
    %dma_start3A_185 = tpu.memref_slice %arg9[%dma_start3A_176, %dma_start3A_177, %dma_start3A_184] : memref<2x16x16xf32, #tpu.memory_space<vmem>> -> memref<1x1x16xf32, #tpu.memory_space<vmem>>
    %dma_start3A_186 = tpu.memref_squeeze %dma_start3A_185 : memref<1x1x16xf32, #tpu.memory_space<vmem>> -> memref<16xf32, #tpu.memory_space<vmem>>
    %dma_start3A_187 = arith.constant 0 : i32
    %dma_start3A_188 = tpu.memref_slice %arg4[%squeeze3A_175, %dma_start3A_187] : memref<1000000x16xf32, #tpu.memory_space<hbm>> -> memref<1x16xf32, #tpu.memory_space<hbm>>
    %dma_start3A_189 = tpu.memref_squeeze %dma_start3A_188 : memref<1x16xf32, #tpu.memory_space<hbm>> -> memref<16xf32, #tpu.memory_space<hbm>>
    tpu.enqueue_dma source(%dma_start3A_189 : memref<16xf32, #tpu.memory_space<hbm>>) target(%dma_start3A_186 : memref<16xf32, #tpu.memory_space<vmem>>) target_semaphore(%arg12 : memref<!tpu.dma_semaphore, #tpu.memory_space<semaphore_mem>>)
    %slice3A_190 = vector.extract_strided_slice %get3A_4 {offsets = [11], sizes = [1], strides = [1]} : vector<16xi32> to vector<1xi32>
    %squeeze3A_191 = vector.extract %slice3A_190[0] : i32 from vector<1xi32>
    %dma_start3A_192 = arith.constant 0 : i32
    %dma_start3A_193 = arith.constant 11 : i32
    %dma_start3A_194 = arith.constant 0 : i32
    %dma_start3A_195 = tpu.memref_slice %arg9[%dma_start3A_192, %dma_start3A_193, %dma_start3A_194] : memref<2x16x16xf32, #tpu.memory_space<vmem>> -> memref<1x1x16xf32, #tpu.memory_space<vmem>>
    %dma_start3A_196 = tpu.memref_squeeze %dma_start3A_195 : memref<1x1x16xf32, #tpu.memory_space<vmem>> -> memref<16xf32, #tpu.memory_space<vmem>>
    %dma_start3A_197 = arith.constant 0 : i32
    %dma_start3A_198 = tpu.memref_slice %arg4[%squeeze3A_191, %dma_start3A_197] : memref<1000000x16xf32, #tpu.memory_space<hbm>> -> memref<1x16xf32, #tpu.memory_space<hbm>>
    %dma_start3A_199 = tpu.memref_squeeze %dma_start3A_198 : memref<1x16xf32, #tpu.memory_space<hbm>> -> memref<16xf32, #tpu.memory_space<hbm>>
    %dma_start3A_200 = arith.constant 0 : i32
    %dma_start3A_201 = tpu.memref_slice %arg9[%dma_start3A_192, %dma_start3A_193, %dma_start3A_200] : memref<2x16x16xf32, #tpu.memory_space<vmem>> -> memref<1x1x16xf32, #tpu.memory_space<vmem>>
    %dma_start3A_202 = tpu.memref_squeeze %dma_start3A_201 : memref<1x1x16xf32, #tpu.memory_space<vmem>> -> memref<16xf32, #tpu.memory_space<vmem>>
    %dma_start3A_203 = arith.constant 0 : i32
    %dma_start3A_204 = tpu.memref_slice %arg4[%squeeze3A_191, %dma_start3A_203] : memref<1000000x16xf32, #tpu.memory_space<hbm>> -> memref<1x16xf32, #tpu.memory_space<hbm>>
    %dma_start3A_205 = tpu.memref_squeeze %dma_start3A_204 : memref<1x16xf32, #tpu.memory_space<hbm>> -> memref<16xf32, #tpu.memory_space<hbm>>
    tpu.enqueue_dma source(%dma_start3A_205 : memref<16xf32, #tpu.memory_space<hbm>>) target(%dma_start3A_202 : memref<16xf32, #tpu.memory_space<vmem>>) target_semaphore(%arg12 : memref<!tpu.dma_semaphore, #tpu.memory_space<semaphore_mem>>)
    %slice3A_206 = vector.extract_strided_slice %get3A_4 {offsets = [12], sizes = [1], strides = [1]} : vector<16xi32> to vector<1xi32>
    %squeeze3A_207 = vector.extract %slice3A_206[0] : i32 from vector<1xi32>
    %dma_start3A_208 = arith.constant 0 : i32
    %dma_start3A_209 = arith.constant 12 : i32
    %dma_start3A_210 = arith.constant 0 : i32
    %dma_start3A_211 = tpu.memref_slice %arg9[%dma_start3A_208, %dma_start3A_209, %dma_start3A_210] : memref<2x16x16xf32, #tpu.memory_space<vmem>> -> memref<1x1x16xf32, #tpu.memory_space<vmem>>
    %dma_start3A_212 = tpu.memref_squeeze %dma_start3A_211 : memref<1x1x16xf32, #tpu.memory_space<vmem>> -> memref<16xf32, #tpu.memory_space<vmem>>
    %dma_start3A_213 = arith.constant 0 : i32
    %dma_start3A_214 = tpu.memref_slice %arg4[%squeeze3A_207, %dma_start3A_213] : memref<1000000x16xf32, #tpu.memory_space<hbm>> -> memref<1x16xf32, #tpu.memory_space<hbm>>
    %dma_start3A_215 = tpu.memref_squeeze %dma_start3A_214 : memref<1x16xf32, #tpu.memory_space<hbm>> -> memref<16xf32, #tpu.memory_space<hbm>>
    %dma_start3A_216 = arith.constant 0 : i32
    %dma_start3A_217 = tpu.memref_slice %arg9[%dma_start3A_208, %dma_start3A_209, %dma_start3A_216] : memref<2x16x16xf32, #tpu.memory_space<vmem>> -> memref<1x1x16xf32, #tpu.memory_space<vmem>>
    %dma_start3A_218 = tpu.memref_squeeze %dma_start3A_217 : memref<1x1x16xf32, #tpu.memory_space<vmem>> -> memref<16xf32, #tpu.memory_space<vmem>>
    %dma_start3A_219 = arith.constant 0 : i32
    %dma_start3A_220 = tpu.memref_slice %arg4[%squeeze3A_207, %dma_start3A_219] : memref<1000000x16xf32, #tpu.memory_space<hbm>> -> memref<1x16xf32, #tpu.memory_space<hbm>>
    %dma_start3A_221 = tpu.memref_squeeze %dma_start3A_220 : memref<1x16xf32, #tpu.memory_space<hbm>> -> memref<16xf32, #tpu.memory_space<hbm>>
    tpu.enqueue_dma source(%dma_start3A_221 : memref<16xf32, #tpu.memory_space<hbm>>) target(%dma_start3A_218 : memref<16xf32, #tpu.memory_space<vmem>>) target_semaphore(%arg12 : memref<!tpu.dma_semaphore, #tpu.memory_space<semaphore_mem>>)
    %slice3A_222 = vector.extract_strided_slice %get3A_4 {offsets = [13], sizes = [1], strides = [1]} : vector<16xi32> to vector<1xi32>
    %squeeze3A_223 = vector.extract %slice3A_222[0] : i32 from vector<1xi32>
    %dma_start3A_224 = arith.constant 0 : i32
    %dma_start3A_225 = arith.constant 13 : i32
    %dma_start3A_226 = arith.constant 0 : i32
    %dma_start3A_227 = tpu.memref_slice %arg9[%dma_start3A_224, %dma_start3A_225, %dma_start3A_226] : memref<2x16x16xf32, #tpu.memory_space<vmem>> -> memref<1x1x16xf32, #tpu.memory_space<vmem>>
    %dma_start3A_228 = tpu.memref_squeeze %dma_start3A_227 : memref<1x1x16xf32, #tpu.memory_space<vmem>> -> memref<16xf32, #tpu.memory_space<vmem>>
    %dma_start3A_229 = arith.constant 0 : i32
    %dma_start3A_230 = tpu.memref_slice %arg4[%squeeze3A_223, %dma_start3A_229] : memref<1000000x16xf32, #tpu.memory_space<hbm>> -> memref<1x16xf32, #tpu.memory_space<hbm>>
    %dma_start3A_231 = tpu.memref_squeeze %dma_start3A_230 : memref<1x16xf32, #tpu.memory_space<hbm>> -> memref<16xf32, #tpu.memory_space<hbm>>
    %dma_start3A_232 = arith.constant 0 : i32
    %dma_start3A_233 = tpu.memref_slice %arg9[%dma_start3A_224, %dma_start3A_225, %dma_start3A_232] : memref<2x16x16xf32, #tpu.memory_space<vmem>> -> memref<1x1x16xf32, #tpu.memory_space<vmem>>
    %dma_start3A_234 = tpu.memref_squeeze %dma_start3A_233 : memref<1x1x16xf32, #tpu.memory_space<vmem>> -> memref<16xf32, #tpu.memory_space<vmem>>
    %dma_start3A_235 = arith.constant 0 : i32
    %dma_start3A_236 = tpu.memref_slice %arg4[%squeeze3A_223, %dma_start3A_235] : memref<1000000x16xf32, #tpu.memory_space<hbm>> -> memref<1x16xf32, #tpu.memory_space<hbm>>
    %dma_start3A_237 = tpu.memref_squeeze %dma_start3A_236 : memref<1x16xf32, #tpu.memory_space<hbm>> -> memref<16xf32, #tpu.memory_space<hbm>>
    tpu.enqueue_dma source(%dma_start3A_237 : memref<16xf32, #tpu.memory_space<hbm>>) target(%dma_start3A_234 : memref<16xf32, #tpu.memory_space<vmem>>) target_semaphore(%arg12 : memref<!tpu.dma_semaphore, #tpu.memory_space<semaphore_mem>>)
    %slice3A_238 = vector.extract_strided_slice %get3A_4 {offsets = [14], sizes = [1], strides = [1]} : vector<16xi32> to vector<1xi32>
    %squeeze3A_239 = vector.extract %slice3A_238[0] : i32 from vector<1xi32>
    %dma_start3A_240 = arith.constant 0 : i32
    %dma_start3A_241 = arith.constant 14 : i32
    %dma_start3A_242 = arith.constant 0 : i32
    %dma_start3A_243 = tpu.memref_slice %arg9[%dma_start3A_240, %dma_start3A_241, %dma_start3A_242] : memref<2x16x16xf32, #tpu.memory_space<vmem>> -> memref<1x1x16xf32, #tpu.memory_space<vmem>>
    %dma_start3A_244 = tpu.memref_squeeze %dma_start3A_243 : memref<1x1x16xf32, #tpu.memory_space<vmem>> -> memref<16xf32, #tpu.memory_space<vmem>>
    %dma_start3A_245 = arith.constant 0 : i32
    %dma_start3A_246 = tpu.memref_slice %arg4[%squeeze3A_239, %dma_start3A_245] : memref<1000000x16xf32, #tpu.memory_space<hbm>> -> memref<1x16xf32, #tpu.memory_space<hbm>>
    %dma_start3A_247 = tpu.memref_squeeze %dma_start3A_246 : memref<1x16xf32, #tpu.memory_space<hbm>> -> memref<16xf32, #tpu.memory_space<hbm>>
    %dma_start3A_248 = arith.constant 0 : i32
    %dma_start3A_249 = tpu.memref_slice %arg9[%dma_start3A_240, %dma_start3A_241, %dma_start3A_248] : memref<2x16x16xf32, #tpu.memory_space<vmem>> -> memref<1x1x16xf32, #tpu.memory_space<vmem>>
    %dma_start3A_250 = tpu.memref_squeeze %dma_start3A_249 : memref<1x1x16xf32, #tpu.memory_space<vmem>> -> memref<16xf32, #tpu.memory_space<vmem>>
    %dma_start3A_251 = arith.constant 0 : i32
    %dma_start3A_252 = tpu.memref_slice %arg4[%squeeze3A_239, %dma_start3A_251] : memref<1000000x16xf32, #tpu.memory_space<hbm>> -> memref<1x16xf32, #tpu.memory_space<hbm>>
    %dma_start3A_253 = tpu.memref_squeeze %dma_start3A_252 : memref<1x16xf32, #tpu.memory_space<hbm>> -> memref<16xf32, #tpu.memory_space<hbm>>
    tpu.enqueue_dma source(%dma_start3A_253 : memref<16xf32, #tpu.memory_space<hbm>>) target(%dma_start3A_250 : memref<16xf32, #tpu.memory_space<vmem>>) target_semaphore(%arg12 : memref<!tpu.dma_semaphore, #tpu.memory_space<semaphore_mem>>)
    %slice3A_254 = vector.extract_strided_slice %get3A_4 {offsets = [15], sizes = [1], strides = [1]} : vector<16xi32> to vector<1xi32>
    %squeeze3A_255 = vector.extract %slice3A_254[0] : i32 from vector<1xi32>
    %dma_start3A_256 = arith.constant 0 : i32
    %dma_start3A_257 = arith.constant 15 : i32
    %dma_start3A_258 = arith.constant 0 : i32
    %dma_start3A_259 = tpu.memref_slice %arg9[%dma_start3A_256, %dma_start3A_257, %dma_start3A_258] : memref<2x16x16xf32, #tpu.memory_space<vmem>> -> memref<1x1x16xf32, #tpu.memory_space<vmem>>
    %dma_start3A_260 = tpu.memref_squeeze %dma_start3A_259 : memref<1x1x16xf32, #tpu.memory_space<vmem>> -> memref<16xf32, #tpu.memory_space<vmem>>
    %dma_start3A_261 = arith.constant 0 : i32
    %dma_start3A_262 = tpu.memref_slice %arg4[%squeeze3A_255, %dma_start3A_261] : memref<1000000x16xf32, #tpu.memory_space<hbm>> -> memref<1x16xf32, #tpu.memory_space<hbm>>
    %dma_start3A_263 = tpu.memref_squeeze %dma_start3A_262 : memref<1x16xf32, #tpu.memory_space<hbm>> -> memref<16xf32, #tpu.memory_space<hbm>>
    %dma_start3A_264 = arith.constant 0 : i32
    %dma_start3A_265 = tpu.memref_slice %arg9[%dma_start3A_256, %dma_start3A_257, %dma_start3A_264] : memref<2x16x16xf32, #tpu.memory_space<vmem>> -> memref<1x1x16xf32, #tpu.memory_space<vmem>>
    %dma_start3A_266 = tpu.memref_squeeze %dma_start3A_265 : memref<1x1x16xf32, #tpu.memory_space<vmem>> -> memref<16xf32, #tpu.memory_space<vmem>>
    %dma_start3A_267 = arith.constant 0 : i32
    %dma_start3A_268 = tpu.memref_slice %arg4[%squeeze3A_255, %dma_start3A_267] : memref<1000000x16xf32, #tpu.memory_space<hbm>> -> memref<1x16xf32, #tpu.memory_space<hbm>>
    %dma_start3A_269 = tpu.memref_squeeze %dma_start3A_268 : memref<1x16xf32, #tpu.memory_space<hbm>> -> memref<16xf32, #tpu.memory_space<hbm>>
    tpu.enqueue_dma source(%dma_start3A_269 : memref<16xf32, #tpu.memory_space<hbm>>) target(%dma_start3A_266 : memref<16xf32, #tpu.memory_space<vmem>>) target_semaphore(%arg12 : memref<!tpu.dma_semaphore, #tpu.memory_space<semaphore_mem>>)
    %multiple_of3A_270 = arith.constant 16 : i32
    %multiple_of3A_271 = tpu.assume_multiple %multiple_of3A_270, 16 : i32
    %get3A_272 = arith.index_cast %multiple_of3A_271 : i32 to index
    %get3A_273 = tpu.vector_load %arg7[%get3A_272] {strides = array<i32>} : memref<512xi32, #tpu.memory_space<vmem>>, vector<16xi32>,
    %get3A_274 = arith.index_cast %multiple_of3A_271 : i32 to index
    %get3A_275 = tpu.vector_load %arg8[%get3A_274] {strides = array<i32>} : memref<512xi32, #tpu.memory_space<vmem>>, vector<16xi32>,
    %shift_right_logical3A_276 = arith.constant 3 : i32
    %shift_right_logical3A_277 = vector.broadcast %shift_right_logical3A_276 : i32 to vector<16xi32>
    %shift_right_logical3A_278 = arith.shrui %get3A_275, %shift_right_logical3A_277 : vector<16xi32>
    %dma_start3A_279 = arith.constant 1 : i32
    %dma_start3A_280 = arith.constant 0 : i32
    %dma_start3A_281 = arith.constant 0 : i32
    %dma_start3A_282 = tpu.memref_slice %arg10[%dma_start3A_279, %dma_start3A_280, %dma_start3A_281] : memref<2x16x128xf32, #tpu.memory_space<vmem>> -> memref<1x16x128xf32, #tpu.memory_space<vmem>>
    %dma_start3A_283 = tpu.memref_squeeze %dma_start3A_282 : memref<1x16x128xf32, #tpu.memory_space<vmem>> -> memref<16x128xf32, #tpu.memory_space<vmem>>
    %dma_start3A_284 = arith.constant 0 : i32
    %dma_start3A_285 = arith.constant 0 : i32
    %dma_start3A_286 = tpu.memref_slice %arg5[%dma_start3A_284, %dma_start3A_285] : memref<12500x128xf32, #tpu.memory_space<hbm>> -> memref<12500x128xf32, #tpu.memory_space<hbm>>
    tpu.enqueue_indirect_dma source(%dma_start3A_286 : memref<12500x128xf32, #tpu.memory_space<hbm>>) target(%dma_start3A_283 : memref<16x128xf32, #tpu.memory_space<vmem>>) offsets(%shift_right_logical3A_278 : vector<16xi32>) semaphore(%arg13 : memref<!tpu.dma_semaphore, #tpu.memory_space<semaphore_mem>>)
    %slice3A_287 = vector.extract_strided_slice %get3A_273 {offsets = [0], sizes = [1], strides = [1]} : vector<16xi32> to vector<1xi32>
    %squeeze3A_288 = vector.extract %slice3A_287[0] : i32 from vector<1xi32>
    %dma_start3A_289 = arith.constant 1 : i32
    %dma_start3A_290 = arith.constant 0 : i32
    %dma_start3A_291 = arith.constant 0 : i32
    %dma_start3A_292 = tpu.memref_slice %arg9[%dma_start3A_289, %dma_start3A_290, %dma_start3A_291] : memref<2x16x16xf32, #tpu.memory_space<vmem>> -> memref<1x1x16xf32, #tpu.memory_space<vmem>>
    %dma_start3A_293 = tpu.memref_squeeze %dma_start3A_292 : memref<1x1x16xf32, #tpu.memory_space<vmem>> -> memref<16xf32, #tpu.memory_space<vmem>>
    %dma_start3A_294 = arith.constant 0 : i32
    %dma_start3A_295 = tpu.memref_slice %arg4[%squeeze3A_288, %dma_start3A_294] : memref<1000000x16xf32, #tpu.memory_space<hbm>> -> memref<1x16xf32, #tpu.memory_space<hbm>>
    %dma_start3A_296 = tpu.memref_squeeze %dma_start3A_295 : memref<1x16xf32, #tpu.memory_space<hbm>> -> memref<16xf32, #tpu.memory_space<hbm>>
    %dma_start3A_297 = arith.constant 0 : i32
    %dma_start3A_298 = tpu.memref_slice %arg9[%dma_start3A_289, %dma_start3A_290, %dma_start3A_297] : memref<2x16x16xf32, #tpu.memory_space<vmem>> -> memref<1x1x16xf32, #tpu.memory_space<vmem>>
    %dma_start3A_299 = tpu.memref_squeeze %dma_start3A_298 : memref<1x1x16xf32, #tpu.memory_space<vmem>> -> memref<16xf32, #tpu.memory_space<vmem>>
    %dma_start3A_300 = arith.constant 0 : i32
    %dma_start3A_301 = tpu.memref_slice %arg4[%squeeze3A_288, %dma_start3A_300] : memref<1000000x16xf32, #tpu.memory_space<hbm>> -> memref<1x16xf32, #tpu.memory_space<hbm>>
    %dma_start3A_302 = tpu.memref_squeeze %dma_start3A_301 : memref<1x16xf32, #tpu.memory_space<hbm>> -> memref<16xf32, #tpu.memory_space<hbm>>
    tpu.enqueue_dma source(%dma_start3A_302 : memref<16xf32, #tpu.memory_space<hbm>>) target(%dma_start3A_299 : memref<16xf32, #tpu.memory_space<vmem>>) target_semaphore(%arg13 : memref<!tpu.dma_semaphore, #tpu.memory_space<semaphore_mem>>)
    %slice3A_303 = vector.extract_strided_slice %get3A_273 {offsets = [1], sizes = [1], strides = [1]} : vector<16xi32> to vector<1xi32>
    %squeeze3A_304 = vector.extract %slice3A_303[0] : i32 from vector<1xi32>
    %dma_start3A_305 = arith.constant 1 : i32
    %dma_start3A_306 = arith.constant 1 : i32
    %dma_start3A_307 = arith.constant 0 : i32
    %dma_start3A_308 = tpu.memref_slice %arg9[%dma_start3A_305, %dma_start3A_306, %dma_start3A_307] : memref<2x16x16xf32, #tpu.memory_space<vmem>> -> memref<1x1x16xf32, #tpu.memory_space<vmem>>
    %dma_start3A_309 = tpu.memref_squeeze %dma_start3A_308 : memref<1x1x16xf32, #tpu.memory_space<vmem>> -> memref<16xf32, #tpu.memory_space<vmem>>
    %dma_start3A_310 = arith.constant 0 : i32
    %dma_start3A_311 = tpu.memref_slice %arg4[%squeeze3A_304, %dma_start3A_310] : memref<1000000x16xf32, #tpu.memory_space<hbm>> -> memref<1x16xf32, #tpu.memory_space<hbm>>
    %dma_start3A_312 = tpu.memref_squeeze %dma_start3A_311 : memref<1x16xf32, #tpu.memory_space<hbm>> -> memref<16xf32, #tpu.memory_space<hbm>>
    %dma_start3A_313 = arith.constant 0 : i32
    %dma_start3A_314 = tpu.memref_slice %arg9[%dma_start3A_305, %dma_start3A_306, %dma_start3A_313] : memref<2x16x16xf32, #tpu.memory_space<vmem>> -> memref<1x1x16xf32, #tpu.memory_space<vmem>>
    %dma_start3A_315 = tpu.memref_squeeze %dma_start3A_314 : memref<1x1x16xf32, #tpu.memory_space<vmem>> -> memref<16xf32, #tpu.memory_space<vmem>>
    %dma_start3A_316 = arith.constant 0 : i32
    %dma_start3A_317 = tpu.memref_slice %arg4[%squeeze3A_304, %dma_start3A_316] : memref<1000000x16xf32, #tpu.memory_space<hbm>> -> memref<1x16xf32, #tpu.memory_space<hbm>>
    %dma_start3A_318 = tpu.memref_squeeze %dma_start3A_317 : memref<1x16xf32, #tpu.memory_space<hbm>> -> memref<16xf32, #tpu.memory_space<hbm>>
    tpu.enqueue_dma source(%dma_start3A_318 : memref<16xf32, #tpu.memory_space<hbm>>) target(%dma_start3A_315 : memref<16xf32, #tpu.memory_space<vmem>>) target_semaphore(%arg13 : memref<!tpu.dma_semaphore, #tpu.memory_space<semaphore_mem>>)
    %slice3A_319 = vector.extract_strided_slice %get3A_273 {offsets = [2], sizes = [1], strides = [1]} : vector<16xi32> to vector<1xi32>
    %squeeze3A_320 = vector.extract %slice3A_319[0] : i32 from vector<1xi32>
    %dma_start3A_321 = arith.constant 1 : i32
    %dma_start3A_322 = arith.constant 2 : i32
    %dma_start3A_323 = arith.constant 0 : i32
    %dma_start3A_324 = tpu.memref_slice %arg9[%dma_start3A_321, %dma_start3A_322, %dma_start3A_323] : memref<2x16x16xf32, #tpu.memory_space<vmem>> -> memref<1x1x16xf32, #tpu.memory_space<vmem>>
    %dma_start3A_325 = tpu.memref_squeeze %dma_start3A_324 : memref<1x1x16xf32, #tpu.memory_space<vmem>> -> memref<16xf32, #tpu.memory_space<vmem>>
    %dma_start3A_326 = arith.constant 0 : i32
    %dma_start3A_327 = tpu.memref_slice %arg4[%squeeze3A_320, %dma_start3A_326] : memref<1000000x16xf32, #tpu.memory_space<hbm>> -> memref<1x16xf32, #tpu.memory_space<hbm>>
    %dma_start3A_328 = tpu.memref_squeeze %dma_start3A_327 : memref<1x16xf32, #tpu.memory_space<hbm>> -> memref<16xf32, #tpu.memory_space<hbm>>
    %dma_start3A_329 = arith.constant 0 : i32
    %dma_start3A_330 = tpu.memref_slice %arg9[%dma_start3A_321, %dma_start3A_322, %dma_start3A_329] : memref<2x16x16xf32, #tpu.memory_space<vmem>> -> memref<1x1x16xf32, #tpu.memory_space<vmem>>
    %dma_start3A_331 = tpu.memref_squeeze %dma_start3A_330 : memref<1x1x16xf32, #tpu.memory_space<vmem>> -> memref<16xf32, #tpu.memory_space<vmem>>
    %dma_start3A_332 = arith.constant 0 : i32
    %dma_start3A_333 = tpu.memref_slice %arg4[%squeeze3A_320, %dma_start3A_332] : memref<1000000x16xf32, #tpu.memory_space<hbm>> -> memref<1x16xf32, #tpu.memory_space<hbm>>
    %dma_start3A_334 = tpu.memref_squeeze %dma_start3A_333 : memref<1x16xf32, #tpu.memory_space<hbm>> -> memref<16xf32, #tpu.memory_space<hbm>>
    tpu.enqueue_dma source(%dma_start3A_334 : memref<16xf32, #tpu.memory_space<hbm>>) target(%dma_start3A_331 : memref<16xf32, #tpu.memory_space<vmem>>) target_semaphore(%arg13 : memref<!tpu.dma_semaphore, #tpu.memory_space<semaphore_mem>>)
    %slice3A_335 = vector.extract_strided_slice %get3A_273 {offsets = [3], sizes = [1], strides = [1]} : vector<16xi32> to vector<1xi32>
    %squeeze3A_336 = vector.extract %slice3A_335[0] : i32 from vector<1xi32>
    %dma_start3A_337 = arith.constant 1 : i32
    %dma_start3A_338 = arith.constant 3 : i32
    %dma_start3A_339 = arith.constant 0 : i32
    %dma_start3A_340 = tpu.memref_slice %arg9[%dma_start3A_337, %dma_start3A_338, %dma_start3A_339] : memref<2x16x16xf32, #tpu.memory_space<vmem>> -> memref<1x1x16xf32, #tpu.memory_space<vmem>>
    %dma_start3A_341 = tpu.memref_squeeze %dma_start3A_340 : memref<1x1x16xf32, #tpu.memory_space<vmem>> -> memref<16xf32, #tpu.memory_space<vmem>>
    %dma_start3A_342 = arith.constant 0 : i32
    %dma_start3A_343 = tpu.memref_slice %arg4[%squeeze3A_336, %dma_start3A_342] : memref<1000000x16xf32, #tpu.memory_space<hbm>> -> memref<1x16xf32, #tpu.memory_space<hbm>>
    %dma_start3A_344 = tpu.memref_squeeze %dma_start3A_343 : memref<1x16xf32, #tpu.memory_space<hbm>> -> memref<16xf32, #tpu.memory_space<hbm>>
    %dma_start3A_345 = arith.constant 0 : i32
    %dma_start3A_346 = tpu.memref_slice %arg9[%dma_start3A_337, %dma_start3A_338, %dma_start3A_345] : memref<2x16x16xf32, #tpu.memory_space<vmem>> -> memref<1x1x16xf32, #tpu.memory_space<vmem>>
    %dma_start3A_347 = tpu.memref_squeeze %dma_start3A_346 : memref<1x1x16xf32, #tpu.memory_space<vmem>> -> memref<16xf32, #tpu.memory_space<vmem>>
    %dma_start3A_348 = arith.constant 0 : i32
    %dma_start3A_349 = tpu.memref_slice %arg4[%squeeze3A_336, %dma_start3A_348] : memref<1000000x16xf32, #tpu.memory_space<hbm>> -> memref<1x16xf32, #tpu.memory_space<hbm>>
    %dma_start3A_350 = tpu.memref_squeeze %dma_start3A_349 : memref<1x16xf32, #tpu.memory_space<hbm>> -> memref<16xf32, #tpu.memory_space<hbm>>
    tpu.enqueue_dma source(%dma_start3A_350 : memref<16xf32, #tpu.memory_space<hbm>>) target(%dma_start3A_347 : memref<16xf32, #tpu.memory_space<vmem>>) target_semaphore(%arg13 : memref<!tpu.dma_semaphore, #tpu.memory_space<semaphore_mem>>)
    %slice3A_351 = vector.extract_strided_slice %get3A_273 {offsets = [4], sizes = [1], strides = [1]} : vector<16xi32> to vector<1xi32>
    %squeeze3A_352 = vector.extract %slice3A_351[0] : i32 from vector<1xi32>
    %dma_start3A_353 = arith.constant 1 : i32
    %dma_start3A_354 = arith.constant 4 : i32
    %dma_start3A_355 = arith.constant 0 : i32
    %dma_start3A_356 = tpu.memref_slice %arg9[%dma_start3A_353, %dma_start3A_354, %dma_start3A_355] : memref<2x16x16xf32, #tpu.memory_space<vmem>> -> memref<1x1x16xf32, #tpu.memory_space<vmem>>
    %dma_start3A_357 = tpu.memref_squeeze %dma_start3A_356 : memref<1x1x16xf32, #tpu.memory_space<vmem>> -> memref<16xf32, #tpu.memory_space<vmem>>
    %dma_start3A_358 = arith.constant 0 : i32
    %dma_start3A_359 = tpu.memref_slice %arg4[%squeeze3A_352, %dma_start3A_358] : memref<1000000x16xf32, #tpu.memory_space<hbm>> -> memref<1x16xf32, #tpu.memory_space<hbm>>
    %dma_start3A_360 = tpu.memref_squeeze %dma_start3A_359 : memref<1x16xf32, #tpu.memory_space<hbm>> -> memref<16xf32, #tpu.memory_space<hbm>>
    %dma_start3A_361 = arith.constant 0 : i32
    %dma_start3A_362 = tpu.memref_slice %arg9[%dma_start3A_353, %dma_start3A_354, %dma_start3A_361] : memref<2x16x16xf32, #tpu.memory_space<vmem>> -> memref<1x1x16xf32, #tpu.memory_space<vmem>>
    %dma_start3A_363 = tpu.memref_squeeze %dma_start3A_362 : memref<1x1x16xf32, #tpu.memory_space<vmem>> -> memref<16xf32, #tpu.memory_space<vmem>>
    %dma_start3A_364 = arith.constant 0 : i32
    %dma_start3A_365 = tpu.memref_slice %arg4[%squeeze3A_352, %dma_start3A_364] : memref<1000000x16xf32, #tpu.memory_space<hbm>> -> memref<1x16xf32, #tpu.memory_space<hbm>>
    %dma_start3A_366 = tpu.memref_squeeze %dma_start3A_365 : memref<1x16xf32, #tpu.memory_space<hbm>> -> memref<16xf32, #tpu.memory_space<hbm>>
    tpu.enqueue_dma source(%dma_start3A_366 : memref<16xf32, #tpu.memory_space<hbm>>) target(%dma_start3A_363 : memref<16xf32, #tpu.memory_space<vmem>>) target_semaphore(%arg13 : memref<!tpu.dma_semaphore, #tpu.memory_space<semaphore_mem>>)
    %slice3A_367 = vector.extract_strided_slice %get3A_273 {offsets = [5], sizes = [1], strides = [1]} : vector<16xi32> to vector<1xi32>
    %squeeze3A_368 = vector.extract %slice3A_367[0] : i32 from vector<1xi32>
    %dma_start3A_369 = arith.constant 1 : i32
    %dma_start3A_370 = arith.constant 5 : i32
    %dma_start3A_371 = arith.constant 0 : i32
    %dma_start3A_372 = tpu.memref_slice %arg9[%dma_start3A_369, %dma_start3A_370, %dma_start3A_371] : memref<2x16x16xf32, #tpu.memory_space<vmem>> -> memref<1x1x16xf32, #tpu.memory_space<vmem>>
    %dma_start3A_373 = tpu.memref_squeeze %dma_start3A_372 : memref<1x1x16xf32, #tpu.memory_space<vmem>> -> memref<16xf32, #tpu.memory_space<vmem>>
    %dma_start3A_374 = arith.constant 0 : i32
    %dma_start3A_375 = tpu.memref_slice %arg4[%squeeze3A_368, %dma_start3A_374] : memref<1000000x16xf32, #tpu.memory_space<hbm>> -> memref<1x16xf32, #tpu.memory_space<hbm>>
    %dma_start3A_376 = tpu.memref_squeeze %dma_start3A_375 : memref<1x16xf32, #tpu.memory_space<hbm>> -> memref<16xf32, #tpu.memory_space<hbm>>
    %dma_start3A_377 = arith.constant 0 : i32
    %dma_start3A_378 = tpu.memref_slice %arg9[%dma_start3A_369, %dma_start3A_370, %dma_start3A_377] : memref<2x16x16xf32, #tpu.memory_space<vmem>> -> memref<1x1x16xf32, #tpu.memory_space<vmem>>
    %dma_start3A_379 = tpu.memref_squeeze %dma_start3A_378 : memref<1x1x16xf32, #tpu.memory_space<vmem>> -> memref<16xf32, #tpu.memory_space<vmem>>
    %dma_start3A_380 = arith.constant 0 : i32
    %dma_start3A_381 = tpu.memref_slice %arg4[%squeeze3A_368, %dma_start3A_380] : memref<1000000x16xf32, #tpu.memory_space<hbm>> -> memref<1x16xf32, #tpu.memory_space<hbm>>
    %dma_start3A_382 = tpu.memref_squeeze %dma_start3A_381 : memref<1x16xf32, #tpu.memory_space<hbm>> -> memref<16xf32, #tpu.memory_space<hbm>>
    tpu.enqueue_dma source(%dma_start3A_382 : memref<16xf32, #tpu.memory_space<hbm>>) target(%dma_start3A_379 : memref<16xf32, #tpu.memory_space<vmem>>) target_semaphore(%arg13 : memref<!tpu.dma_semaphore, #tpu.memory_space<semaphore_mem>>)
    %slice3A_383 = vector.extract_strided_slice %get3A_273 {offsets = [6], sizes = [1], strides = [1]} : vector<16xi32> to vector<1xi32>
    %squeeze3A_384 = vector.extract %slice3A_383[0] : i32 from vector<1xi32>
    %dma_start3A_385 = arith.constant 1 : i32
    %dma_start3A_386 = arith.constant 6 : i32
    %dma_start3A_387 = arith.constant 0 : i32
    %dma_start3A_388 = tpu.memref_slice %arg9[%dma_start3A_385, %dma_start3A_386, %dma_start3A_387] : memref<2x16x16xf32, #tpu.memory_space<vmem>> -> memref<1x1x16xf32, #tpu.memory_space<vmem>>
    %dma_start3A_389 = tpu.memref_squeeze %dma_start3A_388 : memref<1x1x16xf32, #tpu.memory_space<vmem>> -> memref<16xf32, #tpu.memory_space<vmem>>
    %dma_start3A_390 = arith.constant 0 : i32
    %dma_start3A_391 = tpu.memref_slice %arg4[%squeeze3A_384, %dma_start3A_390] : memref<1000000x16xf32, #tpu.memory_space<hbm>> -> memref<1x16xf32, #tpu.memory_space<hbm>>
    %dma_start3A_392 = tpu.memref_squeeze %dma_start3A_391 : memref<1x16xf32, #tpu.memory_space<hbm>> -> memref<16xf32, #tpu.memory_space<hbm>>
    %dma_start3A_393 = arith.constant 0 : i32
    %dma_start3A_394 = tpu.memref_slice %arg9[%dma_start3A_385, %dma_start3A_386, %dma_start3A_393] : memref<2x16x16xf32, #tpu.memory_space<vmem>> -> memref<1x1x16xf32, #tpu.memory_space<vmem>>
    %dma_start3A_395 = tpu.memref_squeeze %dma_start3A_394 : memref<1x1x16xf32, #tpu.memory_space<vmem>> -> memref<16xf32, #tpu.memory_space<vmem>>
    %dma_start3A_396 = arith.constant 0 : i32
    %dma_start3A_397 = tpu.memref_slice %arg4[%squeeze3A_384, %dma_start3A_396] : memref<1000000x16xf32, #tpu.memory_space<hbm>> -> memref<1x16xf32, #tpu.memory_space<hbm>>
    %dma_start3A_398 = tpu.memref_squeeze %dma_start3A_397 : memref<1x16xf32, #tpu.memory_space<hbm>> -> memref<16xf32, #tpu.memory_space<hbm>>
    tpu.enqueue_dma source(%dma_start3A_398 : memref<16xf32, #tpu.memory_space<hbm>>) target(%dma_start3A_395 : memref<16xf32, #tpu.memory_space<vmem>>) target_semaphore(%arg13 : memref<!tpu.dma_semaphore, #tpu.memory_space<semaphore_mem>>)
    %slice3A_399 = vector.extract_strided_slice %get3A_273 {offsets = [7], sizes = [1], strides = [1]} : vector<16xi32> to vector<1xi32>
    %squeeze3A_400 = vector.extract %slice3A_399[0] : i32 from vector<1xi32>
    %dma_start3A_401 = arith.constant 1 : i32
    %dma_start3A_402 = arith.constant 7 : i32
    %dma_start3A_403 = arith.constant 0 : i32
    %dma_start3A_404 = tpu.memref_slice %arg9[%dma_start3A_401, %dma_start3A_402, %dma_start3A_403] : memref<2x16x16xf32, #tpu.memory_space<vmem>> -> memref<1x1x16xf32, #tpu.memory_space<vmem>>
    %dma_start3A_405 = tpu.memref_squeeze %dma_start3A_404 : memref<1x1x16xf32, #tpu.memory_space<vmem>> -> memref<16xf32, #tpu.memory_space<vmem>>
    %dma_start3A_406 = arith.constant 0 : i32
    %dma_start3A_407 = tpu.memref_slice %arg4[%squeeze3A_400, %dma_start3A_406] : memref<1000000x16xf32, #tpu.memory_space<hbm>> -> memref<1x16xf32, #tpu.memory_space<hbm>>
    %dma_start3A_408 = tpu.memref_squeeze %dma_start3A_407 : memref<1x16xf32, #tpu.memory_space<hbm>> -> memref<16xf32, #tpu.memory_space<hbm>>
    %dma_start3A_409 = arith.constant 0 : i32
    %dma_start3A_410 = tpu.memref_slice %arg9[%dma_start3A_401, %dma_start3A_402, %dma_start3A_409] : memref<2x16x16xf32, #tpu.memory_space<vmem>> -> memref<1x1x16xf32, #tpu.memory_space<vmem>>
    %dma_start3A_411 = tpu.memref_squeeze %dma_start3A_410 : memref<1x1x16xf32, #tpu.memory_space<vmem>> -> memref<16xf32, #tpu.memory_space<vmem>>
    %dma_start3A_412 = arith.constant 0 : i32
    %dma_start3A_413 = tpu.memref_slice %arg4[%squeeze3A_400, %dma_start3A_412] : memref<1000000x16xf32, #tpu.memory_space<hbm>> -> memref<1x16xf32, #tpu.memory_space<hbm>>
    %dma_start3A_414 = tpu.memref_squeeze %dma_start3A_413 : memref<1x16xf32, #tpu.memory_space<hbm>> -> memref<16xf32, #tpu.memory_space<hbm>>
    tpu.enqueue_dma source(%dma_start3A_414 : memref<16xf32, #tpu.memory_space<hbm>>) target(%dma_start3A_411 : memref<16xf32, #tpu.memory_space<vmem>>) target_semaphore(%arg13 : memref<!tpu.dma_semaphore, #tpu.memory_space<semaphore_mem>>)
    %slice3A_415 = vector.extract_strided_slice %get3A_273 {offsets = [8], sizes = [1], strides = [1]} : vector<16xi32> to vector<1xi32>
    %squeeze3A_416 = vector.extract %slice3A_415[0] : i32 from vector<1xi32>
    %dma_start3A_417 = arith.constant 1 : i32
    %dma_start3A_418 = arith.constant 8 : i32
    %dma_start3A_419 = arith.constant 0 : i32
    %dma_start3A_420 = tpu.memref_slice %arg9[%dma_start3A_417, %dma_start3A_418, %dma_start3A_419] : memref<2x16x16xf32, #tpu.memory_space<vmem>> -> memref<1x1x16xf32, #tpu.memory_space<vmem>>
    %dma_start3A_421 = tpu.memref_squeeze %dma_start3A_420 : memref<1x1x16xf32, #tpu.memory_space<vmem>> -> memref<16xf32, #tpu.memory_space<vmem>>
    %dma_start3A_422 = arith.constant 0 : i32
    %dma_start3A_423 = tpu.memref_slice %arg4[%squeeze3A_416, %dma_start3A_422] : memref<1000000x16xf32, #tpu.memory_space<hbm>> -> memref<1x16xf32, #tpu.memory_space<hbm>>
    %dma_start3A_424 = tpu.memref_squeeze %dma_start3A_423 : memref<1x16xf32, #tpu.memory_space<hbm>> -> memref<16xf32, #tpu.memory_space<hbm>>
    %dma_start3A_425 = arith.constant 0 : i32
    %dma_start3A_426 = tpu.memref_slice %arg9[%dma_start3A_417, %dma_start3A_418, %dma_start3A_425] : memref<2x16x16xf32, #tpu.memory_space<vmem>> -> memref<1x1x16xf32, #tpu.memory_space<vmem>>
    %dma_start3A_427 = tpu.memref_squeeze %dma_start3A_426 : memref<1x1x16xf32, #tpu.memory_space<vmem>> -> memref<16xf32, #tpu.memory_space<vmem>>
    %dma_start3A_428 = arith.constant 0 : i32
    %dma_start3A_429 = tpu.memref_slice %arg4[%squeeze3A_416, %dma_start3A_428] : memref<1000000x16xf32, #tpu.memory_space<hbm>> -> memref<1x16xf32, #tpu.memory_space<hbm>>
    %dma_start3A_430 = tpu.memref_squeeze %dma_start3A_429 : memref<1x16xf32, #tpu.memory_space<hbm>> -> memref<16xf32, #tpu.memory_space<hbm>>
    tpu.enqueue_dma source(%dma_start3A_430 : memref<16xf32, #tpu.memory_space<hbm>>) target(%dma_start3A_427 : memref<16xf32, #tpu.memory_space<vmem>>) target_semaphore(%arg13 : memref<!tpu.dma_semaphore, #tpu.memory_space<semaphore_mem>>)
    %slice3A_431 = vector.extract_strided_slice %get3A_273 {offsets = [9], sizes = [1], strides = [1]} : vector<16xi32> to vector<1xi32>
    %squeeze3A_432 = vector.extract %slice3A_431[0] : i32 from vector<1xi32>
    %dma_start3A_433 = arith.constant 1 : i32
    %dma_start3A_434 = arith.constant 9 : i32
    %dma_start3A_435 = arith.constant 0 : i32
    %dma_start3A_436 = tpu.memref_slice %arg9[%dma_start3A_433, %dma_start3A_434, %dma_start3A_435] : memref<2x16x16xf32, #tpu.memory_space<vmem>> -> memref<1x1x16xf32, #tpu.memory_space<vmem>>
    %dma_start3A_437 = tpu.memref_squeeze %dma_start3A_436 : memref<1x1x16xf32, #tpu.memory_space<vmem>> -> memref<16xf32, #tpu.memory_space<vmem>>
    %dma_start3A_438 = arith.constant 0 : i32
    %dma_start3A_439 = tpu.memref_slice %arg4[%squeeze3A_432, %dma_start3A_438] : memref<1000000x16xf32, #tpu.memory_space<hbm>> -> memref<1x16xf32, #tpu.memory_space<hbm>>
    %dma_start3A_440 = tpu.memref_squeeze %dma_start3A_439 : memref<1x16xf32, #tpu.memory_space<hbm>> -> memref<16xf32, #tpu.memory_space<hbm>>
    %dma_start3A_441 = arith.constant 0 : i32
    %dma_start3A_442 = tpu.memref_slice %arg9[%dma_start3A_433, %dma_start3A_434, %dma_start3A_441] : memref<2x16x16xf32, #tpu.memory_space<vmem>> -> memref<1x1x16xf32, #tpu.memory_space<vmem>>
    %dma_start3A_443 = tpu.memref_squeeze %dma_start3A_442 : memref<1x1x16xf32, #tpu.memory_space<vmem>> -> memref<16xf32, #tpu.memory_space<vmem>>
    %dma_start3A_444 = arith.constant 0 : i32
    %dma_start3A_445 = tpu.memref_slice %arg4[%squeeze3A_432, %dma_start3A_444] : memref<1000000x16xf32, #tpu.memory_space<hbm>> -> memref<1x16xf32, #tpu.memory_space<hbm>>
    %dma_start3A_446 = tpu.memref_squeeze %dma_start3A_445 : memref<1x16xf32, #tpu.memory_space<hbm>> -> memref<16xf32, #tpu.memory_space<hbm>>
    tpu.enqueue_dma source(%dma_start3A_446 : memref<16xf32, #tpu.memory_space<hbm>>) target(%dma_start3A_443 : memref<16xf32, #tpu.memory_space<vmem>>) target_semaphore(%arg13 : memref<!tpu.dma_semaphore, #tpu.memory_space<semaphore_mem>>)
    %slice3A_447 = vector.extract_strided_slice %get3A_273 {offsets = [10], sizes = [1], strides = [1]} : vector<16xi32> to vector<1xi32>
    %squeeze3A_448 = vector.extract %slice3A_447[0] : i32 from vector<1xi32>
    %dma_start3A_449 = arith.constant 1 : i32
    %dma_start3A_450 = arith.constant 10 : i32
    %dma_start3A_451 = arith.constant 0 : i32
    %dma_start3A_452 = tpu.memref_slice %arg9[%dma_start3A_449, %dma_start3A_450, %dma_start3A_451] : memref<2x16x16xf32, #tpu.memory_space<vmem>> -> memref<1x1x16xf32, #tpu.memory_space<vmem>>
    %dma_start3A_453 = tpu.memref_squeeze %dma_start3A_452 : memref<1x1x16xf32, #tpu.memory_space<vmem>> -> memref<16xf32, #tpu.memory_space<vmem>>
    %dma_start3A_454 = arith.constant 0 : i32
    %dma_start3A_455 = tpu.memref_slice %arg4[%squeeze3A_448, %dma_start3A_454] : memref<1000000x16xf32, #tpu.memory_space<hbm>> -> memref<1x16xf32, #tpu.memory_space<hbm>>
    %dma_start3A_456 = tpu.memref_squeeze %dma_start3A_455 : memref<1x16xf32, #tpu.memory_space<hbm>> -> memref<16xf32, #tpu.memory_space<hbm>>
    %dma_start3A_457 = arith.constant 0 : i32
    %dma_start3A_458 = tpu.memref_slice %arg9[%dma_start3A_449, %dma_start3A_450, %dma_start3A_457] : memref<2x16x16xf32, #tpu.memory_space<vmem>> -> memref<1x1x16xf32, #tpu.memory_space<vmem>>
    %dma_start3A_459 = tpu.memref_squeeze %dma_start3A_458 : memref<1x1x16xf32, #tpu.memory_space<vmem>> -> memref<16xf32, #tpu.memory_space<vmem>>
    %dma_start3A_460 = arith.constant 0 : i32
    %dma_start3A_461 = tpu.memref_slice %arg4[%squeeze3A_448, %dma_start3A_460] : memref<1000000x16xf32, #tpu.memory_space<hbm>> -> memref<1x16xf32, #tpu.memory_space<hbm>>
    %dma_start3A_462 = tpu.memref_squeeze %dma_start3A_461 : memref<1x16xf32, #tpu.memory_space<hbm>> -> memref<16xf32, #tpu.memory_space<hbm>>
    tpu.enqueue_dma source(%dma_start3A_462 : memref<16xf32, #tpu.memory_space<hbm>>) target(%dma_start3A_459 : memref<16xf32, #tpu.memory_space<vmem>>) target_semaphore(%arg13 : memref<!tpu.dma_semaphore, #tpu.memory_space<semaphore_mem>>)
    %slice3A_463 = vector.extract_strided_slice %get3A_273 {offsets = [11], sizes = [1], strides = [1]} : vector<16xi32> to vector<1xi32>
    %squeeze3A_464 = vector.extract %slice3A_463[0] : i32 from vector<1xi32>
    %dma_start3A_465 = arith.constant 1 : i32
    %dma_start3A_466 = arith.constant 11 : i32
    %dma_start3A_467 = arith.constant 0 : i32
    %dma_start3A_468 = tpu.memref_slice %arg9[%dma_start3A_465, %dma_start3A_466, %dma_start3A_467] : memref<2x16x16xf32, #tpu.memory_space<vmem>> -> memref<1x1x16xf32, #tpu.memory_space<vmem>>
    %dma_start3A_469 = tpu.memref_squeeze %dma_start3A_468 : memref<1x1x16xf32, #tpu.memory_space<vmem>> -> memref<16xf32, #tpu.memory_space<vmem>>
    %dma_start3A_470 = arith.constant 0 : i32
    %dma_start3A_471 = tpu.memref_slice %arg4[%squeeze3A_464, %dma_start3A_470] : memref<1000000x16xf32, #tpu.memory_space<hbm>> -> memref<1x16xf32, #tpu.memory_space<hbm>>
    %dma_start3A_472 = tpu.memref_squeeze %dma_start3A_471 : memref<1x16xf32, #tpu.memory_space<hbm>> -> memref<16xf32, #tpu.memory_space<hbm>>
    %dma_start3A_473 = arith.constant 0 : i32
    %dma_start3A_474 = tpu.memref_slice %arg9[%dma_start3A_465, %dma_start3A_466, %dma_start3A_473] : memref<2x16x16xf32, #tpu.memory_space<vmem>> -> memref<1x1x16xf32, #tpu.memory_space<vmem>>
    %dma_start3A_475 = tpu.memref_squeeze %dma_start3A_474 : memref<1x1x16xf32, #tpu.memory_space<vmem>> -> memref<16xf32, #tpu.memory_space<vmem>>
    %dma_start3A_476 = arith.constant 0 : i32
    %dma_start3A_477 = tpu.memref_slice %arg4[%squeeze3A_464, %dma_start3A_476] : memref<1000000x16xf32, #tpu.memory_space<hbm>> -> memref<1x16xf32, #tpu.memory_space<hbm>>
    %dma_start3A_478 = tpu.memref_squeeze %dma_start3A_477 : memref<1x16xf32, #tpu.memory_space<hbm>> -> memref<16xf32, #tpu.memory_space<hbm>>
    tpu.enqueue_dma source(%dma_start3A_478 : memref<16xf32, #tpu.memory_space<hbm>>) target(%dma_start3A_475 : memref<16xf32, #tpu.memory_space<vmem>>) target_semaphore(%arg13 : memref<!tpu.dma_semaphore, #tpu.memory_space<semaphore_mem>>)
    %slice3A_479 = vector.extract_strided_slice %get3A_273 {offsets = [12], sizes = [1], strides = [1]} : vector<16xi32> to vector<1xi32>
    %squeeze3A_480 = vector.extract %slice3A_479[0] : i32 from vector<1xi32>
    %dma_start3A_481 = arith.constant 1 : i32
    %dma_start3A_482 = arith.constant 12 : i32
    %dma_start3A_483 = arith.constant 0 : i32
    %dma_start3A_484 = tpu.memref_slice %arg9[%dma_start3A_481, %dma_start3A_482, %dma_start3A_483] : memref<2x16x16xf32, #tpu.memory_space<vmem>> -> memref<1x1x16xf32, #tpu.memory_space<vmem>>
    %dma_start3A_485 = tpu.memref_squeeze %dma_start3A_484 : memref<1x1x16xf32, #tpu.memory_space<vmem>> -> memref<16xf32, #tpu.memory_space<vmem>>
    %dma_start3A_486 = arith.constant 0 : i32
    %dma_start3A_487 = tpu.memref_slice %arg4[%squeeze3A_480, %dma_start3A_486] : memref<1000000x16xf32, #tpu.memory_space<hbm>> -> memref<1x16xf32, #tpu.memory_space<hbm>>
    %dma_start3A_488 = tpu.memref_squeeze %dma_start3A_487 : memref<1x16xf32, #tpu.memory_space<hbm>> -> memref<16xf32, #tpu.memory_space<hbm>>
    %dma_start3A_489 = arith.constant 0 : i32
    %dma_start3A_490 = tpu.memref_slice %arg9[%dma_start3A_481, %dma_start3A_482, %dma_start3A_489] : memref<2x16x16xf32, #tpu.memory_space<vmem>> -> memref<1x1x16xf32, #tpu.memory_space<vmem>>
    %dma_start3A_491 = tpu.memref_squeeze %dma_start3A_490 : memref<1x1x16xf32, #tpu.memory_space<vmem>> -> memref<16xf32, #tpu.memory_space<vmem>>
    %dma_start3A_492 = arith.constant 0 : i32
    %dma_start3A_493 = tpu.memref_slice %arg4[%squeeze3A_480, %dma_start3A_492] : memref<1000000x16xf32, #tpu.memory_space<hbm>> -> memref<1x16xf32, #tpu.memory_space<hbm>>
    %dma_start3A_494 = tpu.memref_squeeze %dma_start3A_493 : memref<1x16xf32, #tpu.memory_space<hbm>> -> memref<16xf32, #tpu.memory_space<hbm>>
    tpu.enqueue_dma source(%dma_start3A_494 : memref<16xf32, #tpu.memory_space<hbm>>) target(%dma_start3A_491 : memref<16xf32, #tpu.memory_space<vmem>>) target_semaphore(%arg13 : memref<!tpu.dma_semaphore, #tpu.memory_space<semaphore_mem>>)
    %slice3A_495 = vector.extract_strided_slice %get3A_273 {offsets = [13], sizes = [1], strides = [1]} : vector<16xi32> to vector<1xi32>
    %squeeze3A_496 = vector.extract %slice3A_495[0] : i32 from vector<1xi32>
    %dma_start3A_497 = arith.constant 1 : i32
    %dma_start3A_498 = arith.constant 13 : i32
    %dma_start3A_499 = arith.constant 0 : i32
    %dma_start3A_500 = tpu.memref_slice %arg9[%dma_start3A_497, %dma_start3A_498, %dma_start3A_499] : memref<2x16x16xf32, #tpu.memory_space<vmem>> -> memref<1x1x16xf32, #tpu.memory_space<vmem>>
    %dma_start3A_501 = tpu.memref_squeeze %dma_start3A_500 : memref<1x1x16xf32, #tpu.memory_space<vmem>> -> memref<16xf32, #tpu.memory_space<vmem>>
    %dma_start3A_502 = arith.constant 0 : i32
    %dma_start3A_503 = tpu.memref_slice %arg4[%squeeze3A_496, %dma_start3A_502] : memref<1000000x16xf32, #tpu.memory_space<hbm>> -> memref<1x16xf32, #tpu.memory_space<hbm>>
    %dma_start3A_504 = tpu.memref_squeeze %dma_start3A_503 : memref<1x16xf32, #tpu.memory_space<hbm>> -> memref<16xf32, #tpu.memory_space<hbm>>
    %dma_start3A_505 = arith.constant 0 : i32
    %dma_start3A_506 = tpu.memref_slice %arg9[%dma_start3A_497, %dma_start3A_498, %dma_start3A_505] : memref<2x16x16xf32, #tpu.memory_space<vmem>> -> memref<1x1x16xf32, #tpu.memory_space<vmem>>
    %dma_start3A_507 = tpu.memref_squeeze %dma_start3A_506 : memref<1x1x16xf32, #tpu.memory_space<vmem>> -> memref<16xf32, #tpu.memory_space<vmem>>
    %dma_start3A_508 = arith.constant 0 : i32
    %dma_start3A_509 = tpu.memref_slice %arg4[%squeeze3A_496, %dma_start3A_508] : memref<1000000x16xf32, #tpu.memory_space<hbm>> -> memref<1x16xf32, #tpu.memory_space<hbm>>
    %dma_start3A_510 = tpu.memref_squeeze %dma_start3A_509 : memref<1x16xf32, #tpu.memory_space<hbm>> -> memref<16xf32, #tpu.memory_space<hbm>>
    tpu.enqueue_dma source(%dma_start3A_510 : memref<16xf32, #tpu.memory_space<hbm>>) target(%dma_start3A_507 : memref<16xf32, #tpu.memory_space<vmem>>) target_semaphore(%arg13 : memref<!tpu.dma_semaphore, #tpu.memory_space<semaphore_mem>>)
    %slice3A_511 = vector.extract_strided_slice %get3A_273 {offsets = [14], sizes = [1], strides = [1]} : vector<16xi32> to vector<1xi32>
    %squeeze3A_512 = vector.extract %slice3A_511[0] : i32 from vector<1xi32>
    %dma_start3A_513 = arith.constant 1 : i32
    %dma_start3A_514 = arith.constant 14 : i32
    %dma_start3A_515 = arith.constant 0 : i32
    %dma_start3A_516 = tpu.memref_slice %arg9[%dma_start3A_513, %dma_start3A_514, %dma_start3A_515] : memref<2x16x16xf32, #tpu.memory_space<vmem>> -> memref<1x1x16xf32, #tpu.memory_space<vmem>>
    %dma_start3A_517 = tpu.memref_squeeze %dma_start3A_516 : memref<1x1x16xf32, #tpu.memory_space<vmem>> -> memref<16xf32, #tpu.memory_space<vmem>>
    %dma_start3A_518 = arith.constant 0 : i32
    %dma_start3A_519 = tpu.memref_slice %arg4[%squeeze3A_512, %dma_start3A_518] : memref<1000000x16xf32, #tpu.memory_space<hbm>> -> memref<1x16xf32, #tpu.memory_space<hbm>>
    %dma_start3A_520 = tpu.memref_squeeze %dma_start3A_519 : memref<1x16xf32, #tpu.memory_space<hbm>> -> memref<16xf32, #tpu.memory_space<hbm>>
    %dma_start3A_521 = arith.constant 0 : i32
    %dma_start3A_522 = tpu.memref_slice %arg9[%dma_start3A_513, %dma_start3A_514, %dma_start3A_521] : memref<2x16x16xf32, #tpu.memory_space<vmem>> -> memref<1x1x16xf32, #tpu.memory_space<vmem>>
    %dma_start3A_523 = tpu.memref_squeeze %dma_start3A_522 : memref<1x1x16xf32, #tpu.memory_space<vmem>> -> memref<16xf32, #tpu.memory_space<vmem>>
    %dma_start3A_524 = arith.constant 0 : i32
    %dma_start3A_525 = tpu.memref_slice %arg4[%squeeze3A_512, %dma_start3A_524] : memref<1000000x16xf32, #tpu.memory_space<hbm>> -> memref<1x16xf32, #tpu.memory_space<hbm>>
    %dma_start3A_526 = tpu.memref_squeeze %dma_start3A_525 : memref<1x16xf32, #tpu.memory_space<hbm>> -> memref<16xf32, #tpu.memory_space<hbm>>
    tpu.enqueue_dma source(%dma_start3A_526 : memref<16xf32, #tpu.memory_space<hbm>>) target(%dma_start3A_523 : memref<16xf32, #tpu.memory_space<vmem>>) target_semaphore(%arg13 : memref<!tpu.dma_semaphore, #tpu.memory_space<semaphore_mem>>)
    %slice3A_527 = vector.extract_strided_slice %get3A_273 {offsets = [15], sizes = [1], strides = [1]} : vector<16xi32> to vector<1xi32>
    %squeeze3A_528 = vector.extract %slice3A_527[0] : i32 from vector<1xi32>
    %dma_start3A_529 = arith.constant 1 : i32
    %dma_start3A_530 = arith.constant 15 : i32
    %dma_start3A_531 = arith.constant 0 : i32
    %dma_start3A_532 = tpu.memref_slice %arg9[%dma_start3A_529, %dma_start3A_530, %dma_start3A_531] : memref<2x16x16xf32, #tpu.memory_space<vmem>> -> memref<1x1x16xf32, #tpu.memory_space<vmem>>
    %dma_start3A_533 = tpu.memref_squeeze %dma_start3A_532 : memref<1x1x16xf32, #tpu.memory_space<vmem>> -> memref<16xf32, #tpu.memory_space<vmem>>
    %dma_start3A_534 = arith.constant 0 : i32
    %dma_start3A_535 = tpu.memref_slice %arg4[%squeeze3A_528, %dma_start3A_534] : memref<1000000x16xf32, #tpu.memory_space<hbm>> -> memref<1x16xf32, #tpu.memory_space<hbm>>
    %dma_start3A_536 = tpu.memref_squeeze %dma_start3A_535 : memref<1x16xf32, #tpu.memory_space<hbm>> -> memref<16xf32, #tpu.memory_space<hbm>>
    %dma_start3A_537 = arith.constant 0 : i32
    %dma_start3A_538 = tpu.memref_slice %arg9[%dma_start3A_529, %dma_start3A_530, %dma_start3A_537] : memref<2x16x16xf32, #tpu.memory_space<vmem>> -> memref<1x1x16xf32, #tpu.memory_space<vmem>>
    %dma_start3A_539 = tpu.memref_squeeze %dma_start3A_538 : memref<1x1x16xf32, #tpu.memory_space<vmem>> -> memref<16xf32, #tpu.memory_space<vmem>>
    %dma_start3A_540 = arith.constant 0 : i32
    %dma_start3A_541 = tpu.memref_slice %arg4[%squeeze3A_528, %dma_start3A_540] : memref<1000000x16xf32, #tpu.memory_space<hbm>> -> memref<1x16xf32, #tpu.memory_space<hbm>>
    %dma_start3A_542 = tpu.memref_squeeze %dma_start3A_541 : memref<1x16xf32, #tpu.memory_space<hbm>> -> memref<16xf32, #tpu.memory_space<hbm>>
    tpu.enqueue_dma source(%dma_start3A_542 : memref<16xf32, #tpu.memory_space<hbm>>) target(%dma_start3A_539 : memref<16xf32, #tpu.memory_space<vmem>>) target_semaphore(%arg13 : memref<!tpu.dma_semaphore, #tpu.memory_space<semaphore_mem>>)
    %broadcast_in_dim3A = arith.constant 0.000000e+00 : f32
    %broadcast_in_dim3A_543 = vector.broadcast %broadcast_in_dim3A : f32 to vector<16xf32>
    %scan3A = arith.constant 0 : i32
    %scan3A_544 = arith.constant 16 : i32
    %scan3A_545 = arith.addi %scan3A, %scan3A_544 : i32
    %scan3A_546 = arith.constant 1 : i32
    %scan3A_547 = scf.for %scan3A_550 = %scan3A to %scan3A_545 step %scan3A_546 iter_args(%scan3A_551 = %broadcast_in_dim3A_543) -> (vector<16xf32>)  : i32 {
      %mul3A_552 = arith.constant 2 : i32
      %mul3A_553 = arith.muli %scan3A_550, %mul3A_552 : i32
      %mul3A_554 = arith.constant 16 : i32
      %mul3A_555 = arith.muli %mul3A_553, %mul3A_554 : i32
      %multiple_of3A_556 = tpu.assume_multiple %mul3A_555, 16 : i32
      %get3A_557 = arith.index_cast %multiple_of3A_556 : i32 to index
      %get3A_558 = tpu.vector_load %arg7[%get3A_557] {strides = array<i32>} : memref<512xi32, #tpu.memory_space<vmem>>, vector<16xi32>,
      %get3A_559 = arith.index_cast %multiple_of3A_556 : i32 to index
      %get3A_560 = tpu.vector_load %arg8[%get3A_559] {strides = array<i32>} : memref<512xi32, #tpu.memory_space<vmem>>, vector<16xi32>,
      %shift_right_logical3A_561 = arith.constant 3 : i32
      %shift_right_logical3A_562 = vector.broadcast %shift_right_logical3A_561 : i32 to vector<16xi32>
      %shift_right_logical3A_563 = arith.shrui %get3A_560, %shift_right_logical3A_562 : vector<16xi32>
      %dma_wait3A = arith.constant 0 : i32
      %dma_wait3A_564 = arith.constant 0 : i32
      %dma_wait3A_565 = arith.constant 0 : i32
      %dma_wait3A_566 = tpu.memref_slice %arg10[%dma_wait3A, %dma_wait3A_564, %dma_wait3A_565] : memref<2x16x128xf32, #tpu.memory_space<vmem>> -> memref<1x16x128xf32, #tpu.memory_space<vmem>>
      %dma_wait3A_567 = tpu.memref_squeeze %dma_wait3A_566 : memref<1x16x128xf32, #tpu.memory_space<vmem>> -> memref<16x128xf32, #tpu.memory_space<vmem>>
      %dma_wait3A_568 = arith.constant 0 : i32
      %dma_wait3A_569 = arith.constant 0 : i32
      %dma_wait3A_570 = tpu.memref_slice %arg5[%dma_wait3A_568, %dma_wait3A_569] : memref<12500x128xf32, #tpu.memory_space<hbm>> -> memref<12500x128xf32, #tpu.memory_space<hbm>>
      tpu.wait_indirect_dma semaphore(%arg12 : memref<!tpu.dma_semaphore, #tpu.memory_space<semaphore_mem>>) src(%dma_wait3A_570 : memref<12500x128xf32, #tpu.memory_space<hbm>>) dst(%dma_wait3A_567 : memref<16x128xf32, #tpu.memory_space<vmem>>)
      %dma_wait3A_571 = arith.constant 0 : i32
      %dma_wait3A_572 = arith.constant 0 : i32
      %dma_wait3A_573 = arith.constant 0 : i32
      %dma_wait3A_574 = arith.constant 0 : i32
      %dma_wait3A_575 = tpu.memref_slice %arg9[%dma_wait3A_572, %dma_wait3A_573, %dma_wait3A_574] : memref<2x16x16xf32, #tpu.memory_space<vmem>> -> memref<1x1x16xf32, #tpu.memory_space<vmem>>
      %dma_wait3A_576 = tpu.memref_squeeze %dma_wait3A_575 : memref<1x1x16xf32, #tpu.memory_space<vmem>> -> memref<16xf32, #tpu.memory_space<vmem>>
      %dma_wait3A_577 = arith.constant 0 : i32
      %dma_wait3A_578 = tpu.memref_slice %arg4[%dma_wait3A_571, %dma_wait3A_577] : memref<1000000x16xf32, #tpu.memory_space<hbm>> -> memref<1x16xf32, #tpu.memory_space<hbm>>
      %dma_wait3A_579 = tpu.memref_squeeze %dma_wait3A_578 : memref<1x16xf32, #tpu.memory_space<hbm>> -> memref<16xf32, #tpu.memory_space<hbm>>
      %dma_wait3A_580 = arith.constant 0 : i32
      %dma_wait3A_581 = tpu.memref_slice %arg9[%dma_wait3A_572, %dma_wait3A_573, %dma_wait3A_580] : memref<2x16x16xf32, #tpu.memory_space<vmem>> -> memref<1x1x16xf32, #tpu.memory_space<vmem>>
      %dma_wait3A_582 = tpu.memref_squeeze %dma_wait3A_581 : memref<1x1x16xf32, #tpu.memory_space<vmem>> -> memref<16xf32, #tpu.memory_space<vmem>>
      %dma_wait3A_583 = arith.constant 0 : i32
      %dma_wait3A_584 = tpu.memref_slice %arg4[%dma_wait3A_571, %dma_wait3A_583] : memref<1000000x16xf32, #tpu.memory_space<hbm>> -> memref<1x16xf32, #tpu.memory_space<hbm>>
      %dma_wait3A_585 = tpu.memref_squeeze %dma_wait3A_584 : memref<1x16xf32, #tpu.memory_space<hbm>> -> memref<16xf32, #tpu.memory_space<hbm>>
      tpu.wait_dma2 semaphore(%arg12 : memref<!tpu.dma_semaphore, #tpu.memory_space<semaphore_mem>>) src(%dma_wait3A_585 : memref<16xf32, #tpu.memory_space<hbm>>) dst(%dma_wait3A_582 : memref<16xf32, #tpu.memory_space<vmem>>)
      %dma_wait3A_586 = arith.constant 0 : i32
      %dma_wait3A_587 = arith.constant 0 : i32
      %dma_wait3A_588 = arith.constant 1 : i32
      %dma_wait3A_589 = arith.constant 0 : i32
      %dma_wait3A_590 = tpu.memref_slice %arg9[%dma_wait3A_587, %dma_wait3A_588, %dma_wait3A_589] : memref<2x16x16xf32, #tpu.memory_space<vmem>> -> memref<1x1x16xf32, #tpu.memory_space<vmem>>
      %dma_wait3A_591 = tpu.memref_squeeze %dma_wait3A_590 : memref<1x1x16xf32, #tpu.memory_space<vmem>> -> memref<16xf32, #tpu.memory_space<vmem>>
      %dma_wait3A_592 = arith.constant 0 : i32
      %dma_wait3A_593 = tpu.memref_slice %arg4[%dma_wait3A_586, %dma_wait3A_592] : memref<1000000x16xf32, #tpu.memory_space<hbm>> -> memref<1x16xf32, #tpu.memory_space<hbm>>
      %dma_wait3A_594 = tpu.memref_squeeze %dma_wait3A_593 : memref<1x16xf32, #tpu.memory_space<hbm>> -> memref<16xf32, #tpu.memory_space<hbm>>
      %dma_wait3A_595 = arith.constant 0 : i32
      %dma_wait3A_596 = tpu.memref_slice %arg9[%dma_wait3A_587, %dma_wait3A_588, %dma_wait3A_595] : memref<2x16x16xf32, #tpu.memory_space<vmem>> -> memref<1x1x16xf32, #tpu.memory_space<vmem>>
      %dma_wait3A_597 = tpu.memref_squeeze %dma_wait3A_596 : memref<1x1x16xf32, #tpu.memory_space<vmem>> -> memref<16xf32, #tpu.memory_space<vmem>>
      %dma_wait3A_598 = arith.constant 0 : i32
      %dma_wait3A_599 = tpu.memref_slice %arg4[%dma_wait3A_586, %dma_wait3A_598] : memref<1000000x16xf32, #tpu.memory_space<hbm>> -> memref<1x16xf32, #tpu.memory_space<hbm>>
      %dma_wait3A_600 = tpu.memref_squeeze %dma_wait3A_599 : memref<1x16xf32, #tpu.memory_space<hbm>> -> memref<16xf32, #tpu.memory_space<hbm>>
      tpu.wait_dma2 semaphore(%arg12 : memref<!tpu.dma_semaphore, #tpu.memory_space<semaphore_mem>>) src(%dma_wait3A_600 : memref<16xf32, #tpu.memory_space<hbm>>) dst(%dma_wait3A_597 : memref<16xf32, #tpu.memory_space<vmem>>)
      %dma_wait3A_601 = arith.constant 0 : i32
      %dma_wait3A_602 = arith.constant 0 : i32
      %dma_wait3A_603 = arith.constant 2 : i32
      %dma_wait3A_604 = arith.constant 0 : i32
      %dma_wait3A_605 = tpu.memref_slice %arg9[%dma_wait3A_602, %dma_wait3A_603, %dma_wait3A_604] : memref<2x16x16xf32, #tpu.memory_space<vmem>> -> memref<1x1x16xf32, #tpu.memory_space<vmem>>
      %dma_wait3A_606 = tpu.memref_squeeze %dma_wait3A_605 : memref<1x1x16xf32, #tpu.memory_space<vmem>> -> memref<16xf32, #tpu.memory_space<vmem>>
      %dma_wait3A_607 = arith.constant 0 : i32
      %dma_wait3A_608 = tpu.memref_slice %arg4[%dma_wait3A_601, %dma_wait3A_607] : memref<1000000x16xf32, #tpu.memory_space<hbm>> -> memref<1x16xf32, #tpu.memory_space<hbm>>
      %dma_wait3A_609 = tpu.memref_squeeze %dma_wait3A_608 : memref<1x16xf32, #tpu.memory_space<hbm>> -> memref<16xf32, #tpu.memory_space<hbm>>
      %dma_wait3A_610 = arith.constant 0 : i32
      %dma_wait3A_611 = tpu.memref_slice %arg9[%dma_wait3A_602, %dma_wait3A_603, %dma_wait3A_610] : memref<2x16x16xf32, #tpu.memory_space<vmem>> -> memref<1x1x16xf32, #tpu.memory_space<vmem>>
      %dma_wait3A_612 = tpu.memref_squeeze %dma_wait3A_611 : memref<1x1x16xf32, #tpu.memory_space<vmem>> -> memref<16xf32, #tpu.memory_space<vmem>>
      %dma_wait3A_613 = arith.constant 0 : i32
      %dma_wait3A_614 = tpu.memref_slice %arg4[%dma_wait3A_601, %dma_wait3A_613] : memref<1000000x16xf32, #tpu.memory_space<hbm>> -> memref<1x16xf32, #tpu.memory_space<hbm>>
      %dma_wait3A_615 = tpu.memref_squeeze %dma_wait3A_614 : memref<1x16xf32, #tpu.memory_space<hbm>> -> memref<16xf32, #tpu.memory_space<hbm>>
      tpu.wait_dma2 semaphore(%arg12 : memref<!tpu.dma_semaphore, #tpu.memory_space<semaphore_mem>>) src(%dma_wait3A_615 : memref<16xf32, #tpu.memory_space<hbm>>) dst(%dma_wait3A_612 : memref<16xf32, #tpu.memory_space<vmem>>)
      %dma_wait3A_616 = arith.constant 0 : i32
      %dma_wait3A_617 = arith.constant 0 : i32
      %dma_wait3A_618 = arith.constant 3 : i32
      %dma_wait3A_619 = arith.constant 0 : i32
      %dma_wait3A_620 = tpu.memref_slice %arg9[%dma_wait3A_617, %dma_wait3A_618, %dma_wait3A_619] : memref<2x16x16xf32, #tpu.memory_space<vmem>> -> memref<1x1x16xf32, #tpu.memory_space<vmem>>
      %dma_wait3A_621 = tpu.memref_squeeze %dma_wait3A_620 : memref<1x1x16xf32, #tpu.memory_space<vmem>> -> memref<16xf32, #tpu.memory_space<vmem>>
      %dma_wait3A_622 = arith.constant 0 : i32
      %dma_wait3A_623 = tpu.memref_slice %arg4[%dma_wait3A_616, %dma_wait3A_622] : memref<1000000x16xf32, #tpu.memory_space<hbm>> -> memref<1x16xf32, #tpu.memory_space<hbm>>
      %dma_wait3A_624 = tpu.memref_squeeze %dma_wait3A_623 : memref<1x16xf32, #tpu.memory_space<hbm>> -> memref<16xf32, #tpu.memory_space<hbm>>
      %dma_wait3A_625 = arith.constant 0 : i32
      %dma_wait3A_626 = tpu.memref_slice %arg9[%dma_wait3A_617, %dma_wait3A_618, %dma_wait3A_625] : memref<2x16x16xf32, #tpu.memory_space<vmem>> -> memref<1x1x16xf32, #tpu.memory_space<vmem>>
      %dma_wait3A_627 = tpu.memref_squeeze %dma_wait3A_626 : memref<1x1x16xf32, #tpu.memory_space<vmem>> -> memref<16xf32, #tpu.memory_space<vmem>>
      %dma_wait3A_628 = arith.constant 0 : i32
      %dma_wait3A_629 = tpu.memref_slice %arg4[%dma_wait3A_616, %dma_wait3A_628] : memref<1000000x16xf32, #tpu.memory_space<hbm>> -> memref<1x16xf32, #tpu.memory_space<hbm>>
      %dma_wait3A_630 = tpu.memref_squeeze %dma_wait3A_629 : memref<1x16xf32, #tpu.memory_space<hbm>> -> memref<16xf32, #tpu.memory_space<hbm>>
      tpu.wait_dma2 semaphore(%arg12 : memref<!tpu.dma_semaphore, #tpu.memory_space<semaphore_mem>>) src(%dma_wait3A_630 : memref<16xf32, #tpu.memory_space<hbm>>) dst(%dma_wait3A_627 : memref<16xf32, #tpu.memory_space<vmem>>)
      %dma_wait3A_631 = arith.constant 0 : i32
      %dma_wait3A_632 = arith.constant 0 : i32
      %dma_wait3A_633 = arith.constant 4 : i32
      %dma_wait3A_634 = arith.constant 0 : i32
      %dma_wait3A_635 = tpu.memref_slice %arg9[%dma_wait3A_632, %dma_wait3A_633, %dma_wait3A_634] : memref<2x16x16xf32, #tpu.memory_space<vmem>> -> memref<1x1x16xf32, #tpu.memory_space<vmem>>
      %dma_wait3A_636 = tpu.memref_squeeze %dma_wait3A_635 : memref<1x1x16xf32, #tpu.memory_space<vmem>> -> memref<16xf32, #tpu.memory_space<vmem>>
      %dma_wait3A_637 = arith.constant 0 : i32
      %dma_wait3A_638 = tpu.memref_slice %arg4[%dma_wait3A_631, %dma_wait3A_637] : memref<1000000x16xf32, #tpu.memory_space<hbm>> -> memref<1x16xf32, #tpu.memory_space<hbm>>
      %dma_wait3A_639 = tpu.memref_squeeze %dma_wait3A_638 : memref<1x16xf32, #tpu.memory_space<hbm>> -> memref<16xf32, #tpu.memory_space<hbm>>
      %dma_wait3A_640 = arith.constant 0 : i32
      %dma_wait3A_641 = tpu.memref_slice %arg9[%dma_wait3A_632, %dma_wait3A_633, %dma_wait3A_640] : memref<2x16x16xf32, #tpu.memory_space<vmem>> -> memref<1x1x16xf32, #tpu.memory_space<vmem>>
      %dma_wait3A_642 = tpu.memref_squeeze %dma_wait3A_641 : memref<1x1x16xf32, #tpu.memory_space<vmem>> -> memref<16xf32, #tpu.memory_space<vmem>>
      %dma_wait3A_643 = arith.constant 0 : i32
      %dma_wait3A_644 = tpu.memref_slice %arg4[%dma_wait3A_631, %dma_wait3A_643] : memref<1000000x16xf32, #tpu.memory_space<hbm>> -> memref<1x16xf32, #tpu.memory_space<hbm>>
      %dma_wait3A_645 = tpu.memref_squeeze %dma_wait3A_644 : memref<1x16xf32, #tpu.memory_space<hbm>> -> memref<16xf32, #tpu.memory_space<hbm>>
      tpu.wait_dma2 semaphore(%arg12 : memref<!tpu.dma_semaphore, #tpu.memory_space<semaphore_mem>>) src(%dma_wait3A_645 : memref<16xf32, #tpu.memory_space<hbm>>) dst(%dma_wait3A_642 : memref<16xf32, #tpu.memory_space<vmem>>)
      %dma_wait3A_646 = arith.constant 0 : i32
      %dma_wait3A_647 = arith.constant 0 : i32
      %dma_wait3A_648 = arith.constant 5 : i32
      %dma_wait3A_649 = arith.constant 0 : i32
      %dma_wait3A_650 = tpu.memref_slice %arg9[%dma_wait3A_647, %dma_wait3A_648, %dma_wait3A_649] : memref<2x16x16xf32, #tpu.memory_space<vmem>> -> memref<1x1x16xf32, #tpu.memory_space<vmem>>
      %dma_wait3A_651 = tpu.memref_squeeze %dma_wait3A_650 : memref<1x1x16xf32, #tpu.memory_space<vmem>> -> memref<16xf32, #tpu.memory_space<vmem>>
      %dma_wait3A_652 = arith.constant 0 : i32
      %dma_wait3A_653 = tpu.memref_slice %arg4[%dma_wait3A_646, %dma_wait3A_652] : memref<1000000x16xf32, #tpu.memory_space<hbm>> -> memref<1x16xf32, #tpu.memory_space<hbm>>
      %dma_wait3A_654 = tpu.memref_squeeze %dma_wait3A_653 : memref<1x16xf32, #tpu.memory_space<hbm>> -> memref<16xf32, #tpu.memory_space<hbm>>
      %dma_wait3A_655 = arith.constant 0 : i32
      %dma_wait3A_656 = tpu.memref_slice %arg9[%dma_wait3A_647, %dma_wait3A_648, %dma_wait3A_655] : memref<2x16x16xf32, #tpu.memory_space<vmem>> -> memref<1x1x16xf32, #tpu.memory_space<vmem>>
      %dma_wait3A_657 = tpu.memref_squeeze %dma_wait3A_656 : memref<1x1x16xf32, #tpu.memory_space<vmem>> -> memref<16xf32, #tpu.memory_space<vmem>>
      %dma_wait3A_658 = arith.constant 0 : i32
      %dma_wait3A_659 = tpu.memref_slice %arg4[%dma_wait3A_646, %dma_wait3A_658] : memref<1000000x16xf32, #tpu.memory_space<hbm>> -> memref<1x16xf32, #tpu.memory_space<hbm>>
      %dma_wait3A_660 = tpu.memref_squeeze %dma_wait3A_659 : memref<1x16xf32, #tpu.memory_space<hbm>> -> memref<16xf32, #tpu.memory_space<hbm>>
      tpu.wait_dma2 semaphore(%arg12 : memref<!tpu.dma_semaphore, #tpu.memory_space<semaphore_mem>>) src(%dma_wait3A_660 : memref<16xf32, #tpu.memory_space<hbm>>) dst(%dma_wait3A_657 : memref<16xf32, #tpu.memory_space<vmem>>)
      %dma_wait3A_661 = arith.constant 0 : i32
      %dma_wait3A_662 = arith.constant 0 : i32
      %dma_wait3A_663 = arith.constant 6 : i32
      %dma_wait3A_664 = arith.constant 0 : i32
      %dma_wait3A_665 = tpu.memref_slice %arg9[%dma_wait3A_662, %dma_wait3A_663, %dma_wait3A_664] : memref<2x16x16xf32, #tpu.memory_space<vmem>> -> memref<1x1x16xf32, #tpu.memory_space<vmem>>
      %dma_wait3A_666 = tpu.memref_squeeze %dma_wait3A_665 : memref<1x1x16xf32, #tpu.memory_space<vmem>> -> memref<16xf32, #tpu.memory_space<vmem>>
      %dma_wait3A_667 = arith.constant 0 : i32
      %dma_wait3A_668 = tpu.memref_slice %arg4[%dma_wait3A_661, %dma_wait3A_667] : memref<1000000x16xf32, #tpu.memory_space<hbm>> -> memref<1x16xf32, #tpu.memory_space<hbm>>
      %dma_wait3A_669 = tpu.memref_squeeze %dma_wait3A_668 : memref<1x16xf32, #tpu.memory_space<hbm>> -> memref<16xf32, #tpu.memory_space<hbm>>
      %dma_wait3A_670 = arith.constant 0 : i32
      %dma_wait3A_671 = tpu.memref_slice %arg9[%dma_wait3A_662, %dma_wait3A_663, %dma_wait3A_670] : memref<2x16x16xf32, #tpu.memory_space<vmem>> -> memref<1x1x16xf32, #tpu.memory_space<vmem>>
      %dma_wait3A_672 = tpu.memref_squeeze %dma_wait3A_671 : memref<1x1x16xf32, #tpu.memory_space<vmem>> -> memref<16xf32, #tpu.memory_space<vmem>>
      %dma_wait3A_673 = arith.constant 0 : i32
      %dma_wait3A_674 = tpu.memref_slice %arg4[%dma_wait3A_661, %dma_wait3A_673] : memref<1000000x16xf32, #tpu.memory_space<hbm>> -> memref<1x16xf32, #tpu.memory_space<hbm>>
      %dma_wait3A_675 = tpu.memref_squeeze %dma_wait3A_674 : memref<1x16xf32, #tpu.memory_space<hbm>> -> memref<16xf32, #tpu.memory_space<hbm>>
      tpu.wait_dma2 semaphore(%arg12 : memref<!tpu.dma_semaphore, #tpu.memory_space<semaphore_mem>>) src(%dma_wait3A_675 : memref<16xf32, #tpu.memory_space<hbm>>) dst(%dma_wait3A_672 : memref<16xf32, #tpu.memory_space<vmem>>)
      %dma_wait3A_676 = arith.constant 0 : i32
      %dma_wait3A_677 = arith.constant 0 : i32
      %dma_wait3A_678 = arith.constant 7 : i32
      %dma_wait3A_679 = arith.constant 0 : i32
      %dma_wait3A_680 = tpu.memref_slice %arg9[%dma_wait3A_677, %dma_wait3A_678, %dma_wait3A_679] : memref<2x16x16xf32, #tpu.memory_space<vmem>> -> memref<1x1x16xf32, #tpu.memory_space<vmem>>
      %dma_wait3A_681 = tpu.memref_squeeze %dma_wait3A_680 : memref<1x1x16xf32, #tpu.memory_space<vmem>> -> memref<16xf32, #tpu.memory_space<vmem>>
      %dma_wait3A_682 = arith.constant 0 : i32
      %dma_wait3A_683 = tpu.memref_slice %arg4[%dma_wait3A_676, %dma_wait3A_682] : memref<1000000x16xf32, #tpu.memory_space<hbm>> -> memref<1x16xf32, #tpu.memory_space<hbm>>
      %dma_wait3A_684 = tpu.memref_squeeze %dma_wait3A_683 : memref<1x16xf32, #tpu.memory_space<hbm>> -> memref<16xf32, #tpu.memory_space<hbm>>
      %dma_wait3A_685 = arith.constant 0 : i32
      %dma_wait3A_686 = tpu.memref_slice %arg9[%dma_wait3A_677, %dma_wait3A_678, %dma_wait3A_685] : memref<2x16x16xf32, #tpu.memory_space<vmem>> -> memref<1x1x16xf32, #tpu.memory_space<vmem>>
      %dma_wait3A_687 = tpu.memref_squeeze %dma_wait3A_686 : memref<1x1x16xf32, #tpu.memory_space<vmem>> -> memref<16xf32, #tpu.memory_space<vmem>>
      %dma_wait3A_688 = arith.constant 0 : i32
      %dma_wait3A_689 = tpu.memref_slice %arg4[%dma_wait3A_676, %dma_wait3A_688] : memref<1000000x16xf32, #tpu.memory_space<hbm>> -> memref<1x16xf32, #tpu.memory_space<hbm>>
      %dma_wait3A_690 = tpu.memref_squeeze %dma_wait3A_689 : memref<1x16xf32, #tpu.memory_space<hbm>> -> memref<16xf32, #tpu.memory_space<hbm>>
      tpu.wait_dma2 semaphore(%arg12 : memref<!tpu.dma_semaphore, #tpu.memory_space<semaphore_mem>>) src(%dma_wait3A_690 : memref<16xf32, #tpu.memory_space<hbm>>) dst(%dma_wait3A_687 : memref<16xf32, #tpu.memory_space<vmem>>)
      %dma_wait3A_691 = arith.constant 0 : i32
      %dma_wait3A_692 = arith.constant 0 : i32
      %dma_wait3A_693 = arith.constant 8 : i32
      %dma_wait3A_694 = arith.constant 0 : i32
      %dma_wait3A_695 = tpu.memref_slice %arg9[%dma_wait3A_692, %dma_wait3A_693, %dma_wait3A_694] : memref<2x16x16xf32, #tpu.memory_space<vmem>> -> memref<1x1x16xf32, #tpu.memory_space<vmem>>
      %dma_wait3A_696 = tpu.memref_squeeze %dma_wait3A_695 : memref<1x1x16xf32, #tpu.memory_space<vmem>> -> memref<16xf32, #tpu.memory_space<vmem>>
      %dma_wait3A_697 = arith.constant 0 : i32
      %dma_wait3A_698 = tpu.memref_slice %arg4[%dma_wait3A_691, %dma_wait3A_697] : memref<1000000x16xf32, #tpu.memory_space<hbm>> -> memref<1x16xf32, #tpu.memory_space<hbm>>
      %dma_wait3A_699 = tpu.memref_squeeze %dma_wait3A_698 : memref<1x16xf32, #tpu.memory_space<hbm>> -> memref<16xf32, #tpu.memory_space<hbm>>
      %dma_wait3A_700 = arith.constant 0 : i32
      %dma_wait3A_701 = tpu.memref_slice %arg9[%dma_wait3A_692, %dma_wait3A_693, %dma_wait3A_700] : memref<2x16x16xf32, #tpu.memory_space<vmem>> -> memref<1x1x16xf32, #tpu.memory_space<vmem>>
      %dma_wait3A_702 = tpu.memref_squeeze %dma_wait3A_701 : memref<1x1x16xf32, #tpu.memory_space<vmem>> -> memref<16xf32, #tpu.memory_space<vmem>>
      %dma_wait3A_703 = arith.constant 0 : i32
      %dma_wait3A_704 = tpu.memref_slice %arg4[%dma_wait3A_691, %dma_wait3A_703] : memref<1000000x16xf32, #tpu.memory_space<hbm>> -> memref<1x16xf32, #tpu.memory_space<hbm>>
      %dma_wait3A_705 = tpu.memref_squeeze %dma_wait3A_704 : memref<1x16xf32, #tpu.memory_space<hbm>> -> memref<16xf32, #tpu.memory_space<hbm>>
      tpu.wait_dma2 semaphore(%arg12 : memref<!tpu.dma_semaphore, #tpu.memory_space<semaphore_mem>>) src(%dma_wait3A_705 : memref<16xf32, #tpu.memory_space<hbm>>) dst(%dma_wait3A_702 : memref<16xf32, #tpu.memory_space<vmem>>)
      %dma_wait3A_706 = arith.constant 0 : i32
      %dma_wait3A_707 = arith.constant 0 : i32
      %dma_wait3A_708 = arith.constant 9 : i32
      %dma_wait3A_709 = arith.constant 0 : i32
      %dma_wait3A_710 = tpu.memref_slice %arg9[%dma_wait3A_707, %dma_wait3A_708, %dma_wait3A_709] : memref<2x16x16xf32, #tpu.memory_space<vmem>> -> memref<1x1x16xf32, #tpu.memory_space<vmem>>
      %dma_wait3A_711 = tpu.memref_squeeze %dma_wait3A_710 : memref<1x1x16xf32, #tpu.memory_space<vmem>> -> memref<16xf32, #tpu.memory_space<vmem>>
      %dma_wait3A_712 = arith.constant 0 : i32
      %dma_wait3A_713 = tpu.memref_slice %arg4[%dma_wait3A_706, %dma_wait3A_712] : memref<1000000x16xf32, #tpu.memory_space<hbm>> -> memref<1x16xf32, #tpu.memory_space<hbm>>
      %dma_wait3A_714 = tpu.memref_squeeze %dma_wait3A_713 : memref<1x16xf32, #tpu.memory_space<hbm>> -> memref<16xf32, #tpu.memory_space<hbm>>
      %dma_wait3A_715 = arith.constant 0 : i32
      %dma_wait3A_716 = tpu.memref_slice %arg9[%dma_wait3A_707, %dma_wait3A_708, %dma_wait3A_715] : memref<2x16x16xf32, #tpu.memory_space<vmem>> -> memref<1x1x16xf32, #tpu.memory_space<vmem>>
      %dma_wait3A_717 = tpu.memref_squeeze %dma_wait3A_716 : memref<1x1x16xf32, #tpu.memory_space<vmem>> -> memref<16xf32, #tpu.memory_space<vmem>>
      %dma_wait3A_718 = arith.constant 0 : i32
      %dma_wait3A_719 = tpu.memref_slice %arg4[%dma_wait3A_706, %dma_wait3A_718] : memref<1000000x16xf32, #tpu.memory_space<hbm>> -> memref<1x16xf32, #tpu.memory_space<hbm>>
      %dma_wait3A_720 = tpu.memref_squeeze %dma_wait3A_719 : memref<1x16xf32, #tpu.memory_space<hbm>> -> memref<16xf32, #tpu.memory_space<hbm>>
      tpu.wait_dma2 semaphore(%arg12 : memref<!tpu.dma_semaphore, #tpu.memory_space<semaphore_mem>>) src(%dma_wait3A_720 : memref<16xf32, #tpu.memory_space<hbm>>) dst(%dma_wait3A_717 : memref<16xf32, #tpu.memory_space<vmem>>)
      %dma_wait3A_721 = arith.constant 0 : i32
      %dma_wait3A_722 = arith.constant 0 : i32
      %dma_wait3A_723 = arith.constant 10 : i32
      %dma_wait3A_724 = arith.constant 0 : i32
      %dma_wait3A_725 = tpu.memref_slice %arg9[%dma_wait3A_722, %dma_wait3A_723, %dma_wait3A_724] : memref<2x16x16xf32, #tpu.memory_space<vmem>> -> memref<1x1x16xf32, #tpu.memory_space<vmem>>
      %dma_wait3A_726 = tpu.memref_squeeze %dma_wait3A_725 : memref<1x1x16xf32, #tpu.memory_space<vmem>> -> memref<16xf32, #tpu.memory_space<vmem>>
      %dma_wait3A_727 = arith.constant 0 : i32
      %dma_wait3A_728 = tpu.memref_slice %arg4[%dma_wait3A_721, %dma_wait3A_727] : memref<1000000x16xf32, #tpu.memory_space<hbm>> -> memref<1x16xf32, #tpu.memory_space<hbm>>
      %dma_wait3A_729 = tpu.memref_squeeze %dma_wait3A_728 : memref<1x16xf32, #tpu.memory_space<hbm>> -> memref<16xf32, #tpu.memory_space<hbm>>
      %dma_wait3A_730 = arith.constant 0 : i32
      %dma_wait3A_731 = tpu.memref_slice %arg9[%dma_wait3A_722, %dma_wait3A_723, %dma_wait3A_730] : memref<2x16x16xf32, #tpu.memory_space<vmem>> -> memref<1x1x16xf32, #tpu.memory_space<vmem>>
      %dma_wait3A_732 = tpu.memref_squeeze %dma_wait3A_731 : memref<1x1x16xf32, #tpu.memory_space<vmem>> -> memref<16xf32, #tpu.memory_space<vmem>>
      %dma_wait3A_733 = arith.constant 0 : i32
      %dma_wait3A_734 = tpu.memref_slice %arg4[%dma_wait3A_721, %dma_wait3A_733] : memref<1000000x16xf32, #tpu.memory_space<hbm>> -> memref<1x16xf32, #tpu.memory_space<hbm>>
      %dma_wait3A_735 = tpu.memref_squeeze %dma_wait3A_734 : memref<1x16xf32, #tpu.memory_space<hbm>> -> memref<16xf32, #tpu.memory_space<hbm>>
      tpu.wait_dma2 semaphore(%arg12 : memref<!tpu.dma_semaphore, #tpu.memory_space<semaphore_mem>>) src(%dma_wait3A_735 : memref<16xf32, #tpu.memory_space<hbm>>) dst(%dma_wait3A_732 : memref<16xf32, #tpu.memory_space<vmem>>)
      %dma_wait3A_736 = arith.constant 0 : i32
      %dma_wait3A_737 = arith.constant 0 : i32
      %dma_wait3A_738 = arith.constant 11 : i32
      %dma_wait3A_739 = arith.constant 0 : i32
      %dma_wait3A_740 = tpu.memref_slice %arg9[%dma_wait3A_737, %dma_wait3A_738, %dma_wait3A_739] : memref<2x16x16xf32, #tpu.memory_space<vmem>> -> memref<1x1x16xf32, #tpu.memory_space<vmem>>
      %dma_wait3A_741 = tpu.memref_squeeze %dma_wait3A_740 : memref<1x1x16xf32, #tpu.memory_space<vmem>> -> memref<16xf32, #tpu.memory_space<vmem>>
      %dma_wait3A_742 = arith.constant 0 : i32
      %dma_wait3A_743 = tpu.memref_slice %arg4[%dma_wait3A_736, %dma_wait3A_742] : memref<1000000x16xf32, #tpu.memory_space<hbm>> -> memref<1x16xf32, #tpu.memory_space<hbm>>
      %dma_wait3A_744 = tpu.memref_squeeze %dma_wait3A_743 : memref<1x16xf32, #tpu.memory_space<hbm>> -> memref<16xf32, #tpu.memory_space<hbm>>
      %dma_wait3A_745 = arith.constant 0 : i32
      %dma_wait3A_746 = tpu.memref_slice %arg9[%dma_wait3A_737, %dma_wait3A_738, %dma_wait3A_745] : memref<2x16x16xf32, #tpu.memory_space<vmem>> -> memref<1x1x16xf32, #tpu.memory_space<vmem>>
      %dma_wait3A_747 = tpu.memref_squeeze %dma_wait3A_746 : memref<1x1x16xf32, #tpu.memory_space<vmem>> -> memref<16xf32, #tpu.memory_space<vmem>>
      %dma_wait3A_748 = arith.constant 0 : i32
      %dma_wait3A_749 = tpu.memref_slice %arg4[%dma_wait3A_736, %dma_wait3A_748] : memref<1000000x16xf32, #tpu.memory_space<hbm>> -> memref<1x16xf32, #tpu.memory_space<hbm>>
      %dma_wait3A_750 = tpu.memref_squeeze %dma_wait3A_749 : memref<1x16xf32, #tpu.memory_space<hbm>> -> memref<16xf32, #tpu.memory_space<hbm>>
      tpu.wait_dma2 semaphore(%arg12 : memref<!tpu.dma_semaphore, #tpu.memory_space<semaphore_mem>>) src(%dma_wait3A_750 : memref<16xf32, #tpu.memory_space<hbm>>) dst(%dma_wait3A_747 : memref<16xf32, #tpu.memory_space<vmem>>)
      %dma_wait3A_751 = arith.constant 0 : i32
      %dma_wait3A_752 = arith.constant 0 : i32
      %dma_wait3A_753 = arith.constant 12 : i32
      %dma_wait3A_754 = arith.constant 0 : i32
      %dma_wait3A_755 = tpu.memref_slice %arg9[%dma_wait3A_752, %dma_wait3A_753, %dma_wait3A_754] : memref<2x16x16xf32, #tpu.memory_space<vmem>> -> memref<1x1x16xf32, #tpu.memory_space<vmem>>
      %dma_wait3A_756 = tpu.memref_squeeze %dma_wait3A_755 : memref<1x1x16xf32, #tpu.memory_space<vmem>> -> memref<16xf32, #tpu.memory_space<vmem>>
      %dma_wait3A_757 = arith.constant 0 : i32
      %dma_wait3A_758 = tpu.memref_slice %arg4[%dma_wait3A_751, %dma_wait3A_757] : memref<1000000x16xf32, #tpu.memory_space<hbm>> -> memref<1x16xf32, #tpu.memory_space<hbm>>
      %dma_wait3A_759 = tpu.memref_squeeze %dma_wait3A_758 : memref<1x16xf32, #tpu.memory_space<hbm>> -> memref<16xf32, #tpu.memory_space<hbm>>
      %dma_wait3A_760 = arith.constant 0 : i32
      %dma_wait3A_761 = tpu.memref_slice %arg9[%dma_wait3A_752, %dma_wait3A_753, %dma_wait3A_760] : memref<2x16x16xf32, #tpu.memory_space<vmem>> -> memref<1x1x16xf32, #tpu.memory_space<vmem>>
      %dma_wait3A_762 = tpu.memref_squeeze %dma_wait3A_761 : memref<1x1x16xf32, #tpu.memory_space<vmem>> -> memref<16xf32, #tpu.memory_space<vmem>>
      %dma_wait3A_763 = arith.constant 0 : i32
      %dma_wait3A_764 = tpu.memref_slice %arg4[%dma_wait3A_751, %dma_wait3A_763] : memref<1000000x16xf32, #tpu.memory_space<hbm>> -> memref<1x16xf32, #tpu.memory_space<hbm>>
      %dma_wait3A_765 = tpu.memref_squeeze %dma_wait3A_764 : memref<1x16xf32, #tpu.memory_space<hbm>> -> memref<16xf32, #tpu.memory_space<hbm>>
      tpu.wait_dma2 semaphore(%arg12 : memref<!tpu.dma_semaphore, #tpu.memory_space<semaphore_mem>>) src(%dma_wait3A_765 : memref<16xf32, #tpu.memory_space<hbm>>) dst(%dma_wait3A_762 : memref<16xf32, #tpu.memory_space<vmem>>)
      %dma_wait3A_766 = arith.constant 0 : i32
      %dma_wait3A_767 = arith.constant 0 : i32
      %dma_wait3A_768 = arith.constant 13 : i32
      %dma_wait3A_769 = arith.constant 0 : i32
      %dma_wait3A_770 = tpu.memref_slice %arg9[%dma_wait3A_767, %dma_wait3A_768, %dma_wait3A_769] : memref<2x16x16xf32, #tpu.memory_space<vmem>> -> memref<1x1x16xf32, #tpu.memory_space<vmem>>
      %dma_wait3A_771 = tpu.memref_squeeze %dma_wait3A_770 : memref<1x1x16xf32, #tpu.memory_space<vmem>> -> memref<16xf32, #tpu.memory_space<vmem>>
      %dma_wait3A_772 = arith.constant 0 : i32
      %dma_wait3A_773 = tpu.memref_slice %arg4[%dma_wait3A_766, %dma_wait3A_772] : memref<1000000x16xf32, #tpu.memory_space<hbm>> -> memref<1x16xf32, #tpu.memory_space<hbm>>
      %dma_wait3A_774 = tpu.memref_squeeze %dma_wait3A_773 : memref<1x16xf32, #tpu.memory_space<hbm>> -> memref<16xf32, #tpu.memory_space<hbm>>
      %dma_wait3A_775 = arith.constant 0 : i32
      %dma_wait3A_776 = tpu.memref_slice %arg9[%dma_wait3A_767, %dma_wait3A_768, %dma_wait3A_775] : memref<2x16x16xf32, #tpu.memory_space<vmem>> -> memref<1x1x16xf32, #tpu.memory_space<vmem>>
      %dma_wait3A_777 = tpu.memref_squeeze %dma_wait3A_776 : memref<1x1x16xf32, #tpu.memory_space<vmem>> -> memref<16xf32, #tpu.memory_space<vmem>>
      %dma_wait3A_778 = arith.constant 0 : i32
      %dma_wait3A_779 = tpu.memref_slice %arg4[%dma_wait3A_766, %dma_wait3A_778] : memref<1000000x16xf32, #tpu.memory_space<hbm>> -> memref<1x16xf32, #tpu.memory_space<hbm>>
      %dma_wait3A_780 = tpu.memref_squeeze %dma_wait3A_779 : memref<1x16xf32, #tpu.memory_space<hbm>> -> memref<16xf32, #tpu.memory_space<hbm>>
      tpu.wait_dma2 semaphore(%arg12 : memref<!tpu.dma_semaphore, #tpu.memory_space<semaphore_mem>>) src(%dma_wait3A_780 : memref<16xf32, #tpu.memory_space<hbm>>) dst(%dma_wait3A_777 : memref<16xf32, #tpu.memory_space<vmem>>)
      %dma_wait3A_781 = arith.constant 0 : i32
      %dma_wait3A_782 = arith.constant 0 : i32
      %dma_wait3A_783 = arith.constant 14 : i32
      %dma_wait3A_784 = arith.constant 0 : i32
      %dma_wait3A_785 = tpu.memref_slice %arg9[%dma_wait3A_782, %dma_wait3A_783, %dma_wait3A_784] : memref<2x16x16xf32, #tpu.memory_space<vmem>> -> memref<1x1x16xf32, #tpu.memory_space<vmem>>
      %dma_wait3A_786 = tpu.memref_squeeze %dma_wait3A_785 : memref<1x1x16xf32, #tpu.memory_space<vmem>> -> memref<16xf32, #tpu.memory_space<vmem>>
      %dma_wait3A_787 = arith.constant 0 : i32
      %dma_wait3A_788 = tpu.memref_slice %arg4[%dma_wait3A_781, %dma_wait3A_787] : memref<1000000x16xf32, #tpu.memory_space<hbm>> -> memref<1x16xf32, #tpu.memory_space<hbm>>
      %dma_wait3A_789 = tpu.memref_squeeze %dma_wait3A_788 : memref<1x16xf32, #tpu.memory_space<hbm>> -> memref<16xf32, #tpu.memory_space<hbm>>
      %dma_wait3A_790 = arith.constant 0 : i32
      %dma_wait3A_791 = tpu.memref_slice %arg9[%dma_wait3A_782, %dma_wait3A_783, %dma_wait3A_790] : memref<2x16x16xf32, #tpu.memory_space<vmem>> -> memref<1x1x16xf32, #tpu.memory_space<vmem>>
      %dma_wait3A_792 = tpu.memref_squeeze %dma_wait3A_791 : memref<1x1x16xf32, #tpu.memory_space<vmem>> -> memref<16xf32, #tpu.memory_space<vmem>>
      %dma_wait3A_793 = arith.constant 0 : i32
      %dma_wait3A_794 = tpu.memref_slice %arg4[%dma_wait3A_781, %dma_wait3A_793] : memref<1000000x16xf32, #tpu.memory_space<hbm>> -> memref<1x16xf32, #tpu.memory_space<hbm>>
      %dma_wait3A_795 = tpu.memref_squeeze %dma_wait3A_794 : memref<1x16xf32, #tpu.memory_space<hbm>> -> memref<16xf32, #tpu.memory_space<hbm>>
      tpu.wait_dma2 semaphore(%arg12 : memref<!tpu.dma_semaphore, #tpu.memory_space<semaphore_mem>>) src(%dma_wait3A_795 : memref<16xf32, #tpu.memory_space<hbm>>) dst(%dma_wait3A_792 : memref<16xf32, #tpu.memory_space<vmem>>)
      %dma_wait3A_796 = arith.constant 0 : i32
      %dma_wait3A_797 = arith.constant 0 : i32
      %dma_wait3A_798 = arith.constant 15 : i32
      %dma_wait3A_799 = arith.constant 0 : i32
      %dma_wait3A_800 = tpu.memref_slice %arg9[%dma_wait3A_797, %dma_wait3A_798, %dma_wait3A_799] : memref<2x16x16xf32, #tpu.memory_space<vmem>> -> memref<1x1x16xf32, #tpu.memory_space<vmem>>
      %dma_wait3A_801 = tpu.memref_squeeze %dma_wait3A_800 : memref<1x1x16xf32, #tpu.memory_space<vmem>> -> memref<16xf32, #tpu.memory_space<vmem>>
      %dma_wait3A_802 = arith.constant 0 : i32
      %dma_wait3A_803 = tpu.memref_slice %arg4[%dma_wait3A_796, %dma_wait3A_802] : memref<1000000x16xf32, #tpu.memory_space<hbm>> -> memref<1x16xf32, #tpu.memory_space<hbm>>
      %dma_wait3A_804 = tpu.memref_squeeze %dma_wait3A_803 : memref<1x16xf32, #tpu.memory_space<hbm>> -> memref<16xf32, #tpu.memory_space<hbm>>
      %dma_wait3A_805 = arith.constant 0 : i32
      %dma_wait3A_806 = tpu.memref_slice %arg9[%dma_wait3A_797, %dma_wait3A_798, %dma_wait3A_805] : memref<2x16x16xf32, #tpu.memory_space<vmem>> -> memref<1x1x16xf32, #tpu.memory_space<vmem>>
      %dma_wait3A_807 = tpu.memref_squeeze %dma_wait3A_806 : memref<1x1x16xf32, #tpu.memory_space<vmem>> -> memref<16xf32, #tpu.memory_space<vmem>>
      %dma_wait3A_808 = arith.constant 0 : i32
      %dma_wait3A_809 = tpu.memref_slice %arg4[%dma_wait3A_796, %dma_wait3A_808] : memref<1000000x16xf32, #tpu.memory_space<hbm>> -> memref<1x16xf32, #tpu.memory_space<hbm>>
      %dma_wait3A_810 = tpu.memref_squeeze %dma_wait3A_809 : memref<1x16xf32, #tpu.memory_space<hbm>> -> memref<16xf32, #tpu.memory_space<hbm>>
      tpu.wait_dma2 semaphore(%arg12 : memref<!tpu.dma_semaphore, #tpu.memory_space<semaphore_mem>>) src(%dma_wait3A_810 : memref<16xf32, #tpu.memory_space<hbm>>) dst(%dma_wait3A_807 : memref<16xf32, #tpu.memory_space<vmem>>)
      %get3A_811 = arith.constant 0 : i32
      %get3A_812 = arith.constant 0 : i32
      %get3A_813 = arith.index_cast %get3A_811 : i32 to index
      %get3A_814 = arith.index_cast %get3A_812 : i32 to index
      %get3A_815 = arith.constant 0 : index
      %get3A_816 = tpu.vector_load %arg9[%get3A_813, %get3A_814, %get3A_815] {strides = array<i32>} : memref<2x16x16xf32, #tpu.memory_space<vmem>>, vector<16xf32>,
      %slice3A_817 = vector.extract_strided_slice %get3A_560 {offsets = [0], sizes = [1], strides = [1]} : vector<16xi32> to vector<1xi32>
      %squeeze3A_818 = vector.extract %slice3A_817[0] : i32 from vector<1xi32>
      %and3A = arith.constant 7 : i32
      %and3A_819 = arith.andi %squeeze3A_818, %and3A : i32
      %mul3A_820 = arith.constant 16 : i32
      %mul3A_821 = arith.muli %and3A_819, %mul3A_820 : i32
      %add3A_822 = vector.broadcast %mul3A_821 : i32 to vector<16xi32>
      %add3A_823 = arith.addi %iota3A, %add3A_822 : vector<16xi32>
      %gather3A = arith.constant 0 : i32
      %gather3A_824 = arith.constant 0 : i32
      %gather3A_825 = arith.constant 0 : i32
      %gather3A_826 = tpu.memref_slice %arg10[%gather3A, %gather3A_824, %gather3A_825] : memref<2x16x128xf32, #tpu.memory_space<vmem>> -> memref<1x1x128xf32, #tpu.memory_space<vmem>>
      %gather3A_827 = tpu.memref_squeeze %gather3A_826 : memref<1x1x128xf32, #tpu.memory_space<vmem>> -> memref<128xf32, #tpu.memory_space<vmem>>
      %gather3A_828 = tpu.vector_load_idx %gather3A_827[%add3A_823] : memref<128xf32, #tpu.memory_space<vmem>>[vector<16xi32>], vector<16xf32>,
      %mul3A_829 = arith.mulf %get3A_816, %gather3A_828 : vector<16xf32>
      %add3A_830 = arith.addf %scan3A_551, %mul3A_829 : vector<16xf32>
      %get3A_831 = arith.constant 0 : i32
      %get3A_832 = arith.constant 1 : i32
      %get3A_833 = arith.index_cast %get3A_831 : i32 to index
      %get3A_834 = arith.index_cast %get3A_832 : i32 to index
      %get3A_835 = arith.constant 0 : index
      %get3A_836 = tpu.vector_load %arg9[%get3A_833, %get3A_834, %get3A_835] {strides = array<i32>} : memref<2x16x16xf32, #tpu.memory_space<vmem>>, vector<16xf32>,
      %slice3A_837 = vector.extract_strided_slice %get3A_560 {offsets = [1], sizes = [1], strides = [1]} : vector<16xi32> to vector<1xi32>
      %squeeze3A_838 = vector.extract %slice3A_837[0] : i32 from vector<1xi32>
      %and3A_839 = arith.constant 7 : i32
      %and3A_840 = arith.andi %squeeze3A_838, %and3A_839 : i32
      %mul3A_841 = arith.constant 16 : i32
      %mul3A_842 = arith.muli %and3A_840, %mul3A_841 : i32
      %add3A_843 = vector.broadcast %mul3A_842 : i32 to vector<16xi32>
      %add3A_844 = arith.addi %iota3A, %add3A_843 : vector<16xi32>
      %gather3A_845 = arith.constant 0 : i32
      %gather3A_846 = arith.constant 1 : i32
      %gather3A_847 = arith.constant 0 : i32
      %gather3A_848 = tpu.memref_slice %arg10[%gather3A_845, %gather3A_846, %gather3A_847] : memref<2x16x128xf32, #tpu.memory_space<vmem>> -> memref<1x1x128xf32, #tpu.memory_space<vmem>>
      %gather3A_849 = tpu.memref_squeeze %gather3A_848 : memref<1x1x128xf32, #tpu.memory_space<vmem>> -> memref<128xf32, #tpu.memory_space<vmem>>
      %gather3A_850 = tpu.vector_load_idx %gather3A_849[%add3A_844] : memref<128xf32, #tpu.memory_space<vmem>>[vector<16xi32>], vector<16xf32>,
      %mul3A_851 = arith.mulf %get3A_836, %gather3A_850 : vector<16xf32>
      %add3A_852 = arith.addf %add3A_830, %mul3A_851 : vector<16xf32>
      %get3A_853 = arith.constant 0 : i32
      %get3A_854 = arith.constant 2 : i32
      %get3A_855 = arith.index_cast %get3A_853 : i32 to index
      %get3A_856 = arith.index_cast %get3A_854 : i32 to index
      %get3A_857 = arith.constant 0 : index
      %get3A_858 = tpu.vector_load %arg9[%get3A_855, %get3A_856, %get3A_857] {strides = array<i32>} : memref<2x16x16xf32, #tpu.memory_space<vmem>>, vector<16xf32>,
      %slice3A_859 = vector.extract_strided_slice %get3A_560 {offsets = [2], sizes = [1], strides = [1]} : vector<16xi32> to vector<1xi32>
      %squeeze3A_860 = vector.extract %slice3A_859[0] : i32 from vector<1xi32>
      %and3A_861 = arith.constant 7 : i32
      %and3A_862 = arith.andi %squeeze3A_860, %and3A_861 : i32
      %mul3A_863 = arith.constant 16 : i32
      %mul3A_864 = arith.muli %and3A_862, %mul3A_863 : i32
      %add3A_865 = vector.broadcast %mul3A_864 : i32 to vector<16xi32>
      %add3A_866 = arith.addi %iota3A, %add3A_865 : vector<16xi32>
      %gather3A_867 = arith.constant 0 : i32
      %gather3A_868 = arith.constant 2 : i32
      %gather3A_869 = arith.constant 0 : i32
      %gather3A_870 = tpu.memref_slice %arg10[%gather3A_867, %gather3A_868, %gather3A_869] : memref<2x16x128xf32, #tpu.memory_space<vmem>> -> memref<1x1x128xf32, #tpu.memory_space<vmem>>
      %gather3A_871 = tpu.memref_squeeze %gather3A_870 : memref<1x1x128xf32, #tpu.memory_space<vmem>> -> memref<128xf32, #tpu.memory_space<vmem>>
      %gather3A_872 = tpu.vector_load_idx %gather3A_871[%add3A_866] : memref<128xf32, #tpu.memory_space<vmem>>[vector<16xi32>], vector<16xf32>,
      %mul3A_873 = arith.mulf %get3A_858, %gather3A_872 : vector<16xf32>
      %add3A_874 = arith.addf %add3A_852, %mul3A_873 : vector<16xf32>
      %get3A_875 = arith.constant 0 : i32
      %get3A_876 = arith.constant 3 : i32
      %get3A_877 = arith.index_cast %get3A_875 : i32 to index
      %get3A_878 = arith.index_cast %get3A_876 : i32 to index
      %get3A_879 = arith.constant 0 : index
      %get3A_880 = tpu.vector_load %arg9[%get3A_877, %get3A_878, %get3A_879] {strides = array<i32>} : memref<2x16x16xf32, #tpu.memory_space<vmem>>, vector<16xf32>,
      %slice3A_881 = vector.extract_strided_slice %get3A_560 {offsets = [3], sizes = [1], strides = [1]} : vector<16xi32> to vector<1xi32>
      %squeeze3A_882 = vector.extract %slice3A_881[0] : i32 from vector<1xi32>
      %and3A_883 = arith.constant 7 : i32
      %and3A_884 = arith.andi %squeeze3A_882, %and3A_883 : i32
      %mul3A_885 = arith.constant 16 : i32
      %mul3A_886 = arith.muli %and3A_884, %mul3A_885 : i32
      %add3A_887 = vector.broadcast %mul3A_886 : i32 to vector<16xi32>
      %add3A_888 = arith.addi %iota3A, %add3A_887 : vector<16xi32>
      %gather3A_889 = arith.constant 0 : i32
      %gather3A_890 = arith.constant 3 : i32
      %gather3A_891 = arith.constant 0 : i32
      %gather3A_892 = tpu.memref_slice %arg10[%gather3A_889, %gather3A_890, %gather3A_891] : memref<2x16x128xf32, #tpu.memory_space<vmem>> -> memref<1x1x128xf32, #tpu.memory_space<vmem>>
      %gather3A_893 = tpu.memref_squeeze %gather3A_892 : memref<1x1x128xf32, #tpu.memory_space<vmem>> -> memref<128xf32, #tpu.memory_space<vmem>>
      %gather3A_894 = tpu.vector_load_idx %gather3A_893[%add3A_888] : memref<128xf32, #tpu.memory_space<vmem>>[vector<16xi32>], vector<16xf32>,
      %mul3A_895 = arith.mulf %get3A_880, %gather3A_894 : vector<16xf32>
      %add3A_896 = arith.addf %add3A_874, %mul3A_895 : vector<16xf32>
      %get3A_897 = arith.constant 0 : i32
      %get3A_898 = arith.constant 4 : i32
      %get3A_899 = arith.index_cast %get3A_897 : i32 to index
      %get3A_900 = arith.index_cast %get3A_898 : i32 to index
      %get3A_901 = arith.constant 0 : index
      %get3A_902 = tpu.vector_load %arg9[%get3A_899, %get3A_900, %get3A_901] {strides = array<i32>} : memref<2x16x16xf32, #tpu.memory_space<vmem>>, vector<16xf32>,
      %slice3A_903 = vector.extract_strided_slice %get3A_560 {offsets = [4], sizes = [1], strides = [1]} : vector<16xi32> to vector<1xi32>
      %squeeze3A_904 = vector.extract %slice3A_903[0] : i32 from vector<1xi32>
      %and3A_905 = arith.constant 7 : i32
      %and3A_906 = arith.andi %squeeze3A_904, %and3A_905 : i32
      %mul3A_907 = arith.constant 16 : i32
      %mul3A_908 = arith.muli %and3A_906, %mul3A_907 : i32
      %add3A_909 = vector.broadcast %mul3A_908 : i32 to vector<16xi32>
      %add3A_910 = arith.addi %iota3A, %add3A_909 : vector<16xi32>
      %gather3A_911 = arith.constant 0 : i32
      %gather3A_912 = arith.constant 4 : i32
      %gather3A_913 = arith.constant 0 : i32
      %gather3A_914 = tpu.memref_slice %arg10[%gather3A_911, %gather3A_912, %gather3A_913] : memref<2x16x128xf32, #tpu.memory_space<vmem>> -> memref<1x1x128xf32, #tpu.memory_space<vmem>>
      %gather3A_915 = tpu.memref_squeeze %gather3A_914 : memref<1x1x128xf32, #tpu.memory_space<vmem>> -> memref<128xf32, #tpu.memory_space<vmem>>
      %gather3A_916 = tpu.vector_load_idx %gather3A_915[%add3A_910] : memref<128xf32, #tpu.memory_space<vmem>>[vector<16xi32>], vector<16xf32>,
      %mul3A_917 = arith.mulf %get3A_902, %gather3A_916 : vector<16xf32>
      %add3A_918 = arith.addf %add3A_896, %mul3A_917 : vector<16xf32>
      %get3A_919 = arith.constant 0 : i32
      %get3A_920 = arith.constant 5 : i32
      %get3A_921 = arith.index_cast %get3A_919 : i32 to index
      %get3A_922 = arith.index_cast %get3A_920 : i32 to index
      %get3A_923 = arith.constant 0 : index
      %get3A_924 = tpu.vector_load %arg9[%get3A_921, %get3A_922, %get3A_923] {strides = array<i32>} : memref<2x16x16xf32, #tpu.memory_space<vmem>>, vector<16xf32>,
      %slice3A_925 = vector.extract_strided_slice %get3A_560 {offsets = [5], sizes = [1], strides = [1]} : vector<16xi32> to vector<1xi32>
      %squeeze3A_926 = vector.extract %slice3A_925[0] : i32 from vector<1xi32>
      %and3A_927 = arith.constant 7 : i32
      %and3A_928 = arith.andi %squeeze3A_926, %and3A_927 : i32
      %mul3A_929 = arith.constant 16 : i32
      %mul3A_930 = arith.muli %and3A_928, %mul3A_929 : i32
      %add3A_931 = vector.broadcast %mul3A_930 : i32 to vector<16xi32>
      %add3A_932 = arith.addi %iota3A, %add3A_931 : vector<16xi32>
      %gather3A_933 = arith.constant 0 : i32
      %gather3A_934 = arith.constant 5 : i32
      %gather3A_935 = arith.constant 0 : i32
      %gather3A_936 = tpu.memref_slice %arg10[%gather3A_933, %gather3A_934, %gather3A_935] : memref<2x16x128xf32, #tpu.memory_space<vmem>> -> memref<1x1x128xf32, #tpu.memory_space<vmem>>
      %gather3A_937 = tpu.memref_squeeze %gather3A_936 : memref<1x1x128xf32, #tpu.memory_space<vmem>> -> memref<128xf32, #tpu.memory_space<vmem>>
      %gather3A_938 = tpu.vector_load_idx %gather3A_937[%add3A_932] : memref<128xf32, #tpu.memory_space<vmem>>[vector<16xi32>], vector<16xf32>,
      %mul3A_939 = arith.mulf %get3A_924, %gather3A_938 : vector<16xf32>
      %add3A_940 = arith.addf %add3A_918, %mul3A_939 : vector<16xf32>
      %get3A_941 = arith.constant 0 : i32
      %get3A_942 = arith.constant 6 : i32
      %get3A_943 = arith.index_cast %get3A_941 : i32 to index
      %get3A_944 = arith.index_cast %get3A_942 : i32 to index
      %get3A_945 = arith.constant 0 : index
      %get3A_946 = tpu.vector_load %arg9[%get3A_943, %get3A_944, %get3A_945] {strides = array<i32>} : memref<2x16x16xf32, #tpu.memory_space<vmem>>, vector<16xf32>,
      %slice3A_947 = vector.extract_strided_slice %get3A_560 {offsets = [6], sizes = [1], strides = [1]} : vector<16xi32> to vector<1xi32>
      %squeeze3A_948 = vector.extract %slice3A_947[0] : i32 from vector<1xi32>
      %and3A_949 = arith.constant 7 : i32
      %and3A_950 = arith.andi %squeeze3A_948, %and3A_949 : i32
      %mul3A_951 = arith.constant 16 : i32
      %mul3A_952 = arith.muli %and3A_950, %mul3A_951 : i32
      %add3A_953 = vector.broadcast %mul3A_952 : i32 to vector<16xi32>
      %add3A_954 = arith.addi %iota3A, %add3A_953 : vector<16xi32>
      %gather3A_955 = arith.constant 0 : i32
      %gather3A_956 = arith.constant 6 : i32
      %gather3A_957 = arith.constant 0 : i32
      %gather3A_958 = tpu.memref_slice %arg10[%gather3A_955, %gather3A_956, %gather3A_957] : memref<2x16x128xf32, #tpu.memory_space<vmem>> -> memref<1x1x128xf32, #tpu.memory_space<vmem>>
      %gather3A_959 = tpu.memref_squeeze %gather3A_958 : memref<1x1x128xf32, #tpu.memory_space<vmem>> -> memref<128xf32, #tpu.memory_space<vmem>>
      %gather3A_960 = tpu.vector_load_idx %gather3A_959[%add3A_954] : memref<128xf32, #tpu.memory_space<vmem>>[vector<16xi32>], vector<16xf32>,
      %mul3A_961 = arith.mulf %get3A_946, %gather3A_960 : vector<16xf32>
      %add3A_962 = arith.addf %add3A_940, %mul3A_961 : vector<16xf32>
      %get3A_963 = arith.constant 0 : i32
      %get3A_964 = arith.constant 7 : i32
      %get3A_965 = arith.index_cast %get3A_963 : i32 to index
      %get3A_966 = arith.index_cast %get3A_964 : i32 to index
      %get3A_967 = arith.constant 0 : index
      %get3A_968 = tpu.vector_load %arg9[%get3A_965, %get3A_966, %get3A_967] {strides = array<i32>} : memref<2x16x16xf32, #tpu.memory_space<vmem>>, vector<16xf32>,
      %slice3A_969 = vector.extract_strided_slice %get3A_560 {offsets = [7], sizes = [1], strides = [1]} : vector<16xi32> to vector<1xi32>
      %squeeze3A_970 = vector.extract %slice3A_969[0] : i32 from vector<1xi32>
      %and3A_971 = arith.constant 7 : i32
      %and3A_972 = arith.andi %squeeze3A_970, %and3A_971 : i32
      %mul3A_973 = arith.constant 16 : i32
      %mul3A_974 = arith.muli %and3A_972, %mul3A_973 : i32
      %add3A_975 = vector.broadcast %mul3A_974 : i32 to vector<16xi32>
      %add3A_976 = arith.addi %iota3A, %add3A_975 : vector<16xi32>
      %gather3A_977 = arith.constant 0 : i32
      %gather3A_978 = arith.constant 7 : i32
      %gather3A_979 = arith.constant 0 : i32
      %gather3A_980 = tpu.memref_slice %arg10[%gather3A_977, %gather3A_978, %gather3A_979] : memref<2x16x128xf32, #tpu.memory_space<vmem>> -> memref<1x1x128xf32, #tpu.memory_space<vmem>>
      %gather3A_981 = tpu.memref_squeeze %gather3A_980 : memref<1x1x128xf32, #tpu.memory_space<vmem>> -> memref<128xf32, #tpu.memory_space<vmem>>
      %gather3A_982 = tpu.vector_load_idx %gather3A_981[%add3A_976] : memref<128xf32, #tpu.memory_space<vmem>>[vector<16xi32>], vector<16xf32>,
      %mul3A_983 = arith.mulf %get3A_968, %gather3A_982 : vector<16xf32>
      %add3A_984 = arith.addf %add3A_962, %mul3A_983 : vector<16xf32>
      %get3A_985 = arith.constant 0 : i32
      %get3A_986 = arith.constant 8 : i32
      %get3A_987 = arith.index_cast %get3A_985 : i32 to index
      %get3A_988 = arith.index_cast %get3A_986 : i32 to index
      %get3A_989 = arith.constant 0 : index
      %get3A_990 = tpu.vector_load %arg9[%get3A_987, %get3A_988, %get3A_989] {strides = array<i32>} : memref<2x16x16xf32, #tpu.memory_space<vmem>>, vector<16xf32>,
      %slice3A_991 = vector.extract_strided_slice %get3A_560 {offsets = [8], sizes = [1], strides = [1]} : vector<16xi32> to vector<1xi32>
      %squeeze3A_992 = vector.extract %slice3A_991[0] : i32 from vector<1xi32>
      %and3A_993 = arith.constant 7 : i32
      %and3A_994 = arith.andi %squeeze3A_992, %and3A_993 : i32
      %mul3A_995 = arith.constant 16 : i32
      %mul3A_996 = arith.muli %and3A_994, %mul3A_995 : i32
      %add3A_997 = vector.broadcast %mul3A_996 : i32 to vector<16xi32>
      %add3A_998 = arith.addi %iota3A, %add3A_997 : vector<16xi32>
      %gather3A_999 = arith.constant 0 : i32
      %gather3A_1000 = arith.constant 8 : i32
      %gather3A_1001 = arith.constant 0 : i32
      %gather3A_1002 = tpu.memref_slice %arg10[%gather3A_999, %gather3A_1000, %gather3A_1001] : memref<2x16x128xf32, #tpu.memory_space<vmem>> -> memref<1x1x128xf32, #tpu.memory_space<vmem>>
      %gather3A_1003 = tpu.memref_squeeze %gather3A_1002 : memref<1x1x128xf32, #tpu.memory_space<vmem>> -> memref<128xf32, #tpu.memory_space<vmem>>
      %gather3A_1004 = tpu.vector_load_idx %gather3A_1003[%add3A_998] : memref<128xf32, #tpu.memory_space<vmem>>[vector<16xi32>], vector<16xf32>,
      %mul3A_1005 = arith.mulf %get3A_990, %gather3A_1004 : vector<16xf32>
      %add3A_1006 = arith.addf %add3A_984, %mul3A_1005 : vector<16xf32>
      %get3A_1007 = arith.constant 0 : i32
      %get3A_1008 = arith.constant 9 : i32
      %get3A_1009 = arith.index_cast %get3A_1007 : i32 to index
      %get3A_1010 = arith.index_cast %get3A_1008 : i32 to index
      %get3A_1011 = arith.constant 0 : index
      %get3A_1012 = tpu.vector_load %arg9[%get3A_1009, %get3A_1010, %get3A_1011] {strides = array<i32>} : memref<2x16x16xf32, #tpu.memory_space<vmem>>, vector<16xf32>,
      %slice3A_1013 = vector.extract_strided_slice %get3A_560 {offsets = [9], sizes = [1], strides = [1]} : vector<16xi32> to vector<1xi32>
      %squeeze3A_1014 = vector.extract %slice3A_1013[0] : i32 from vector<1xi32>
      %and3A_1015 = arith.constant 7 : i32
      %and3A_1016 = arith.andi %squeeze3A_1014, %and3A_1015 : i32
      %mul3A_1017 = arith.constant 16 : i32
      %mul3A_1018 = arith.muli %and3A_1016, %mul3A_1017 : i32
      %add3A_1019 = vector.broadcast %mul3A_1018 : i32 to vector<16xi32>
      %add3A_1020 = arith.addi %iota3A, %add3A_1019 : vector<16xi32>
      %gather3A_1021 = arith.constant 0 : i32
      %gather3A_1022 = arith.constant 9 : i32
      %gather3A_1023 = arith.constant 0 : i32
      %gather3A_1024 = tpu.memref_slice %arg10[%gather3A_1021, %gather3A_1022, %gather3A_1023] : memref<2x16x128xf32, #tpu.memory_space<vmem>> -> memref<1x1x128xf32, #tpu.memory_space<vmem>>
      %gather3A_1025 = tpu.memref_squeeze %gather3A_1024 : memref<1x1x128xf32, #tpu.memory_space<vmem>> -> memref<128xf32, #tpu.memory_space<vmem>>
      %gather3A_1026 = tpu.vector_load_idx %gather3A_1025[%add3A_1020] : memref<128xf32, #tpu.memory_space<vmem>>[vector<16xi32>], vector<16xf32>,
      %mul3A_1027 = arith.mulf %get3A_1012, %gather3A_1026 : vector<16xf32>
      %add3A_1028 = arith.addf %add3A_1006, %mul3A_1027 : vector<16xf32>
      %get3A_1029 = arith.constant 0 : i32
      %get3A_1030 = arith.constant 10 : i32
      %get3A_1031 = arith.index_cast %get3A_1029 : i32 to index
      %get3A_1032 = arith.index_cast %get3A_1030 : i32 to index
      %get3A_1033 = arith.constant 0 : index
      %get3A_1034 = tpu.vector_load %arg9[%get3A_1031, %get3A_1032, %get3A_1033] {strides = array<i32>} : memref<2x16x16xf32, #tpu.memory_space<vmem>>, vector<16xf32>,
      %slice3A_1035 = vector.extract_strided_slice %get3A_560 {offsets = [10], sizes = [1], strides = [1]} : vector<16xi32> to vector<1xi32>
      %squeeze3A_1036 = vector.extract %slice3A_1035[0] : i32 from vector<1xi32>
      %and3A_1037 = arith.constant 7 : i32
      %and3A_1038 = arith.andi %squeeze3A_1036, %and3A_1037 : i32
      %mul3A_1039 = arith.constant 16 : i32
      %mul3A_1040 = arith.muli %and3A_1038, %mul3A_1039 : i32
      %add3A_1041 = vector.broadcast %mul3A_1040 : i32 to vector<16xi32>
      %add3A_1042 = arith.addi %iota3A, %add3A_1041 : vector<16xi32>
      %gather3A_1043 = arith.constant 0 : i32
      %gather3A_1044 = arith.constant 10 : i32
      %gather3A_1045 = arith.constant 0 : i32
      %gather3A_1046 = tpu.memref_slice %arg10[%gather3A_1043, %gather3A_1044, %gather3A_1045] : memref<2x16x128xf32, #tpu.memory_space<vmem>> -> memref<1x1x128xf32, #tpu.memory_space<vmem>>
      %gather3A_1047 = tpu.memref_squeeze %gather3A_1046 : memref<1x1x128xf32, #tpu.memory_space<vmem>> -> memref<128xf32, #tpu.memory_space<vmem>>
      %gather3A_1048 = tpu.vector_load_idx %gather3A_1047[%add3A_1042] : memref<128xf32, #tpu.memory_space<vmem>>[vector<16xi32>], vector<16xf32>,
      %mul3A_1049 = arith.mulf %get3A_1034, %gather3A_1048 : vector<16xf32>
      %add3A_1050 = arith.addf %add3A_1028, %mul3A_1049 : vector<16xf32>
      %get3A_1051 = arith.constant 0 : i32
      %get3A_1052 = arith.constant 11 : i32
      %get3A_1053 = arith.index_cast %get3A_1051 : i32 to index
      %get3A_1054 = arith.index_cast %get3A_1052 : i32 to index
      %get3A_1055 = arith.constant 0 : index
      %get3A_1056 = tpu.vector_load %arg9[%get3A_1053, %get3A_1054, %get3A_1055] {strides = array<i32>} : memref<2x16x16xf32, #tpu.memory_space<vmem>>, vector<16xf32>,
      %slice3A_1057 = vector.extract_strided_slice %get3A_560 {offsets = [11], sizes = [1], strides = [1]} : vector<16xi32> to vector<1xi32>
      %squeeze3A_1058 = vector.extract %slice3A_1057[0] : i32 from vector<1xi32>
      %and3A_1059 = arith.constant 7 : i32
      %and3A_1060 = arith.andi %squeeze3A_1058, %and3A_1059 : i32
      %mul3A_1061 = arith.constant 16 : i32
      %mul3A_1062 = arith.muli %and3A_1060, %mul3A_1061 : i32
      %add3A_1063 = vector.broadcast %mul3A_1062 : i32 to vector<16xi32>
      %add3A_1064 = arith.addi %iota3A, %add3A_1063 : vector<16xi32>
      %gather3A_1065 = arith.constant 0 : i32
      %gather3A_1066 = arith.constant 11 : i32
      %gather3A_1067 = arith.constant 0 : i32
      %gather3A_1068 = tpu.memref_slice %arg10[%gather3A_1065, %gather3A_1066, %gather3A_1067] : memref<2x16x128xf32, #tpu.memory_space<vmem>> -> memref<1x1x128xf32, #tpu.memory_space<vmem>>
      %gather3A_1069 = tpu.memref_squeeze %gather3A_1068 : memref<1x1x128xf32, #tpu.memory_space<vmem>> -> memref<128xf32, #tpu.memory_space<vmem>>
      %gather3A_1070 = tpu.vector_load_idx %gather3A_1069[%add3A_1064] : memref<128xf32, #tpu.memory_space<vmem>>[vector<16xi32>], vector<16xf32>,
      %mul3A_1071 = arith.mulf %get3A_1056, %gather3A_1070 : vector<16xf32>
      %add3A_1072 = arith.addf %add3A_1050, %mul3A_1071 : vector<16xf32>
      %get3A_1073 = arith.constant 0 : i32
      %get3A_1074 = arith.constant 12 : i32
      %get3A_1075 = arith.index_cast %get3A_1073 : i32 to index
      %get3A_1076 = arith.index_cast %get3A_1074 : i32 to index
      %get3A_1077 = arith.constant 0 : index
      %get3A_1078 = tpu.vector_load %arg9[%get3A_1075, %get3A_1076, %get3A_1077] {strides = array<i32>} : memref<2x16x16xf32, #tpu.memory_space<vmem>>, vector<16xf32>,
      %slice3A_1079 = vector.extract_strided_slice %get3A_560 {offsets = [12], sizes = [1], strides = [1]} : vector<16xi32> to vector<1xi32>
      %squeeze3A_1080 = vector.extract %slice3A_1079[0] : i32 from vector<1xi32>
      %and3A_1081 = arith.constant 7 : i32
      %and3A_1082 = arith.andi %squeeze3A_1080, %and3A_1081 : i32
      %mul3A_1083 = arith.constant 16 : i32
      %mul3A_1084 = arith.muli %and3A_1082, %mul3A_1083 : i32
      %add3A_1085 = vector.broadcast %mul3A_1084 : i32 to vector<16xi32>
      %add3A_1086 = arith.addi %iota3A, %add3A_1085 : vector<16xi32>
      %gather3A_1087 = arith.constant 0 : i32
      %gather3A_1088 = arith.constant 12 : i32
      %gather3A_1089 = arith.constant 0 : i32
      %gather3A_1090 = tpu.memref_slice %arg10[%gather3A_1087, %gather3A_1088, %gather3A_1089] : memref<2x16x128xf32, #tpu.memory_space<vmem>> -> memref<1x1x128xf32, #tpu.memory_space<vmem>>
      %gather3A_1091 = tpu.memref_squeeze %gather3A_1090 : memref<1x1x128xf32, #tpu.memory_space<vmem>> -> memref<128xf32, #tpu.memory_space<vmem>>
      %gather3A_1092 = tpu.vector_load_idx %gather3A_1091[%add3A_1086] : memref<128xf32, #tpu.memory_space<vmem>>[vector<16xi32>], vector<16xf32>,
      %mul3A_1093 = arith.mulf %get3A_1078, %gather3A_1092 : vector<16xf32>
      %add3A_1094 = arith.addf %add3A_1072, %mul3A_1093 : vector<16xf32>
      %get3A_1095 = arith.constant 0 : i32
      %get3A_1096 = arith.constant 13 : i32
      %get3A_1097 = arith.index_cast %get3A_1095 : i32 to index
      %get3A_1098 = arith.index_cast %get3A_1096 : i32 to index
      %get3A_1099 = arith.constant 0 : index
      %get3A_1100 = tpu.vector_load %arg9[%get3A_1097, %get3A_1098, %get3A_1099] {strides = array<i32>} : memref<2x16x16xf32, #tpu.memory_space<vmem>>, vector<16xf32>,
      %slice3A_1101 = vector.extract_strided_slice %get3A_560 {offsets = [13], sizes = [1], strides = [1]} : vector<16xi32> to vector<1xi32>
      %squeeze3A_1102 = vector.extract %slice3A_1101[0] : i32 from vector<1xi32>
      %and3A_1103 = arith.constant 7 : i32
      %and3A_1104 = arith.andi %squeeze3A_1102, %and3A_1103 : i32
      %mul3A_1105 = arith.constant 16 : i32
      %mul3A_1106 = arith.muli %and3A_1104, %mul3A_1105 : i32
      %add3A_1107 = vector.broadcast %mul3A_1106 : i32 to vector<16xi32>
      %add3A_1108 = arith.addi %iota3A, %add3A_1107 : vector<16xi32>
      %gather3A_1109 = arith.constant 0 : i32
      %gather3A_1110 = arith.constant 13 : i32
      %gather3A_1111 = arith.constant 0 : i32
      %gather3A_1112 = tpu.memref_slice %arg10[%gather3A_1109, %gather3A_1110, %gather3A_1111] : memref<2x16x128xf32, #tpu.memory_space<vmem>> -> memref<1x1x128xf32, #tpu.memory_space<vmem>>
      %gather3A_1113 = tpu.memref_squeeze %gather3A_1112 : memref<1x1x128xf32, #tpu.memory_space<vmem>> -> memref<128xf32, #tpu.memory_space<vmem>>
      %gather3A_1114 = tpu.vector_load_idx %gather3A_1113[%add3A_1108] : memref<128xf32, #tpu.memory_space<vmem>>[vector<16xi32>], vector<16xf32>,
      %mul3A_1115 = arith.mulf %get3A_1100, %gather3A_1114 : vector<16xf32>
      %add3A_1116 = arith.addf %add3A_1094, %mul3A_1115 : vector<16xf32>
      %get3A_1117 = arith.constant 0 : i32
      %get3A_1118 = arith.constant 14 : i32
      %get3A_1119 = arith.index_cast %get3A_1117 : i32 to index
      %get3A_1120 = arith.index_cast %get3A_1118 : i32 to index
      %get3A_1121 = arith.constant 0 : index
      %get3A_1122 = tpu.vector_load %arg9[%get3A_1119, %get3A_1120, %get3A_1121] {strides = array<i32>} : memref<2x16x16xf32, #tpu.memory_space<vmem>>, vector<16xf32>,
      %slice3A_1123 = vector.extract_strided_slice %get3A_560 {offsets = [14], sizes = [1], strides = [1]} : vector<16xi32> to vector<1xi32>
      %squeeze3A_1124 = vector.extract %slice3A_1123[0] : i32 from vector<1xi32>
      %and3A_1125 = arith.constant 7 : i32
      %and3A_1126 = arith.andi %squeeze3A_1124, %and3A_1125 : i32
      %mul3A_1127 = arith.constant 16 : i32
      %mul3A_1128 = arith.muli %and3A_1126, %mul3A_1127 : i32
      %add3A_1129 = vector.broadcast %mul3A_1128 : i32 to vector<16xi32>
      %add3A_1130 = arith.addi %iota3A, %add3A_1129 : vector<16xi32>
      %gather3A_1131 = arith.constant 0 : i32
      %gather3A_1132 = arith.constant 14 : i32
      %gather3A_1133 = arith.constant 0 : i32
      %gather3A_1134 = tpu.memref_slice %arg10[%gather3A_1131, %gather3A_1132, %gather3A_1133] : memref<2x16x128xf32, #tpu.memory_space<vmem>> -> memref<1x1x128xf32, #tpu.memory_space<vmem>>
      %gather3A_1135 = tpu.memref_squeeze %gather3A_1134 : memref<1x1x128xf32, #tpu.memory_space<vmem>> -> memref<128xf32, #tpu.memory_space<vmem>>
      %gather3A_1136 = tpu.vector_load_idx %gather3A_1135[%add3A_1130] : memref<128xf32, #tpu.memory_space<vmem>>[vector<16xi32>], vector<16xf32>,
      %mul3A_1137 = arith.mulf %get3A_1122, %gather3A_1136 : vector<16xf32>
      %add3A_1138 = arith.addf %add3A_1116, %mul3A_1137 : vector<16xf32>
      %get3A_1139 = arith.constant 0 : i32
      %get3A_1140 = arith.constant 15 : i32
      %get3A_1141 = arith.index_cast %get3A_1139 : i32 to index
      %get3A_1142 = arith.index_cast %get3A_1140 : i32 to index
      %get3A_1143 = arith.constant 0 : index
      %get3A_1144 = tpu.vector_load %arg9[%get3A_1141, %get3A_1142, %get3A_1143] {strides = array<i32>} : memref<2x16x16xf32, #tpu.memory_space<vmem>>, vector<16xf32>,
      %slice3A_1145 = vector.extract_strided_slice %get3A_560 {offsets = [15], sizes = [1], strides = [1]} : vector<16xi32> to vector<1xi32>
      %squeeze3A_1146 = vector.extract %slice3A_1145[0] : i32 from vector<1xi32>
      %and3A_1147 = arith.constant 7 : i32
      %and3A_1148 = arith.andi %squeeze3A_1146, %and3A_1147 : i32
      %mul3A_1149 = arith.constant 16 : i32
      %mul3A_1150 = arith.muli %and3A_1148, %mul3A_1149 : i32
      %add3A_1151 = vector.broadcast %mul3A_1150 : i32 to vector<16xi32>
      %add3A_1152 = arith.addi %iota3A, %add3A_1151 : vector<16xi32>
      %gather3A_1153 = arith.constant 0 : i32
      %gather3A_1154 = arith.constant 15 : i32
      %gather3A_1155 = arith.constant 0 : i32
      %gather3A_1156 = tpu.memref_slice %arg10[%gather3A_1153, %gather3A_1154, %gather3A_1155] : memref<2x16x128xf32, #tpu.memory_space<vmem>> -> memref<1x1x128xf32, #tpu.memory_space<vmem>>
      %gather3A_1157 = tpu.memref_squeeze %gather3A_1156 : memref<1x1x128xf32, #tpu.memory_space<vmem>> -> memref<128xf32, #tpu.memory_space<vmem>>
      %gather3A_1158 = tpu.vector_load_idx %gather3A_1157[%add3A_1152] : memref<128xf32, #tpu.memory_space<vmem>>[vector<16xi32>], vector<16xf32>,
      %mul3A_1159 = arith.mulf %get3A_1144, %gather3A_1158 : vector<16xf32>
      %add3A_1160 = arith.addf %add3A_1138, %mul3A_1159 : vector<16xf32>
      %add3A_1161 = arith.constant 2 : i32
      %add3A_1162 = arith.addi %mul3A_553, %add3A_1161 : i32
      %lt3A = arith.constant 32 : i32
      %lt3A_1163 = arith.cmpi slt, %add3A_1162, %lt3A : i32
      %convert_element_type3A = arith.extui %lt3A_1163 : i1 to i32
      %cond3A = arith.constant 0 : i32
      %cond3A_1164 = arith.cmpi ne, %convert_element_type3A, %cond3A : i32
      scf.if %cond3A_1164 {
        %add3A_1784 = arith.constant 2 : i32
        %add3A_1785 = arith.addi %mul3A_553, %add3A_1784 : i32
        %mul3A_1786 = arith.constant 16 : i32
        %mul3A_1787 = arith.muli %add3A_1785, %mul3A_1786 : i32
        %multiple_of3A_1788 = tpu.assume_multiple %mul3A_1787, 16 : i32
        %get3A_1789 = arith.index_cast %multiple_of3A_1788 : i32 to index
        %get3A_1790 = tpu.vector_load %arg7[%get3A_1789] {strides = array<i32>} : memref<512xi32, #tpu.memory_space<vmem>>, vector<16xi32>,
        %get3A_1791 = arith.index_cast %multiple_of3A_1788 : i32 to index
        %get3A_1792 = tpu.vector_load %arg8[%get3A_1791] {strides = array<i32>} : memref<512xi32, #tpu.memory_space<vmem>>, vector<16xi32>,
        %shift_right_logical3A_1793 = arith.constant 3 : i32
        %shift_right_logical3A_1794 = vector.broadcast %shift_right_logical3A_1793 : i32 to vector<16xi32>
        %shift_right_logical3A_1795 = arith.shrui %get3A_1792, %shift_right_logical3A_1794 : vector<16xi32>
        %dma_start3A_1796 = arith.constant 0 : i32
        %dma_start3A_1797 = arith.constant 0 : i32
        %dma_start3A_1798 = arith.constant 0 : i32
        %dma_start3A_1799 = tpu.memref_slice %arg10[%dma_start3A_1796, %dma_start3A_1797, %dma_start3A_1798] : memref<2x16x128xf32, #tpu.memory_space<vmem>> -> memref<1x16x128xf32, #tpu.memory_space<vmem>>
        %dma_start3A_1800 = tpu.memref_squeeze %dma_start3A_1799 : memref<1x16x128xf32, #tpu.memory_space<vmem>> -> memref<16x128xf32, #tpu.memory_space<vmem>>
        %dma_start3A_1801 = arith.constant 0 : i32
        %dma_start3A_1802 = arith.constant 0 : i32
        %dma_start3A_1803 = tpu.memref_slice %arg5[%dma_start3A_1801, %dma_start3A_1802] : memref<12500x128xf32, #tpu.memory_space<hbm>> -> memref<12500x128xf32, #tpu.memory_space<hbm>>
        tpu.enqueue_indirect_dma source(%dma_start3A_1803 : memref<12500x128xf32, #tpu.memory_space<hbm>>) target(%dma_start3A_1800 : memref<16x128xf32, #tpu.memory_space<vmem>>) offsets(%shift_right_logical3A_1795 : vector<16xi32>) semaphore(%arg12 : memref<!tpu.dma_semaphore, #tpu.memory_space<semaphore_mem>>)
        %slice3A_1804 = vector.extract_strided_slice %get3A_1790 {offsets = [0], sizes = [1], strides = [1]} : vector<16xi32> to vector<1xi32>
        %squeeze3A_1805 = vector.extract %slice3A_1804[0] : i32 from vector<1xi32>
        %dma_start3A_1806 = arith.constant 0 : i32
        %dma_start3A_1807 = arith.constant 0 : i32
        %dma_start3A_1808 = arith.constant 0 : i32
        %dma_start3A_1809 = tpu.memref_slice %arg9[%dma_start3A_1806, %dma_start3A_1807, %dma_start3A_1808] : memref<2x16x16xf32, #tpu.memory_space<vmem>> -> memref<1x1x16xf32, #tpu.memory_space<vmem>>
        %dma_start3A_1810 = tpu.memref_squeeze %dma_start3A_1809 : memref<1x1x16xf32, #tpu.memory_space<vmem>> -> memref<16xf32, #tpu.memory_space<vmem>>
        %dma_start3A_1811 = arith.constant 0 : i32
        %dma_start3A_1812 = tpu.memref_slice %arg4[%squeeze3A_1805, %dma_start3A_1811] : memref<1000000x16xf32, #tpu.memory_space<hbm>> -> memref<1x16xf32, #tpu.memory_space<hbm>>
        %dma_start3A_1813 = tpu.memref_squeeze %dma_start3A_1812 : memref<1x16xf32, #tpu.memory_space<hbm>> -> memref<16xf32, #tpu.memory_space<hbm>>
        %dma_start3A_1814 = arith.constant 0 : i32
        %dma_start3A_1815 = tpu.memref_slice %arg9[%dma_start3A_1806, %dma_start3A_1807, %dma_start3A_1814] : memref<2x16x16xf32, #tpu.memory_space<vmem>> -> memref<1x1x16xf32, #tpu.memory_space<vmem>>
        %dma_start3A_1816 = tpu.memref_squeeze %dma_start3A_1815 : memref<1x1x16xf32, #tpu.memory_space<vmem>> -> memref<16xf32, #tpu.memory_space<vmem>>
        %dma_start3A_1817 = arith.constant 0 : i32
        %dma_start3A_1818 = tpu.memref_slice %arg4[%squeeze3A_1805, %dma_start3A_1817] : memref<1000000x16xf32, #tpu.memory_space<hbm>> -> memref<1x16xf32, #tpu.memory_space<hbm>>
        %dma_start3A_1819 = tpu.memref_squeeze %dma_start3A_1818 : memref<1x16xf32, #tpu.memory_space<hbm>> -> memref<16xf32, #tpu.memory_space<hbm>>
        tpu.enqueue_dma source(%dma_start3A_1819 : memref<16xf32, #tpu.memory_space<hbm>>) target(%dma_start3A_1816 : memref<16xf32, #tpu.memory_space<vmem>>) target_semaphore(%arg12 : memref<!tpu.dma_semaphore, #tpu.memory_space<semaphore_mem>>)
        %slice3A_1820 = vector.extract_strided_slice %get3A_1790 {offsets = [1], sizes = [1], strides = [1]} : vector<16xi32> to vector<1xi32>
        %squeeze3A_1821 = vector.extract %slice3A_1820[0] : i32 from vector<1xi32>
        %dma_start3A_1822 = arith.constant 0 : i32
        %dma_start3A_1823 = arith.constant 1 : i32
        %dma_start3A_1824 = arith.constant 0 : i32
        %dma_start3A_1825 = tpu.memref_slice %arg9[%dma_start3A_1822, %dma_start3A_1823, %dma_start3A_1824] : memref<2x16x16xf32, #tpu.memory_space<vmem>> -> memref<1x1x16xf32, #tpu.memory_space<vmem>>
        %dma_start3A_1826 = tpu.memref_squeeze %dma_start3A_1825 : memref<1x1x16xf32, #tpu.memory_space<vmem>> -> memref<16xf32, #tpu.memory_space<vmem>>
        %dma_start3A_1827 = arith.constant 0 : i32
        %dma_start3A_1828 = tpu.memref_slice %arg4[%squeeze3A_1821, %dma_start3A_1827] : memref<1000000x16xf32, #tpu.memory_space<hbm>> -> memref<1x16xf32, #tpu.memory_space<hbm>>
        %dma_start3A_1829 = tpu.memref_squeeze %dma_start3A_1828 : memref<1x16xf32, #tpu.memory_space<hbm>> -> memref<16xf32, #tpu.memory_space<hbm>>
        %dma_start3A_1830 = arith.constant 0 : i32
        %dma_start3A_1831 = tpu.memref_slice %arg9[%dma_start3A_1822, %dma_start3A_1823, %dma_start3A_1830] : memref<2x16x16xf32, #tpu.memory_space<vmem>> -> memref<1x1x16xf32, #tpu.memory_space<vmem>>
        %dma_start3A_1832 = tpu.memref_squeeze %dma_start3A_1831 : memref<1x1x16xf32, #tpu.memory_space<vmem>> -> memref<16xf32, #tpu.memory_space<vmem>>
        %dma_start3A_1833 = arith.constant 0 : i32
        %dma_start3A_1834 = tpu.memref_slice %arg4[%squeeze3A_1821, %dma_start3A_1833] : memref<1000000x16xf32, #tpu.memory_space<hbm>> -> memref<1x16xf32, #tpu.memory_space<hbm>>
        %dma_start3A_1835 = tpu.memref_squeeze %dma_start3A_1834 : memref<1x16xf32, #tpu.memory_space<hbm>> -> memref<16xf32, #tpu.memory_space<hbm>>
        tpu.enqueue_dma source(%dma_start3A_1835 : memref<16xf32, #tpu.memory_space<hbm>>) target(%dma_start3A_1832 : memref<16xf32, #tpu.memory_space<vmem>>) target_semaphore(%arg12 : memref<!tpu.dma_semaphore, #tpu.memory_space<semaphore_mem>>)
        %slice3A_1836 = vector.extract_strided_slice %get3A_1790 {offsets = [2], sizes = [1], strides = [1]} : vector<16xi32> to vector<1xi32>
        %squeeze3A_1837 = vector.extract %slice3A_1836[0] : i32 from vector<1xi32>
        %dma_start3A_1838 = arith.constant 0 : i32
        %dma_start3A_1839 = arith.constant 2 : i32
        %dma_start3A_1840 = arith.constant 0 : i32
        %dma_start3A_1841 = tpu.memref_slice %arg9[%dma_start3A_1838, %dma_start3A_1839, %dma_start3A_1840] : memref<2x16x16xf32, #tpu.memory_space<vmem>> -> memref<1x1x16xf32, #tpu.memory_space<vmem>>
        %dma_start3A_1842 = tpu.memref_squeeze %dma_start3A_1841 : memref<1x1x16xf32, #tpu.memory_space<vmem>> -> memref<16xf32, #tpu.memory_space<vmem>>
        %dma_start3A_1843 = arith.constant 0 : i32
        %dma_start3A_1844 = tpu.memref_slice %arg4[%squeeze3A_1837, %dma_start3A_1843] : memref<1000000x16xf32, #tpu.memory_space<hbm>> -> memref<1x16xf32, #tpu.memory_space<hbm>>
        %dma_start3A_1845 = tpu.memref_squeeze %dma_start3A_1844 : memref<1x16xf32, #tpu.memory_space<hbm>> -> memref<16xf32, #tpu.memory_space<hbm>>
        %dma_start3A_1846 = arith.constant 0 : i32
        %dma_start3A_1847 = tpu.memref_slice %arg9[%dma_start3A_1838, %dma_start3A_1839, %dma_start3A_1846] : memref<2x16x16xf32, #tpu.memory_space<vmem>> -> memref<1x1x16xf32, #tpu.memory_space<vmem>>
        %dma_start3A_1848 = tpu.memref_squeeze %dma_start3A_1847 : memref<1x1x16xf32, #tpu.memory_space<vmem>> -> memref<16xf32, #tpu.memory_space<vmem>>
        %dma_start3A_1849 = arith.constant 0 : i32
        %dma_start3A_1850 = tpu.memref_slice %arg4[%squeeze3A_1837, %dma_start3A_1849] : memref<1000000x16xf32, #tpu.memory_space<hbm>> -> memref<1x16xf32, #tpu.memory_space<hbm>>
        %dma_start3A_1851 = tpu.memref_squeeze %dma_start3A_1850 : memref<1x16xf32, #tpu.memory_space<hbm>> -> memref<16xf32, #tpu.memory_space<hbm>>
        tpu.enqueue_dma source(%dma_start3A_1851 : memref<16xf32, #tpu.memory_space<hbm>>) target(%dma_start3A_1848 : memref<16xf32, #tpu.memory_space<vmem>>) target_semaphore(%arg12 : memref<!tpu.dma_semaphore, #tpu.memory_space<semaphore_mem>>)
        %slice3A_1852 = vector.extract_strided_slice %get3A_1790 {offsets = [3], sizes = [1], strides = [1]} : vector<16xi32> to vector<1xi32>
        %squeeze3A_1853 = vector.extract %slice3A_1852[0] : i32 from vector<1xi32>
        %dma_start3A_1854 = arith.constant 0 : i32
        %dma_start3A_1855 = arith.constant 3 : i32
        %dma_start3A_1856 = arith.constant 0 : i32
        %dma_start3A_1857 = tpu.memref_slice %arg9[%dma_start3A_1854, %dma_start3A_1855, %dma_start3A_1856] : memref<2x16x16xf32, #tpu.memory_space<vmem>> -> memref<1x1x16xf32, #tpu.memory_space<vmem>>
        %dma_start3A_1858 = tpu.memref_squeeze %dma_start3A_1857 : memref<1x1x16xf32, #tpu.memory_space<vmem>> -> memref<16xf32, #tpu.memory_space<vmem>>
        %dma_start3A_1859 = arith.constant 0 : i32
        %dma_start3A_1860 = tpu.memref_slice %arg4[%squeeze3A_1853, %dma_start3A_1859] : memref<1000000x16xf32, #tpu.memory_space<hbm>> -> memref<1x16xf32, #tpu.memory_space<hbm>>
        %dma_start3A_1861 = tpu.memref_squeeze %dma_start3A_1860 : memref<1x16xf32, #tpu.memory_space<hbm>> -> memref<16xf32, #tpu.memory_space<hbm>>
        %dma_start3A_1862 = arith.constant 0 : i32
        %dma_start3A_1863 = tpu.memref_slice %arg9[%dma_start3A_1854, %dma_start3A_1855, %dma_start3A_1862] : memref<2x16x16xf32, #tpu.memory_space<vmem>> -> memref<1x1x16xf32, #tpu.memory_space<vmem>>
        %dma_start3A_1864 = tpu.memref_squeeze %dma_start3A_1863 : memref<1x1x16xf32, #tpu.memory_space<vmem>> -> memref<16xf32, #tpu.memory_space<vmem>>
        %dma_start3A_1865 = arith.constant 0 : i32
        %dma_start3A_1866 = tpu.memref_slice %arg4[%squeeze3A_1853, %dma_start3A_1865] : memref<1000000x16xf32, #tpu.memory_space<hbm>> -> memref<1x16xf32, #tpu.memory_space<hbm>>
        %dma_start3A_1867 = tpu.memref_squeeze %dma_start3A_1866 : memref<1x16xf32, #tpu.memory_space<hbm>> -> memref<16xf32, #tpu.memory_space<hbm>>
        tpu.enqueue_dma source(%dma_start3A_1867 : memref<16xf32, #tpu.memory_space<hbm>>) target(%dma_start3A_1864 : memref<16xf32, #tpu.memory_space<vmem>>) target_semaphore(%arg12 : memref<!tpu.dma_semaphore, #tpu.memory_space<semaphore_mem>>)
        %slice3A_1868 = vector.extract_strided_slice %get3A_1790 {offsets = [4], sizes = [1], strides = [1]} : vector<16xi32> to vector<1xi32>
        %squeeze3A_1869 = vector.extract %slice3A_1868[0] : i32 from vector<1xi32>
        %dma_start3A_1870 = arith.constant 0 : i32
        %dma_start3A_1871 = arith.constant 4 : i32
        %dma_start3A_1872 = arith.constant 0 : i32
        %dma_start3A_1873 = tpu.memref_slice %arg9[%dma_start3A_1870, %dma_start3A_1871, %dma_start3A_1872] : memref<2x16x16xf32, #tpu.memory_space<vmem>> -> memref<1x1x16xf32, #tpu.memory_space<vmem>>
        %dma_start3A_1874 = tpu.memref_squeeze %dma_start3A_1873 : memref<1x1x16xf32, #tpu.memory_space<vmem>> -> memref<16xf32, #tpu.memory_space<vmem>>
        %dma_start3A_1875 = arith.constant 0 : i32
        %dma_start3A_1876 = tpu.memref_slice %arg4[%squeeze3A_1869, %dma_start3A_1875] : memref<1000000x16xf32, #tpu.memory_space<hbm>> -> memref<1x16xf32, #tpu.memory_space<hbm>>
        %dma_start3A_1877 = tpu.memref_squeeze %dma_start3A_1876 : memref<1x16xf32, #tpu.memory_space<hbm>> -> memref<16xf32, #tpu.memory_space<hbm>>
        %dma_start3A_1878 = arith.constant 0 : i32
        %dma_start3A_1879 = tpu.memref_slice %arg9[%dma_start3A_1870, %dma_start3A_1871, %dma_start3A_1878] : memref<2x16x16xf32, #tpu.memory_space<vmem>> -> memref<1x1x16xf32, #tpu.memory_space<vmem>>
        %dma_start3A_1880 = tpu.memref_squeeze %dma_start3A_1879 : memref<1x1x16xf32, #tpu.memory_space<vmem>> -> memref<16xf32, #tpu.memory_space<vmem>>
        %dma_start3A_1881 = arith.constant 0 : i32
        %dma_start3A_1882 = tpu.memref_slice %arg4[%squeeze3A_1869, %dma_start3A_1881] : memref<1000000x16xf32, #tpu.memory_space<hbm>> -> memref<1x16xf32, #tpu.memory_space<hbm>>
        %dma_start3A_1883 = tpu.memref_squeeze %dma_start3A_1882 : memref<1x16xf32, #tpu.memory_space<hbm>> -> memref<16xf32, #tpu.memory_space<hbm>>
        tpu.enqueue_dma source(%dma_start3A_1883 : memref<16xf32, #tpu.memory_space<hbm>>) target(%dma_start3A_1880 : memref<16xf32, #tpu.memory_space<vmem>>) target_semaphore(%arg12 : memref<!tpu.dma_semaphore, #tpu.memory_space<semaphore_mem>>)
        %slice3A_1884 = vector.extract_strided_slice %get3A_1790 {offsets = [5], sizes = [1], strides = [1]} : vector<16xi32> to vector<1xi32>
        %squeeze3A_1885 = vector.extract %slice3A_1884[0] : i32 from vector<1xi32>
        %dma_start3A_1886 = arith.constant 0 : i32
        %dma_start3A_1887 = arith.constant 5 : i32
        %dma_start3A_1888 = arith.constant 0 : i32
        %dma_start3A_1889 = tpu.memref_slice %arg9[%dma_start3A_1886, %dma_start3A_1887, %dma_start3A_1888] : memref<2x16x16xf32, #tpu.memory_space<vmem>> -> memref<1x1x16xf32, #tpu.memory_space<vmem>>
        %dma_start3A_1890 = tpu.memref_squeeze %dma_start3A_1889 : memref<1x1x16xf32, #tpu.memory_space<vmem>> -> memref<16xf32, #tpu.memory_space<vmem>>
        %dma_start3A_1891 = arith.constant 0 : i32
        %dma_start3A_1892 = tpu.memref_slice %arg4[%squeeze3A_1885, %dma_start3A_1891] : memref<1000000x16xf32, #tpu.memory_space<hbm>> -> memref<1x16xf32, #tpu.memory_space<hbm>>
        %dma_start3A_1893 = tpu.memref_squeeze %dma_start3A_1892 : memref<1x16xf32, #tpu.memory_space<hbm>> -> memref<16xf32, #tpu.memory_space<hbm>>
        %dma_start3A_1894 = arith.constant 0 : i32
        %dma_start3A_1895 = tpu.memref_slice %arg9[%dma_start3A_1886, %dma_start3A_1887, %dma_start3A_1894] : memref<2x16x16xf32, #tpu.memory_space<vmem>> -> memref<1x1x16xf32, #tpu.memory_space<vmem>>
        %dma_start3A_1896 = tpu.memref_squeeze %dma_start3A_1895 : memref<1x1x16xf32, #tpu.memory_space<vmem>> -> memref<16xf32, #tpu.memory_space<vmem>>
        %dma_start3A_1897 = arith.constant 0 : i32
        %dma_start3A_1898 = tpu.memref_slice %arg4[%squeeze3A_1885, %dma_start3A_1897] : memref<1000000x16xf32, #tpu.memory_space<hbm>> -> memref<1x16xf32, #tpu.memory_space<hbm>>
        %dma_start3A_1899 = tpu.memref_squeeze %dma_start3A_1898 : memref<1x16xf32, #tpu.memory_space<hbm>> -> memref<16xf32, #tpu.memory_space<hbm>>
        tpu.enqueue_dma source(%dma_start3A_1899 : memref<16xf32, #tpu.memory_space<hbm>>) target(%dma_start3A_1896 : memref<16xf32, #tpu.memory_space<vmem>>) target_semaphore(%arg12 : memref<!tpu.dma_semaphore, #tpu.memory_space<semaphore_mem>>)
        %slice3A_1900 = vector.extract_strided_slice %get3A_1790 {offsets = [6], sizes = [1], strides = [1]} : vector<16xi32> to vector<1xi32>
        %squeeze3A_1901 = vector.extract %slice3A_1900[0] : i32 from vector<1xi32>
        %dma_start3A_1902 = arith.constant 0 : i32
        %dma_start3A_1903 = arith.constant 6 : i32
        %dma_start3A_1904 = arith.constant 0 : i32
        %dma_start3A_1905 = tpu.memref_slice %arg9[%dma_start3A_1902, %dma_start3A_1903, %dma_start3A_1904] : memref<2x16x16xf32, #tpu.memory_space<vmem>> -> memref<1x1x16xf32, #tpu.memory_space<vmem>>
        %dma_start3A_1906 = tpu.memref_squeeze %dma_start3A_1905 : memref<1x1x16xf32, #tpu.memory_space<vmem>> -> memref<16xf32, #tpu.memory_space<vmem>>
        %dma_start3A_1907 = arith.constant 0 : i32
        %dma_start3A_1908 = tpu.memref_slice %arg4[%squeeze3A_1901, %dma_start3A_1907] : memref<1000000x16xf32, #tpu.memory_space<hbm>> -> memref<1x16xf32, #tpu.memory_space<hbm>>
        %dma_start3A_1909 = tpu.memref_squeeze %dma_start3A_1908 : memref<1x16xf32, #tpu.memory_space<hbm>> -> memref<16xf32, #tpu.memory_space<hbm>>
        %dma_start3A_1910 = arith.constant 0 : i32
        %dma_start3A_1911 = tpu.memref_slice %arg9[%dma_start3A_1902, %dma_start3A_1903, %dma_start3A_1910] : memref<2x16x16xf32, #tpu.memory_space<vmem>> -> memref<1x1x16xf32, #tpu.memory_space<vmem>>
        %dma_start3A_1912 = tpu.memref_squeeze %dma_start3A_1911 : memref<1x1x16xf32, #tpu.memory_space<vmem>> -> memref<16xf32, #tpu.memory_space<vmem>>
        %dma_start3A_1913 = arith.constant 0 : i32
        %dma_start3A_1914 = tpu.memref_slice %arg4[%squeeze3A_1901, %dma_start3A_1913] : memref<1000000x16xf32, #tpu.memory_space<hbm>> -> memref<1x16xf32, #tpu.memory_space<hbm>>
        %dma_start3A_1915 = tpu.memref_squeeze %dma_start3A_1914 : memref<1x16xf32, #tpu.memory_space<hbm>> -> memref<16xf32, #tpu.memory_space<hbm>>
        tpu.enqueue_dma source(%dma_start3A_1915 : memref<16xf32, #tpu.memory_space<hbm>>) target(%dma_start3A_1912 : memref<16xf32, #tpu.memory_space<vmem>>) target_semaphore(%arg12 : memref<!tpu.dma_semaphore, #tpu.memory_space<semaphore_mem>>)
        %slice3A_1916 = vector.extract_strided_slice %get3A_1790 {offsets = [7], sizes = [1], strides = [1]} : vector<16xi32> to vector<1xi32>
        %squeeze3A_1917 = vector.extract %slice3A_1916[0] : i32 from vector<1xi32>
        %dma_start3A_1918 = arith.constant 0 : i32
        %dma_start3A_1919 = arith.constant 7 : i32
        %dma_start3A_1920 = arith.constant 0 : i32
        %dma_start3A_1921 = tpu.memref_slice %arg9[%dma_start3A_1918, %dma_start3A_1919, %dma_start3A_1920] : memref<2x16x16xf32, #tpu.memory_space<vmem>> -> memref<1x1x16xf32, #tpu.memory_space<vmem>>
        %dma_start3A_1922 = tpu.memref_squeeze %dma_start3A_1921 : memref<1x1x16xf32, #tpu.memory_space<vmem>> -> memref<16xf32, #tpu.memory_space<vmem>>
        %dma_start3A_1923 = arith.constant 0 : i32
        %dma_start3A_1924 = tpu.memref_slice %arg4[%squeeze3A_1917, %dma_start3A_1923] : memref<1000000x16xf32, #tpu.memory_space<hbm>> -> memref<1x16xf32, #tpu.memory_space<hbm>>
        %dma_start3A_1925 = tpu.memref_squeeze %dma_start3A_1924 : memref<1x16xf32, #tpu.memory_space<hbm>> -> memref<16xf32, #tpu.memory_space<hbm>>
        %dma_start3A_1926 = arith.constant 0 : i32
        %dma_start3A_1927 = tpu.memref_slice %arg9[%dma_start3A_1918, %dma_start3A_1919, %dma_start3A_1926] : memref<2x16x16xf32, #tpu.memory_space<vmem>> -> memref<1x1x16xf32, #tpu.memory_space<vmem>>
        %dma_start3A_1928 = tpu.memref_squeeze %dma_start3A_1927 : memref<1x1x16xf32, #tpu.memory_space<vmem>> -> memref<16xf32, #tpu.memory_space<vmem>>
        %dma_start3A_1929 = arith.constant 0 : i32
        %dma_start3A_1930 = tpu.memref_slice %arg4[%squeeze3A_1917, %dma_start3A_1929] : memref<1000000x16xf32, #tpu.memory_space<hbm>> -> memref<1x16xf32, #tpu.memory_space<hbm>>
        %dma_start3A_1931 = tpu.memref_squeeze %dma_start3A_1930 : memref<1x16xf32, #tpu.memory_space<hbm>> -> memref<16xf32, #tpu.memory_space<hbm>>
        tpu.enqueue_dma source(%dma_start3A_1931 : memref<16xf32, #tpu.memory_space<hbm>>) target(%dma_start3A_1928 : memref<16xf32, #tpu.memory_space<vmem>>) target_semaphore(%arg12 : memref<!tpu.dma_semaphore, #tpu.memory_space<semaphore_mem>>)
        %slice3A_1932 = vector.extract_strided_slice %get3A_1790 {offsets = [8], sizes = [1], strides = [1]} : vector<16xi32> to vector<1xi32>
        %squeeze3A_1933 = vector.extract %slice3A_1932[0] : i32 from vector<1xi32>
        %dma_start3A_1934 = arith.constant 0 : i32
        %dma_start3A_1935 = arith.constant 8 : i32
        %dma_start3A_1936 = arith.constant 0 : i32
        %dma_start3A_1937 = tpu.memref_slice %arg9[%dma_start3A_1934, %dma_start3A_1935, %dma_start3A_1936] : memref<2x16x16xf32, #tpu.memory_space<vmem>> -> memref<1x1x16xf32, #tpu.memory_space<vmem>>
        %dma_start3A_1938 = tpu.memref_squeeze %dma_start3A_1937 : memref<1x1x16xf32, #tpu.memory_space<vmem>> -> memref<16xf32, #tpu.memory_space<vmem>>
        %dma_start3A_1939 = arith.constant 0 : i32
        %dma_start3A_1940 = tpu.memref_slice %arg4[%squeeze3A_1933, %dma_start3A_1939] : memref<1000000x16xf32, #tpu.memory_space<hbm>> -> memref<1x16xf32, #tpu.memory_space<hbm>>
        %dma_start3A_1941 = tpu.memref_squeeze %dma_start3A_1940 : memref<1x16xf32, #tpu.memory_space<hbm>> -> memref<16xf32, #tpu.memory_space<hbm>>
        %dma_start3A_1942 = arith.constant 0 : i32
        %dma_start3A_1943 = tpu.memref_slice %arg9[%dma_start3A_1934, %dma_start3A_1935, %dma_start3A_1942] : memref<2x16x16xf32, #tpu.memory_space<vmem>> -> memref<1x1x16xf32, #tpu.memory_space<vmem>>
        %dma_start3A_1944 = tpu.memref_squeeze %dma_start3A_1943 : memref<1x1x16xf32, #tpu.memory_space<vmem>> -> memref<16xf32, #tpu.memory_space<vmem>>
        %dma_start3A_1945 = arith.constant 0 : i32
        %dma_start3A_1946 = tpu.memref_slice %arg4[%squeeze3A_1933, %dma_start3A_1945] : memref<1000000x16xf32, #tpu.memory_space<hbm>> -> memref<1x16xf32, #tpu.memory_space<hbm>>
        %dma_start3A_1947 = tpu.memref_squeeze %dma_start3A_1946 : memref<1x16xf32, #tpu.memory_space<hbm>> -> memref<16xf32, #tpu.memory_space<hbm>>
        tpu.enqueue_dma source(%dma_start3A_1947 : memref<16xf32, #tpu.memory_space<hbm>>) target(%dma_start3A_1944 : memref<16xf32, #tpu.memory_space<vmem>>) target_semaphore(%arg12 : memref<!tpu.dma_semaphore, #tpu.memory_space<semaphore_mem>>)
        %slice3A_1948 = vector.extract_strided_slice %get3A_1790 {offsets = [9], sizes = [1], strides = [1]} : vector<16xi32> to vector<1xi32>
        %squeeze3A_1949 = vector.extract %slice3A_1948[0] : i32 from vector<1xi32>
        %dma_start3A_1950 = arith.constant 0 : i32
        %dma_start3A_1951 = arith.constant 9 : i32
        %dma_start3A_1952 = arith.constant 0 : i32
        %dma_start3A_1953 = tpu.memref_slice %arg9[%dma_start3A_1950, %dma_start3A_1951, %dma_start3A_1952] : memref<2x16x16xf32, #tpu.memory_space<vmem>> -> memref<1x1x16xf32, #tpu.memory_space<vmem>>
        %dma_start3A_1954 = tpu.memref_squeeze %dma_start3A_1953 : memref<1x1x16xf32, #tpu.memory_space<vmem>> -> memref<16xf32, #tpu.memory_space<vmem>>
        %dma_start3A_1955 = arith.constant 0 : i32
        %dma_start3A_1956 = tpu.memref_slice %arg4[%squeeze3A_1949, %dma_start3A_1955] : memref<1000000x16xf32, #tpu.memory_space<hbm>> -> memref<1x16xf32, #tpu.memory_space<hbm>>
        %dma_start3A_1957 = tpu.memref_squeeze %dma_start3A_1956 : memref<1x16xf32, #tpu.memory_space<hbm>> -> memref<16xf32, #tpu.memory_space<hbm>>
        %dma_start3A_1958 = arith.constant 0 : i32
        %dma_start3A_1959 = tpu.memref_slice %arg9[%dma_start3A_1950, %dma_start3A_1951, %dma_start3A_1958] : memref<2x16x16xf32, #tpu.memory_space<vmem>> -> memref<1x1x16xf32, #tpu.memory_space<vmem>>
        %dma_start3A_1960 = tpu.memref_squeeze %dma_start3A_1959 : memref<1x1x16xf32, #tpu.memory_space<vmem>> -> memref<16xf32, #tpu.memory_space<vmem>>
        %dma_start3A_1961 = arith.constant 0 : i32
        %dma_start3A_1962 = tpu.memref_slice %arg4[%squeeze3A_1949, %dma_start3A_1961] : memref<1000000x16xf32, #tpu.memory_space<hbm>> -> memref<1x16xf32, #tpu.memory_space<hbm>>
        %dma_start3A_1963 = tpu.memref_squeeze %dma_start3A_1962 : memref<1x16xf32, #tpu.memory_space<hbm>> -> memref<16xf32, #tpu.memory_space<hbm>>
        tpu.enqueue_dma source(%dma_start3A_1963 : memref<16xf32, #tpu.memory_space<hbm>>) target(%dma_start3A_1960 : memref<16xf32, #tpu.memory_space<vmem>>) target_semaphore(%arg12 : memref<!tpu.dma_semaphore, #tpu.memory_space<semaphore_mem>>)
        %slice3A_1964 = vector.extract_strided_slice %get3A_1790 {offsets = [10], sizes = [1], strides = [1]} : vector<16xi32> to vector<1xi32>
        %squeeze3A_1965 = vector.extract %slice3A_1964[0] : i32 from vector<1xi32>
        %dma_start3A_1966 = arith.constant 0 : i32
        %dma_start3A_1967 = arith.constant 10 : i32
        %dma_start3A_1968 = arith.constant 0 : i32
        %dma_start3A_1969 = tpu.memref_slice %arg9[%dma_start3A_1966, %dma_start3A_1967, %dma_start3A_1968] : memref<2x16x16xf32, #tpu.memory_space<vmem>> -> memref<1x1x16xf32, #tpu.memory_space<vmem>>
        %dma_start3A_1970 = tpu.memref_squeeze %dma_start3A_1969 : memref<1x1x16xf32, #tpu.memory_space<vmem>> -> memref<16xf32, #tpu.memory_space<vmem>>
        %dma_start3A_1971 = arith.constant 0 : i32
        %dma_start3A_1972 = tpu.memref_slice %arg4[%squeeze3A_1965, %dma_start3A_1971] : memref<1000000x16xf32, #tpu.memory_space<hbm>> -> memref<1x16xf32, #tpu.memory_space<hbm>>
        %dma_start3A_1973 = tpu.memref_squeeze %dma_start3A_1972 : memref<1x16xf32, #tpu.memory_space<hbm>> -> memref<16xf32, #tpu.memory_space<hbm>>
        %dma_start3A_1974 = arith.constant 0 : i32
        %dma_start3A_1975 = tpu.memref_slice %arg9[%dma_start3A_1966, %dma_start3A_1967, %dma_start3A_1974] : memref<2x16x16xf32, #tpu.memory_space<vmem>> -> memref<1x1x16xf32, #tpu.memory_space<vmem>>
        %dma_start3A_1976 = tpu.memref_squeeze %dma_start3A_1975 : memref<1x1x16xf32, #tpu.memory_space<vmem>> -> memref<16xf32, #tpu.memory_space<vmem>>
        %dma_start3A_1977 = arith.constant 0 : i32
        %dma_start3A_1978 = tpu.memref_slice %arg4[%squeeze3A_1965, %dma_start3A_1977] : memref<1000000x16xf32, #tpu.memory_space<hbm>> -> memref<1x16xf32, #tpu.memory_space<hbm>>
        %dma_start3A_1979 = tpu.memref_squeeze %dma_start3A_1978 : memref<1x16xf32, #tpu.memory_space<hbm>> -> memref<16xf32, #tpu.memory_space<hbm>>
        tpu.enqueue_dma source(%dma_start3A_1979 : memref<16xf32, #tpu.memory_space<hbm>>) target(%dma_start3A_1976 : memref<16xf32, #tpu.memory_space<vmem>>) target_semaphore(%arg12 : memref<!tpu.dma_semaphore, #tpu.memory_space<semaphore_mem>>)
        %slice3A_1980 = vector.extract_strided_slice %get3A_1790 {offsets = [11], sizes = [1], strides = [1]} : vector<16xi32> to vector<1xi32>
        %squeeze3A_1981 = vector.extract %slice3A_1980[0] : i32 from vector<1xi32>
        %dma_start3A_1982 = arith.constant 0 : i32
        %dma_start3A_1983 = arith.constant 11 : i32
        %dma_start3A_1984 = arith.constant 0 : i32
        %dma_start3A_1985 = tpu.memref_slice %arg9[%dma_start3A_1982, %dma_start3A_1983, %dma_start3A_1984] : memref<2x16x16xf32, #tpu.memory_space<vmem>> -> memref<1x1x16xf32, #tpu.memory_space<vmem>>
        %dma_start3A_1986 = tpu.memref_squeeze %dma_start3A_1985 : memref<1x1x16xf32, #tpu.memory_space<vmem>> -> memref<16xf32, #tpu.memory_space<vmem>>
        %dma_start3A_1987 = arith.constant 0 : i32
        %dma_start3A_1988 = tpu.memref_slice %arg4[%squeeze3A_1981, %dma_start3A_1987] : memref<1000000x16xf32, #tpu.memory_space<hbm>> -> memref<1x16xf32, #tpu.memory_space<hbm>>
        %dma_start3A_1989 = tpu.memref_squeeze %dma_start3A_1988 : memref<1x16xf32, #tpu.memory_space<hbm>> -> memref<16xf32, #tpu.memory_space<hbm>>
        %dma_start3A_1990 = arith.constant 0 : i32
        %dma_start3A_1991 = tpu.memref_slice %arg9[%dma_start3A_1982, %dma_start3A_1983, %dma_start3A_1990] : memref<2x16x16xf32, #tpu.memory_space<vmem>> -> memref<1x1x16xf32, #tpu.memory_space<vmem>>
        %dma_start3A_1992 = tpu.memref_squeeze %dma_start3A_1991 : memref<1x1x16xf32, #tpu.memory_space<vmem>> -> memref<16xf32, #tpu.memory_space<vmem>>
        %dma_start3A_1993 = arith.constant 0 : i32
        %dma_start3A_1994 = tpu.memref_slice %arg4[%squeeze3A_1981, %dma_start3A_1993] : memref<1000000x16xf32, #tpu.memory_space<hbm>> -> memref<1x16xf32, #tpu.memory_space<hbm>>
        %dma_start3A_1995 = tpu.memref_squeeze %dma_start3A_1994 : memref<1x16xf32, #tpu.memory_space<hbm>> -> memref<16xf32, #tpu.memory_space<hbm>>
        tpu.enqueue_dma source(%dma_start3A_1995 : memref<16xf32, #tpu.memory_space<hbm>>) target(%dma_start3A_1992 : memref<16xf32, #tpu.memory_space<vmem>>) target_semaphore(%arg12 : memref<!tpu.dma_semaphore, #tpu.memory_space<semaphore_mem>>)
        %slice3A_1996 = vector.extract_strided_slice %get3A_1790 {offsets = [12], sizes = [1], strides = [1]} : vector<16xi32> to vector<1xi32>
        %squeeze3A_1997 = vector.extract %slice3A_1996[0] : i32 from vector<1xi32>
        %dma_start3A_1998 = arith.constant 0 : i32
        %dma_start3A_1999 = arith.constant 12 : i32
        %dma_start3A_2000 = arith.constant 0 : i32
        %dma_start3A_2001 = tpu.memref_slice %arg9[%dma_start3A_1998, %dma_start3A_1999, %dma_start3A_2000] : memref<2x16x16xf32, #tpu.memory_space<vmem>> -> memref<1x1x16xf32, #tpu.memory_space<vmem>>
        %dma_start3A_2002 = tpu.memref_squeeze %dma_start3A_2001 : memref<1x1x16xf32, #tpu.memory_space<vmem>> -> memref<16xf32, #tpu.memory_space<vmem>>
        %dma_start3A_2003 = arith.constant 0 : i32
        %dma_start3A_2004 = tpu.memref_slice %arg4[%squeeze3A_1997, %dma_start3A_2003] : memref<1000000x16xf32, #tpu.memory_space<hbm>> -> memref<1x16xf32, #tpu.memory_space<hbm>>
        %dma_start3A_2005 = tpu.memref_squeeze %dma_start3A_2004 : memref<1x16xf32, #tpu.memory_space<hbm>> -> memref<16xf32, #tpu.memory_space<hbm>>
        %dma_start3A_2006 = arith.constant 0 : i32
        %dma_start3A_2007 = tpu.memref_slice %arg9[%dma_start3A_1998, %dma_start3A_1999, %dma_start3A_2006] : memref<2x16x16xf32, #tpu.memory_space<vmem>> -> memref<1x1x16xf32, #tpu.memory_space<vmem>>
        %dma_start3A_2008 = tpu.memref_squeeze %dma_start3A_2007 : memref<1x1x16xf32, #tpu.memory_space<vmem>> -> memref<16xf32, #tpu.memory_space<vmem>>
        %dma_start3A_2009 = arith.constant 0 : i32
        %dma_start3A_2010 = tpu.memref_slice %arg4[%squeeze3A_1997, %dma_start3A_2009] : memref<1000000x16xf32, #tpu.memory_space<hbm>> -> memref<1x16xf32, #tpu.memory_space<hbm>>
        %dma_start3A_2011 = tpu.memref_squeeze %dma_start3A_2010 : memref<1x16xf32, #tpu.memory_space<hbm>> -> memref<16xf32, #tpu.memory_space<hbm>>
        tpu.enqueue_dma source(%dma_start3A_2011 : memref<16xf32, #tpu.memory_space<hbm>>) target(%dma_start3A_2008 : memref<16xf32, #tpu.memory_space<vmem>>) target_semaphore(%arg12 : memref<!tpu.dma_semaphore, #tpu.memory_space<semaphore_mem>>)
        %slice3A_2012 = vector.extract_strided_slice %get3A_1790 {offsets = [13], sizes = [1], strides = [1]} : vector<16xi32> to vector<1xi32>
        %squeeze3A_2013 = vector.extract %slice3A_2012[0] : i32 from vector<1xi32>
        %dma_start3A_2014 = arith.constant 0 : i32
        %dma_start3A_2015 = arith.constant 13 : i32
        %dma_start3A_2016 = arith.constant 0 : i32
        %dma_start3A_2017 = tpu.memref_slice %arg9[%dma_start3A_2014, %dma_start3A_2015, %dma_start3A_2016] : memref<2x16x16xf32, #tpu.memory_space<vmem>> -> memref<1x1x16xf32, #tpu.memory_space<vmem>>
        %dma_start3A_2018 = tpu.memref_squeeze %dma_start3A_2017 : memref<1x1x16xf32, #tpu.memory_space<vmem>> -> memref<16xf32, #tpu.memory_space<vmem>>
        %dma_start3A_2019 = arith.constant 0 : i32
        %dma_start3A_2020 = tpu.memref_slice %arg4[%squeeze3A_2013, %dma_start3A_2019] : memref<1000000x16xf32, #tpu.memory_space<hbm>> -> memref<1x16xf32, #tpu.memory_space<hbm>>
        %dma_start3A_2021 = tpu.memref_squeeze %dma_start3A_2020 : memref<1x16xf32, #tpu.memory_space<hbm>> -> memref<16xf32, #tpu.memory_space<hbm>>
        %dma_start3A_2022 = arith.constant 0 : i32
        %dma_start3A_2023 = tpu.memref_slice %arg9[%dma_start3A_2014, %dma_start3A_2015, %dma_start3A_2022] : memref<2x16x16xf32, #tpu.memory_space<vmem>> -> memref<1x1x16xf32, #tpu.memory_space<vmem>>
        %dma_start3A_2024 = tpu.memref_squeeze %dma_start3A_2023 : memref<1x1x16xf32, #tpu.memory_space<vmem>> -> memref<16xf32, #tpu.memory_space<vmem>>
        %dma_start3A_2025 = arith.constant 0 : i32
        %dma_start3A_2026 = tpu.memref_slice %arg4[%squeeze3A_2013, %dma_start3A_2025] : memref<1000000x16xf32, #tpu.memory_space<hbm>> -> memref<1x16xf32, #tpu.memory_space<hbm>>
        %dma_start3A_2027 = tpu.memref_squeeze %dma_start3A_2026 : memref<1x16xf32, #tpu.memory_space<hbm>> -> memref<16xf32, #tpu.memory_space<hbm>>
        tpu.enqueue_dma source(%dma_start3A_2027 : memref<16xf32, #tpu.memory_space<hbm>>) target(%dma_start3A_2024 : memref<16xf32, #tpu.memory_space<vmem>>) target_semaphore(%arg12 : memref<!tpu.dma_semaphore, #tpu.memory_space<semaphore_mem>>)
        %slice3A_2028 = vector.extract_strided_slice %get3A_1790 {offsets = [14], sizes = [1], strides = [1]} : vector<16xi32> to vector<1xi32>
        %squeeze3A_2029 = vector.extract %slice3A_2028[0] : i32 from vector<1xi32>
        %dma_start3A_2030 = arith.constant 0 : i32
        %dma_start3A_2031 = arith.constant 14 : i32
        %dma_start3A_2032 = arith.constant 0 : i32
        %dma_start3A_2033 = tpu.memref_slice %arg9[%dma_start3A_2030, %dma_start3A_2031, %dma_start3A_2032] : memref<2x16x16xf32, #tpu.memory_space<vmem>> -> memref<1x1x16xf32, #tpu.memory_space<vmem>>
        %dma_start3A_2034 = tpu.memref_squeeze %dma_start3A_2033 : memref<1x1x16xf32, #tpu.memory_space<vmem>> -> memref<16xf32, #tpu.memory_space<vmem>>
        %dma_start3A_2035 = arith.constant 0 : i32
        %dma_start3A_2036 = tpu.memref_slice %arg4[%squeeze3A_2029, %dma_start3A_2035] : memref<1000000x16xf32, #tpu.memory_space<hbm>> -> memref<1x16xf32, #tpu.memory_space<hbm>>
        %dma_start3A_2037 = tpu.memref_squeeze %dma_start3A_2036 : memref<1x16xf32, #tpu.memory_space<hbm>> -> memref<16xf32, #tpu.memory_space<hbm>>
        %dma_start3A_2038 = arith.constant 0 : i32
        %dma_start3A_2039 = tpu.memref_slice %arg9[%dma_start3A_2030, %dma_start3A_2031, %dma_start3A_2038] : memref<2x16x16xf32, #tpu.memory_space<vmem>> -> memref<1x1x16xf32, #tpu.memory_space<vmem>>
        %dma_start3A_2040 = tpu.memref_squeeze %dma_start3A_2039 : memref<1x1x16xf32, #tpu.memory_space<vmem>> -> memref<16xf32, #tpu.memory_space<vmem>>
        %dma_start3A_2041 = arith.constant 0 : i32
        %dma_start3A_2042 = tpu.memref_slice %arg4[%squeeze3A_2029, %dma_start3A_2041] : memref<1000000x16xf32, #tpu.memory_space<hbm>> -> memref<1x16xf32, #tpu.memory_space<hbm>>
        %dma_start3A_2043 = tpu.memref_squeeze %dma_start3A_2042 : memref<1x16xf32, #tpu.memory_space<hbm>> -> memref<16xf32, #tpu.memory_space<hbm>>
        tpu.enqueue_dma source(%dma_start3A_2043 : memref<16xf32, #tpu.memory_space<hbm>>) target(%dma_start3A_2040 : memref<16xf32, #tpu.memory_space<vmem>>) target_semaphore(%arg12 : memref<!tpu.dma_semaphore, #tpu.memory_space<semaphore_mem>>)
        %slice3A_2044 = vector.extract_strided_slice %get3A_1790 {offsets = [15], sizes = [1], strides = [1]} : vector<16xi32> to vector<1xi32>
        %squeeze3A_2045 = vector.extract %slice3A_2044[0] : i32 from vector<1xi32>
        %dma_start3A_2046 = arith.constant 0 : i32
        %dma_start3A_2047 = arith.constant 15 : i32
        %dma_start3A_2048 = arith.constant 0 : i32
        %dma_start3A_2049 = tpu.memref_slice %arg9[%dma_start3A_2046, %dma_start3A_2047, %dma_start3A_2048] : memref<2x16x16xf32, #tpu.memory_space<vmem>> -> memref<1x1x16xf32, #tpu.memory_space<vmem>>
        %dma_start3A_2050 = tpu.memref_squeeze %dma_start3A_2049 : memref<1x1x16xf32, #tpu.memory_space<vmem>> -> memref<16xf32, #tpu.memory_space<vmem>>
        %dma_start3A_2051 = arith.constant 0 : i32
        %dma_start3A_2052 = tpu.memref_slice %arg4[%squeeze3A_2045, %dma_start3A_2051] : memref<1000000x16xf32, #tpu.memory_space<hbm>> -> memref<1x16xf32, #tpu.memory_space<hbm>>
        %dma_start3A_2053 = tpu.memref_squeeze %dma_start3A_2052 : memref<1x16xf32, #tpu.memory_space<hbm>> -> memref<16xf32, #tpu.memory_space<hbm>>
        %dma_start3A_2054 = arith.constant 0 : i32
        %dma_start3A_2055 = tpu.memref_slice %arg9[%dma_start3A_2046, %dma_start3A_2047, %dma_start3A_2054] : memref<2x16x16xf32, #tpu.memory_space<vmem>> -> memref<1x1x16xf32, #tpu.memory_space<vmem>>
        %dma_start3A_2056 = tpu.memref_squeeze %dma_start3A_2055 : memref<1x1x16xf32, #tpu.memory_space<vmem>> -> memref<16xf32, #tpu.memory_space<vmem>>
        %dma_start3A_2057 = arith.constant 0 : i32
        %dma_start3A_2058 = tpu.memref_slice %arg4[%squeeze3A_2045, %dma_start3A_2057] : memref<1000000x16xf32, #tpu.memory_space<hbm>> -> memref<1x16xf32, #tpu.memory_space<hbm>>
        %dma_start3A_2059 = tpu.memref_squeeze %dma_start3A_2058 : memref<1x16xf32, #tpu.memory_space<hbm>> -> memref<16xf32, #tpu.memory_space<hbm>>
        tpu.enqueue_dma source(%dma_start3A_2059 : memref<16xf32, #tpu.memory_space<hbm>>) target(%dma_start3A_2056 : memref<16xf32, #tpu.memory_space<vmem>>) target_semaphore(%arg12 : memref<!tpu.dma_semaphore, #tpu.memory_space<semaphore_mem>>)
      } else {
      }
      %add3A_1165 = arith.constant 1 : i32
      %add3A_1166 = arith.addi %mul3A_553, %add3A_1165 : i32
      %mul3A_1167 = arith.constant 16 : i32
      %mul3A_1168 = arith.muli %add3A_1166, %mul3A_1167 : i32
      %multiple_of3A_1169 = tpu.assume_multiple %mul3A_1168, 16 : i32
      %get3A_1170 = arith.index_cast %multiple_of3A_1169 : i32 to index
      %get3A_1171 = tpu.vector_load %arg7[%get3A_1170] {strides = array<i32>} : memref<512xi32, #tpu.memory_space<vmem>>, vector<16xi32>,
      %get3A_1172 = arith.index_cast %multiple_of3A_1169 : i32 to index
      %get3A_1173 = tpu.vector_load %arg8[%get3A_1172] {strides = array<i32>} : memref<512xi32, #tpu.memory_space<vmem>>, vector<16xi32>,
      %shift_right_logical3A_1174 = arith.constant 3 : i32
      %shift_right_logical3A_1175 = vector.broadcast %shift_right_logical3A_1174 : i32 to vector<16xi32>
      %shift_right_logical3A_1176 = arith.shrui %get3A_1173, %shift_right_logical3A_1175 : vector<16xi32>
      %dma_wait3A_1177 = arith.constant 1 : i32
      %dma_wait3A_1178 = arith.constant 0 : i32
      %dma_wait3A_1179 = arith.constant 0 : i32
      %dma_wait3A_1180 = tpu.memref_slice %arg10[%dma_wait3A_1177, %dma_wait3A_1178, %dma_wait3A_1179] : memref<2x16x128xf32, #tpu.memory_space<vmem>> -> memref<1x16x128xf32, #tpu.memory_space<vmem>>
      %dma_wait3A_1181 = tpu.memref_squeeze %dma_wait3A_1180 : memref<1x16x128xf32, #tpu.memory_space<vmem>> -> memref<16x128xf32, #tpu.memory_space<vmem>>
      %dma_wait3A_1182 = arith.constant 0 : i32
      %dma_wait3A_1183 = arith.constant 0 : i32
      %dma_wait3A_1184 = tpu.memref_slice %arg5[%dma_wait3A_1182, %dma_wait3A_1183] : memref<12500x128xf32, #tpu.memory_space<hbm>> -> memref<12500x128xf32, #tpu.memory_space<hbm>>
      tpu.wait_indirect_dma semaphore(%arg13 : memref<!tpu.dma_semaphore, #tpu.memory_space<semaphore_mem>>) src(%dma_wait3A_1184 : memref<12500x128xf32, #tpu.memory_space<hbm>>) dst(%dma_wait3A_1181 : memref<16x128xf32, #tpu.memory_space<vmem>>)
      %dma_wait3A_1185 = arith.constant 0 : i32
      %dma_wait3A_1186 = arith.constant 1 : i32
      %dma_wait3A_1187 = arith.constant 0 : i32
      %dma_wait3A_1188 = arith.constant 0 : i32
      %dma_wait3A_1189 = tpu.memref_slice %arg9[%dma_wait3A_1186, %dma_wait3A_1187, %dma_wait3A_1188] : memref<2x16x16xf32, #tpu.memory_space<vmem>> -> memref<1x1x16xf32, #tpu.memory_space<vmem>>
      %dma_wait3A_1190 = tpu.memref_squeeze %dma_wait3A_1189 : memref<1x1x16xf32, #tpu.memory_space<vmem>> -> memref<16xf32, #tpu.memory_space<vmem>>
      %dma_wait3A_1191 = arith.constant 0 : i32
      %dma_wait3A_1192 = tpu.memref_slice %arg4[%dma_wait3A_1185, %dma_wait3A_1191] : memref<1000000x16xf32, #tpu.memory_space<hbm>> -> memref<1x16xf32, #tpu.memory_space<hbm>>
      %dma_wait3A_1193 = tpu.memref_squeeze %dma_wait3A_1192 : memref<1x16xf32, #tpu.memory_space<hbm>> -> memref<16xf32, #tpu.memory_space<hbm>>
      %dma_wait3A_1194 = arith.constant 0 : i32
      %dma_wait3A_1195 = tpu.memref_slice %arg9[%dma_wait3A_1186, %dma_wait3A_1187, %dma_wait3A_1194] : memref<2x16x16xf32, #tpu.memory_space<vmem>> -> memref<1x1x16xf32, #tpu.memory_space<vmem>>
      %dma_wait3A_1196 = tpu.memref_squeeze %dma_wait3A_1195 : memref<1x1x16xf32, #tpu.memory_space<vmem>> -> memref<16xf32, #tpu.memory_space<vmem>>
      %dma_wait3A_1197 = arith.constant 0 : i32
      %dma_wait3A_1198 = tpu.memref_slice %arg4[%dma_wait3A_1185, %dma_wait3A_1197] : memref<1000000x16xf32, #tpu.memory_space<hbm>> -> memref<1x16xf32, #tpu.memory_space<hbm>>
      %dma_wait3A_1199 = tpu.memref_squeeze %dma_wait3A_1198 : memref<1x16xf32, #tpu.memory_space<hbm>> -> memref<16xf32, #tpu.memory_space<hbm>>
      tpu.wait_dma2 semaphore(%arg13 : memref<!tpu.dma_semaphore, #tpu.memory_space<semaphore_mem>>) src(%dma_wait3A_1199 : memref<16xf32, #tpu.memory_space<hbm>>) dst(%dma_wait3A_1196 : memref<16xf32, #tpu.memory_space<vmem>>)
      %dma_wait3A_1200 = arith.constant 0 : i32
      %dma_wait3A_1201 = arith.constant 1 : i32
      %dma_wait3A_1202 = arith.constant 1 : i32
      %dma_wait3A_1203 = arith.constant 0 : i32
      %dma_wait3A_1204 = tpu.memref_slice %arg9[%dma_wait3A_1201, %dma_wait3A_1202, %dma_wait3A_1203] : memref<2x16x16xf32, #tpu.memory_space<vmem>> -> memref<1x1x16xf32, #tpu.memory_space<vmem>>
      %dma_wait3A_1205 = tpu.memref_squeeze %dma_wait3A_1204 : memref<1x1x16xf32, #tpu.memory_space<vmem>> -> memref<16xf32, #tpu.memory_space<vmem>>
      %dma_wait3A_1206 = arith.constant 0 : i32
      %dma_wait3A_1207 = tpu.memref_slice %arg4[%dma_wait3A_1200, %dma_wait3A_1206] : memref<1000000x16xf32, #tpu.memory_space<hbm>> -> memref<1x16xf32, #tpu.memory_space<hbm>>
      %dma_wait3A_1208 = tpu.memref_squeeze %dma_wait3A_1207 : memref<1x16xf32, #tpu.memory_space<hbm>> -> memref<16xf32, #tpu.memory_space<hbm>>
      %dma_wait3A_1209 = arith.constant 0 : i32
      %dma_wait3A_1210 = tpu.memref_slice %arg9[%dma_wait3A_1201, %dma_wait3A_1202, %dma_wait3A_1209] : memref<2x16x16xf32, #tpu.memory_space<vmem>> -> memref<1x1x16xf32, #tpu.memory_space<vmem>>
      %dma_wait3A_1211 = tpu.memref_squeeze %dma_wait3A_1210 : memref<1x1x16xf32, #tpu.memory_space<vmem>> -> memref<16xf32, #tpu.memory_space<vmem>>
      %dma_wait3A_1212 = arith.constant 0 : i32
      %dma_wait3A_1213 = tpu.memref_slice %arg4[%dma_wait3A_1200, %dma_wait3A_1212] : memref<1000000x16xf32, #tpu.memory_space<hbm>> -> memref<1x16xf32, #tpu.memory_space<hbm>>
      %dma_wait3A_1214 = tpu.memref_squeeze %dma_wait3A_1213 : memref<1x16xf32, #tpu.memory_space<hbm>> -> memref<16xf32, #tpu.memory_space<hbm>>
      tpu.wait_dma2 semaphore(%arg13 : memref<!tpu.dma_semaphore, #tpu.memory_space<semaphore_mem>>) src(%dma_wait3A_1214 : memref<16xf32, #tpu.memory_space<hbm>>) dst(%dma_wait3A_1211 : memref<16xf32, #tpu.memory_space<vmem>>)
      %dma_wait3A_1215 = arith.constant 0 : i32
      %dma_wait3A_1216 = arith.constant 1 : i32
      %dma_wait3A_1217 = arith.constant 2 : i32
      %dma_wait3A_1218 = arith.constant 0 : i32
      %dma_wait3A_1219 = tpu.memref_slice %arg9[%dma_wait3A_1216, %dma_wait3A_1217, %dma_wait3A_1218] : memref<2x16x16xf32, #tpu.memory_space<vmem>> -> memref<1x1x16xf32, #tpu.memory_space<vmem>>
      %dma_wait3A_1220 = tpu.memref_squeeze %dma_wait3A_1219 : memref<1x1x16xf32, #tpu.memory_space<vmem>> -> memref<16xf32, #tpu.memory_space<vmem>>
      %dma_wait3A_1221 = arith.constant 0 : i32
      %dma_wait3A_1222 = tpu.memref_slice %arg4[%dma_wait3A_1215, %dma_wait3A_1221] : memref<1000000x16xf32, #tpu.memory_space<hbm>> -> memref<1x16xf32, #tpu.memory_space<hbm>>
      %dma_wait3A_1223 = tpu.memref_squeeze %dma_wait3A_1222 : memref<1x16xf32, #tpu.memory_space<hbm>> -> memref<16xf32, #tpu.memory_space<hbm>>
      %dma_wait3A_1224 = arith.constant 0 : i32
      %dma_wait3A_1225 = tpu.memref_slice %arg9[%dma_wait3A_1216, %dma_wait3A_1217, %dma_wait3A_1224] : memref<2x16x16xf32, #tpu.memory_space<vmem>> -> memref<1x1x16xf32, #tpu.memory_space<vmem>>
      %dma_wait3A_1226 = tpu.memref_squeeze %dma_wait3A_1225 : memref<1x1x16xf32, #tpu.memory_space<vmem>> -> memref<16xf32, #tpu.memory_space<vmem>>
      %dma_wait3A_1227 = arith.constant 0 : i32
      %dma_wait3A_1228 = tpu.memref_slice %arg4[%dma_wait3A_1215, %dma_wait3A_1227] : memref<1000000x16xf32, #tpu.memory_space<hbm>> -> memref<1x16xf32, #tpu.memory_space<hbm>>
      %dma_wait3A_1229 = tpu.memref_squeeze %dma_wait3A_1228 : memref<1x16xf32, #tpu.memory_space<hbm>> -> memref<16xf32, #tpu.memory_space<hbm>>
      tpu.wait_dma2 semaphore(%arg13 : memref<!tpu.dma_semaphore, #tpu.memory_space<semaphore_mem>>) src(%dma_wait3A_1229 : memref<16xf32, #tpu.memory_space<hbm>>) dst(%dma_wait3A_1226 : memref<16xf32, #tpu.memory_space<vmem>>)
      %dma_wait3A_1230 = arith.constant 0 : i32
      %dma_wait3A_1231 = arith.constant 1 : i32
      %dma_wait3A_1232 = arith.constant 3 : i32
      %dma_wait3A_1233 = arith.constant 0 : i32
      %dma_wait3A_1234 = tpu.memref_slice %arg9[%dma_wait3A_1231, %dma_wait3A_1232, %dma_wait3A_1233] : memref<2x16x16xf32, #tpu.memory_space<vmem>> -> memref<1x1x16xf32, #tpu.memory_space<vmem>>
      %dma_wait3A_1235 = tpu.memref_squeeze %dma_wait3A_1234 : memref<1x1x16xf32, #tpu.memory_space<vmem>> -> memref<16xf32, #tpu.memory_space<vmem>>
      %dma_wait3A_1236 = arith.constant 0 : i32
      %dma_wait3A_1237 = tpu.memref_slice %arg4[%dma_wait3A_1230, %dma_wait3A_1236] : memref<1000000x16xf32, #tpu.memory_space<hbm>> -> memref<1x16xf32, #tpu.memory_space<hbm>>
      %dma_wait3A_1238 = tpu.memref_squeeze %dma_wait3A_1237 : memref<1x16xf32, #tpu.memory_space<hbm>> -> memref<16xf32, #tpu.memory_space<hbm>>
      %dma_wait3A_1239 = arith.constant 0 : i32
      %dma_wait3A_1240 = tpu.memref_slice %arg9[%dma_wait3A_1231, %dma_wait3A_1232, %dma_wait3A_1239] : memref<2x16x16xf32, #tpu.memory_space<vmem>> -> memref<1x1x16xf32, #tpu.memory_space<vmem>>
      %dma_wait3A_1241 = tpu.memref_squeeze %dma_wait3A_1240 : memref<1x1x16xf32, #tpu.memory_space<vmem>> -> memref<16xf32, #tpu.memory_space<vmem>>
      %dma_wait3A_1242 = arith.constant 0 : i32
      %dma_wait3A_1243 = tpu.memref_slice %arg4[%dma_wait3A_1230, %dma_wait3A_1242] : memref<1000000x16xf32, #tpu.memory_space<hbm>> -> memref<1x16xf32, #tpu.memory_space<hbm>>
      %dma_wait3A_1244 = tpu.memref_squeeze %dma_wait3A_1243 : memref<1x16xf32, #tpu.memory_space<hbm>> -> memref<16xf32, #tpu.memory_space<hbm>>
      tpu.wait_dma2 semaphore(%arg13 : memref<!tpu.dma_semaphore, #tpu.memory_space<semaphore_mem>>) src(%dma_wait3A_1244 : memref<16xf32, #tpu.memory_space<hbm>>) dst(%dma_wait3A_1241 : memref<16xf32, #tpu.memory_space<vmem>>)
      %dma_wait3A_1245 = arith.constant 0 : i32
      %dma_wait3A_1246 = arith.constant 1 : i32
      %dma_wait3A_1247 = arith.constant 4 : i32
      %dma_wait3A_1248 = arith.constant 0 : i32
      %dma_wait3A_1249 = tpu.memref_slice %arg9[%dma_wait3A_1246, %dma_wait3A_1247, %dma_wait3A_1248] : memref<2x16x16xf32, #tpu.memory_space<vmem>> -> memref<1x1x16xf32, #tpu.memory_space<vmem>>
      %dma_wait3A_1250 = tpu.memref_squeeze %dma_wait3A_1249 : memref<1x1x16xf32, #tpu.memory_space<vmem>> -> memref<16xf32, #tpu.memory_space<vmem>>
      %dma_wait3A_1251 = arith.constant 0 : i32
      %dma_wait3A_1252 = tpu.memref_slice %arg4[%dma_wait3A_1245, %dma_wait3A_1251] : memref<1000000x16xf32, #tpu.memory_space<hbm>> -> memref<1x16xf32, #tpu.memory_space<hbm>>
      %dma_wait3A_1253 = tpu.memref_squeeze %dma_wait3A_1252 : memref<1x16xf32, #tpu.memory_space<hbm>> -> memref<16xf32, #tpu.memory_space<hbm>>
      %dma_wait3A_1254 = arith.constant 0 : i32
      %dma_wait3A_1255 = tpu.memref_slice %arg9[%dma_wait3A_1246, %dma_wait3A_1247, %dma_wait3A_1254] : memref<2x16x16xf32, #tpu.memory_space<vmem>> -> memref<1x1x16xf32, #tpu.memory_space<vmem>>
      %dma_wait3A_1256 = tpu.memref_squeeze %dma_wait3A_1255 : memref<1x1x16xf32, #tpu.memory_space<vmem>> -> memref<16xf32, #tpu.memory_space<vmem>>
      %dma_wait3A_1257 = arith.constant 0 : i32
      %dma_wait3A_1258 = tpu.memref_slice %arg4[%dma_wait3A_1245, %dma_wait3A_1257] : memref<1000000x16xf32, #tpu.memory_space<hbm>> -> memref<1x16xf32, #tpu.memory_space<hbm>>
      %dma_wait3A_1259 = tpu.memref_squeeze %dma_wait3A_1258 : memref<1x16xf32, #tpu.memory_space<hbm>> -> memref<16xf32, #tpu.memory_space<hbm>>
      tpu.wait_dma2 semaphore(%arg13 : memref<!tpu.dma_semaphore, #tpu.memory_space<semaphore_mem>>) src(%dma_wait3A_1259 : memref<16xf32, #tpu.memory_space<hbm>>) dst(%dma_wait3A_1256 : memref<16xf32, #tpu.memory_space<vmem>>)
      %dma_wait3A_1260 = arith.constant 0 : i32
      %dma_wait3A_1261 = arith.constant 1 : i32
      %dma_wait3A_1262 = arith.constant 5 : i32
      %dma_wait3A_1263 = arith.constant 0 : i32
      %dma_wait3A_1264 = tpu.memref_slice %arg9[%dma_wait3A_1261, %dma_wait3A_1262, %dma_wait3A_1263] : memref<2x16x16xf32, #tpu.memory_space<vmem>> -> memref<1x1x16xf32, #tpu.memory_space<vmem>>
      %dma_wait3A_1265 = tpu.memref_squeeze %dma_wait3A_1264 : memref<1x1x16xf32, #tpu.memory_space<vmem>> -> memref<16xf32, #tpu.memory_space<vmem>>
      %dma_wait3A_1266 = arith.constant 0 : i32
      %dma_wait3A_1267 = tpu.memref_slice %arg4[%dma_wait3A_1260, %dma_wait3A_1266] : memref<1000000x16xf32, #tpu.memory_space<hbm>> -> memref<1x16xf32, #tpu.memory_space<hbm>>
      %dma_wait3A_1268 = tpu.memref_squeeze %dma_wait3A_1267 : memref<1x16xf32, #tpu.memory_space<hbm>> -> memref<16xf32, #tpu.memory_space<hbm>>
      %dma_wait3A_1269 = arith.constant 0 : i32
      %dma_wait3A_1270 = tpu.memref_slice %arg9[%dma_wait3A_1261, %dma_wait3A_1262, %dma_wait3A_1269] : memref<2x16x16xf32, #tpu.memory_space<vmem>> -> memref<1x1x16xf32, #tpu.memory_space<vmem>>
      %dma_wait3A_1271 = tpu.memref_squeeze %dma_wait3A_1270 : memref<1x1x16xf32, #tpu.memory_space<vmem>> -> memref<16xf32, #tpu.memory_space<vmem>>
      %dma_wait3A_1272 = arith.constant 0 : i32
      %dma_wait3A_1273 = tpu.memref_slice %arg4[%dma_wait3A_1260, %dma_wait3A_1272] : memref<1000000x16xf32, #tpu.memory_space<hbm>> -> memref<1x16xf32, #tpu.memory_space<hbm>>
      %dma_wait3A_1274 = tpu.memref_squeeze %dma_wait3A_1273 : memref<1x16xf32, #tpu.memory_space<hbm>> -> memref<16xf32, #tpu.memory_space<hbm>>
      tpu.wait_dma2 semaphore(%arg13 : memref<!tpu.dma_semaphore, #tpu.memory_space<semaphore_mem>>) src(%dma_wait3A_1274 : memref<16xf32, #tpu.memory_space<hbm>>) dst(%dma_wait3A_1271 : memref<16xf32, #tpu.memory_space<vmem>>)
      %dma_wait3A_1275 = arith.constant 0 : i32
      %dma_wait3A_1276 = arith.constant 1 : i32
      %dma_wait3A_1277 = arith.constant 6 : i32
      %dma_wait3A_1278 = arith.constant 0 : i32
      %dma_wait3A_1279 = tpu.memref_slice %arg9[%dma_wait3A_1276, %dma_wait3A_1277, %dma_wait3A_1278] : memref<2x16x16xf32, #tpu.memory_space<vmem>> -> memref<1x1x16xf32, #tpu.memory_space<vmem>>
      %dma_wait3A_1280 = tpu.memref_squeeze %dma_wait3A_1279 : memref<1x1x16xf32, #tpu.memory_space<vmem>> -> memref<16xf32, #tpu.memory_space<vmem>>
      %dma_wait3A_1281 = arith.constant 0 : i32
      %dma_wait3A_1282 = tpu.memref_slice %arg4[%dma_wait3A_1275, %dma_wait3A_1281] : memref<1000000x16xf32, #tpu.memory_space<hbm>> -> memref<1x16xf32, #tpu.memory_space<hbm>>
      %dma_wait3A_1283 = tpu.memref_squeeze %dma_wait3A_1282 : memref<1x16xf32, #tpu.memory_space<hbm>> -> memref<16xf32, #tpu.memory_space<hbm>>
      %dma_wait3A_1284 = arith.constant 0 : i32
      %dma_wait3A_1285 = tpu.memref_slice %arg9[%dma_wait3A_1276, %dma_wait3A_1277, %dma_wait3A_1284] : memref<2x16x16xf32, #tpu.memory_space<vmem>> -> memref<1x1x16xf32, #tpu.memory_space<vmem>>
      %dma_wait3A_1286 = tpu.memref_squeeze %dma_wait3A_1285 : memref<1x1x16xf32, #tpu.memory_space<vmem>> -> memref<16xf32, #tpu.memory_space<vmem>>
      %dma_wait3A_1287 = arith.constant 0 : i32
      %dma_wait3A_1288 = tpu.memref_slice %arg4[%dma_wait3A_1275, %dma_wait3A_1287] : memref<1000000x16xf32, #tpu.memory_space<hbm>> -> memref<1x16xf32, #tpu.memory_space<hbm>>
      %dma_wait3A_1289 = tpu.memref_squeeze %dma_wait3A_1288 : memref<1x16xf32, #tpu.memory_space<hbm>> -> memref<16xf32, #tpu.memory_space<hbm>>
      tpu.wait_dma2 semaphore(%arg13 : memref<!tpu.dma_semaphore, #tpu.memory_space<semaphore_mem>>) src(%dma_wait3A_1289 : memref<16xf32, #tpu.memory_space<hbm>>) dst(%dma_wait3A_1286 : memref<16xf32, #tpu.memory_space<vmem>>)
      %dma_wait3A_1290 = arith.constant 0 : i32
      %dma_wait3A_1291 = arith.constant 1 : i32
      %dma_wait3A_1292 = arith.constant 7 : i32
      %dma_wait3A_1293 = arith.constant 0 : i32
      %dma_wait3A_1294 = tpu.memref_slice %arg9[%dma_wait3A_1291, %dma_wait3A_1292, %dma_wait3A_1293] : memref<2x16x16xf32, #tpu.memory_space<vmem>> -> memref<1x1x16xf32, #tpu.memory_space<vmem>>
      %dma_wait3A_1295 = tpu.memref_squeeze %dma_wait3A_1294 : memref<1x1x16xf32, #tpu.memory_space<vmem>> -> memref<16xf32, #tpu.memory_space<vmem>>
      %dma_wait3A_1296 = arith.constant 0 : i32
      %dma_wait3A_1297 = tpu.memref_slice %arg4[%dma_wait3A_1290, %dma_wait3A_1296] : memref<1000000x16xf32, #tpu.memory_space<hbm>> -> memref<1x16xf32, #tpu.memory_space<hbm>>
      %dma_wait3A_1298 = tpu.memref_squeeze %dma_wait3A_1297 : memref<1x16xf32, #tpu.memory_space<hbm>> -> memref<16xf32, #tpu.memory_space<hbm>>
      %dma_wait3A_1299 = arith.constant 0 : i32
      %dma_wait3A_1300 = tpu.memref_slice %arg9[%dma_wait3A_1291, %dma_wait3A_1292, %dma_wait3A_1299] : memref<2x16x16xf32, #tpu.memory_space<vmem>> -> memref<1x1x16xf32, #tpu.memory_space<vmem>>
      %dma_wait3A_1301 = tpu.memref_squeeze %dma_wait3A_1300 : memref<1x1x16xf32, #tpu.memory_space<vmem>> -> memref<16xf32, #tpu.memory_space<vmem>>
      %dma_wait3A_1302 = arith.constant 0 : i32
      %dma_wait3A_1303 = tpu.memref_slice %arg4[%dma_wait3A_1290, %dma_wait3A_1302] : memref<1000000x16xf32, #tpu.memory_space<hbm>> -> memref<1x16xf32, #tpu.memory_space<hbm>>
      %dma_wait3A_1304 = tpu.memref_squeeze %dma_wait3A_1303 : memref<1x16xf32, #tpu.memory_space<hbm>> -> memref<16xf32, #tpu.memory_space<hbm>>
      tpu.wait_dma2 semaphore(%arg13 : memref<!tpu.dma_semaphore, #tpu.memory_space<semaphore_mem>>) src(%dma_wait3A_1304 : memref<16xf32, #tpu.memory_space<hbm>>) dst(%dma_wait3A_1301 : memref<16xf32, #tpu.memory_space<vmem>>)
      %dma_wait3A_1305 = arith.constant 0 : i32
      %dma_wait3A_1306 = arith.constant 1 : i32
      %dma_wait3A_1307 = arith.constant 8 : i32
      %dma_wait3A_1308 = arith.constant 0 : i32
      %dma_wait3A_1309 = tpu.memref_slice %arg9[%dma_wait3A_1306, %dma_wait3A_1307, %dma_wait3A_1308] : memref<2x16x16xf32, #tpu.memory_space<vmem>> -> memref<1x1x16xf32, #tpu.memory_space<vmem>>
      %dma_wait3A_1310 = tpu.memref_squeeze %dma_wait3A_1309 : memref<1x1x16xf32, #tpu.memory_space<vmem>> -> memref<16xf32, #tpu.memory_space<vmem>>
      %dma_wait3A_1311 = arith.constant 0 : i32
      %dma_wait3A_1312 = tpu.memref_slice %arg4[%dma_wait3A_1305, %dma_wait3A_1311] : memref<1000000x16xf32, #tpu.memory_space<hbm>> -> memref<1x16xf32, #tpu.memory_space<hbm>>
      %dma_wait3A_1313 = tpu.memref_squeeze %dma_wait3A_1312 : memref<1x16xf32, #tpu.memory_space<hbm>> -> memref<16xf32, #tpu.memory_space<hbm>>
      %dma_wait3A_1314 = arith.constant 0 : i32
      %dma_wait3A_1315 = tpu.memref_slice %arg9[%dma_wait3A_1306, %dma_wait3A_1307, %dma_wait3A_1314] : memref<2x16x16xf32, #tpu.memory_space<vmem>> -> memref<1x1x16xf32, #tpu.memory_space<vmem>>
      %dma_wait3A_1316 = tpu.memref_squeeze %dma_wait3A_1315 : memref<1x1x16xf32, #tpu.memory_space<vmem>> -> memref<16xf32, #tpu.memory_space<vmem>>
      %dma_wait3A_1317 = arith.constant 0 : i32
      %dma_wait3A_1318 = tpu.memref_slice %arg4[%dma_wait3A_1305, %dma_wait3A_1317] : memref<1000000x16xf32, #tpu.memory_space<hbm>> -> memref<1x16xf32, #tpu.memory_space<hbm>>
      %dma_wait3A_1319 = tpu.memref_squeeze %dma_wait3A_1318 : memref<1x16xf32, #tpu.memory_space<hbm>> -> memref<16xf32, #tpu.memory_space<hbm>>
      tpu.wait_dma2 semaphore(%arg13 : memref<!tpu.dma_semaphore, #tpu.memory_space<semaphore_mem>>) src(%dma_wait3A_1319 : memref<16xf32, #tpu.memory_space<hbm>>) dst(%dma_wait3A_1316 : memref<16xf32, #tpu.memory_space<vmem>>)
      %dma_wait3A_1320 = arith.constant 0 : i32
      %dma_wait3A_1321 = arith.constant 1 : i32
      %dma_wait3A_1322 = arith.constant 9 : i32
      %dma_wait3A_1323 = arith.constant 0 : i32
      %dma_wait3A_1324 = tpu.memref_slice %arg9[%dma_wait3A_1321, %dma_wait3A_1322, %dma_wait3A_1323] : memref<2x16x16xf32, #tpu.memory_space<vmem>> -> memref<1x1x16xf32, #tpu.memory_space<vmem>>
      %dma_wait3A_1325 = tpu.memref_squeeze %dma_wait3A_1324 : memref<1x1x16xf32, #tpu.memory_space<vmem>> -> memref<16xf32, #tpu.memory_space<vmem>>
      %dma_wait3A_1326 = arith.constant 0 : i32
      %dma_wait3A_1327 = tpu.memref_slice %arg4[%dma_wait3A_1320, %dma_wait3A_1326] : memref<1000000x16xf32, #tpu.memory_space<hbm>> -> memref<1x16xf32, #tpu.memory_space<hbm>>
      %dma_wait3A_1328 = tpu.memref_squeeze %dma_wait3A_1327 : memref<1x16xf32, #tpu.memory_space<hbm>> -> memref<16xf32, #tpu.memory_space<hbm>>
      %dma_wait3A_1329 = arith.constant 0 : i32
      %dma_wait3A_1330 = tpu.memref_slice %arg9[%dma_wait3A_1321, %dma_wait3A_1322, %dma_wait3A_1329] : memref<2x16x16xf32, #tpu.memory_space<vmem>> -> memref<1x1x16xf32, #tpu.memory_space<vmem>>
      %dma_wait3A_1331 = tpu.memref_squeeze %dma_wait3A_1330 : memref<1x1x16xf32, #tpu.memory_space<vmem>> -> memref<16xf32, #tpu.memory_space<vmem>>
      %dma_wait3A_1332 = arith.constant 0 : i32
      %dma_wait3A_1333 = tpu.memref_slice %arg4[%dma_wait3A_1320, %dma_wait3A_1332] : memref<1000000x16xf32, #tpu.memory_space<hbm>> -> memref<1x16xf32, #tpu.memory_space<hbm>>
      %dma_wait3A_1334 = tpu.memref_squeeze %dma_wait3A_1333 : memref<1x16xf32, #tpu.memory_space<hbm>> -> memref<16xf32, #tpu.memory_space<hbm>>
      tpu.wait_dma2 semaphore(%arg13 : memref<!tpu.dma_semaphore, #tpu.memory_space<semaphore_mem>>) src(%dma_wait3A_1334 : memref<16xf32, #tpu.memory_space<hbm>>) dst(%dma_wait3A_1331 : memref<16xf32, #tpu.memory_space<vmem>>)
      %dma_wait3A_1335 = arith.constant 0 : i32
      %dma_wait3A_1336 = arith.constant 1 : i32
      %dma_wait3A_1337 = arith.constant 10 : i32
      %dma_wait3A_1338 = arith.constant 0 : i32
      %dma_wait3A_1339 = tpu.memref_slice %arg9[%dma_wait3A_1336, %dma_wait3A_1337, %dma_wait3A_1338] : memref<2x16x16xf32, #tpu.memory_space<vmem>> -> memref<1x1x16xf32, #tpu.memory_space<vmem>>
      %dma_wait3A_1340 = tpu.memref_squeeze %dma_wait3A_1339 : memref<1x1x16xf32, #tpu.memory_space<vmem>> -> memref<16xf32, #tpu.memory_space<vmem>>
      %dma_wait3A_1341 = arith.constant 0 : i32
      %dma_wait3A_1342 = tpu.memref_slice %arg4[%dma_wait3A_1335, %dma_wait3A_1341] : memref<1000000x16xf32, #tpu.memory_space<hbm>> -> memref<1x16xf32, #tpu.memory_space<hbm>>
      %dma_wait3A_1343 = tpu.memref_squeeze %dma_wait3A_1342 : memref<1x16xf32, #tpu.memory_space<hbm>> -> memref<16xf32, #tpu.memory_space<hbm>>
      %dma_wait3A_1344 = arith.constant 0 : i32
      %dma_wait3A_1345 = tpu.memref_slice %arg9[%dma_wait3A_1336, %dma_wait3A_1337, %dma_wait3A_1344] : memref<2x16x16xf32, #tpu.memory_space<vmem>> -> memref<1x1x16xf32, #tpu.memory_space<vmem>>
      %dma_wait3A_1346 = tpu.memref_squeeze %dma_wait3A_1345 : memref<1x1x16xf32, #tpu.memory_space<vmem>> -> memref<16xf32, #tpu.memory_space<vmem>>
      %dma_wait3A_1347 = arith.constant 0 : i32
      %dma_wait3A_1348 = tpu.memref_slice %arg4[%dma_wait3A_1335, %dma_wait3A_1347] : memref<1000000x16xf32, #tpu.memory_space<hbm>> -> memref<1x16xf32, #tpu.memory_space<hbm>>
      %dma_wait3A_1349 = tpu.memref_squeeze %dma_wait3A_1348 : memref<1x16xf32, #tpu.memory_space<hbm>> -> memref<16xf32, #tpu.memory_space<hbm>>
      tpu.wait_dma2 semaphore(%arg13 : memref<!tpu.dma_semaphore, #tpu.memory_space<semaphore_mem>>) src(%dma_wait3A_1349 : memref<16xf32, #tpu.memory_space<hbm>>) dst(%dma_wait3A_1346 : memref<16xf32, #tpu.memory_space<vmem>>)
      %dma_wait3A_1350 = arith.constant 0 : i32
      %dma_wait3A_1351 = arith.constant 1 : i32
      %dma_wait3A_1352 = arith.constant 11 : i32
      %dma_wait3A_1353 = arith.constant 0 : i32
      %dma_wait3A_1354 = tpu.memref_slice %arg9[%dma_wait3A_1351, %dma_wait3A_1352, %dma_wait3A_1353] : memref<2x16x16xf32, #tpu.memory_space<vmem>> -> memref<1x1x16xf32, #tpu.memory_space<vmem>>
      %dma_wait3A_1355 = tpu.memref_squeeze %dma_wait3A_1354 : memref<1x1x16xf32, #tpu.memory_space<vmem>> -> memref<16xf32, #tpu.memory_space<vmem>>
      %dma_wait3A_1356 = arith.constant 0 : i32
      %dma_wait3A_1357 = tpu.memref_slice %arg4[%dma_wait3A_1350, %dma_wait3A_1356] : memref<1000000x16xf32, #tpu.memory_space<hbm>> -> memref<1x16xf32, #tpu.memory_space<hbm>>
      %dma_wait3A_1358 = tpu.memref_squeeze %dma_wait3A_1357 : memref<1x16xf32, #tpu.memory_space<hbm>> -> memref<16xf32, #tpu.memory_space<hbm>>
      %dma_wait3A_1359 = arith.constant 0 : i32
      %dma_wait3A_1360 = tpu.memref_slice %arg9[%dma_wait3A_1351, %dma_wait3A_1352, %dma_wait3A_1359] : memref<2x16x16xf32, #tpu.memory_space<vmem>> -> memref<1x1x16xf32, #tpu.memory_space<vmem>>
      %dma_wait3A_1361 = tpu.memref_squeeze %dma_wait3A_1360 : memref<1x1x16xf32, #tpu.memory_space<vmem>> -> memref<16xf32, #tpu.memory_space<vmem>>
      %dma_wait3A_1362 = arith.constant 0 : i32
      %dma_wait3A_1363 = tpu.memref_slice %arg4[%dma_wait3A_1350, %dma_wait3A_1362] : memref<1000000x16xf32, #tpu.memory_space<hbm>> -> memref<1x16xf32, #tpu.memory_space<hbm>>
      %dma_wait3A_1364 = tpu.memref_squeeze %dma_wait3A_1363 : memref<1x16xf32, #tpu.memory_space<hbm>> -> memref<16xf32, #tpu.memory_space<hbm>>
      tpu.wait_dma2 semaphore(%arg13 : memref<!tpu.dma_semaphore, #tpu.memory_space<semaphore_mem>>) src(%dma_wait3A_1364 : memref<16xf32, #tpu.memory_space<hbm>>) dst(%dma_wait3A_1361 : memref<16xf32, #tpu.memory_space<vmem>>)
      %dma_wait3A_1365 = arith.constant 0 : i32
      %dma_wait3A_1366 = arith.constant 1 : i32
      %dma_wait3A_1367 = arith.constant 12 : i32
      %dma_wait3A_1368 = arith.constant 0 : i32
      %dma_wait3A_1369 = tpu.memref_slice %arg9[%dma_wait3A_1366, %dma_wait3A_1367, %dma_wait3A_1368] : memref<2x16x16xf32, #tpu.memory_space<vmem>> -> memref<1x1x16xf32, #tpu.memory_space<vmem>>
      %dma_wait3A_1370 = tpu.memref_squeeze %dma_wait3A_1369 : memref<1x1x16xf32, #tpu.memory_space<vmem>> -> memref<16xf32, #tpu.memory_space<vmem>>
      %dma_wait3A_1371 = arith.constant 0 : i32
      %dma_wait3A_1372 = tpu.memref_slice %arg4[%dma_wait3A_1365, %dma_wait3A_1371] : memref<1000000x16xf32, #tpu.memory_space<hbm>> -> memref<1x16xf32, #tpu.memory_space<hbm>>
      %dma_wait3A_1373 = tpu.memref_squeeze %dma_wait3A_1372 : memref<1x16xf32, #tpu.memory_space<hbm>> -> memref<16xf32, #tpu.memory_space<hbm>>
      %dma_wait3A_1374 = arith.constant 0 : i32
      %dma_wait3A_1375 = tpu.memref_slice %arg9[%dma_wait3A_1366, %dma_wait3A_1367, %dma_wait3A_1374] : memref<2x16x16xf32, #tpu.memory_space<vmem>> -> memref<1x1x16xf32, #tpu.memory_space<vmem>>
      %dma_wait3A_1376 = tpu.memref_squeeze %dma_wait3A_1375 : memref<1x1x16xf32, #tpu.memory_space<vmem>> -> memref<16xf32, #tpu.memory_space<vmem>>
      %dma_wait3A_1377 = arith.constant 0 : i32
      %dma_wait3A_1378 = tpu.memref_slice %arg4[%dma_wait3A_1365, %dma_wait3A_1377] : memref<1000000x16xf32, #tpu.memory_space<hbm>> -> memref<1x16xf32, #tpu.memory_space<hbm>>
      %dma_wait3A_1379 = tpu.memref_squeeze %dma_wait3A_1378 : memref<1x16xf32, #tpu.memory_space<hbm>> -> memref<16xf32, #tpu.memory_space<hbm>>
      tpu.wait_dma2 semaphore(%arg13 : memref<!tpu.dma_semaphore, #tpu.memory_space<semaphore_mem>>) src(%dma_wait3A_1379 : memref<16xf32, #tpu.memory_space<hbm>>) dst(%dma_wait3A_1376 : memref<16xf32, #tpu.memory_space<vmem>>)
      %dma_wait3A_1380 = arith.constant 0 : i32
      %dma_wait3A_1381 = arith.constant 1 : i32
      %dma_wait3A_1382 = arith.constant 13 : i32
      %dma_wait3A_1383 = arith.constant 0 : i32
      %dma_wait3A_1384 = tpu.memref_slice %arg9[%dma_wait3A_1381, %dma_wait3A_1382, %dma_wait3A_1383] : memref<2x16x16xf32, #tpu.memory_space<vmem>> -> memref<1x1x16xf32, #tpu.memory_space<vmem>>
      %dma_wait3A_1385 = tpu.memref_squeeze %dma_wait3A_1384 : memref<1x1x16xf32, #tpu.memory_space<vmem>> -> memref<16xf32, #tpu.memory_space<vmem>>
      %dma_wait3A_1386 = arith.constant 0 : i32
      %dma_wait3A_1387 = tpu.memref_slice %arg4[%dma_wait3A_1380, %dma_wait3A_1386] : memref<1000000x16xf32, #tpu.memory_space<hbm>> -> memref<1x16xf32, #tpu.memory_space<hbm>>
      %dma_wait3A_1388 = tpu.memref_squeeze %dma_wait3A_1387 : memref<1x16xf32, #tpu.memory_space<hbm>> -> memref<16xf32, #tpu.memory_space<hbm>>
      %dma_wait3A_1389 = arith.constant 0 : i32
      %dma_wait3A_1390 = tpu.memref_slice %arg9[%dma_wait3A_1381, %dma_wait3A_1382, %dma_wait3A_1389] : memref<2x16x16xf32, #tpu.memory_space<vmem>> -> memref<1x1x16xf32, #tpu.memory_space<vmem>>
      %dma_wait3A_1391 = tpu.memref_squeeze %dma_wait3A_1390 : memref<1x1x16xf32, #tpu.memory_space<vmem>> -> memref<16xf32, #tpu.memory_space<vmem>>
      %dma_wait3A_1392 = arith.constant 0 : i32
      %dma_wait3A_1393 = tpu.memref_slice %arg4[%dma_wait3A_1380, %dma_wait3A_1392] : memref<1000000x16xf32, #tpu.memory_space<hbm>> -> memref<1x16xf32, #tpu.memory_space<hbm>>
      %dma_wait3A_1394 = tpu.memref_squeeze %dma_wait3A_1393 : memref<1x16xf32, #tpu.memory_space<hbm>> -> memref<16xf32, #tpu.memory_space<hbm>>
      tpu.wait_dma2 semaphore(%arg13 : memref<!tpu.dma_semaphore, #tpu.memory_space<semaphore_mem>>) src(%dma_wait3A_1394 : memref<16xf32, #tpu.memory_space<hbm>>) dst(%dma_wait3A_1391 : memref<16xf32, #tpu.memory_space<vmem>>)
      %dma_wait3A_1395 = arith.constant 0 : i32
      %dma_wait3A_1396 = arith.constant 1 : i32
      %dma_wait3A_1397 = arith.constant 14 : i32
      %dma_wait3A_1398 = arith.constant 0 : i32
      %dma_wait3A_1399 = tpu.memref_slice %arg9[%dma_wait3A_1396, %dma_wait3A_1397, %dma_wait3A_1398] : memref<2x16x16xf32, #tpu.memory_space<vmem>> -> memref<1x1x16xf32, #tpu.memory_space<vmem>>
      %dma_wait3A_1400 = tpu.memref_squeeze %dma_wait3A_1399 : memref<1x1x16xf32, #tpu.memory_space<vmem>> -> memref<16xf32, #tpu.memory_space<vmem>>
      %dma_wait3A_1401 = arith.constant 0 : i32
      %dma_wait3A_1402 = tpu.memref_slice %arg4[%dma_wait3A_1395, %dma_wait3A_1401] : memref<1000000x16xf32, #tpu.memory_space<hbm>> -> memref<1x16xf32, #tpu.memory_space<hbm>>
      %dma_wait3A_1403 = tpu.memref_squeeze %dma_wait3A_1402 : memref<1x16xf32, #tpu.memory_space<hbm>> -> memref<16xf32, #tpu.memory_space<hbm>>
      %dma_wait3A_1404 = arith.constant 0 : i32
      %dma_wait3A_1405 = tpu.memref_slice %arg9[%dma_wait3A_1396, %dma_wait3A_1397, %dma_wait3A_1404] : memref<2x16x16xf32, #tpu.memory_space<vmem>> -> memref<1x1x16xf32, #tpu.memory_space<vmem>>
      %dma_wait3A_1406 = tpu.memref_squeeze %dma_wait3A_1405 : memref<1x1x16xf32, #tpu.memory_space<vmem>> -> memref<16xf32, #tpu.memory_space<vmem>>
      %dma_wait3A_1407 = arith.constant 0 : i32
      %dma_wait3A_1408 = tpu.memref_slice %arg4[%dma_wait3A_1395, %dma_wait3A_1407] : memref<1000000x16xf32, #tpu.memory_space<hbm>> -> memref<1x16xf32, #tpu.memory_space<hbm>>
      %dma_wait3A_1409 = tpu.memref_squeeze %dma_wait3A_1408 : memref<1x16xf32, #tpu.memory_space<hbm>> -> memref<16xf32, #tpu.memory_space<hbm>>
      tpu.wait_dma2 semaphore(%arg13 : memref<!tpu.dma_semaphore, #tpu.memory_space<semaphore_mem>>) src(%dma_wait3A_1409 : memref<16xf32, #tpu.memory_space<hbm>>) dst(%dma_wait3A_1406 : memref<16xf32, #tpu.memory_space<vmem>>)
      %dma_wait3A_1410 = arith.constant 0 : i32
      %dma_wait3A_1411 = arith.constant 1 : i32
      %dma_wait3A_1412 = arith.constant 15 : i32
      %dma_wait3A_1413 = arith.constant 0 : i32
      %dma_wait3A_1414 = tpu.memref_slice %arg9[%dma_wait3A_1411, %dma_wait3A_1412, %dma_wait3A_1413] : memref<2x16x16xf32, #tpu.memory_space<vmem>> -> memref<1x1x16xf32, #tpu.memory_space<vmem>>
      %dma_wait3A_1415 = tpu.memref_squeeze %dma_wait3A_1414 : memref<1x1x16xf32, #tpu.memory_space<vmem>> -> memref<16xf32, #tpu.memory_space<vmem>>
      %dma_wait3A_1416 = arith.constant 0 : i32
      %dma_wait3A_1417 = tpu.memref_slice %arg4[%dma_wait3A_1410, %dma_wait3A_1416] : memref<1000000x16xf32, #tpu.memory_space<hbm>> -> memref<1x16xf32, #tpu.memory_space<hbm>>
      %dma_wait3A_1418 = tpu.memref_squeeze %dma_wait3A_1417 : memref<1x16xf32, #tpu.memory_space<hbm>> -> memref<16xf32, #tpu.memory_space<hbm>>
      %dma_wait3A_1419 = arith.constant 0 : i32
      %dma_wait3A_1420 = tpu.memref_slice %arg9[%dma_wait3A_1411, %dma_wait3A_1412, %dma_wait3A_1419] : memref<2x16x16xf32, #tpu.memory_space<vmem>> -> memref<1x1x16xf32, #tpu.memory_space<vmem>>
      %dma_wait3A_1421 = tpu.memref_squeeze %dma_wait3A_1420 : memref<1x1x16xf32, #tpu.memory_space<vmem>> -> memref<16xf32, #tpu.memory_space<vmem>>
      %dma_wait3A_1422 = arith.constant 0 : i32
      %dma_wait3A_1423 = tpu.memref_slice %arg4[%dma_wait3A_1410, %dma_wait3A_1422] : memref<1000000x16xf32, #tpu.memory_space<hbm>> -> memref<1x16xf32, #tpu.memory_space<hbm>>
      %dma_wait3A_1424 = tpu.memref_squeeze %dma_wait3A_1423 : memref<1x16xf32, #tpu.memory_space<hbm>> -> memref<16xf32, #tpu.memory_space<hbm>>
      tpu.wait_dma2 semaphore(%arg13 : memref<!tpu.dma_semaphore, #tpu.memory_space<semaphore_mem>>) src(%dma_wait3A_1424 : memref<16xf32, #tpu.memory_space<hbm>>) dst(%dma_wait3A_1421 : memref<16xf32, #tpu.memory_space<vmem>>)
      %get3A_1425 = arith.constant 1 : i32
      %get3A_1426 = arith.constant 0 : i32
      %get3A_1427 = arith.index_cast %get3A_1425 : i32 to index
      %get3A_1428 = arith.index_cast %get3A_1426 : i32 to index
      %get3A_1429 = arith.constant 0 : index
      %get3A_1430 = tpu.vector_load %arg9[%get3A_1427, %get3A_1428, %get3A_1429] {strides = array<i32>} : memref<2x16x16xf32, #tpu.memory_space<vmem>>, vector<16xf32>,
      %slice3A_1431 = vector.extract_strided_slice %get3A_1173 {offsets = [0], sizes = [1], strides = [1]} : vector<16xi32> to vector<1xi32>
      %squeeze3A_1432 = vector.extract %slice3A_1431[0] : i32 from vector<1xi32>
      %and3A_1433 = arith.constant 7 : i32
      %and3A_1434 = arith.andi %squeeze3A_1432, %and3A_1433 : i32
      %mul3A_1435 = arith.constant 16 : i32
      %mul3A_1436 = arith.muli %and3A_1434, %mul3A_1435 : i32
      %add3A_1437 = vector.broadcast %mul3A_1436 : i32 to vector<16xi32>
      %add3A_1438 = arith.addi %iota3A, %add3A_1437 : vector<16xi32>
      %gather3A_1439 = arith.constant 1 : i32
      %gather3A_1440 = arith.constant 0 : i32
      %gather3A_1441 = arith.constant 0 : i32
      %gather3A_1442 = tpu.memref_slice %arg10[%gather3A_1439, %gather3A_1440, %gather3A_1441] : memref<2x16x128xf32, #tpu.memory_space<vmem>> -> memref<1x1x128xf32, #tpu.memory_space<vmem>>
      %gather3A_1443 = tpu.memref_squeeze %gather3A_1442 : memref<1x1x128xf32, #tpu.memory_space<vmem>> -> memref<128xf32, #tpu.memory_space<vmem>>
      %gather3A_1444 = tpu.vector_load_idx %gather3A_1443[%add3A_1438] : memref<128xf32, #tpu.memory_space<vmem>>[vector<16xi32>], vector<16xf32>,
      %mul3A_1445 = arith.mulf %get3A_1430, %gather3A_1444 : vector<16xf32>
      %add3A_1446 = arith.addf %add3A_1160, %mul3A_1445 : vector<16xf32>
      %get3A_1447 = arith.constant 1 : i32
      %get3A_1448 = arith.constant 1 : i32
      %get3A_1449 = arith.index_cast %get3A_1447 : i32 to index
      %get3A_1450 = arith.index_cast %get3A_1448 : i32 to index
      %get3A_1451 = arith.constant 0 : index
      %get3A_1452 = tpu.vector_load %arg9[%get3A_1449, %get3A_1450, %get3A_1451] {strides = array<i32>} : memref<2x16x16xf32, #tpu.memory_space<vmem>>, vector<16xf32>,
      %slice3A_1453 = vector.extract_strided_slice %get3A_1173 {offsets = [1], sizes = [1], strides = [1]} : vector<16xi32> to vector<1xi32>
      %squeeze3A_1454 = vector.extract %slice3A_1453[0] : i32 from vector<1xi32>
      %and3A_1455 = arith.constant 7 : i32
      %and3A_1456 = arith.andi %squeeze3A_1454, %and3A_1455 : i32
      %mul3A_1457 = arith.constant 16 : i32
      %mul3A_1458 = arith.muli %and3A_1456, %mul3A_1457 : i32
      %add3A_1459 = vector.broadcast %mul3A_1458 : i32 to vector<16xi32>
      %add3A_1460 = arith.addi %iota3A, %add3A_1459 : vector<16xi32>
      %gather3A_1461 = arith.constant 1 : i32
      %gather3A_1462 = arith.constant 1 : i32
      %gather3A_1463 = arith.constant 0 : i32
      %gather3A_1464 = tpu.memref_slice %arg10[%gather3A_1461, %gather3A_1462, %gather3A_1463] : memref<2x16x128xf32, #tpu.memory_space<vmem>> -> memref<1x1x128xf32, #tpu.memory_space<vmem>>
      %gather3A_1465 = tpu.memref_squeeze %gather3A_1464 : memref<1x1x128xf32, #tpu.memory_space<vmem>> -> memref<128xf32, #tpu.memory_space<vmem>>
      %gather3A_1466 = tpu.vector_load_idx %gather3A_1465[%add3A_1460] : memref<128xf32, #tpu.memory_space<vmem>>[vector<16xi32>], vector<16xf32>,
      %mul3A_1467 = arith.mulf %get3A_1452, %gather3A_1466 : vector<16xf32>
      %add3A_1468 = arith.addf %add3A_1446, %mul3A_1467 : vector<16xf32>
      %get3A_1469 = arith.constant 1 : i32
      %get3A_1470 = arith.constant 2 : i32
      %get3A_1471 = arith.index_cast %get3A_1469 : i32 to index
      %get3A_1472 = arith.index_cast %get3A_1470 : i32 to index
      %get3A_1473 = arith.constant 0 : index
      %get3A_1474 = tpu.vector_load %arg9[%get3A_1471, %get3A_1472, %get3A_1473] {strides = array<i32>} : memref<2x16x16xf32, #tpu.memory_space<vmem>>, vector<16xf32>,
      %slice3A_1475 = vector.extract_strided_slice %get3A_1173 {offsets = [2], sizes = [1], strides = [1]} : vector<16xi32> to vector<1xi32>
      %squeeze3A_1476 = vector.extract %slice3A_1475[0] : i32 from vector<1xi32>
      %and3A_1477 = arith.constant 7 : i32
      %and3A_1478 = arith.andi %squeeze3A_1476, %and3A_1477 : i32
      %mul3A_1479 = arith.constant 16 : i32
      %mul3A_1480 = arith.muli %and3A_1478, %mul3A_1479 : i32
      %add3A_1481 = vector.broadcast %mul3A_1480 : i32 to vector<16xi32>
      %add3A_1482 = arith.addi %iota3A, %add3A_1481 : vector<16xi32>
      %gather3A_1483 = arith.constant 1 : i32
      %gather3A_1484 = arith.constant 2 : i32
      %gather3A_1485 = arith.constant 0 : i32
      %gather3A_1486 = tpu.memref_slice %arg10[%gather3A_1483, %gather3A_1484, %gather3A_1485] : memref<2x16x128xf32, #tpu.memory_space<vmem>> -> memref<1x1x128xf32, #tpu.memory_space<vmem>>
      %gather3A_1487 = tpu.memref_squeeze %gather3A_1486 : memref<1x1x128xf32, #tpu.memory_space<vmem>> -> memref<128xf32, #tpu.memory_space<vmem>>
      %gather3A_1488 = tpu.vector_load_idx %gather3A_1487[%add3A_1482] : memref<128xf32, #tpu.memory_space<vmem>>[vector<16xi32>], vector<16xf32>,
      %mul3A_1489 = arith.mulf %get3A_1474, %gather3A_1488 : vector<16xf32>
      %add3A_1490 = arith.addf %add3A_1468, %mul3A_1489 : vector<16xf32>
      %get3A_1491 = arith.constant 1 : i32
      %get3A_1492 = arith.constant 3 : i32
      %get3A_1493 = arith.index_cast %get3A_1491 : i32 to index
      %get3A_1494 = arith.index_cast %get3A_1492 : i32 to index
      %get3A_1495 = arith.constant 0 : index
      %get3A_1496 = tpu.vector_load %arg9[%get3A_1493, %get3A_1494, %get3A_1495] {strides = array<i32>} : memref<2x16x16xf32, #tpu.memory_space<vmem>>, vector<16xf32>,
      %slice3A_1497 = vector.extract_strided_slice %get3A_1173 {offsets = [3], sizes = [1], strides = [1]} : vector<16xi32> to vector<1xi32>
      %squeeze3A_1498 = vector.extract %slice3A_1497[0] : i32 from vector<1xi32>
      %and3A_1499 = arith.constant 7 : i32
      %and3A_1500 = arith.andi %squeeze3A_1498, %and3A_1499 : i32
      %mul3A_1501 = arith.constant 16 : i32
      %mul3A_1502 = arith.muli %and3A_1500, %mul3A_1501 : i32
      %add3A_1503 = vector.broadcast %mul3A_1502 : i32 to vector<16xi32>
      %add3A_1504 = arith.addi %iota3A, %add3A_1503 : vector<16xi32>
      %gather3A_1505 = arith.constant 1 : i32
      %gather3A_1506 = arith.constant 3 : i32
      %gather3A_1507 = arith.constant 0 : i32
      %gather3A_1508 = tpu.memref_slice %arg10[%gather3A_1505, %gather3A_1506, %gather3A_1507] : memref<2x16x128xf32, #tpu.memory_space<vmem>> -> memref<1x1x128xf32, #tpu.memory_space<vmem>>
      %gather3A_1509 = tpu.memref_squeeze %gather3A_1508 : memref<1x1x128xf32, #tpu.memory_space<vmem>> -> memref<128xf32, #tpu.memory_space<vmem>>
      %gather3A_1510 = tpu.vector_load_idx %gather3A_1509[%add3A_1504] : memref<128xf32, #tpu.memory_space<vmem>>[vector<16xi32>], vector<16xf32>,
      %mul3A_1511 = arith.mulf %get3A_1496, %gather3A_1510 : vector<16xf32>
      %add3A_1512 = arith.addf %add3A_1490, %mul3A_1511 : vector<16xf32>
      %get3A_1513 = arith.constant 1 : i32
      %get3A_1514 = arith.constant 4 : i32
      %get3A_1515 = arith.index_cast %get3A_1513 : i32 to index
      %get3A_1516 = arith.index_cast %get3A_1514 : i32 to index
      %get3A_1517 = arith.constant 0 : index
      %get3A_1518 = tpu.vector_load %arg9[%get3A_1515, %get3A_1516, %get3A_1517] {strides = array<i32>} : memref<2x16x16xf32, #tpu.memory_space<vmem>>, vector<16xf32>,
      %slice3A_1519 = vector.extract_strided_slice %get3A_1173 {offsets = [4], sizes = [1], strides = [1]} : vector<16xi32> to vector<1xi32>
      %squeeze3A_1520 = vector.extract %slice3A_1519[0] : i32 from vector<1xi32>
      %and3A_1521 = arith.constant 7 : i32
      %and3A_1522 = arith.andi %squeeze3A_1520, %and3A_1521 : i32
      %mul3A_1523 = arith.constant 16 : i32
      %mul3A_1524 = arith.muli %and3A_1522, %mul3A_1523 : i32
      %add3A_1525 = vector.broadcast %mul3A_1524 : i32 to vector<16xi32>
      %add3A_1526 = arith.addi %iota3A, %add3A_1525 : vector<16xi32>
      %gather3A_1527 = arith.constant 1 : i32
      %gather3A_1528 = arith.constant 4 : i32
      %gather3A_1529 = arith.constant 0 : i32
      %gather3A_1530 = tpu.memref_slice %arg10[%gather3A_1527, %gather3A_1528, %gather3A_1529] : memref<2x16x128xf32, #tpu.memory_space<vmem>> -> memref<1x1x128xf32, #tpu.memory_space<vmem>>
      %gather3A_1531 = tpu.memref_squeeze %gather3A_1530 : memref<1x1x128xf32, #tpu.memory_space<vmem>> -> memref<128xf32, #tpu.memory_space<vmem>>
      %gather3A_1532 = tpu.vector_load_idx %gather3A_1531[%add3A_1526] : memref<128xf32, #tpu.memory_space<vmem>>[vector<16xi32>], vector<16xf32>,
      %mul3A_1533 = arith.mulf %get3A_1518, %gather3A_1532 : vector<16xf32>
      %add3A_1534 = arith.addf %add3A_1512, %mul3A_1533 : vector<16xf32>
      %get3A_1535 = arith.constant 1 : i32
      %get3A_1536 = arith.constant 5 : i32
      %get3A_1537 = arith.index_cast %get3A_1535 : i32 to index
      %get3A_1538 = arith.index_cast %get3A_1536 : i32 to index
      %get3A_1539 = arith.constant 0 : index
      %get3A_1540 = tpu.vector_load %arg9[%get3A_1537, %get3A_1538, %get3A_1539] {strides = array<i32>} : memref<2x16x16xf32, #tpu.memory_space<vmem>>, vector<16xf32>,
      %slice3A_1541 = vector.extract_strided_slice %get3A_1173 {offsets = [5], sizes = [1], strides = [1]} : vector<16xi32> to vector<1xi32>
      %squeeze3A_1542 = vector.extract %slice3A_1541[0] : i32 from vector<1xi32>
      %and3A_1543 = arith.constant 7 : i32
      %and3A_1544 = arith.andi %squeeze3A_1542, %and3A_1543 : i32
      %mul3A_1545 = arith.constant 16 : i32
      %mul3A_1546 = arith.muli %and3A_1544, %mul3A_1545 : i32
      %add3A_1547 = vector.broadcast %mul3A_1546 : i32 to vector<16xi32>
      %add3A_1548 = arith.addi %iota3A, %add3A_1547 : vector<16xi32>
      %gather3A_1549 = arith.constant 1 : i32
      %gather3A_1550 = arith.constant 5 : i32
      %gather3A_1551 = arith.constant 0 : i32
      %gather3A_1552 = tpu.memref_slice %arg10[%gather3A_1549, %gather3A_1550, %gather3A_1551] : memref<2x16x128xf32, #tpu.memory_space<vmem>> -> memref<1x1x128xf32, #tpu.memory_space<vmem>>
      %gather3A_1553 = tpu.memref_squeeze %gather3A_1552 : memref<1x1x128xf32, #tpu.memory_space<vmem>> -> memref<128xf32, #tpu.memory_space<vmem>>
      %gather3A_1554 = tpu.vector_load_idx %gather3A_1553[%add3A_1548] : memref<128xf32, #tpu.memory_space<vmem>>[vector<16xi32>], vector<16xf32>,
      %mul3A_1555 = arith.mulf %get3A_1540, %gather3A_1554 : vector<16xf32>
      %add3A_1556 = arith.addf %add3A_1534, %mul3A_1555 : vector<16xf32>
      %get3A_1557 = arith.constant 1 : i32
      %get3A_1558 = arith.constant 6 : i32
      %get3A_1559 = arith.index_cast %get3A_1557 : i32 to index
      %get3A_1560 = arith.index_cast %get3A_1558 : i32 to index
      %get3A_1561 = arith.constant 0 : index
      %get3A_1562 = tpu.vector_load %arg9[%get3A_1559, %get3A_1560, %get3A_1561] {strides = array<i32>} : memref<2x16x16xf32, #tpu.memory_space<vmem>>, vector<16xf32>,
      %slice3A_1563 = vector.extract_strided_slice %get3A_1173 {offsets = [6], sizes = [1], strides = [1]} : vector<16xi32> to vector<1xi32>
      %squeeze3A_1564 = vector.extract %slice3A_1563[0] : i32 from vector<1xi32>
      %and3A_1565 = arith.constant 7 : i32
      %and3A_1566 = arith.andi %squeeze3A_1564, %and3A_1565 : i32
      %mul3A_1567 = arith.constant 16 : i32
      %mul3A_1568 = arith.muli %and3A_1566, %mul3A_1567 : i32
      %add3A_1569 = vector.broadcast %mul3A_1568 : i32 to vector<16xi32>
      %add3A_1570 = arith.addi %iota3A, %add3A_1569 : vector<16xi32>
      %gather3A_1571 = arith.constant 1 : i32
      %gather3A_1572 = arith.constant 6 : i32
      %gather3A_1573 = arith.constant 0 : i32
      %gather3A_1574 = tpu.memref_slice %arg10[%gather3A_1571, %gather3A_1572, %gather3A_1573] : memref<2x16x128xf32, #tpu.memory_space<vmem>> -> memref<1x1x128xf32, #tpu.memory_space<vmem>>
      %gather3A_1575 = tpu.memref_squeeze %gather3A_1574 : memref<1x1x128xf32, #tpu.memory_space<vmem>> -> memref<128xf32, #tpu.memory_space<vmem>>
      %gather3A_1576 = tpu.vector_load_idx %gather3A_1575[%add3A_1570] : memref<128xf32, #tpu.memory_space<vmem>>[vector<16xi32>], vector<16xf32>,
      %mul3A_1577 = arith.mulf %get3A_1562, %gather3A_1576 : vector<16xf32>
      %add3A_1578 = arith.addf %add3A_1556, %mul3A_1577 : vector<16xf32>
      %get3A_1579 = arith.constant 1 : i32
      %get3A_1580 = arith.constant 7 : i32
      %get3A_1581 = arith.index_cast %get3A_1579 : i32 to index
      %get3A_1582 = arith.index_cast %get3A_1580 : i32 to index
      %get3A_1583 = arith.constant 0 : index
      %get3A_1584 = tpu.vector_load %arg9[%get3A_1581, %get3A_1582, %get3A_1583] {strides = array<i32>} : memref<2x16x16xf32, #tpu.memory_space<vmem>>, vector<16xf32>,
      %slice3A_1585 = vector.extract_strided_slice %get3A_1173 {offsets = [7], sizes = [1], strides = [1]} : vector<16xi32> to vector<1xi32>
      %squeeze3A_1586 = vector.extract %slice3A_1585[0] : i32 from vector<1xi32>
      %and3A_1587 = arith.constant 7 : i32
      %and3A_1588 = arith.andi %squeeze3A_1586, %and3A_1587 : i32
      %mul3A_1589 = arith.constant 16 : i32
      %mul3A_1590 = arith.muli %and3A_1588, %mul3A_1589 : i32
      %add3A_1591 = vector.broadcast %mul3A_1590 : i32 to vector<16xi32>
      %add3A_1592 = arith.addi %iota3A, %add3A_1591 : vector<16xi32>
      %gather3A_1593 = arith.constant 1 : i32
      %gather3A_1594 = arith.constant 7 : i32
      %gather3A_1595 = arith.constant 0 : i32
      %gather3A_1596 = tpu.memref_slice %arg10[%gather3A_1593, %gather3A_1594, %gather3A_1595] : memref<2x16x128xf32, #tpu.memory_space<vmem>> -> memref<1x1x128xf32, #tpu.memory_space<vmem>>
      %gather3A_1597 = tpu.memref_squeeze %gather3A_1596 : memref<1x1x128xf32, #tpu.memory_space<vmem>> -> memref<128xf32, #tpu.memory_space<vmem>>
      %gather3A_1598 = tpu.vector_load_idx %gather3A_1597[%add3A_1592] : memref<128xf32, #tpu.memory_space<vmem>>[vector<16xi32>], vector<16xf32>,
      %mul3A_1599 = arith.mulf %get3A_1584, %gather3A_1598 : vector<16xf32>
      %add3A_1600 = arith.addf %add3A_1578, %mul3A_1599 : vector<16xf32>
      %get3A_1601 = arith.constant 1 : i32
      %get3A_1602 = arith.constant 8 : i32
      %get3A_1603 = arith.index_cast %get3A_1601 : i32 to index
      %get3A_1604 = arith.index_cast %get3A_1602 : i32 to index
      %get3A_1605 = arith.constant 0 : index
      %get3A_1606 = tpu.vector_load %arg9[%get3A_1603, %get3A_1604, %get3A_1605] {strides = array<i32>} : memref<2x16x16xf32, #tpu.memory_space<vmem>>, vector<16xf32>,
      %slice3A_1607 = vector.extract_strided_slice %get3A_1173 {offsets = [8], sizes = [1], strides = [1]} : vector<16xi32> to vector<1xi32>
      %squeeze3A_1608 = vector.extract %slice3A_1607[0] : i32 from vector<1xi32>
      %and3A_1609 = arith.constant 7 : i32
      %and3A_1610 = arith.andi %squeeze3A_1608, %and3A_1609 : i32
      %mul3A_1611 = arith.constant 16 : i32
      %mul3A_1612 = arith.muli %and3A_1610, %mul3A_1611 : i32
      %add3A_1613 = vector.broadcast %mul3A_1612 : i32 to vector<16xi32>
      %add3A_1614 = arith.addi %iota3A, %add3A_1613 : vector<16xi32>
      %gather3A_1615 = arith.constant 1 : i32
      %gather3A_1616 = arith.constant 8 : i32
      %gather3A_1617 = arith.constant 0 : i32
      %gather3A_1618 = tpu.memref_slice %arg10[%gather3A_1615, %gather3A_1616, %gather3A_1617] : memref<2x16x128xf32, #tpu.memory_space<vmem>> -> memref<1x1x128xf32, #tpu.memory_space<vmem>>
      %gather3A_1619 = tpu.memref_squeeze %gather3A_1618 : memref<1x1x128xf32, #tpu.memory_space<vmem>> -> memref<128xf32, #tpu.memory_space<vmem>>
      %gather3A_1620 = tpu.vector_load_idx %gather3A_1619[%add3A_1614] : memref<128xf32, #tpu.memory_space<vmem>>[vector<16xi32>], vector<16xf32>,
      %mul3A_1621 = arith.mulf %get3A_1606, %gather3A_1620 : vector<16xf32>
      %add3A_1622 = arith.addf %add3A_1600, %mul3A_1621 : vector<16xf32>
      %get3A_1623 = arith.constant 1 : i32
      %get3A_1624 = arith.constant 9 : i32
      %get3A_1625 = arith.index_cast %get3A_1623 : i32 to index
      %get3A_1626 = arith.index_cast %get3A_1624 : i32 to index
      %get3A_1627 = arith.constant 0 : index
      %get3A_1628 = tpu.vector_load %arg9[%get3A_1625, %get3A_1626, %get3A_1627] {strides = array<i32>} : memref<2x16x16xf32, #tpu.memory_space<vmem>>, vector<16xf32>,
      %slice3A_1629 = vector.extract_strided_slice %get3A_1173 {offsets = [9], sizes = [1], strides = [1]} : vector<16xi32> to vector<1xi32>
      %squeeze3A_1630 = vector.extract %slice3A_1629[0] : i32 from vector<1xi32>
      %and3A_1631 = arith.constant 7 : i32
      %and3A_1632 = arith.andi %squeeze3A_1630, %and3A_1631 : i32
      %mul3A_1633 = arith.constant 16 : i32
      %mul3A_1634 = arith.muli %and3A_1632, %mul3A_1633 : i32
      %add3A_1635 = vector.broadcast %mul3A_1634 : i32 to vector<16xi32>
      %add3A_1636 = arith.addi %iota3A, %add3A_1635 : vector<16xi32>
      %gather3A_1637 = arith.constant 1 : i32
      %gather3A_1638 = arith.constant 9 : i32
      %gather3A_1639 = arith.constant 0 : i32
      %gather3A_1640 = tpu.memref_slice %arg10[%gather3A_1637, %gather3A_1638, %gather3A_1639] : memref<2x16x128xf32, #tpu.memory_space<vmem>> -> memref<1x1x128xf32, #tpu.memory_space<vmem>>
      %gather3A_1641 = tpu.memref_squeeze %gather3A_1640 : memref<1x1x128xf32, #tpu.memory_space<vmem>> -> memref<128xf32, #tpu.memory_space<vmem>>
      %gather3A_1642 = tpu.vector_load_idx %gather3A_1641[%add3A_1636] : memref<128xf32, #tpu.memory_space<vmem>>[vector<16xi32>], vector<16xf32>,
      %mul3A_1643 = arith.mulf %get3A_1628, %gather3A_1642 : vector<16xf32>
      %add3A_1644 = arith.addf %add3A_1622, %mul3A_1643 : vector<16xf32>
      %get3A_1645 = arith.constant 1 : i32
      %get3A_1646 = arith.constant 10 : i32
      %get3A_1647 = arith.index_cast %get3A_1645 : i32 to index
      %get3A_1648 = arith.index_cast %get3A_1646 : i32 to index
      %get3A_1649 = arith.constant 0 : index
      %get3A_1650 = tpu.vector_load %arg9[%get3A_1647, %get3A_1648, %get3A_1649] {strides = array<i32>} : memref<2x16x16xf32, #tpu.memory_space<vmem>>, vector<16xf32>,
      %slice3A_1651 = vector.extract_strided_slice %get3A_1173 {offsets = [10], sizes = [1], strides = [1]} : vector<16xi32> to vector<1xi32>
      %squeeze3A_1652 = vector.extract %slice3A_1651[0] : i32 from vector<1xi32>
      %and3A_1653 = arith.constant 7 : i32
      %and3A_1654 = arith.andi %squeeze3A_1652, %and3A_1653 : i32
      %mul3A_1655 = arith.constant 16 : i32
      %mul3A_1656 = arith.muli %and3A_1654, %mul3A_1655 : i32
      %add3A_1657 = vector.broadcast %mul3A_1656 : i32 to vector<16xi32>
      %add3A_1658 = arith.addi %iota3A, %add3A_1657 : vector<16xi32>
      %gather3A_1659 = arith.constant 1 : i32
      %gather3A_1660 = arith.constant 10 : i32
      %gather3A_1661 = arith.constant 0 : i32
      %gather3A_1662 = tpu.memref_slice %arg10[%gather3A_1659, %gather3A_1660, %gather3A_1661] : memref<2x16x128xf32, #tpu.memory_space<vmem>> -> memref<1x1x128xf32, #tpu.memory_space<vmem>>
      %gather3A_1663 = tpu.memref_squeeze %gather3A_1662 : memref<1x1x128xf32, #tpu.memory_space<vmem>> -> memref<128xf32, #tpu.memory_space<vmem>>
      %gather3A_1664 = tpu.vector_load_idx %gather3A_1663[%add3A_1658] : memref<128xf32, #tpu.memory_space<vmem>>[vector<16xi32>], vector<16xf32>,
      %mul3A_1665 = arith.mulf %get3A_1650, %gather3A_1664 : vector<16xf32>
      %add3A_1666 = arith.addf %add3A_1644, %mul3A_1665 : vector<16xf32>
      %get3A_1667 = arith.constant 1 : i32
      %get3A_1668 = arith.constant 11 : i32
      %get3A_1669 = arith.index_cast %get3A_1667 : i32 to index
      %get3A_1670 = arith.index_cast %get3A_1668 : i32 to index
      %get3A_1671 = arith.constant 0 : index
      %get3A_1672 = tpu.vector_load %arg9[%get3A_1669, %get3A_1670, %get3A_1671] {strides = array<i32>} : memref<2x16x16xf32, #tpu.memory_space<vmem>>, vector<16xf32>,
      %slice3A_1673 = vector.extract_strided_slice %get3A_1173 {offsets = [11], sizes = [1], strides = [1]} : vector<16xi32> to vector<1xi32>
      %squeeze3A_1674 = vector.extract %slice3A_1673[0] : i32 from vector<1xi32>
      %and3A_1675 = arith.constant 7 : i32
      %and3A_1676 = arith.andi %squeeze3A_1674, %and3A_1675 : i32
      %mul3A_1677 = arith.constant 16 : i32
      %mul3A_1678 = arith.muli %and3A_1676, %mul3A_1677 : i32
      %add3A_1679 = vector.broadcast %mul3A_1678 : i32 to vector<16xi32>
      %add3A_1680 = arith.addi %iota3A, %add3A_1679 : vector<16xi32>
      %gather3A_1681 = arith.constant 1 : i32
      %gather3A_1682 = arith.constant 11 : i32
      %gather3A_1683 = arith.constant 0 : i32
      %gather3A_1684 = tpu.memref_slice %arg10[%gather3A_1681, %gather3A_1682, %gather3A_1683] : memref<2x16x128xf32, #tpu.memory_space<vmem>> -> memref<1x1x128xf32, #tpu.memory_space<vmem>>
      %gather3A_1685 = tpu.memref_squeeze %gather3A_1684 : memref<1x1x128xf32, #tpu.memory_space<vmem>> -> memref<128xf32, #tpu.memory_space<vmem>>
      %gather3A_1686 = tpu.vector_load_idx %gather3A_1685[%add3A_1680] : memref<128xf32, #tpu.memory_space<vmem>>[vector<16xi32>], vector<16xf32>,
      %mul3A_1687 = arith.mulf %get3A_1672, %gather3A_1686 : vector<16xf32>
      %add3A_1688 = arith.addf %add3A_1666, %mul3A_1687 : vector<16xf32>
      %get3A_1689 = arith.constant 1 : i32
      %get3A_1690 = arith.constant 12 : i32
      %get3A_1691 = arith.index_cast %get3A_1689 : i32 to index
      %get3A_1692 = arith.index_cast %get3A_1690 : i32 to index
      %get3A_1693 = arith.constant 0 : index
      %get3A_1694 = tpu.vector_load %arg9[%get3A_1691, %get3A_1692, %get3A_1693] {strides = array<i32>} : memref<2x16x16xf32, #tpu.memory_space<vmem>>, vector<16xf32>,
      %slice3A_1695 = vector.extract_strided_slice %get3A_1173 {offsets = [12], sizes = [1], strides = [1]} : vector<16xi32> to vector<1xi32>
      %squeeze3A_1696 = vector.extract %slice3A_1695[0] : i32 from vector<1xi32>
      %and3A_1697 = arith.constant 7 : i32
      %and3A_1698 = arith.andi %squeeze3A_1696, %and3A_1697 : i32
      %mul3A_1699 = arith.constant 16 : i32
      %mul3A_1700 = arith.muli %and3A_1698, %mul3A_1699 : i32
      %add3A_1701 = vector.broadcast %mul3A_1700 : i32 to vector<16xi32>
      %add3A_1702 = arith.addi %iota3A, %add3A_1701 : vector<16xi32>
      %gather3A_1703 = arith.constant 1 : i32
      %gather3A_1704 = arith.constant 12 : i32
      %gather3A_1705 = arith.constant 0 : i32
      %gather3A_1706 = tpu.memref_slice %arg10[%gather3A_1703, %gather3A_1704, %gather3A_1705] : memref<2x16x128xf32, #tpu.memory_space<vmem>> -> memref<1x1x128xf32, #tpu.memory_space<vmem>>
      %gather3A_1707 = tpu.memref_squeeze %gather3A_1706 : memref<1x1x128xf32, #tpu.memory_space<vmem>> -> memref<128xf32, #tpu.memory_space<vmem>>
      %gather3A_1708 = tpu.vector_load_idx %gather3A_1707[%add3A_1702] : memref<128xf32, #tpu.memory_space<vmem>>[vector<16xi32>], vector<16xf32>,
      %mul3A_1709 = arith.mulf %get3A_1694, %gather3A_1708 : vector<16xf32>
      %add3A_1710 = arith.addf %add3A_1688, %mul3A_1709 : vector<16xf32>
      %get3A_1711 = arith.constant 1 : i32
      %get3A_1712 = arith.constant 13 : i32
      %get3A_1713 = arith.index_cast %get3A_1711 : i32 to index
      %get3A_1714 = arith.index_cast %get3A_1712 : i32 to index
      %get3A_1715 = arith.constant 0 : index
      %get3A_1716 = tpu.vector_load %arg9[%get3A_1713, %get3A_1714, %get3A_1715] {strides = array<i32>} : memref<2x16x16xf32, #tpu.memory_space<vmem>>, vector<16xf32>,
      %slice3A_1717 = vector.extract_strided_slice %get3A_1173 {offsets = [13], sizes = [1], strides = [1]} : vector<16xi32> to vector<1xi32>
      %squeeze3A_1718 = vector.extract %slice3A_1717[0] : i32 from vector<1xi32>
      %and3A_1719 = arith.constant 7 : i32
      %and3A_1720 = arith.andi %squeeze3A_1718, %and3A_1719 : i32
      %mul3A_1721 = arith.constant 16 : i32
      %mul3A_1722 = arith.muli %and3A_1720, %mul3A_1721 : i32
      %add3A_1723 = vector.broadcast %mul3A_1722 : i32 to vector<16xi32>
      %add3A_1724 = arith.addi %iota3A, %add3A_1723 : vector<16xi32>
      %gather3A_1725 = arith.constant 1 : i32
      %gather3A_1726 = arith.constant 13 : i32
      %gather3A_1727 = arith.constant 0 : i32
      %gather3A_1728 = tpu.memref_slice %arg10[%gather3A_1725, %gather3A_1726, %gather3A_1727] : memref<2x16x128xf32, #tpu.memory_space<vmem>> -> memref<1x1x128xf32, #tpu.memory_space<vmem>>
      %gather3A_1729 = tpu.memref_squeeze %gather3A_1728 : memref<1x1x128xf32, #tpu.memory_space<vmem>> -> memref<128xf32, #tpu.memory_space<vmem>>
      %gather3A_1730 = tpu.vector_load_idx %gather3A_1729[%add3A_1724] : memref<128xf32, #tpu.memory_space<vmem>>[vector<16xi32>], vector<16xf32>,
      %mul3A_1731 = arith.mulf %get3A_1716, %gather3A_1730 : vector<16xf32>
      %add3A_1732 = arith.addf %add3A_1710, %mul3A_1731 : vector<16xf32>
      %get3A_1733 = arith.constant 1 : i32
      %get3A_1734 = arith.constant 14 : i32
      %get3A_1735 = arith.index_cast %get3A_1733 : i32 to index
      %get3A_1736 = arith.index_cast %get3A_1734 : i32 to index
      %get3A_1737 = arith.constant 0 : index
      %get3A_1738 = tpu.vector_load %arg9[%get3A_1735, %get3A_1736, %get3A_1737] {strides = array<i32>} : memref<2x16x16xf32, #tpu.memory_space<vmem>>, vector<16xf32>,
      %slice3A_1739 = vector.extract_strided_slice %get3A_1173 {offsets = [14], sizes = [1], strides = [1]} : vector<16xi32> to vector<1xi32>
      %squeeze3A_1740 = vector.extract %slice3A_1739[0] : i32 from vector<1xi32>
      %and3A_1741 = arith.constant 7 : i32
      %and3A_1742 = arith.andi %squeeze3A_1740, %and3A_1741 : i32
      %mul3A_1743 = arith.constant 16 : i32
      %mul3A_1744 = arith.muli %and3A_1742, %mul3A_1743 : i32
      %add3A_1745 = vector.broadcast %mul3A_1744 : i32 to vector<16xi32>
      %add3A_1746 = arith.addi %iota3A, %add3A_1745 : vector<16xi32>
      %gather3A_1747 = arith.constant 1 : i32
      %gather3A_1748 = arith.constant 14 : i32
      %gather3A_1749 = arith.constant 0 : i32
      %gather3A_1750 = tpu.memref_slice %arg10[%gather3A_1747, %gather3A_1748, %gather3A_1749] : memref<2x16x128xf32, #tpu.memory_space<vmem>> -> memref<1x1x128xf32, #tpu.memory_space<vmem>>
      %gather3A_1751 = tpu.memref_squeeze %gather3A_1750 : memref<1x1x128xf32, #tpu.memory_space<vmem>> -> memref<128xf32, #tpu.memory_space<vmem>>
      %gather3A_1752 = tpu.vector_load_idx %gather3A_1751[%add3A_1746] : memref<128xf32, #tpu.memory_space<vmem>>[vector<16xi32>], vector<16xf32>,
      %mul3A_1753 = arith.mulf %get3A_1738, %gather3A_1752 : vector<16xf32>
      %add3A_1754 = arith.addf %add3A_1732, %mul3A_1753 : vector<16xf32>
      %get3A_1755 = arith.constant 1 : i32
      %get3A_1756 = arith.constant 15 : i32
      %get3A_1757 = arith.index_cast %get3A_1755 : i32 to index
      %get3A_1758 = arith.index_cast %get3A_1756 : i32 to index
      %get3A_1759 = arith.constant 0 : index
      %get3A_1760 = tpu.vector_load %arg9[%get3A_1757, %get3A_1758, %get3A_1759] {strides = array<i32>} : memref<2x16x16xf32, #tpu.memory_space<vmem>>, vector<16xf32>,
      %slice3A_1761 = vector.extract_strided_slice %get3A_1173 {offsets = [15], sizes = [1], strides = [1]} : vector<16xi32> to vector<1xi32>
      %squeeze3A_1762 = vector.extract %slice3A_1761[0] : i32 from vector<1xi32>
      %and3A_1763 = arith.constant 7 : i32
      %and3A_1764 = arith.andi %squeeze3A_1762, %and3A_1763 : i32
      %mul3A_1765 = arith.constant 16 : i32
      %mul3A_1766 = arith.muli %and3A_1764, %mul3A_1765 : i32
      %add3A_1767 = vector.broadcast %mul3A_1766 : i32 to vector<16xi32>
      %add3A_1768 = arith.addi %iota3A, %add3A_1767 : vector<16xi32>
      %gather3A_1769 = arith.constant 1 : i32
      %gather3A_1770 = arith.constant 15 : i32
      %gather3A_1771 = arith.constant 0 : i32
      %gather3A_1772 = tpu.memref_slice %arg10[%gather3A_1769, %gather3A_1770, %gather3A_1771] : memref<2x16x128xf32, #tpu.memory_space<vmem>> -> memref<1x1x128xf32, #tpu.memory_space<vmem>>
      %gather3A_1773 = tpu.memref_squeeze %gather3A_1772 : memref<1x1x128xf32, #tpu.memory_space<vmem>> -> memref<128xf32, #tpu.memory_space<vmem>>
      %gather3A_1774 = tpu.vector_load_idx %gather3A_1773[%add3A_1768] : memref<128xf32, #tpu.memory_space<vmem>>[vector<16xi32>], vector<16xf32>,
      %mul3A_1775 = arith.mulf %get3A_1760, %gather3A_1774 : vector<16xf32>
      %add3A_1776 = arith.addf %add3A_1754, %mul3A_1775 : vector<16xf32>
      %add3A_1777 = arith.constant 3 : i32
      %add3A_1778 = arith.addi %mul3A_553, %add3A_1777 : i32
      %lt3A_1779 = arith.constant 32 : i32
      %lt3A_1780 = arith.cmpi slt, %add3A_1778, %lt3A_1779 : i32
      %convert_element_type3A_1781 = arith.extui %lt3A_1780 : i1 to i32
      %cond3A_1782 = arith.constant 0 : i32
      %cond3A_1783 = arith.cmpi ne, %convert_element_type3A_1781, %cond3A_1782 : i32
      scf.if %cond3A_1783 {
        %add3A_1784 = arith.constant 3 : i32
        %add3A_1785 = arith.addi %mul3A_553, %add3A_1784 : i32
        %mul3A_1786 = arith.constant 16 : i32
        %mul3A_1787 = arith.muli %add3A_1785, %mul3A_1786 : i32
        %multiple_of3A_1788 = tpu.assume_multiple %mul3A_1787, 16 : i32
        %get3A_1789 = arith.index_cast %multiple_of3A_1788 : i32 to index
        %get3A_1790 = tpu.vector_load %arg7[%get3A_1789] {strides = array<i32>} : memref<512xi32, #tpu.memory_space<vmem>>, vector<16xi32>,
        %get3A_1791 = arith.index_cast %multiple_of3A_1788 : i32 to index
        %get3A_1792 = tpu.vector_load %arg8[%get3A_1791] {strides = array<i32>} : memref<512xi32, #tpu.memory_space<vmem>>, vector<16xi32>,
        %shift_right_logical3A_1793 = arith.constant 3 : i32
        %shift_right_logical3A_1794 = vector.broadcast %shift_right_logical3A_1793 : i32 to vector<16xi32>
        %shift_right_logical3A_1795 = arith.shrui %get3A_1792, %shift_right_logical3A_1794 : vector<16xi32>
        %dma_start3A_1796 = arith.constant 1 : i32
        %dma_start3A_1797 = arith.constant 0 : i32
        %dma_start3A_1798 = arith.constant 0 : i32
        %dma_start3A_1799 = tpu.memref_slice %arg10[%dma_start3A_1796, %dma_start3A_1797, %dma_start3A_1798] : memref<2x16x128xf32, #tpu.memory_space<vmem>> -> memref<1x16x128xf32, #tpu.memory_space<vmem>>
        %dma_start3A_1800 = tpu.memref_squeeze %dma_start3A_1799 : memref<1x16x128xf32, #tpu.memory_space<vmem>> -> memref<16x128xf32, #tpu.memory_space<vmem>>
        %dma_start3A_1801 = arith.constant 0 : i32
        %dma_start3A_1802 = arith.constant 0 : i32
        %dma_start3A_1803 = tpu.memref_slice %arg5[%dma_start3A_1801, %dma_start3A_1802] : memref<12500x128xf32, #tpu.memory_space<hbm>> -> memref<12500x128xf32, #tpu.memory_space<hbm>>
        tpu.enqueue_indirect_dma source(%dma_start3A_1803 : memref<12500x128xf32, #tpu.memory_space<hbm>>) target(%dma_start3A_1800 : memref<16x128xf32, #tpu.memory_space<vmem>>) offsets(%shift_right_logical3A_1795 : vector<16xi32>) semaphore(%arg13 : memref<!tpu.dma_semaphore, #tpu.memory_space<semaphore_mem>>)
        %slice3A_1804 = vector.extract_strided_slice %get3A_1790 {offsets = [0], sizes = [1], strides = [1]} : vector<16xi32> to vector<1xi32>
        %squeeze3A_1805 = vector.extract %slice3A_1804[0] : i32 from vector<1xi32>
        %dma_start3A_1806 = arith.constant 1 : i32
        %dma_start3A_1807 = arith.constant 0 : i32
        %dma_start3A_1808 = arith.constant 0 : i32
        %dma_start3A_1809 = tpu.memref_slice %arg9[%dma_start3A_1806, %dma_start3A_1807, %dma_start3A_1808] : memref<2x16x16xf32, #tpu.memory_space<vmem>> -> memref<1x1x16xf32, #tpu.memory_space<vmem>>
        %dma_start3A_1810 = tpu.memref_squeeze %dma_start3A_1809 : memref<1x1x16xf32, #tpu.memory_space<vmem>> -> memref<16xf32, #tpu.memory_space<vmem>>
        %dma_start3A_1811 = arith.constant 0 : i32
        %dma_start3A_1812 = tpu.memref_slice %arg4[%squeeze3A_1805, %dma_start3A_1811] : memref<1000000x16xf32, #tpu.memory_space<hbm>> -> memref<1x16xf32, #tpu.memory_space<hbm>>
        %dma_start3A_1813 = tpu.memref_squeeze %dma_start3A_1812 : memref<1x16xf32, #tpu.memory_space<hbm>> -> memref<16xf32, #tpu.memory_space<hbm>>
        %dma_start3A_1814 = arith.constant 0 : i32
        %dma_start3A_1815 = tpu.memref_slice %arg9[%dma_start3A_1806, %dma_start3A_1807, %dma_start3A_1814] : memref<2x16x16xf32, #tpu.memory_space<vmem>> -> memref<1x1x16xf32, #tpu.memory_space<vmem>>
        %dma_start3A_1816 = tpu.memref_squeeze %dma_start3A_1815 : memref<1x1x16xf32, #tpu.memory_space<vmem>> -> memref<16xf32, #tpu.memory_space<vmem>>
        %dma_start3A_1817 = arith.constant 0 : i32
        %dma_start3A_1818 = tpu.memref_slice %arg4[%squeeze3A_1805, %dma_start3A_1817] : memref<1000000x16xf32, #tpu.memory_space<hbm>> -> memref<1x16xf32, #tpu.memory_space<hbm>>
        %dma_start3A_1819 = tpu.memref_squeeze %dma_start3A_1818 : memref<1x16xf32, #tpu.memory_space<hbm>> -> memref<16xf32, #tpu.memory_space<hbm>>
        tpu.enqueue_dma source(%dma_start3A_1819 : memref<16xf32, #tpu.memory_space<hbm>>) target(%dma_start3A_1816 : memref<16xf32, #tpu.memory_space<vmem>>) target_semaphore(%arg13 : memref<!tpu.dma_semaphore, #tpu.memory_space<semaphore_mem>>)
        %slice3A_1820 = vector.extract_strided_slice %get3A_1790 {offsets = [1], sizes = [1], strides = [1]} : vector<16xi32> to vector<1xi32>
        %squeeze3A_1821 = vector.extract %slice3A_1820[0] : i32 from vector<1xi32>
        %dma_start3A_1822 = arith.constant 1 : i32
        %dma_start3A_1823 = arith.constant 1 : i32
        %dma_start3A_1824 = arith.constant 0 : i32
        %dma_start3A_1825 = tpu.memref_slice %arg9[%dma_start3A_1822, %dma_start3A_1823, %dma_start3A_1824] : memref<2x16x16xf32, #tpu.memory_space<vmem>> -> memref<1x1x16xf32, #tpu.memory_space<vmem>>
        %dma_start3A_1826 = tpu.memref_squeeze %dma_start3A_1825 : memref<1x1x16xf32, #tpu.memory_space<vmem>> -> memref<16xf32, #tpu.memory_space<vmem>>
        %dma_start3A_1827 = arith.constant 0 : i32
        %dma_start3A_1828 = tpu.memref_slice %arg4[%squeeze3A_1821, %dma_start3A_1827] : memref<1000000x16xf32, #tpu.memory_space<hbm>> -> memref<1x16xf32, #tpu.memory_space<hbm>>
        %dma_start3A_1829 = tpu.memref_squeeze %dma_start3A_1828 : memref<1x16xf32, #tpu.memory_space<hbm>> -> memref<16xf32, #tpu.memory_space<hbm>>
        %dma_start3A_1830 = arith.constant 0 : i32
        %dma_start3A_1831 = tpu.memref_slice %arg9[%dma_start3A_1822, %dma_start3A_1823, %dma_start3A_1830] : memref<2x16x16xf32, #tpu.memory_space<vmem>> -> memref<1x1x16xf32, #tpu.memory_space<vmem>>
        %dma_start3A_1832 = tpu.memref_squeeze %dma_start3A_1831 : memref<1x1x16xf32, #tpu.memory_space<vmem>> -> memref<16xf32, #tpu.memory_space<vmem>>
        %dma_start3A_1833 = arith.constant 0 : i32
        %dma_start3A_1834 = tpu.memref_slice %arg4[%squeeze3A_1821, %dma_start3A_1833] : memref<1000000x16xf32, #tpu.memory_space<hbm>> -> memref<1x16xf32, #tpu.memory_space<hbm>>
        %dma_start3A_1835 = tpu.memref_squeeze %dma_start3A_1834 : memref<1x16xf32, #tpu.memory_space<hbm>> -> memref<16xf32, #tpu.memory_space<hbm>>
        tpu.enqueue_dma source(%dma_start3A_1835 : memref<16xf32, #tpu.memory_space<hbm>>) target(%dma_start3A_1832 : memref<16xf32, #tpu.memory_space<vmem>>) target_semaphore(%arg13 : memref<!tpu.dma_semaphore, #tpu.memory_space<semaphore_mem>>)
        %slice3A_1836 = vector.extract_strided_slice %get3A_1790 {offsets = [2], sizes = [1], strides = [1]} : vector<16xi32> to vector<1xi32>
        %squeeze3A_1837 = vector.extract %slice3A_1836[0] : i32 from vector<1xi32>
        %dma_start3A_1838 = arith.constant 1 : i32
        %dma_start3A_1839 = arith.constant 2 : i32
        %dma_start3A_1840 = arith.constant 0 : i32
        %dma_start3A_1841 = tpu.memref_slice %arg9[%dma_start3A_1838, %dma_start3A_1839, %dma_start3A_1840] : memref<2x16x16xf32, #tpu.memory_space<vmem>> -> memref<1x1x16xf32, #tpu.memory_space<vmem>>
        %dma_start3A_1842 = tpu.memref_squeeze %dma_start3A_1841 : memref<1x1x16xf32, #tpu.memory_space<vmem>> -> memref<16xf32, #tpu.memory_space<vmem>>
        %dma_start3A_1843 = arith.constant 0 : i32
        %dma_start3A_1844 = tpu.memref_slice %arg4[%squeeze3A_1837, %dma_start3A_1843] : memref<1000000x16xf32, #tpu.memory_space<hbm>> -> memref<1x16xf32, #tpu.memory_space<hbm>>
        %dma_start3A_1845 = tpu.memref_squeeze %dma_start3A_1844 : memref<1x16xf32, #tpu.memory_space<hbm>> -> memref<16xf32, #tpu.memory_space<hbm>>
        %dma_start3A_1846 = arith.constant 0 : i32
        %dma_start3A_1847 = tpu.memref_slice %arg9[%dma_start3A_1838, %dma_start3A_1839, %dma_start3A_1846] : memref<2x16x16xf32, #tpu.memory_space<vmem>> -> memref<1x1x16xf32, #tpu.memory_space<vmem>>
        %dma_start3A_1848 = tpu.memref_squeeze %dma_start3A_1847 : memref<1x1x16xf32, #tpu.memory_space<vmem>> -> memref<16xf32, #tpu.memory_space<vmem>>
        %dma_start3A_1849 = arith.constant 0 : i32
        %dma_start3A_1850 = tpu.memref_slice %arg4[%squeeze3A_1837, %dma_start3A_1849] : memref<1000000x16xf32, #tpu.memory_space<hbm>> -> memref<1x16xf32, #tpu.memory_space<hbm>>
        %dma_start3A_1851 = tpu.memref_squeeze %dma_start3A_1850 : memref<1x16xf32, #tpu.memory_space<hbm>> -> memref<16xf32, #tpu.memory_space<hbm>>
        tpu.enqueue_dma source(%dma_start3A_1851 : memref<16xf32, #tpu.memory_space<hbm>>) target(%dma_start3A_1848 : memref<16xf32, #tpu.memory_space<vmem>>) target_semaphore(%arg13 : memref<!tpu.dma_semaphore, #tpu.memory_space<semaphore_mem>>)
        %slice3A_1852 = vector.extract_strided_slice %get3A_1790 {offsets = [3], sizes = [1], strides = [1]} : vector<16xi32> to vector<1xi32>
        %squeeze3A_1853 = vector.extract %slice3A_1852[0] : i32 from vector<1xi32>
        %dma_start3A_1854 = arith.constant 1 : i32
        %dma_start3A_1855 = arith.constant 3 : i32
        %dma_start3A_1856 = arith.constant 0 : i32
        %dma_start3A_1857 = tpu.memref_slice %arg9[%dma_start3A_1854, %dma_start3A_1855, %dma_start3A_1856] : memref<2x16x16xf32, #tpu.memory_space<vmem>> -> memref<1x1x16xf32, #tpu.memory_space<vmem>>
        %dma_start3A_1858 = tpu.memref_squeeze %dma_start3A_1857 : memref<1x1x16xf32, #tpu.memory_space<vmem>> -> memref<16xf32, #tpu.memory_space<vmem>>
        %dma_start3A_1859 = arith.constant 0 : i32
        %dma_start3A_1860 = tpu.memref_slice %arg4[%squeeze3A_1853, %dma_start3A_1859] : memref<1000000x16xf32, #tpu.memory_space<hbm>> -> memref<1x16xf32, #tpu.memory_space<hbm>>
        %dma_start3A_1861 = tpu.memref_squeeze %dma_start3A_1860 : memref<1x16xf32, #tpu.memory_space<hbm>> -> memref<16xf32, #tpu.memory_space<hbm>>
        %dma_start3A_1862 = arith.constant 0 : i32
        %dma_start3A_1863 = tpu.memref_slice %arg9[%dma_start3A_1854, %dma_start3A_1855, %dma_start3A_1862] : memref<2x16x16xf32, #tpu.memory_space<vmem>> -> memref<1x1x16xf32, #tpu.memory_space<vmem>>
        %dma_start3A_1864 = tpu.memref_squeeze %dma_start3A_1863 : memref<1x1x16xf32, #tpu.memory_space<vmem>> -> memref<16xf32, #tpu.memory_space<vmem>>
        %dma_start3A_1865 = arith.constant 0 : i32
        %dma_start3A_1866 = tpu.memref_slice %arg4[%squeeze3A_1853, %dma_start3A_1865] : memref<1000000x16xf32, #tpu.memory_space<hbm>> -> memref<1x16xf32, #tpu.memory_space<hbm>>
        %dma_start3A_1867 = tpu.memref_squeeze %dma_start3A_1866 : memref<1x16xf32, #tpu.memory_space<hbm>> -> memref<16xf32, #tpu.memory_space<hbm>>
        tpu.enqueue_dma source(%dma_start3A_1867 : memref<16xf32, #tpu.memory_space<hbm>>) target(%dma_start3A_1864 : memref<16xf32, #tpu.memory_space<vmem>>) target_semaphore(%arg13 : memref<!tpu.dma_semaphore, #tpu.memory_space<semaphore_mem>>)
        %slice3A_1868 = vector.extract_strided_slice %get3A_1790 {offsets = [4], sizes = [1], strides = [1]} : vector<16xi32> to vector<1xi32>
        %squeeze3A_1869 = vector.extract %slice3A_1868[0] : i32 from vector<1xi32>
        %dma_start3A_1870 = arith.constant 1 : i32
        %dma_start3A_1871 = arith.constant 4 : i32
        %dma_start3A_1872 = arith.constant 0 : i32
        %dma_start3A_1873 = tpu.memref_slice %arg9[%dma_start3A_1870, %dma_start3A_1871, %dma_start3A_1872] : memref<2x16x16xf32, #tpu.memory_space<vmem>> -> memref<1x1x16xf32, #tpu.memory_space<vmem>>
        %dma_start3A_1874 = tpu.memref_squeeze %dma_start3A_1873 : memref<1x1x16xf32, #tpu.memory_space<vmem>> -> memref<16xf32, #tpu.memory_space<vmem>>
        %dma_start3A_1875 = arith.constant 0 : i32
        %dma_start3A_1876 = tpu.memref_slice %arg4[%squeeze3A_1869, %dma_start3A_1875] : memref<1000000x16xf32, #tpu.memory_space<hbm>> -> memref<1x16xf32, #tpu.memory_space<hbm>>
        %dma_start3A_1877 = tpu.memref_squeeze %dma_start3A_1876 : memref<1x16xf32, #tpu.memory_space<hbm>> -> memref<16xf32, #tpu.memory_space<hbm>>
        %dma_start3A_1878 = arith.constant 0 : i32
        %dma_start3A_1879 = tpu.memref_slice %arg9[%dma_start3A_1870, %dma_start3A_1871, %dma_start3A_1878] : memref<2x16x16xf32, #tpu.memory_space<vmem>> -> memref<1x1x16xf32, #tpu.memory_space<vmem>>
        %dma_start3A_1880 = tpu.memref_squeeze %dma_start3A_1879 : memref<1x1x16xf32, #tpu.memory_space<vmem>> -> memref<16xf32, #tpu.memory_space<vmem>>
        %dma_start3A_1881 = arith.constant 0 : i32
        %dma_start3A_1882 = tpu.memref_slice %arg4[%squeeze3A_1869, %dma_start3A_1881] : memref<1000000x16xf32, #tpu.memory_space<hbm>> -> memref<1x16xf32, #tpu.memory_space<hbm>>
        %dma_start3A_1883 = tpu.memref_squeeze %dma_start3A_1882 : memref<1x16xf32, #tpu.memory_space<hbm>> -> memref<16xf32, #tpu.memory_space<hbm>>
        tpu.enqueue_dma source(%dma_start3A_1883 : memref<16xf32, #tpu.memory_space<hbm>>) target(%dma_start3A_1880 : memref<16xf32, #tpu.memory_space<vmem>>) target_semaphore(%arg13 : memref<!tpu.dma_semaphore, #tpu.memory_space<semaphore_mem>>)
        %slice3A_1884 = vector.extract_strided_slice %get3A_1790 {offsets = [5], sizes = [1], strides = [1]} : vector<16xi32> to vector<1xi32>
        %squeeze3A_1885 = vector.extract %slice3A_1884[0] : i32 from vector<1xi32>
        %dma_start3A_1886 = arith.constant 1 : i32
        %dma_start3A_1887 = arith.constant 5 : i32
        %dma_start3A_1888 = arith.constant 0 : i32
        %dma_start3A_1889 = tpu.memref_slice %arg9[%dma_start3A_1886, %dma_start3A_1887, %dma_start3A_1888] : memref<2x16x16xf32, #tpu.memory_space<vmem>> -> memref<1x1x16xf32, #tpu.memory_space<vmem>>
        %dma_start3A_1890 = tpu.memref_squeeze %dma_start3A_1889 : memref<1x1x16xf32, #tpu.memory_space<vmem>> -> memref<16xf32, #tpu.memory_space<vmem>>
        %dma_start3A_1891 = arith.constant 0 : i32
        %dma_start3A_1892 = tpu.memref_slice %arg4[%squeeze3A_1885, %dma_start3A_1891] : memref<1000000x16xf32, #tpu.memory_space<hbm>> -> memref<1x16xf32, #tpu.memory_space<hbm>>
        %dma_start3A_1893 = tpu.memref_squeeze %dma_start3A_1892 : memref<1x16xf32, #tpu.memory_space<hbm>> -> memref<16xf32, #tpu.memory_space<hbm>>
        %dma_start3A_1894 = arith.constant 0 : i32
        %dma_start3A_1895 = tpu.memref_slice %arg9[%dma_start3A_1886, %dma_start3A_1887, %dma_start3A_1894] : memref<2x16x16xf32, #tpu.memory_space<vmem>> -> memref<1x1x16xf32, #tpu.memory_space<vmem>>
        %dma_start3A_1896 = tpu.memref_squeeze %dma_start3A_1895 : memref<1x1x16xf32, #tpu.memory_space<vmem>> -> memref<16xf32, #tpu.memory_space<vmem>>
        %dma_start3A_1897 = arith.constant 0 : i32
        %dma_start3A_1898 = tpu.memref_slice %arg4[%squeeze3A_1885, %dma_start3A_1897] : memref<1000000x16xf32, #tpu.memory_space<hbm>> -> memref<1x16xf32, #tpu.memory_space<hbm>>
        %dma_start3A_1899 = tpu.memref_squeeze %dma_start3A_1898 : memref<1x16xf32, #tpu.memory_space<hbm>> -> memref<16xf32, #tpu.memory_space<hbm>>
        tpu.enqueue_dma source(%dma_start3A_1899 : memref<16xf32, #tpu.memory_space<hbm>>) target(%dma_start3A_1896 : memref<16xf32, #tpu.memory_space<vmem>>) target_semaphore(%arg13 : memref<!tpu.dma_semaphore, #tpu.memory_space<semaphore_mem>>)
        %slice3A_1900 = vector.extract_strided_slice %get3A_1790 {offsets = [6], sizes = [1], strides = [1]} : vector<16xi32> to vector<1xi32>
        %squeeze3A_1901 = vector.extract %slice3A_1900[0] : i32 from vector<1xi32>
        %dma_start3A_1902 = arith.constant 1 : i32
        %dma_start3A_1903 = arith.constant 6 : i32
        %dma_start3A_1904 = arith.constant 0 : i32
        %dma_start3A_1905 = tpu.memref_slice %arg9[%dma_start3A_1902, %dma_start3A_1903, %dma_start3A_1904] : memref<2x16x16xf32, #tpu.memory_space<vmem>> -> memref<1x1x16xf32, #tpu.memory_space<vmem>>
        %dma_start3A_1906 = tpu.memref_squeeze %dma_start3A_1905 : memref<1x1x16xf32, #tpu.memory_space<vmem>> -> memref<16xf32, #tpu.memory_space<vmem>>
        %dma_start3A_1907 = arith.constant 0 : i32
        %dma_start3A_1908 = tpu.memref_slice %arg4[%squeeze3A_1901, %dma_start3A_1907] : memref<1000000x16xf32, #tpu.memory_space<hbm>> -> memref<1x16xf32, #tpu.memory_space<hbm>>
        %dma_start3A_1909 = tpu.memref_squeeze %dma_start3A_1908 : memref<1x16xf32, #tpu.memory_space<hbm>> -> memref<16xf32, #tpu.memory_space<hbm>>
        %dma_start3A_1910 = arith.constant 0 : i32
        %dma_start3A_1911 = tpu.memref_slice %arg9[%dma_start3A_1902, %dma_start3A_1903, %dma_start3A_1910] : memref<2x16x16xf32, #tpu.memory_space<vmem>> -> memref<1x1x16xf32, #tpu.memory_space<vmem>>
        %dma_start3A_1912 = tpu.memref_squeeze %dma_start3A_1911 : memref<1x1x16xf32, #tpu.memory_space<vmem>> -> memref<16xf32, #tpu.memory_space<vmem>>
        %dma_start3A_1913 = arith.constant 0 : i32
        %dma_start3A_1914 = tpu.memref_slice %arg4[%squeeze3A_1901, %dma_start3A_1913] : memref<1000000x16xf32, #tpu.memory_space<hbm>> -> memref<1x16xf32, #tpu.memory_space<hbm>>
        %dma_start3A_1915 = tpu.memref_squeeze %dma_start3A_1914 : memref<1x16xf32, #tpu.memory_space<hbm>> -> memref<16xf32, #tpu.memory_space<hbm>>
        tpu.enqueue_dma source(%dma_start3A_1915 : memref<16xf32, #tpu.memory_space<hbm>>) target(%dma_start3A_1912 : memref<16xf32, #tpu.memory_space<vmem>>) target_semaphore(%arg13 : memref<!tpu.dma_semaphore, #tpu.memory_space<semaphore_mem>>)
        %slice3A_1916 = vector.extract_strided_slice %get3A_1790 {offsets = [7], sizes = [1], strides = [1]} : vector<16xi32> to vector<1xi32>
        %squeeze3A_1917 = vector.extract %slice3A_1916[0] : i32 from vector<1xi32>
        %dma_start3A_1918 = arith.constant 1 : i32
        %dma_start3A_1919 = arith.constant 7 : i32
        %dma_start3A_1920 = arith.constant 0 : i32
        %dma_start3A_1921 = tpu.memref_slice %arg9[%dma_start3A_1918, %dma_start3A_1919, %dma_start3A_1920] : memref<2x16x16xf32, #tpu.memory_space<vmem>> -> memref<1x1x16xf32, #tpu.memory_space<vmem>>
        %dma_start3A_1922 = tpu.memref_squeeze %dma_start3A_1921 : memref<1x1x16xf32, #tpu.memory_space<vmem>> -> memref<16xf32, #tpu.memory_space<vmem>>
        %dma_start3A_1923 = arith.constant 0 : i32
        %dma_start3A_1924 = tpu.memref_slice %arg4[%squeeze3A_1917, %dma_start3A_1923] : memref<1000000x16xf32, #tpu.memory_space<hbm>> -> memref<1x16xf32, #tpu.memory_space<hbm>>
        %dma_start3A_1925 = tpu.memref_squeeze %dma_start3A_1924 : memref<1x16xf32, #tpu.memory_space<hbm>> -> memref<16xf32, #tpu.memory_space<hbm>>
        %dma_start3A_1926 = arith.constant 0 : i32
        %dma_start3A_1927 = tpu.memref_slice %arg9[%dma_start3A_1918, %dma_start3A_1919, %dma_start3A_1926] : memref<2x16x16xf32, #tpu.memory_space<vmem>> -> memref<1x1x16xf32, #tpu.memory_space<vmem>>
        %dma_start3A_1928 = tpu.memref_squeeze %dma_start3A_1927 : memref<1x1x16xf32, #tpu.memory_space<vmem>> -> memref<16xf32, #tpu.memory_space<vmem>>
        %dma_start3A_1929 = arith.constant 0 : i32
        %dma_start3A_1930 = tpu.memref_slice %arg4[%squeeze3A_1917, %dma_start3A_1929] : memref<1000000x16xf32, #tpu.memory_space<hbm>> -> memref<1x16xf32, #tpu.memory_space<hbm>>
        %dma_start3A_1931 = tpu.memref_squeeze %dma_start3A_1930 : memref<1x16xf32, #tpu.memory_space<hbm>> -> memref<16xf32, #tpu.memory_space<hbm>>
        tpu.enqueue_dma source(%dma_start3A_1931 : memref<16xf32, #tpu.memory_space<hbm>>) target(%dma_start3A_1928 : memref<16xf32, #tpu.memory_space<vmem>>) target_semaphore(%arg13 : memref<!tpu.dma_semaphore, #tpu.memory_space<semaphore_mem>>)
        %slice3A_1932 = vector.extract_strided_slice %get3A_1790 {offsets = [8], sizes = [1], strides = [1]} : vector<16xi32> to vector<1xi32>
        %squeeze3A_1933 = vector.extract %slice3A_1932[0] : i32 from vector<1xi32>
        %dma_start3A_1934 = arith.constant 1 : i32
        %dma_start3A_1935 = arith.constant 8 : i32
        %dma_start3A_1936 = arith.constant 0 : i32
        %dma_start3A_1937 = tpu.memref_slice %arg9[%dma_start3A_1934, %dma_start3A_1935, %dma_start3A_1936] : memref<2x16x16xf32, #tpu.memory_space<vmem>> -> memref<1x1x16xf32, #tpu.memory_space<vmem>>
        %dma_start3A_1938 = tpu.memref_squeeze %dma_start3A_1937 : memref<1x1x16xf32, #tpu.memory_space<vmem>> -> memref<16xf32, #tpu.memory_space<vmem>>
        %dma_start3A_1939 = arith.constant 0 : i32
        %dma_start3A_1940 = tpu.memref_slice %arg4[%squeeze3A_1933, %dma_start3A_1939] : memref<1000000x16xf32, #tpu.memory_space<hbm>> -> memref<1x16xf32, #tpu.memory_space<hbm>>
        %dma_start3A_1941 = tpu.memref_squeeze %dma_start3A_1940 : memref<1x16xf32, #tpu.memory_space<hbm>> -> memref<16xf32, #tpu.memory_space<hbm>>
        %dma_start3A_1942 = arith.constant 0 : i32
        %dma_start3A_1943 = tpu.memref_slice %arg9[%dma_start3A_1934, %dma_start3A_1935, %dma_start3A_1942] : memref<2x16x16xf32, #tpu.memory_space<vmem>> -> memref<1x1x16xf32, #tpu.memory_space<vmem>>
        %dma_start3A_1944 = tpu.memref_squeeze %dma_start3A_1943 : memref<1x1x16xf32, #tpu.memory_space<vmem>> -> memref<16xf32, #tpu.memory_space<vmem>>
        %dma_start3A_1945 = arith.constant 0 : i32
        %dma_start3A_1946 = tpu.memref_slice %arg4[%squeeze3A_1933, %dma_start3A_1945] : memref<1000000x16xf32, #tpu.memory_space<hbm>> -> memref<1x16xf32, #tpu.memory_space<hbm>>
        %dma_start3A_1947 = tpu.memref_squeeze %dma_start3A_1946 : memref<1x16xf32, #tpu.memory_space<hbm>> -> memref<16xf32, #tpu.memory_space<hbm>>
        tpu.enqueue_dma source(%dma_start3A_1947 : memref<16xf32, #tpu.memory_space<hbm>>) target(%dma_start3A_1944 : memref<16xf32, #tpu.memory_space<vmem>>) target_semaphore(%arg13 : memref<!tpu.dma_semaphore, #tpu.memory_space<semaphore_mem>>)
        %slice3A_1948 = vector.extract_strided_slice %get3A_1790 {offsets = [9], sizes = [1], strides = [1]} : vector<16xi32> to vector<1xi32>
        %squeeze3A_1949 = vector.extract %slice3A_1948[0] : i32 from vector<1xi32>
        %dma_start3A_1950 = arith.constant 1 : i32
        %dma_start3A_1951 = arith.constant 9 : i32
        %dma_start3A_1952 = arith.constant 0 : i32
        %dma_start3A_1953 = tpu.memref_slice %arg9[%dma_start3A_1950, %dma_start3A_1951, %dma_start3A_1952] : memref<2x16x16xf32, #tpu.memory_space<vmem>> -> memref<1x1x16xf32, #tpu.memory_space<vmem>>
        %dma_start3A_1954 = tpu.memref_squeeze %dma_start3A_1953 : memref<1x1x16xf32, #tpu.memory_space<vmem>> -> memref<16xf32, #tpu.memory_space<vmem>>
        %dma_start3A_1955 = arith.constant 0 : i32
        %dma_start3A_1956 = tpu.memref_slice %arg4[%squeeze3A_1949, %dma_start3A_1955] : memref<1000000x16xf32, #tpu.memory_space<hbm>> -> memref<1x16xf32, #tpu.memory_space<hbm>>
        %dma_start3A_1957 = tpu.memref_squeeze %dma_start3A_1956 : memref<1x16xf32, #tpu.memory_space<hbm>> -> memref<16xf32, #tpu.memory_space<hbm>>
        %dma_start3A_1958 = arith.constant 0 : i32
        %dma_start3A_1959 = tpu.memref_slice %arg9[%dma_start3A_1950, %dma_start3A_1951, %dma_start3A_1958] : memref<2x16x16xf32, #tpu.memory_space<vmem>> -> memref<1x1x16xf32, #tpu.memory_space<vmem>>
        %dma_start3A_1960 = tpu.memref_squeeze %dma_start3A_1959 : memref<1x1x16xf32, #tpu.memory_space<vmem>> -> memref<16xf32, #tpu.memory_space<vmem>>
        %dma_start3A_1961 = arith.constant 0 : i32
        %dma_start3A_1962 = tpu.memref_slice %arg4[%squeeze3A_1949, %dma_start3A_1961] : memref<1000000x16xf32, #tpu.memory_space<hbm>> -> memref<1x16xf32, #tpu.memory_space<hbm>>
        %dma_start3A_1963 = tpu.memref_squeeze %dma_start3A_1962 : memref<1x16xf32, #tpu.memory_space<hbm>> -> memref<16xf32, #tpu.memory_space<hbm>>
        tpu.enqueue_dma source(%dma_start3A_1963 : memref<16xf32, #tpu.memory_space<hbm>>) target(%dma_start3A_1960 : memref<16xf32, #tpu.memory_space<vmem>>) target_semaphore(%arg13 : memref<!tpu.dma_semaphore, #tpu.memory_space<semaphore_mem>>)
        %slice3A_1964 = vector.extract_strided_slice %get3A_1790 {offsets = [10], sizes = [1], strides = [1]} : vector<16xi32> to vector<1xi32>
        %squeeze3A_1965 = vector.extract %slice3A_1964[0] : i32 from vector<1xi32>
        %dma_start3A_1966 = arith.constant 1 : i32
        %dma_start3A_1967 = arith.constant 10 : i32
        %dma_start3A_1968 = arith.constant 0 : i32
        %dma_start3A_1969 = tpu.memref_slice %arg9[%dma_start3A_1966, %dma_start3A_1967, %dma_start3A_1968] : memref<2x16x16xf32, #tpu.memory_space<vmem>> -> memref<1x1x16xf32, #tpu.memory_space<vmem>>
        %dma_start3A_1970 = tpu.memref_squeeze %dma_start3A_1969 : memref<1x1x16xf32, #tpu.memory_space<vmem>> -> memref<16xf32, #tpu.memory_space<vmem>>
        %dma_start3A_1971 = arith.constant 0 : i32
        %dma_start3A_1972 = tpu.memref_slice %arg4[%squeeze3A_1965, %dma_start3A_1971] : memref<1000000x16xf32, #tpu.memory_space<hbm>> -> memref<1x16xf32, #tpu.memory_space<hbm>>
        %dma_start3A_1973 = tpu.memref_squeeze %dma_start3A_1972 : memref<1x16xf32, #tpu.memory_space<hbm>> -> memref<16xf32, #tpu.memory_space<hbm>>
        %dma_start3A_1974 = arith.constant 0 : i32
        %dma_start3A_1975 = tpu.memref_slice %arg9[%dma_start3A_1966, %dma_start3A_1967, %dma_start3A_1974] : memref<2x16x16xf32, #tpu.memory_space<vmem>> -> memref<1x1x16xf32, #tpu.memory_space<vmem>>
        %dma_start3A_1976 = tpu.memref_squeeze %dma_start3A_1975 : memref<1x1x16xf32, #tpu.memory_space<vmem>> -> memref<16xf32, #tpu.memory_space<vmem>>
        %dma_start3A_1977 = arith.constant 0 : i32
        %dma_start3A_1978 = tpu.memref_slice %arg4[%squeeze3A_1965, %dma_start3A_1977] : memref<1000000x16xf32, #tpu.memory_space<hbm>> -> memref<1x16xf32, #tpu.memory_space<hbm>>
        %dma_start3A_1979 = tpu.memref_squeeze %dma_start3A_1978 : memref<1x16xf32, #tpu.memory_space<hbm>> -> memref<16xf32, #tpu.memory_space<hbm>>
        tpu.enqueue_dma source(%dma_start3A_1979 : memref<16xf32, #tpu.memory_space<hbm>>) target(%dma_start3A_1976 : memref<16xf32, #tpu.memory_space<vmem>>) target_semaphore(%arg13 : memref<!tpu.dma_semaphore, #tpu.memory_space<semaphore_mem>>)
        %slice3A_1980 = vector.extract_strided_slice %get3A_1790 {offsets = [11], sizes = [1], strides = [1]} : vector<16xi32> to vector<1xi32>
        %squeeze3A_1981 = vector.extract %slice3A_1980[0] : i32 from vector<1xi32>
        %dma_start3A_1982 = arith.constant 1 : i32
        %dma_start3A_1983 = arith.constant 11 : i32
        %dma_start3A_1984 = arith.constant 0 : i32
        %dma_start3A_1985 = tpu.memref_slice %arg9[%dma_start3A_1982, %dma_start3A_1983, %dma_start3A_1984] : memref<2x16x16xf32, #tpu.memory_space<vmem>> -> memref<1x1x16xf32, #tpu.memory_space<vmem>>
        %dma_start3A_1986 = tpu.memref_squeeze %dma_start3A_1985 : memref<1x1x16xf32, #tpu.memory_space<vmem>> -> memref<16xf32, #tpu.memory_space<vmem>>
        %dma_start3A_1987 = arith.constant 0 : i32
        %dma_start3A_1988 = tpu.memref_slice %arg4[%squeeze3A_1981, %dma_start3A_1987] : memref<1000000x16xf32, #tpu.memory_space<hbm>> -> memref<1x16xf32, #tpu.memory_space<hbm>>
        %dma_start3A_1989 = tpu.memref_squeeze %dma_start3A_1988 : memref<1x16xf32, #tpu.memory_space<hbm>> -> memref<16xf32, #tpu.memory_space<hbm>>
        %dma_start3A_1990 = arith.constant 0 : i32
        %dma_start3A_1991 = tpu.memref_slice %arg9[%dma_start3A_1982, %dma_start3A_1983, %dma_start3A_1990] : memref<2x16x16xf32, #tpu.memory_space<vmem>> -> memref<1x1x16xf32, #tpu.memory_space<vmem>>
        %dma_start3A_1992 = tpu.memref_squeeze %dma_start3A_1991 : memref<1x1x16xf32, #tpu.memory_space<vmem>> -> memref<16xf32, #tpu.memory_space<vmem>>
        %dma_start3A_1993 = arith.constant 0 : i32
        %dma_start3A_1994 = tpu.memref_slice %arg4[%squeeze3A_1981, %dma_start3A_1993] : memref<1000000x16xf32, #tpu.memory_space<hbm>> -> memref<1x16xf32, #tpu.memory_space<hbm>>
        %dma_start3A_1995 = tpu.memref_squeeze %dma_start3A_1994 : memref<1x16xf32, #tpu.memory_space<hbm>> -> memref<16xf32, #tpu.memory_space<hbm>>
        tpu.enqueue_dma source(%dma_start3A_1995 : memref<16xf32, #tpu.memory_space<hbm>>) target(%dma_start3A_1992 : memref<16xf32, #tpu.memory_space<vmem>>) target_semaphore(%arg13 : memref<!tpu.dma_semaphore, #tpu.memory_space<semaphore_mem>>)
        %slice3A_1996 = vector.extract_strided_slice %get3A_1790 {offsets = [12], sizes = [1], strides = [1]} : vector<16xi32> to vector<1xi32>
        %squeeze3A_1997 = vector.extract %slice3A_1996[0] : i32 from vector<1xi32>
        %dma_start3A_1998 = arith.constant 1 : i32
        %dma_start3A_1999 = arith.constant 12 : i32
        %dma_start3A_2000 = arith.constant 0 : i32
        %dma_start3A_2001 = tpu.memref_slice %arg9[%dma_start3A_1998, %dma_start3A_1999, %dma_start3A_2000] : memref<2x16x16xf32, #tpu.memory_space<vmem>> -> memref<1x1x16xf32, #tpu.memory_space<vmem>>
        %dma_start3A_2002 = tpu.memref_squeeze %dma_start3A_2001 : memref<1x1x16xf32, #tpu.memory_space<vmem>> -> memref<16xf32, #tpu.memory_space<vmem>>
        %dma_start3A_2003 = arith.constant 0 : i32
        %dma_start3A_2004 = tpu.memref_slice %arg4[%squeeze3A_1997, %dma_start3A_2003] : memref<1000000x16xf32, #tpu.memory_space<hbm>> -> memref<1x16xf32, #tpu.memory_space<hbm>>
        %dma_start3A_2005 = tpu.memref_squeeze %dma_start3A_2004 : memref<1x16xf32, #tpu.memory_space<hbm>> -> memref<16xf32, #tpu.memory_space<hbm>>
        %dma_start3A_2006 = arith.constant 0 : i32
        %dma_start3A_2007 = tpu.memref_slice %arg9[%dma_start3A_1998, %dma_start3A_1999, %dma_start3A_2006] : memref<2x16x16xf32, #tpu.memory_space<vmem>> -> memref<1x1x16xf32, #tpu.memory_space<vmem>>
        %dma_start3A_2008 = tpu.memref_squeeze %dma_start3A_2007 : memref<1x1x16xf32, #tpu.memory_space<vmem>> -> memref<16xf32, #tpu.memory_space<vmem>>
        %dma_start3A_2009 = arith.constant 0 : i32
        %dma_start3A_2010 = tpu.memref_slice %arg4[%squeeze3A_1997, %dma_start3A_2009] : memref<1000000x16xf32, #tpu.memory_space<hbm>> -> memref<1x16xf32, #tpu.memory_space<hbm>>
        %dma_start3A_2011 = tpu.memref_squeeze %dma_start3A_2010 : memref<1x16xf32, #tpu.memory_space<hbm>> -> memref<16xf32, #tpu.memory_space<hbm>>
        tpu.enqueue_dma source(%dma_start3A_2011 : memref<16xf32, #tpu.memory_space<hbm>>) target(%dma_start3A_2008 : memref<16xf32, #tpu.memory_space<vmem>>) target_semaphore(%arg13 : memref<!tpu.dma_semaphore, #tpu.memory_space<semaphore_mem>>)
        %slice3A_2012 = vector.extract_strided_slice %get3A_1790 {offsets = [13], sizes = [1], strides = [1]} : vector<16xi32> to vector<1xi32>
        %squeeze3A_2013 = vector.extract %slice3A_2012[0] : i32 from vector<1xi32>
        %dma_start3A_2014 = arith.constant 1 : i32
        %dma_start3A_2015 = arith.constant 13 : i32
        %dma_start3A_2016 = arith.constant 0 : i32
        %dma_start3A_2017 = tpu.memref_slice %arg9[%dma_start3A_2014, %dma_start3A_2015, %dma_start3A_2016] : memref<2x16x16xf32, #tpu.memory_space<vmem>> -> memref<1x1x16xf32, #tpu.memory_space<vmem>>
        %dma_start3A_2018 = tpu.memref_squeeze %dma_start3A_2017 : memref<1x1x16xf32, #tpu.memory_space<vmem>> -> memref<16xf32, #tpu.memory_space<vmem>>
        %dma_start3A_2019 = arith.constant 0 : i32
        %dma_start3A_2020 = tpu.memref_slice %arg4[%squeeze3A_2013, %dma_start3A_2019] : memref<1000000x16xf32, #tpu.memory_space<hbm>> -> memref<1x16xf32, #tpu.memory_space<hbm>>
        %dma_start3A_2021 = tpu.memref_squeeze %dma_start3A_2020 : memref<1x16xf32, #tpu.memory_space<hbm>> -> memref<16xf32, #tpu.memory_space<hbm>>
        %dma_start3A_2022 = arith.constant 0 : i32
        %dma_start3A_2023 = tpu.memref_slice %arg9[%dma_start3A_2014, %dma_start3A_2015, %dma_start3A_2022] : memref<2x16x16xf32, #tpu.memory_space<vmem>> -> memref<1x1x16xf32, #tpu.memory_space<vmem>>
        %dma_start3A_2024 = tpu.memref_squeeze %dma_start3A_2023 : memref<1x1x16xf32, #tpu.memory_space<vmem>> -> memref<16xf32, #tpu.memory_space<vmem>>
        %dma_start3A_2025 = arith.constant 0 : i32
        %dma_start3A_2026 = tpu.memref_slice %arg4[%squeeze3A_2013, %dma_start3A_2025] : memref<1000000x16xf32, #tpu.memory_space<hbm>> -> memref<1x16xf32, #tpu.memory_space<hbm>>
        %dma_start3A_2027 = tpu.memref_squeeze %dma_start3A_2026 : memref<1x16xf32, #tpu.memory_space<hbm>> -> memref<16xf32, #tpu.memory_space<hbm>>
        tpu.enqueue_dma source(%dma_start3A_2027 : memref<16xf32, #tpu.memory_space<hbm>>) target(%dma_start3A_2024 : memref<16xf32, #tpu.memory_space<vmem>>) target_semaphore(%arg13 : memref<!tpu.dma_semaphore, #tpu.memory_space<semaphore_mem>>)
        %slice3A_2028 = vector.extract_strided_slice %get3A_1790 {offsets = [14], sizes = [1], strides = [1]} : vector<16xi32> to vector<1xi32>
        %squeeze3A_2029 = vector.extract %slice3A_2028[0] : i32 from vector<1xi32>
        %dma_start3A_2030 = arith.constant 1 : i32
        %dma_start3A_2031 = arith.constant 14 : i32
        %dma_start3A_2032 = arith.constant 0 : i32
        %dma_start3A_2033 = tpu.memref_slice %arg9[%dma_start3A_2030, %dma_start3A_2031, %dma_start3A_2032] : memref<2x16x16xf32, #tpu.memory_space<vmem>> -> memref<1x1x16xf32, #tpu.memory_space<vmem>>
        %dma_start3A_2034 = tpu.memref_squeeze %dma_start3A_2033 : memref<1x1x16xf32, #tpu.memory_space<vmem>> -> memref<16xf32, #tpu.memory_space<vmem>>
        %dma_start3A_2035 = arith.constant 0 : i32
        %dma_start3A_2036 = tpu.memref_slice %arg4[%squeeze3A_2029, %dma_start3A_2035] : memref<1000000x16xf32, #tpu.memory_space<hbm>> -> memref<1x16xf32, #tpu.memory_space<hbm>>
        %dma_start3A_2037 = tpu.memref_squeeze %dma_start3A_2036 : memref<1x16xf32, #tpu.memory_space<hbm>> -> memref<16xf32, #tpu.memory_space<hbm>>
        %dma_start3A_2038 = arith.constant 0 : i32
        %dma_start3A_2039 = tpu.memref_slice %arg9[%dma_start3A_2030, %dma_start3A_2031, %dma_start3A_2038] : memref<2x16x16xf32, #tpu.memory_space<vmem>> -> memref<1x1x16xf32, #tpu.memory_space<vmem>>
        %dma_start3A_2040 = tpu.memref_squeeze %dma_start3A_2039 : memref<1x1x16xf32, #tpu.memory_space<vmem>> -> memref<16xf32, #tpu.memory_space<vmem>>
        %dma_start3A_2041 = arith.constant 0 : i32
        %dma_start3A_2042 = tpu.memref_slice %arg4[%squeeze3A_2029, %dma_start3A_2041] : memref<1000000x16xf32, #tpu.memory_space<hbm>> -> memref<1x16xf32, #tpu.memory_space<hbm>>
        %dma_start3A_2043 = tpu.memref_squeeze %dma_start3A_2042 : memref<1x16xf32, #tpu.memory_space<hbm>> -> memref<16xf32, #tpu.memory_space<hbm>>
        tpu.enqueue_dma source(%dma_start3A_2043 : memref<16xf32, #tpu.memory_space<hbm>>) target(%dma_start3A_2040 : memref<16xf32, #tpu.memory_space<vmem>>) target_semaphore(%arg13 : memref<!tpu.dma_semaphore, #tpu.memory_space<semaphore_mem>>)
        %slice3A_2044 = vector.extract_strided_slice %get3A_1790 {offsets = [15], sizes = [1], strides = [1]} : vector<16xi32> to vector<1xi32>
        %squeeze3A_2045 = vector.extract %slice3A_2044[0] : i32 from vector<1xi32>
        %dma_start3A_2046 = arith.constant 1 : i32
        %dma_start3A_2047 = arith.constant 15 : i32
        %dma_start3A_2048 = arith.constant 0 : i32
        %dma_start3A_2049 = tpu.memref_slice %arg9[%dma_start3A_2046, %dma_start3A_2047, %dma_start3A_2048] : memref<2x16x16xf32, #tpu.memory_space<vmem>> -> memref<1x1x16xf32, #tpu.memory_space<vmem>>
        %dma_start3A_2050 = tpu.memref_squeeze %dma_start3A_2049 : memref<1x1x16xf32, #tpu.memory_space<vmem>> -> memref<16xf32, #tpu.memory_space<vmem>>
        %dma_start3A_2051 = arith.constant 0 : i32
        %dma_start3A_2052 = tpu.memref_slice %arg4[%squeeze3A_2045, %dma_start3A_2051] : memref<1000000x16xf32, #tpu.memory_space<hbm>> -> memref<1x16xf32, #tpu.memory_space<hbm>>
        %dma_start3A_2053 = tpu.memref_squeeze %dma_start3A_2052 : memref<1x16xf32, #tpu.memory_space<hbm>> -> memref<16xf32, #tpu.memory_space<hbm>>
        %dma_start3A_2054 = arith.constant 0 : i32
        %dma_start3A_2055 = tpu.memref_slice %arg9[%dma_start3A_2046, %dma_start3A_2047, %dma_start3A_2054] : memref<2x16x16xf32, #tpu.memory_space<vmem>> -> memref<1x1x16xf32, #tpu.memory_space<vmem>>
        %dma_start3A_2056 = tpu.memref_squeeze %dma_start3A_2055 : memref<1x1x16xf32, #tpu.memory_space<vmem>> -> memref<16xf32, #tpu.memory_space<vmem>>
        %dma_start3A_2057 = arith.constant 0 : i32
        %dma_start3A_2058 = tpu.memref_slice %arg4[%squeeze3A_2045, %dma_start3A_2057] : memref<1000000x16xf32, #tpu.memory_space<hbm>> -> memref<1x16xf32, #tpu.memory_space<hbm>>
        %dma_start3A_2059 = tpu.memref_squeeze %dma_start3A_2058 : memref<1x16xf32, #tpu.memory_space<hbm>> -> memref<16xf32, #tpu.memory_space<hbm>>
        tpu.enqueue_dma source(%dma_start3A_2059 : memref<16xf32, #tpu.memory_space<hbm>>) target(%dma_start3A_2056 : memref<16xf32, #tpu.memory_space<vmem>>) target_semaphore(%arg13 : memref<!tpu.dma_semaphore, #tpu.memory_space<semaphore_mem>>)
      } else {
      }
      scf.yield %add3A_1776 : vector<16xf32>
    }
    %scan3A_548 = arith.constant 16 : i32
    %swap3A = arith.constant 0 : index
    %swap3A_549 = tpu.vector_load %arg11[%swap3A] {strides = array<i32>} : memref<16xf32, #tpu.memory_space<vmem>>, vector<16xf32>,
    tpu.vector_store %arg11[%swap3A], %scan3A_547 {strides = array<i32>} : memref<16xf32, #tpu.memory_space<vmem>>, vector<16xf32>,
    "tpu.region"() ({
      %run_scoped3A = tpu.sem_alloc : memref<!tpu.dma_semaphore, #tpu.memory_space<semaphore_mem>>
      %dma_start3A_550 = arith.constant 0 : i32
      %dma_start3A_551 = tpu.memref_slice %arg6[%add3A, %dma_start3A_550] : memref<32x16xf32, #tpu.memory_space<hbm>> -> memref<1x16xf32, #tpu.memory_space<hbm>>
      %dma_start3A_552 = tpu.memref_squeeze %dma_start3A_551 : memref<1x16xf32, #tpu.memory_space<hbm>> -> memref<16xf32, #tpu.memory_space<hbm>>
      %dma_start3A_553 = arith.constant 0 : i32
      %dma_start3A_554 = tpu.memref_slice %arg6[%add3A, %dma_start3A_553] : memref<32x16xf32, #tpu.memory_space<hbm>> -> memref<1x16xf32, #tpu.memory_space<hbm>>
      %dma_start3A_555 = tpu.memref_squeeze %dma_start3A_554 : memref<1x16xf32, #tpu.memory_space<hbm>> -> memref<16xf32, #tpu.memory_space<hbm>>
      tpu.enqueue_dma source(%arg11 : memref<16xf32, #tpu.memory_space<vmem>>) target(%dma_start3A_555 : memref<16xf32, #tpu.memory_space<hbm>>) target_semaphore(%run_scoped3A : memref<!tpu.dma_semaphore, #tpu.memory_space<semaphore_mem>>)
      %dma_wait3A = arith.constant 0 : i32
      %dma_wait3A_556 = tpu.memref_slice %arg6[%add3A, %dma_wait3A] : memref<32x16xf32, #tpu.memory_space<hbm>> -> memref<1x16xf32, #tpu.memory_space<hbm>>
      %dma_wait3A_557 = tpu.memref_squeeze %dma_wait3A_556 : memref<1x16xf32, #tpu.memory_space<hbm>> -> memref<16xf32, #tpu.memory_space<hbm>>
      %dma_wait3A_558 = arith.constant 0 : i32
      %dma_wait3A_559 = tpu.memref_slice %arg6[%add3A, %dma_wait3A_558] : memref<32x16xf32, #tpu.memory_space<hbm>> -> memref<1x16xf32, #tpu.memory_space<hbm>>
      %dma_wait3A_560 = tpu.memref_squeeze %dma_wait3A_559 : memref<1x16xf32, #tpu.memory_space<hbm>> -> memref<16xf32, #tpu.memory_space<hbm>>
      tpu.wait_dma2 semaphore(%run_scoped3A : memref<!tpu.dma_semaphore, #tpu.memory_space<semaphore_mem>>) src(%arg11 : memref<16xf32, #tpu.memory_space<vmem>>) dst(%dma_wait3A_560 : memref<16xf32, #tpu.memory_space<hbm>>)
      tpu.yield
    }) : () -> ()
    return
  }
}

module attributes {stable_mosaic.version = 14 : i64} {
  func.func @_sum_tc(%arg0: memref<32x16xf32, #tpu.memory_space<vmem>>, %arg1: memref<1x16xf32, #tpu.memory_space<vmem>>) attributes {dimension_semantics = [], scalar_prefetch = 0 : i64, scratch_operands = 0 : i64, tpu.core_type = #tpu.core_type<tc>} {
    %get3A = arith.constant 0 : index
    %get3A_0 = arith.constant 0 : index
    %get3A_1 = vector.load %arg0[%get3A, %get3A_0] : memref<32x16xf32, #tpu.memory_space<vmem>>, vector<32x16xf32>
    %reduce_sum3A = arith.constant dense<0.000000e+00> : vector<16xf32>
    %reduce_sum3A_2 = vector.multi_reduction <add>, %get3A_1, %reduce_sum3A [0] : vector<32x16xf32> to vector<16xf32>
    %broadcast_in_dim3A = vector.shape_cast %reduce_sum3A_2 : vector<16xf32> to vector<1x16xf32>
    %swap3A = arith.constant 0 : index
    %swap3A_3 = arith.constant 0 : index
    %swap3A_4 = vector.load %arg1[%swap3A, %swap3A_3] : memref<1x16xf32, #tpu.memory_space<vmem>>, vector<1x16xf32>
    tpu.vector_store %arg1[%swap3A, %swap3A_3], %broadcast_in_dim3A {strides = array<i32>} : memref<1x16xf32, #tpu.memory_space<vmem>>, vector<1x16xf32>,
    return
  }
}

</mosaic_0001>

<sc_bundles>
// kernel: kernel.4.cloned.1.call-start
scs
__scs_entry_jumppad:
0x0: {  	(pc) =	sbr.rel $0x88, $3  }
0x1: {  	(tag) =	ssettag $0x0;
	lr =	simm.s32 $0x1  }
0x2: {  	[smem:$0x3F9D] =	sst lr;
	_ =	strace $0xD0000000  }
0x3: {  	_ = 	snop  }
0x4: {  	_ = 	snop  }
0x5: {  	_ = 	snop  }
0x6: {  	_ = 	snop  }
0x7: {  	_ = 	snop  }
__scs_overlays_trampoline_lowered:
0x8: {  	[smem:$0x3FAC] =	sst s0  }
0x9: {  	[smem:$0x3FAD] =	sst s1  }
0xa: {  	[smem:$0x3FAE] =	sst s2  }
0xb: {  	[smem:$0x3FAF] =	sst s3  }
0xc: {  	[smem:$0x3FB0] =	sst s4  }
0xd: {  	[smem:$0x3FB1] =	sst s5  }
0xe: {  	[smem:$0x3FB2] =	sst s6  }
0xf: {  	[smem:$0x3FB3] =	sst s7  }
0x10: {  	[smem:$0x3FB4] =	sst s8  }
0x11: {  	[smem:$0x3FB5] =	sst s9;
	s0 =	simm.s32 @!p0 $0x0  }
0x12: {  	s1 =	sld [smem:$0x3F9B];
	s0 =	simm.s32 @p0 $0x1  }
0x13: {  	[smem:$0x3FB6] =	sst s0;
	s0 =	simm.s32 @!p1 $0x0  }
0x14: {  	s2 =	sld [smem:$0x3F9A];
	s0 =	simm.s32 @p1 $0x1  }
0x15: {  	[smem:$0x3FB7] =	sst s0;
	s0 =	simm.s32 @!p2 $0x0  }
0x16: {  	s3 =	sld [smem:$0x3FDB];
	s0 =	simm.s32 @p2 $0x1  }
0x17: {  	s4 =	simm.s32 $0x1BF5;
	[smem:$0x3FB9] =	sst s0  }
0x18: {  	s0 =	sld [smem:$0x3F9C];
	_ =	swait.ge [sflag:s4], $0x0  }
0x19: {  	s7 =	sld [smem:$0x3F9D]  }
0x1a: {  	s8 =	sadd.s32 $0xFFFFE003, lr  }
0x1b: {  	s9 =	sadd.s32 $0xFFFFFEF7, lr;
	s5 =	simm.s32 $0xFFFFFFFF;
	p2 =	slt.u32 s8, $0xFFFFF086  }
0x1c: {  	p1 =	slt.u32 s9, $0xF7A;
	s5 =	simm.s32 @!p2 $0x0  }
0x1d: {  	s5 =	simm.s32 @p1 $0x1;
	p0 =	seq.s32 s7, s2  }
0x1e: {  	s7 =	smul.u32 @!p0 $0xF7A, s2;
	p2 =	seq.s32 @!p0 s5, $0x0  }
0x1f: {  	s9 =	smul.u32 $0xF7A, s1;
	s8 =	simm.s32 @!p0 $0x1BF5;
	p2 =	por !p2, p0  }
0x20: {  	[sflag:s8] =	ssyncset.s32 @!p0 $0xFFFFF086;
	s6 =	sadd.s32 @!p0 s3, s7;
	s7 =	simm.s32 @!p0 $0x108  }
0x21: {  	s3 =	sadd.s32 s3, s9;
	s6 =	sadd.s32 @!p0 $0x88, s6;
	s7 =	simm.s32 @p2 $0x1082  }
0x22: {  	[simem:s7], [sflag:s8] =	dma.local @!p0 [hbm:s6], $0xF7A  }
0x23: {  	s9 =	sor.u32 $0xD0000000, s2;
	s6 =	simm.s32 $0x108;
	_ =	swait.ge @!p0 [sflag:s8], $0x0  }
0x24: {  	s3 =	sadd.s32 $0x88, s3;
	s6 =	simm.s32 @!p1 $0x1082;
	[sflag:s4] =	ssyncset.s32 $0xFFFFF086  }
0x25: {  	[simem:s6], [sflag:s4] =	dma.local [hbm:s3], $0xF7A  }
0x26: {  	[smem:$0x3F9D] =	sst s1;
	(tag) =	ssettag s2;
	_ =	strace s9  }
0x27: {  	s1 =	sld [smem:$0x3FAD]  }
0x28: {  	s2 =	sld [smem:$0x3FAE]  }
0x29: {  	s4 =	sld [smem:$0x3FB0]  }
0x2a: {  	p0 =	seq.s32 s5, $0x0;
	s5 =	sld [smem:$0x3FB1]  }
0x2b: {  	s6 =	sld [smem:$0x3FB2]  }
0x2c: {  	s7 =	sld [smem:$0x3FB3]  }
0x2d: {  	s3 =	simm.s32 $0x108;
	s8 =	sld [smem:$0x3FB4]  }
0x2e: {  	s3 =	simm.s32 @!p0 $0x1082;
	s9 =	sld [smem:$0x3FB5]  }
0x2f: {  	lr =	sadd.s32 s0, s3;
	s0 =	sld [smem:$0x3FAC]  }
0x30: {  	s3 =	sld [smem:$0x3FAF]  }
0x31: {  	[smem:$0x3FB8] =	sst s10  }
0x32: {  	s10 =	sld [smem:$0x3FB6];
	_ =	sdelay $0x3  }
0x33: {  	p0 =	seq.s32 s10, $0x1;
	s10 =	sld [smem:$0x3FB8];
	_ =	sdelay $0x3  }
0x34: {  	[smem:$0x3FB8] =	sst s10  }
0x35: {  	s10 =	sld [smem:$0x3FB7];
	_ =	sdelay $0x3  }
0x36: {  	p1 =	seq.s32 s10, $0x1;
	s10 =	sld [smem:$0x3FB8];
	_ =	sdelay $0x3  }
0x37: {  	[smem:$0x3FB8] =	sst s10  }
0x38: {  	s10 =	sld [smem:$0x3FB9]  }
0x39: {  	_ = 	snop;
	(pc) =	sbr.ind lr, $3  }
0x3a: {  	_ = 	snop  }
0x3b: {  	_ = 	snop  }
0x3c: {  	p2 =	seq.s32 s10, $0x1;
	s10 =	sld [smem:$0x3FB8]  }
0x3d: {  	_ =	shalt  }
0x3e: {  	_ =	shalt  }
0x3f: {  	_ =	shalt  }
0x40: {  	_ =	shalt  }
0x41: {  	_ =	shalt  }
0x42: {  	_ =	shalt  }
0x43: {  	_ =	shalt  }
0x44: {  	_ =	shalt  }
0x45: {  	_ =	shalt  }
0x46: {  	_ =	shalt  }
0x47: {  	_ =	shalt  }
0x48: {  	_ =	shalt  }
0x49: {  	_ =	shalt  }
0x4a: {  	_ =	shalt  }
0x4b: {  	_ =	shalt  }
0x4c: {  	_ =	shalt  }
0x4d: {  	_ =	shalt  }
0x4e: {  	_ =	shalt  }
0x4f: {  	_ =	shalt  }
0x50: {  	_ =	shalt  }
0x51: {  	_ =	shalt  }
0x52: {  	_ =	shalt  }
0x53: {  	_ =	shalt  }
0x54: {  	_ =	shalt  }
0x55: {  	_ =	shalt  }
0x56: {  	_ =	shalt  }
0x57: {  	_ =	shalt  }
0x58: {  	_ =	shalt  }
0x59: {  	_ =	shalt  }
0x5a: {  	_ =	shalt  }
0x5b: {  	_ =	shalt  }
0x5c: {  	_ =	shalt  }
0x5d: {  	_ =	shalt  }
0x5e: {  	_ =	shalt  }
0x5f: {  	_ =	shalt  }
0x60: {  	_ =	shalt  }
0x61: {  	_ =	shalt  }
0x62: {  	_ =	shalt  }
0x63: {  	_ =	shalt  }
0x64: {  	_ =	shalt  }
0x65: {  	_ =	shalt  }
0x66: {  	_ =	shalt  }
0x67: {  	_ =	shalt  }
0x68: {  	_ =	shalt  }
0x69: {  	_ =	shalt  }
0x6a: {  	_ =	shalt  }
0x6b: {  	_ =	shalt  }
0x6c: {  	_ =	shalt  }
0x6d: {  	_ =	shalt  }
0x6e: {  	_ =	shalt  }
0x6f: {  	_ =	shalt  }
0x70: {  	_ =	shalt  }
0x71: {  	_ =	shalt  }
0x72: {  	_ =	shalt  }
0x73: {  	_ =	shalt  }
0x74: {  	_ =	shalt  }
0x75: {  	_ =	shalt  }
0x76: {  	_ =	shalt  }
0x77: {  	_ =	shalt  }
0x78: {  	_ =	shalt  }
0x79: {  	_ =	shalt  }
0x7a: {  	_ =	shalt  }
0x7b: {  	_ =	shalt  }
0x7c: {  	_ =	shalt  }
0x7d: {  	_ =	shalt  }
0x7e: {  	_ =	shalt  }
0x7f: {  	_ =	shalt  }
0x80: {  	_ =	shalt  }
0x81: {  	_ =	shalt  }
0x82: {  	_ =	shalt  }
0x83: {  	_ =	shalt  }
0x84: {  	_ =	shalt  }
0x85: {  	_ =	shalt  }
0x86: {  	_ =	shalt  }
0x87: {  	_ =	shalt  }
.Lfunc_end0:
.L_simem_size_0:
called_computation_lowered:
.L_overlay_start_0:
0x88: {  	s2 =	sld [smem:$0x3FD9]  }
0x89: {  	s3 =	sld [smem:$0x3FFE];
	_ =	sdelay $0x1  }
0x8a: {  	s1 =	srdreg.scid  }
0x8b: {  	s0 =	sand.u32 $0x1, s1  }
0x8c: {  	s17 =	sshll.u32 s0, $0xA;
	s2 =	sadd.s32 s3, s2  }
0x8d: {  	s2 =	sadd.s32 s2, s17  }
0x8e: {  	[smem:$0x3FC4] =	sst s2  }
0x8f: {  	_ = 	snop  }
0x90: {  	s2 =	sld [smem:$0x3FC9]  }
0x91: {  	s18 =	sld [smem:$0x3FC8];
	(tm) =	ssettm $0x1  }
0x92: {  	s4 =	sld [smem:$0x3FFB];
	_ =	sdelay $0x3  }
0x93: {  	_ =	strace s4  }
0x94: {  	s4 =	sld [smem:$0x3FFC];
	_ =	sdelay $0x3  }
0x95: {  	_ =	strace s4  }
0x96: {  	s4 =	sld [smem:$0x3FFD];
	_ =	sdelay $0x3  }
0x97: {  	_ =	strace s4  }
0x98: {  	_ =	strace $0x8FFFFFFF  }
0x99: {  	s19 =	sld [smem:$0x3FDB];
	_ =	sdelay $0x1  }
0x9a: {  	s5 =	simm.s32 $_scs_section_size  }
0x9b: {  	s6 =	simm.s32 $_size__tile_overlayer_lowered;
	s7 =	simm.s32 $_tile_overlayer_lowered  }
0x9c: {  	s22 =	simm.s32 $0x1BFF;
	s21 =	sshll.u32 s7, $0x1;
	s4 =	sadd.s32 s5, s19  }
0x9d: {  	s8 =	simm.s32 $0x0;
	s20 =	sshll.u32 s6, $0x1;
	s6 =	sadd.s32 s21, s4  }
0x9e: {  	[timem:s8], [sflag:s22] =	dma.local [hbm:s6], s20  }
0x9f: {  	_ =	swait.ge [sflag:s22], s20  }
0xa0: {  	s5 =	ssub.s32 $0x0, s20;
	[sflag:s22] =	ssyncset.done $0x0  }
0xa1: {  	[sflag:s22] =	ssyncadd.s32 s5;
	_ =	sdelay $0x1  }
0xa2: {  	s23 =	simm.s32 $0x1B8B  }
0xa3: {  	_ =	swait.ge [sflag:s23], $0x1  }
0xa4: {  	[sflag:s23] =	ssyncset.done $0x0  }
0xa5: {  	s25 =	simm.s32 $0x1B8E;
	s24 =	sld [smem:$0x3FFE];
	[sflag:s23] =	ssyncadd.s32 $0xFFFFFFFF  }
0xa6: {  	s26 =	simm.s32 $execute0_lowered;
	[smem:$0x3FD2] =	sst s25  }
0xa7: {  	s6 =	sshll.u32 s26, $0x1;
	_ =	strace $0x80000046;
	[dreg:$0x1] =	wrdreg $0xFFFFFFFF  }
0xa8: {  	s28 =	simm.s32 $_size_execute0_lowered;
	s4 =	sadd.s32 s4, s6;
	[dreg:$0x0] =	wrdreg $0x0  }
0xa9: {  	s6 =	sshll.u32 s28, $0x1;
	[dreg:$0x2] =	wrdreg s4  }
0xaa: {  	[dreg:$0x3] =	wrdreg s6  }
0xab: {  	[dreg:$0x4] =	wrdreg $0xC0  }
0xac: {  	_ =	task [dreg:s8], $0x5FFFF  }
0xad: {  	[dreg:$0x1] =	wrdreg $0xFFFFFFFF  }
0xae: {  	[dreg:$0x0] =	wrdreg $0x60  }
0xaf: {  	[dreg:$0x2] =	wrdreg s2  }
0xb0: {  	[dreg:$0x3] =	wrdreg s18  }
0xb1: {  	[dreg:$0x4] =	wrdreg s24  }
0xb2: {  	[dreg:$0x5] =	wrdreg $0x9  }
0xb3: {  	_ =	task.clear_ibuf [dreg:s8], $0x6FFFF;
	_ =	strace $0x90000046  }
0xb4: {  	s29 =	simm.s32 $0x9;
	_ =	strace $0x80000048  }
0xb5: {  	_ =	swait.ge [sflag:s29], $0x1  }
0xb6: {  	[sflag:s29] =	ssyncadd.s32 $0xFFFFFFFF  }
0xb7: {  	_ =	strace $0x90000048  }
0xb8: {  	_ =	sfence  }
0xb9: {  	s30 =	sld [smem:$0x0];
	_ =	sdelay $0x2  }
0xba: {  	s31 =	sshll.u32 s1, $0xD;
	s1 =	sshrl.u32 s1, $0x2  }
0xbb: {  	s3 =	sand.u32 $0x4000, s31;
	s1 =	sadd.s32 s1, s30  }
0xbc: {  	s0 =	sor.u32 s3, s0;
	s1 =	sshll.u32 s1, $0x11  }
0xbd: {  	s0 =	sor.u32 s1, s0  }
0xbe: {  	s0 =	sadd.s32 $0x8F2B, s0  }
0xbf: {  	[sflag:s0] =	ssyncadd.remote.s32 $0x1  }
0xc0: {  	_ =	sfence.sel $0xFFFF  }
0xc1: {  	[dreg:$0x0] =	wrdreg $0xFFFFFFFF;
	(pc) =	sbr.abs _section_cstart, $3  }
0xc2: {  	[dreg:$0x1] =	wrdreg $0xFFFFFFFF  }
0xc3: {  	_ =	task.clear_ibuf [dreg:s8], $0x2FFFF;
	_ =	strace $0x9FFFFFFF  }
0xc4: {  	(tm) =	ssettm $0x7FFFFFFF  }
0xc5: {  	_ =	shalt  }
tec
execute0_lowered:
.L_overlay_start_1:
0x0: {  	(tag) =	ssettag $0x1  }
0x1: {  	s0 =	rddreg [dreg:$0x0]  }
0x2: {  	s1 =	rddreg [dreg:$0x1]  }
0x3: {  	s5 =	rddreg [dreg:$0x2]  }
0x4: {  	s2 =	simm.s32 $0x0;
	s3 =	srdreg.scid;
	s4 =	stileid.u32  }
0x5: {  	s11 =	simm.s32 $0x1400;
	s29 =	simm.s32 $0x1C00;
	s30 =	simm.s32 $0xC00  }
0x6: {  	s18 =	simm.s32 $0x1;
	s10 =	simm.s32 $0x1B00;
	s9 =	simm.s32 $0x1D80  }
0x7: {  	s12 =	simm.s32 $0x1E00;
	s13 =	simm.s32 $0x1E80;
	s14 =	simm.s32 $0x1F00  }
0x8: {  	s15 =	simm.s32 $0x1F80;
	s16 =	simm.s32 $0x2000;
	s17 =	simm.s32 $0x2080  }
0x9: {  	s19 =	simm.s32 $0x2100;
	s20 =	simm.s32 $0x2180;
	s21 =	simm.s32 $0x2200  }
0xa: {  	s22 =	simm.s32 $0x2280;
	s23 =	simm.s32 $0x2300;
	s28 =	simm.s32 $0x0  }
0xb: {  	[smem:$0x7FF] =	sst s2;
	s6 =	sand.u32 $0x1, s3;
	s4 =	sshll.u32 s4, $0x1  }
0xc: {  	s3 =	sadd.s32 $0x1B7E00, s5;
	_ =	strace $0x80000047;
	s7 =	sor.u32 s6, s4  }
0xd: {  	s4 =	sadd.s32 $0x187000, s5;
	s6 =	ssub.s32 $0x2, s6;
	s8 =	sshll.u32 s7, $0x4  }
0xe: {  	s24 =	sshrl.u32 s6, $0x1;
	s7 =	sshll.u32 s7, $0x6;
	s5 =	sadd.s32 s8, s5  }
0xf: {  	s6 =	ssub.s32 s6, s24;
	s0 =	sadd.s32 s0, s7;
	s25 =	sadd.s32 s1, s7  }
.Ltmp0:
0x10: {  	s1 =	simm.s32 $0x1A80;
	s7 =	simm.s32 $0x1C80;
	(pc) =	sbr.rel .LBB2_1-.Ltmp0, $4  }
0x11: {  	s8 =	simm.s32 $0x1D00;
	s24 =	simm.s32 $0x2380;
	[dreg:$0x4] =	wrdreg s0  }
0x12: {  	[dreg:$0x5] =	wrdreg s25;
	s26 =	sadd.s32 $0x600, s5;
	s31 =	smax.u32 s6, $0x1  }
0x13: {  	s0 =	simm.s32 $0x1A00;
	s5 =	simm.s32 $0x1B80;
	[dreg:$0x6] =	wrdreg s26  }
0x14: {  	vm0 =	vmmov $0xffff;
	v0 =	vlaneseq.u32;
	s6 =	simm.s32 $0x2;
	[dreg:$0x7] =	wrdreg s31;
	s26 =	simm.s32 $0x3  }
.LBB2_6:
0x15: {  	[tilespmem:$0x2400] =	vst v1;
	s25 =	rddreg [dreg:$0x6];
	s26 =	simm.s32 $0x2400  }
0x16: {  	[hbm4b:s25+s2] =	stream.linear.scatter [tilespmem:s26], [sflag:$0x3], $0x80, $0x38;
	[tilespmem:$0x2480] =	vst v63  }
0x17: {  	s26 =	simm.s32 $0x3  }
0x18: {  	_ =	swait.ge [sflag:s26], $0x80  }
0x19: {  	s28 =	rddreg [dreg:$0x8]  }
0x1a: {  	s31 =	rddreg [dreg:$0x7];
	s28 =	sadd.s32 $0x1, s28  }
0x1b: {  	p0 =	sne.s32 s28, s31  }
.Ltmp1:
0x1c: {  	_ = 	snop;
	(pc) =	sbr.rel @!p0 .LBB2_7-.Ltmp1, $3  }
0x1d: {  	_ =	sdelay $0x1  }
0x1e: {  	[sflag:s26] =	ssyncset.done $0x0  }
0x1f: {  	[sflag:s26] =	ssyncadd.s32 $0xFFFFFF80  }
.LBB2_1:
0x20: {  	[dreg:$0x8] =	wrdreg s28  }
0x21: {  	s25 =	rddreg [dreg:$0x4]  }
0x22: {  	[tilespmem:s2], [sflag:$0x3] =	stream.linear.gather [hbm4b:s25+s2], $0x200, $0x38;
	[tilespmem:$0x2480] =	vst v63  }
0x23: {  	_ =	swait.ge [sflag:s26], $0x200  }
0x24: {  	[sflag:s26] =	ssyncset.done $0x0  }
0x25: {  	s31 =	simm.s32 $0x200;
	s25 =	rddreg [dreg:$0x5];
	[sflag:s26] =	ssyncadd.s32 $0xFFFFFE00  }
0x26: {  	[tilespmem:s31], [sflag:$0x3] =	stream.linear.gather [hbm4b:s25+s2], $0x200, $0x38;
	[tilespmem:$0x2480] =	vst v63  }
0x27: {  	_ =	swait.ge [sflag:s26], $0x200  }
0x28: {  	[sflag:s26] =	ssyncset.done $0x0  }
0x29: {  	[sflag:s26] =	ssyncadd.s32 $0xFFFFFE00  }
0x2a: {  	v1 =	vld [tilespmem:$0x0];
	_ =	sdelay $0x4  }
0x2b: {  	v1 =	vshll.u32 v1, $0x4  }
0x2c: {  	(v2sf) =	vpush v1, $0x0;
	_ =	sdelay $0x1  }
0x2d: {  	(v2sf) =	vpush v1, $0x1;
	_ =	sdelay $0x2  }
0x2e: {  	(v2sf) =	vpush v1, $0x2  }
0x2f: {  	v2 =	vld [tilespmem:$0x200];
	_ =	sdelay $0x1  }
0x30: {  	(v2sf) =	vpush v1, $0x3;
	_ =	sdelay $0x2  }
0x31: {  	v2 =	vshrl.u32 v2, $0x3;
	_ =	sdelay $0x3  }
0x32: {  	s28 =	spop (v2sf);
	(v2sf) =	vpush v1, $0x4  }
0x33: {  	[tilespmem:s11], [sflag:$0x1] =	stream.indirect_vreg.gather [hbm4b:s4+s2], $0x80, v2, vm0, $0xb8;
	[tilespmem:$0x2480] =	vst v63  }
0x34: {  	s25 =	sand.u32 $0x1FFFFFF0, s28;
	s28 =	spop (v2sf);
	(v2sf) =	vpush v1, $0x5  }
0x35: {  	s31 =	simm.s32 $0x400;
	s25 =	sadd.s32 s3, s25  }
0x36: {  	[tilespmem:s31], [sflag:$0x1] =	stream.linear.gather [hbm4b:s25+s2], $0x80, $0x38;
	[tilespmem:$0x2480] =	vst v63  }
0x37: {  	s25 =	sand.u32 $0x1FFFFFF0, s28;
	s28 =	spop (v2sf);
	(v2sf) =	vpush v1, $0x6  }
0x38: {  	s31 =	simm.s32 $0x480;
	s25 =	sadd.s32 s3, s25  }
0x39: {  	[tilespmem:s31], [sflag:$0x1] =	stream.linear.gather [hbm4b:s25+s2], $0x80, $0x38;
	[tilespmem:$0x2480] =	vst v63  }
0x3a: {  	s25 =	sand.u32 $0x1FFFFFF0, s28;
	s28 =	spop (v2sf);
	(v2sf) =	vpush v1, $0x7;
	_ =	sdelay $0x3  }
0x3b: {  	s31 =	simm.s32 $0x500;
	s25 =	sadd.s32 s3, s25  }
0x3c: {  	[tilespmem:s31], [sflag:$0x1] =	stream.linear.gather [hbm4b:s25+s2], $0x80, $0x38;
	[tilespmem:$0x2480] =	vst v63  }
0x3d: {  	s25 =	sand.u32 $0x1FFFFFF0, s28  }
0x3e: {  	s31 =	simm.s32 $0x580;
	s25 =	sadd.s32 s3, s25;
	s28 =	spop (v2sf);
	(v2sf) =	vpush v1, $0x8  }
0x3f: {  	[tilespmem:s31], [sflag:$0x1] =	stream.linear.gather [hbm4b:s25+s2], $0x80, $0x38;
	[tilespmem:$0x2480] =	vst v63  }
0x40: {  	s25 =	sand.u32 $0x1FFFFFF0, s28;
	s28 =	spop (v2sf);
	(v2sf) =	vpush v1, $0x9  }
0x41: {  	s31 =	simm.s32 $0x600;
	s25 =	sadd.s32 s3, s25  }
0x42: {  	[tilespmem:s31], [sflag:$0x1] =	stream.linear.gather [hbm4b:s25+s2], $0x80, $0x38;
	[tilespmem:$0x2480] =	vst v63  }
0x43: {  	s25 =	sand.u32 $0x1FFFFFF0, s28;
	s28 =	spop (v2sf);
	(v2sf) =	vpush v1, $0xA  }
0x44: {  	s31 =	simm.s32 $0x680;
	s25 =	sadd.s32 s3, s25  }
0x45: {  	[tilespmem:s31], [sflag:$0x1] =	stream.linear.gather [hbm4b:s25+s2], $0x80, $0x38;
	[tilespmem:$0x2480] =	vst v63  }
0x46: {  	s25 =	sand.u32 $0x1FFFFFF0, s28;
	s28 =	spop (v2sf);
	(v2sf) =	vpush v1, $0xB;
	_ =	sdelay $0x3  }
0x47: {  	s31 =	simm.s32 $0x700;
	s25 =	sadd.s32 s3, s25  }
0x48: {  	[tilespmem:s31], [sflag:$0x1] =	stream.linear.gather [hbm4b:s25+s2], $0x80, $0x38;
	[tilespmem:$0x2480] =	vst v63  }
0x49: {  	s25 =	sand.u32 $0x1FFFFFF0, s28  }
0x4a: {  	s31 =	simm.s32 $0x780;
	s25 =	sadd.s32 s3, s25;
	s28 =	spop (v2sf);
	(v2sf) =	vpush v1, $0xC  }
0x4b: {  	[tilespmem:s31], [sflag:$0x1] =	stream.linear.gather [hbm4b:s25+s2], $0x80, $0x38;
	[tilespmem:$0x2480] =	vst v63  }
0x4c: {  	s25 =	sand.u32 $0x1FFFFFF0, s28;
	s28 =	spop (v2sf);
	(v2sf) =	vpush v1, $0xD  }
0x4d: {  	s31 =	simm.s32 $0x800;
	s25 =	sadd.s32 s3, s25  }
0x4e: {  	[tilespmem:s31], [sflag:$0x1] =	stream.linear.gather [hbm4b:s25+s2], $0x80, $0x38;
	[tilespmem:$0x2480] =	vst v63  }
0x4f: {  	s25 =	sand.u32 $0x1FFFFFF0, s28;
	s28 =	spop (v2sf);
	(v2sf) =	vpush v1, $0xE  }
0x50: {  	s31 =	simm.s32 $0x880;
	s25 =	sadd.s32 s3, s25  }
0x51: {  	[tilespmem:s31], [sflag:$0x1] =	stream.linear.gather [hbm4b:s25+s2], $0x80, $0x38;
	[tilespmem:$0x2480] =	vst v63  }
0x52: {  	s25 =	sand.u32 $0x1FFFFFF0, s28;
	s28 =	spop (v2sf);
	(v2sf) =	vpush v1, $0xF;
	_ =	sdelay $0x1  }
0x53: {  	s31 =	simm.s32 $0x900;
	s25 =	sadd.s32 s3, s25  }
0x54: {  	[tilespmem:s31], [sflag:$0x1] =	stream.linear.gather [hbm4b:s25+s2], $0x80, $0x38;
	[tilespmem:$0x2480] =	vst v63  }
0x55: {  	s25 =	sand.u32 $0x1FFFFFF0, s28  }
0x56: {  	s31 =	simm.s32 $0x980;
	s25 =	sadd.s32 s3, s25  }
0x57: {  	[tilespmem:s31], [sflag:$0x1] =	stream.linear.gather [hbm4b:s25+s2], $0x80, $0x38;
	[tilespmem:$0x2480] =	vst v63  }
0x58: {  	s28 =	spop (v2sf)  }
0x59: {  	s25 =	sand.u32 $0x1FFFFFF0, s28  }
0x5a: {  	s31 =	simm.s32 $0xA00;
	s28 =	spop (v2sf);
	s25 =	sadd.s32 s3, s25  }
0x5b: {  	[tilespmem:s31], [sflag:$0x1] =	stream.linear.gather [hbm4b:s25+s2], $0x80, $0x38;
	[tilespmem:$0x2480] =	vst v63  }
0x5c: {  	s25 =	sand.u32 $0x1FFFFFF0, s28  }
0x5d: {  	s31 =	simm.s32 $0xA80;
	s28 =	spop (v2sf);
	s25 =	sadd.s32 s3, s25  }
0x5e: {  	[tilespmem:s31], [sflag:$0x1] =	stream.linear.gather [hbm4b:s25+s2], $0x80, $0x38;
	[tilespmem:$0x2480] =	vst v63  }
0x5f: {  	s25 =	sand.u32 $0x1FFFFFF0, s28  }
0x60: {  	s31 =	simm.s32 $0xB00;
	s28 =	spop (v2sf);
	s25 =	sadd.s32 s3, s25  }
0x61: {  	[tilespmem:s31], [sflag:$0x1] =	stream.linear.gather [hbm4b:s25+s2], $0x80, $0x38;
	[tilespmem:$0x2480] =	vst v63  }
0x62: {  	s25 =	sand.u32 $0x1FFFFFF0, s28  }
0x63: {  	s31 =	simm.s32 $0xB80;
	s25 =	sadd.s32 s3, s25  }
0x64: {  	[tilespmem:s31], [sflag:$0x1] =	stream.linear.gather [hbm4b:s25+s2], $0x80, $0x38;
	[tilespmem:$0x2480] =	vst v63  }
0x65: {  	v1 =	vld [tilespmem:$0x10];
	_ =	sdelay $0x4  }
0x66: {  	v1 =	vshll.u32 v1, $0x4  }
0x67: {  	(v2sf) =	vpush v1, $0x0;
	_ =	sdelay $0x1  }
0x68: {  	(v2sf) =	vpush v1, $0x1;
	_ =	sdelay $0x2  }
0x69: {  	(v2sf) =	vpush v1, $0x2  }
0x6a: {  	v2 =	vld [tilespmem:$0x210];
	_ =	sdelay $0x1  }
0x6b: {  	(v2sf) =	vpush v1, $0x3;
	_ =	sdelay $0x2  }
0x6c: {  	v2 =	vshrl.u32 v2, $0x3;
	_ =	sdelay $0x3  }
0x6d: {  	s26 =	spop (v2sf);
	(v2sf) =	vpush v1, $0x4  }
0x6e: {  	[tilespmem:s29], [sflag:$0x2] =	stream.indirect_vreg.gather [hbm4b:s4+s2], $0x80, v2, vm0, $0xb8;
	[tilespmem:$0x2480] =	vst v63  }
0x6f: {  	s25 =	sand.u32 $0x1FFFFFF0, s26;
	s28 =	spop (v2sf);
	(v2sf) =	vpush v1, $0x5  }
0x70: {  	s25 =	sadd.s32 s3, s25  }
0x71: {  	[tilespmem:s30], [sflag:$0x2] =	stream.linear.gather [hbm4b:s25+s2], $0x80, $0x38;
	[tilespmem:$0x2480] =	vst v63  }
0x72: {  	s25 =	sand.u32 $0x1FFFFFF0, s28;
	s28 =	spop (v2sf);
	(v2sf) =	vpush v1, $0x6  }
0x73: {  	s31 =	simm.s32 $0xC80;
	s25 =	sadd.s32 s3, s25  }
0x74: {  	[tilespmem:s31], [sflag:$0x2] =	stream.linear.gather [hbm4b:s25+s2], $0x80, $0x38;
	[tilespmem:$0x2480] =	vst v63  }
0x75: {  	s25 =	sand.u32 $0x1FFFFFF0, s28;
	s28 =	spop (v2sf);
	(v2sf) =	vpush v1, $0x7;
	_ =	sdelay $0x3  }
0x76: {  	s31 =	simm.s32 $0xD00;
	s25 =	sadd.s32 s3, s25  }
0x77: {  	[tilespmem:s31], [sflag:$0x2] =	stream.linear.gather [hbm4b:s25+s2], $0x80, $0x38;
	[tilespmem:$0x2480] =	vst v63  }
0x78: {  	s25 =	sand.u32 $0x1FFFFFF0, s28  }
0x79: {  	s31 =	simm.s32 $0xD80;
	s25 =	sadd.s32 s3, s25;
	s28 =	spop (v2sf);
	(v2sf) =	vpush v1, $0x8  }
0x7a: {  	[tilespmem:s31], [sflag:$0x2] =	stream.linear.gather [hbm4b:s25+s2], $0x80, $0x38;
	[tilespmem:$0x2480] =	vst v63  }
0x7b: {  	s25 =	sand.u32 $0x1FFFFFF0, s28;
	s28 =	spop (v2sf);
	(v2sf) =	vpush v1, $0x9  }
0x7c: {  	s31 =	simm.s32 $0xE00;
	s25 =	sadd.s32 s3, s25  }
0x7d: {  	[tilespmem:s31], [sflag:$0x2] =	stream.linear.gather [hbm4b:s25+s2], $0x80, $0x38;
	[tilespmem:$0x2480] =	vst v63  }
0x7e: {  	s25 =	sand.u32 $0x1FFFFFF0, s28;
	s28 =	spop (v2sf);
	(v2sf) =	vpush v1, $0xA  }
0x7f: {  	s31 =	simm.s32 $0xE80;
	s25 =	sadd.s32 s3, s25  }
0x80: {  	[tilespmem:s31], [sflag:$0x2] =	stream.linear.gather [hbm4b:s25+s2], $0x80, $0x38;
	[tilespmem:$0x2480] =	vst v63  }
0x81: {  	s25 =	sand.u32 $0x1FFFFFF0, s28;
	s28 =	spop (v2sf);
	(v2sf) =	vpush v1, $0xB;
	_ =	sdelay $0x3  }
0x82: {  	s31 =	simm.s32 $0xF00;
	s25 =	sadd.s32 s3, s25  }
0x83: {  	[tilespmem:s31], [sflag:$0x2] =	stream.linear.gather [hbm4b:s25+s2], $0x80, $0x38;
	[tilespmem:$0x2480] =	vst v63  }
0x84: {  	s25 =	sand.u32 $0x1FFFFFF0, s28  }
0x85: {  	s31 =	simm.s32 $0xF80;
	s25 =	sadd.s32 s3, s25;
	s28 =	spop (v2sf);
	(v2sf) =	vpush v1, $0xC  }
0x86: {  	[tilespmem:s31], [sflag:$0x2] =	stream.linear.gather [hbm4b:s25+s2], $0x80, $0x38;
	[tilespmem:$0x2480] =	vst v63  }
0x87: {  	s25 =	sand.u32 $0x1FFFFFF0, s28;
	s28 =	spop (v2sf);
	(v2sf) =	vpush v1, $0xD  }
0x88: {  	s31 =	simm.s32 $0x1000;
	s25 =	sadd.s32 s3, s25  }
0x89: {  	[tilespmem:s31], [sflag:$0x2] =	stream.linear.gather [hbm4b:s25+s2], $0x80, $0x38;
	[tilespmem:$0x2480] =	vst v63  }
0x8a: {  	s25 =	sand.u32 $0x1FFFFFF0, s28;
	s28 =	spop (v2sf);
	(v2sf) =	vpush v1, $0xE  }
0x8b: {  	s31 =	simm.s32 $0x1080;
	s25 =	sadd.s32 s3, s25  }
0x8c: {  	[tilespmem:s31], [sflag:$0x2] =	stream.linear.gather [hbm4b:s25+s2], $0x80, $0x38;
	[tilespmem:$0x2480] =	vst v63  }
0x8d: {  	s25 =	sand.u32 $0x1FFFFFF0, s28;
	s28 =	spop (v2sf);
	(v2sf) =	vpush v1, $0xF;
	_ =	sdelay $0x1  }
0x8e: {  	s31 =	simm.s32 $0x1100;
	s25 =	sadd.s32 s3, s25  }
0x8f: {  	[tilespmem:s31], [sflag:$0x2] =	stream.linear.gather [hbm4b:s25+s2], $0x80, $0x38;
	[tilespmem:$0x2480] =	vst v63  }
0x90: {  	s25 =	sand.u32 $0x1FFFFFF0, s28  }
0x91: {  	s31 =	simm.s32 $0x1180;
	s25 =	sadd.s32 s3, s25  }
0x92: {  	[tilespmem:s31], [sflag:$0x2] =	stream.linear.gather [hbm4b:s25+s2], $0x80, $0x38;
	[tilespmem:$0x2480] =	vst v63  }
0x93: {  	s28 =	spop (v2sf)  }
0x94: {  	s25 =	sand.u32 $0x1FFFFFF0, s28  }
0x95: {  	s31 =	simm.s32 $0x1200;
	s28 =	spop (v2sf);
	s25 =	sadd.s32 s3, s25  }
0x96: {  	[tilespmem:s31], [sflag:$0x2] =	stream.linear.gather [hbm4b:s25+s2], $0x80, $0x38;
	[tilespmem:$0x2480] =	vst v63  }
0x97: {  	s25 =	sand.u32 $0x1FFFFFF0, s28  }
0x98: {  	s31 =	simm.s32 $0x1280;
	s28 =	spop (v2sf);
	s25 =	sadd.s32 s3, s25  }
0x99: {  	[tilespmem:s31], [sflag:$0x2] =	stream.linear.gather [hbm4b:s25+s2], $0x80, $0x38;
	[tilespmem:$0x2480] =	vst v63  }
0x9a: {  	s25 =	sand.u32 $0x1FFFFFF0, s28  }
0x9b: {  	s31 =	simm.s32 $0x1300;
	s28 =	spop (v2sf);
	s25 =	sadd.s32 s3, s25  }
0x9c: {  	[tilespmem:s31], [sflag:$0x2] =	stream.linear.gather [hbm4b:s25+s2], $0x80, $0x38;
	[tilespmem:$0x2480] =	vst v63  }
0x9d: {  	s25 =	sand.u32 $0x1FFFFFF0, s28  }
0x9e: {  	s31 =	simm.s32 $0x1380;
	s25 =	sadd.s32 s3, s25  }
0x9f: {  	[tilespmem:s31], [sflag:$0x2] =	stream.linear.gather [hbm4b:s25+s2], $0x80, $0x38;
	[tilespmem:$0x2480] =	vst v63  }
0xa0: {  	v1 =	vimm.f32 $0.0e+00;
	s25 =	simm.s32 $0x0  }
.LBB2_2:
0xa1: {  	s26 =	sshra.s32 s25, $0x2  }
0xa2: {  	v2 =	vld [tilespmem:s26+$0x200];
	_ =	swait.ge [sflag:s18], $0x800  }
0xa3: {  	[sflag:s18] =	ssyncset.done $0x0  }
0xa4: {  	[sflag:s18] =	ssyncadd.s32 $0xFFFFF800  }
0xa5: {  	_ =	swait.ge [sflag:s18], $0x80  }
0xa6: {  	[sflag:s18] =	ssyncset.done $0x0  }
0xa7: {  	[sflag:s18] =	ssyncadd.s32 $0xFFFFFF80  }
0xa8: {  	_ =	swait.ge [sflag:s18], $0x80  }
0xa9: {  	[sflag:s18] =	ssyncset.done $0x0  }
0xaa: {  	[sflag:s18] =	ssyncadd.s32 $0xFFFFFF80  }
0xab: {  	_ =	swait.ge [sflag:s18], $0x80  }
0xac: {  	[sflag:s18] =	ssyncset.done $0x0  }
0xad: {  	[sflag:s18] =	ssyncadd.s32 $0xFFFFFF80  }
0xae: {  	_ =	swait.ge [sflag:s18], $0x80  }
0xaf: {  	[sflag:s18] =	ssyncset.done $0x0  }
0xb0: {  	[sflag:s18] =	ssyncadd.s32 $0xFFFFFF80  }
0xb1: {  	_ =	swait.ge [sflag:s18], $0x80  }
0xb2: {  	[sflag:s18] =	ssyncset.done $0x0  }
0xb3: {  	[sflag:s18] =	ssyncadd.s32 $0xFFFFFF80  }
0xb4: {  	_ =	swait.ge [sflag:s18], $0x80  }
0xb5: {  	[sflag:s18] =	ssyncset.done $0x0  }
0xb6: {  	[sflag:s18] =	ssyncadd.s32 $0xFFFFFF80  }
0xb7: {  	_ =	swait.ge [sflag:s18], $0x80  }
0xb8: {  	[sflag:s18] =	ssyncset.done $0x0  }
0xb9: {  	[sflag:s18] =	ssyncadd.s32 $0xFFFFFF80  }
0xba: {  	_ =	swait.ge [sflag:s18], $0x80  }
0xbb: {  	[sflag:s18] =	ssyncset.done $0x0  }
0xbc: {  	[sflag:s18] =	ssyncadd.s32 $0xFFFFFF80  }
0xbd: {  	_ =	swait.ge [sflag:s18], $0x80  }
0xbe: {  	[sflag:s18] =	ssyncset.done $0x0  }
0xbf: {  	[sflag:s18] =	ssyncadd.s32 $0xFFFFFF80  }
0xc0: {  	_ =	swait.ge [sflag:s18], $0x80  }
0xc1: {  	[sflag:s18] =	ssyncset.done $0x0  }
0xc2: {  	[sflag:s18] =	ssyncadd.s32 $0xFFFFFF80  }
0xc3: {  	_ =	swait.ge [sflag:s18], $0x80  }
0xc4: {  	[sflag:s18] =	ssyncset.done $0x0  }
0xc5: {  	[sflag:s18] =	ssyncadd.s32 $0xFFFFFF80  }
0xc6: {  	_ =	swait.ge [sflag:s18], $0x80  }
0xc7: {  	[sflag:s18] =	ssyncset.done $0x0  }
0xc8: {  	[sflag:s18] =	ssyncadd.s32 $0xFFFFFF80  }
0xc9: {  	_ =	swait.ge [sflag:s18], $0x80  }
0xca: {  	[sflag:s18] =	ssyncset.done $0x0  }
0xcb: {  	[sflag:s18] =	ssyncadd.s32 $0xFFFFFF80  }
0xcc: {  	_ =	swait.ge [sflag:s18], $0x80  }
0xcd: {  	[sflag:s18] =	ssyncset.done $0x0  }
0xce: {  	[sflag:s18] =	ssyncadd.s32 $0xFFFFFF80  }
0xcf: {  	_ =	swait.ge [sflag:s18], $0x80  }
0xd0: {  	[sflag:s18] =	ssyncset.done $0x0  }
0xd1: {  	[sflag:s18] =	ssyncadd.s32 $0xFFFFFF80  }
0xd2: {  	v8 =	vshll.u32 v2, $0x4;
	_ =	swait.ge [sflag:s18], $0x80  }
0xd3: {  	(v2sf) =	vpush v8, $0x0;
	_ =	sdelay $0x1  }
0xd4: {  	(v2sf) =	vpush v8, $0x1;
	_ =	sdelay $0x1  }
0xd5: {  	(v2sf) =	vpush v8, $0x2  }
0xd6: {  	(v2sf) =	vpush v8, $0x3;
	_ =	sdelay $0x1  }
0xd7: {  	(v2sf) =	vpush v8, $0x4;
	_ =	sdelay $0x1  }
0xd8: {  	(v2sf) =	vpush v8, $0x5;
	_ =	sdelay $0x1  }
0xd9: {  	(v2sf) =	vpush v8, $0x6;
	_ =	sdelay $0x1  }
0xda: {  	(v2sf) =	vpush v8, $0x7;
	_ =	sdelay $0x1  }
0xdb: {  	s28 =	spop (v2sf);
	(v2sf) =	vpush v8, $0x8;
	_ =	sdelay $0x1  }
0xdc: {  	[sflag:s18] =	ssyncset.done $0x0;
	s31 =	spop (v2sf);
	(v2sf) =	vpush v8, $0x9  }
0xdd: {  	[sflag:s18] =	ssyncadd.s32 $0xFFFFFF80;
	s28 =	sand.u32 $0x70, s28  }
0xde: {  	v2 =	vld [tilespmem:$0x400];
	v3 =	vor.u32 s28, v0;
	s28 =	sand.u32 $0x70, s31;
	s31 =	spop (v2sf);
	(v2sf) =	vpush v8, $0xA  }
0xdf: {  	v11 =	vld [tilespmem:$0x600];
	v5 =	vor.u32 s28, v0;
	s28 =	sand.u32 $0x70, s31;
	s31 =	spop (v2sf)  }
0xe0: {  	v15 =	vld [tilespmem:$0x680];
	(v2sf) =	vpush v8, $0xB;
	v7 =	vor.u32 s28, v0;
	s28 =	sand.u32 $0x70, s31  }
0xe1: {  	v18 =	vld [tilespmem:$0x700];
	v10 =	vor.u32 s28, v0;
	s28 =	spop (v2sf)  }
0xe2: {  	v20 =	vld [tilespmem:$0x780];
	(v2sf) =	vpush v8, $0xC;
	s28 =	sand.u32 $0x70, s28  }
0xe3: {  	v23 =	vld [tilespmem:$0x800];
	v12 =	vor.u32 s28, v0;
	s28 =	spop (v2sf)  }
0xe4: {  	v27 =	vld [tilespmem:$0x880];
	(v2sf) =	vpush v8, $0xD;
	s28 =	sand.u32 $0x70, s28  }
0xe5: {  	v29 =	vld [tilespmem:$0x900];
	v14 =	vor.u32 s28, v0;
	s28 =	spop (v2sf)  }
0xe6: {  	v30 =	vld [tilespmem:$0x980];
	(v2sf) =	vpush v8, $0xE;
	s28 =	sand.u32 $0x70, s28  }
0xe7: {  	v26 =	vld [tilespmem:$0xA00];
	s31 =	simm.s32 $0x1480;
	v16 =	vor.u32 s28, v0;
	s28 =	spop (v2sf);
	(v2sf) =	vpush v8, $0xF  }
0xe8: {  	v6 =	vld.idx.msk [tilespmem:v5+s31+$0x0], $0xffff;
	s31 =	simm.s32 $0x1500;
	s28 =	sand.u32 $0x70, s28  }
0xe9: {  	v9 =	vld.idx.msk [tilespmem:v7+s31+$0x0], $0xffff;
	s31 =	simm.s32 $0x1580;
	v8 =	vor.u32 s28, v0;
	s28 =	spop (v2sf)  }
0xea: {  	v10 =	vld.idx.msk [tilespmem:v10+s31+$0x0], $0xffff;
	s31 =	simm.s32 $0x1600;
	s28 =	sand.u32 $0x70, s28  }
0xeb: {  	v13 =	vld.idx.msk [tilespmem:v12+s31+$0x0], $0xffff;
	v12 =	vor.u32 s28, v0;
	s28 =	spop (v2sf)  }
0xec: {  	v21 =	vld [tilespmem:$0xA80];
	s31 =	simm.s32 $0x1680;
	s28 =	sand.u32 $0x70, s28  }
0xed: {  	v17 =	vld.idx.msk [tilespmem:v14+s31+$0x0], $0xffff;
	s31 =	simm.s32 $0x1700;
	v14 =	vor.u32 s28, v0;
	s28 =	spop (v2sf)  }
0xee: {  	v19 =	vld.idx.msk [tilespmem:v16+s31+$0x0], $0xffff;
	s31 =	simm.s32 $0x1780;
	s28 =	sand.u32 $0x70, s28  }
0xef: {  	v22 =	vld.idx.msk [tilespmem:v8+s31+$0x0], $0xffff;
	v8 =	vor.u32 s28, v0;
	s28 =	spop (v2sf)  }
0xf0: {  	v4 =	vld.idx.msk [tilespmem:v3+s11+$0x0], $0xffff;
	s31 =	simm.s32 $0x1800;
	s28 =	sand.u32 $0x70, s28  }
0xf1: {  	v25 =	vld.idx.msk [tilespmem:v12+s31+$0x0], $0xffff;
	v12 =	vor.u32 s28, v0;
	s28 =	spop (v2sf)  }
0xf2: {  	v3 =	vld [tilespmem:$0x480];
	s31 =	simm.s32 $0x1880;
	s28 =	sand.u32 $0x70, s28  }
0xf3: {  	v28 =	vld.idx.msk [tilespmem:v14+s31+$0x0], $0xffff;
	v14 =	vor.u32 s28, v0;
	s28 =	spop (v2sf)  }
0xf4: {  	v5 =	vld [tilespmem:$0x500];
	s31 =	simm.s32 $0x1900;
	s28 =	sand.u32 $0x70, s28  }
0xf5: {  	v32 =	vld.idx.msk [tilespmem:v8+s31+$0x0], $0xffff;
	s31 =	simm.s32 $0x1980;
	v8 =	vor.u32 s28, v0;
	s28 =	spop (v2sf)  }
0xf6: {  	v33 =	vld.idx.msk [tilespmem:v12+s31+$0x0], $0xffff;
	s28 =	sand.u32 $0x70, s28;
	s31 =	spop (v2sf)  }
0xf7: {  	v7 =	vld [tilespmem:$0x580];
	v12 =	vor.u32 s28, v0;
	s28 =	sand.u32 $0x70, s31  }
0xf8: {  	p0 =	seq.s32 s25, $0x780;
	v31 =	vld.idx.msk [tilespmem:v14+s0+$0x0], $0xffff;
	v34 =	vor.u32 s28, v0  }
.Ltmp2:
0xf9: {  	v14 =	vld [tilespmem:$0xB00];
	(pc) =	sbr.rel @p0 .LBB2_4-.Ltmp2, $4  }
0xfa: {  	v24 =	vld.idx.msk [tilespmem:v8+s1+$0x0], $0xffff  }
0xfb: {  	v8 =	vld [tilespmem:$0xB80]  }
0xfc: {  	v16 =	vld.idx.msk [tilespmem:v12+s10+$0x0], $0xffff  }
0xfd: {  	v12 =	vld.idx.msk [tilespmem:v34+s5+$0x0], $0xffff  }
0xfe: {  	v34 =	vld [tilespmem:s26+$0x20];
	_ =	sdelay $0x4  }
0xff: {  	v34 =	vshll.u32 v34, $0x4  }
0x100: {  	(v2sf) =	vpush v34, $0x0;
	_ =	sdelay $0x1  }
0x101: {  	(v2sf) =	vpush v34, $0x1;
	_ =	sdelay $0x2  }
0x102: {  	(v2sf) =	vpush v34, $0x2  }
0x103: {  	v35 =	vld [tilespmem:s26+$0x220];
	_ =	sdelay $0x1  }
0x104: {  	(v2sf) =	vpush v34, $0x3;
	_ =	sdelay $0x2  }
0x105: {  	v35 =	vshrl.u32 v35, $0x3;
	_ =	sdelay $0x3  }
0x106: {  	s28 =	spop (v2sf);
	(v2sf) =	vpush v34, $0x4  }
0x107: {  	[tilespmem:s11], [sflag:$0x1] =	stream.indirect_vreg.gather [hbm4b:s4+s2], $0x80, v35, vm0, $0xb8;
	[tilespmem:$0x2480] =	vst v63  }
0x108: {  	s28 =	sand.u32 $0x1FFFFFF0, s28;
	s31 =	spop (v2sf);
	(v2sf) =	vpush v34, $0x5  }
0x109: {  	s30 =	simm.s32 $0x400;
	s28 =	sadd.s32 s3, s28  }
0x10a: {  	[tilespmem:s30], [sflag:$0x1] =	stream.linear.gather [hbm4b:s28+s2], $0x80, $0x38;
	[tilespmem:$0x2480] =	vst v63  }
0x10b: {  	s28 =	sand.u32 $0x1FFFFFF0, s31;
	s31 =	spop (v2sf);
	(v2sf) =	vpush v34, $0x6  }
0x10c: {  	s30 =	simm.s32 $0x480;
	s28 =	sadd.s32 s3, s28  }
0x10d: {  	[tilespmem:s30], [sflag:$0x1] =	stream.linear.gather [hbm4b:s28+s2], $0x80, $0x38;
	[tilespmem:$0x2480] =	vst v63  }
0x10e: {  	s28 =	sand.u32 $0x1FFFFFF0, s31;
	s31 =	spop (v2sf);
	(v2sf) =	vpush v34, $0x7;
	_ =	sdelay $0x3  }
0x10f: {  	s30 =	simm.s32 $0x500;
	s28 =	sadd.s32 s3, s28  }
0x110: {  	[tilespmem:s30], [sflag:$0x1] =	stream.linear.gather [hbm4b:s28+s2], $0x80, $0x38;
	[tilespmem:$0x2480] =	vst v63  }
0x111: {  	s28 =	sand.u32 $0x1FFFFFF0, s31  }
0x112: {  	s30 =	simm.s32 $0x580;
	s28 =	sadd.s32 s3, s28;
	s31 =	spop (v2sf);
	(v2sf) =	vpush v34, $0x8  }
0x113: {  	[tilespmem:s30], [sflag:$0x1] =	stream.linear.gather [hbm4b:s28+s2], $0x80, $0x38;
	[tilespmem:$0x2480] =	vst v63  }
0x114: {  	s28 =	sand.u32 $0x1FFFFFF0, s31;
	s31 =	spop (v2sf);
	(v2sf) =	vpush v34, $0x9  }
0x115: {  	s30 =	simm.s32 $0x600;
	s28 =	sadd.s32 s3, s28  }
0x116: {  	[tilespmem:s30], [sflag:$0x1] =	stream.linear.gather [hbm4b:s28+s2], $0x80, $0x38;
	[tilespmem:$0x2480] =	vst v63  }
0x117: {  	s28 =	sand.u32 $0x1FFFFFF0, s31;
	s31 =	spop (v2sf);
	(v2sf) =	vpush v34, $0xA  }
0x118: {  	s30 =	simm.s32 $0x680;
	s28 =	sadd.s32 s3, s28  }
0x119: {  	[tilespmem:s30], [sflag:$0x1] =	stream.linear.gather [hbm4b:s28+s2], $0x80, $0x38;
	[tilespmem:$0x2480] =	vst v63  }
0x11a: {  	s28 =	sand.u32 $0x1FFFFFF0, s31;
	s31 =	spop (v2sf);
	(v2sf) =	vpush v34, $0xB;
	_ =	sdelay $0x3  }
0x11b: {  	s30 =	simm.s32 $0x700;
	s28 =	sadd.s32 s3, s28  }
0x11c: {  	[tilespmem:s30], [sflag:$0x1] =	stream.linear.gather [hbm4b:s28+s2], $0x80, $0x38;
	[tilespmem:$0x2480] =	vst v63  }
0x11d: {  	s28 =	sand.u32 $0x1FFFFFF0, s31  }
0x11e: {  	s30 =	simm.s32 $0x780;
	s28 =	sadd.s32 s3, s28;
	s31 =	spop (v2sf);
	(v2sf) =	vpush v34, $0xC  }
0x11f: {  	[tilespmem:s30], [sflag:$0x1] =	stream.linear.gather [hbm4b:s28+s2], $0x80, $0x38;
	[tilespmem:$0x2480] =	vst v63  }
0x120: {  	s28 =	sand.u32 $0x1FFFFFF0, s31;
	s31 =	spop (v2sf);
	(v2sf) =	vpush v34, $0xD  }
0x121: {  	s30 =	simm.s32 $0x800;
	s28 =	sadd.s32 s3, s28  }
0x122: {  	[tilespmem:s30], [sflag:$0x1] =	stream.linear.gather [hbm4b:s28+s2], $0x80, $0x38;
	[tilespmem:$0x2480] =	vst v63  }
0x123: {  	s28 =	sand.u32 $0x1FFFFFF0, s31;
	s31 =	spop (v2sf);
	(v2sf) =	vpush v34, $0xE  }
0x124: {  	s30 =	simm.s32 $0x880;
	s28 =	sadd.s32 s3, s28  }
0x125: {  	[tilespmem:s30], [sflag:$0x1] =	stream.linear.gather [hbm4b:s28+s2], $0x80, $0x38;
	[tilespmem:$0x2480] =	vst v63  }
0x126: {  	s28 =	sand.u32 $0x1FFFFFF0, s31;
	s31 =	spop (v2sf);
	(v2sf) =	vpush v34, $0xF;
	_ =	sdelay $0x1  }
0x127: {  	s30 =	simm.s32 $0x900;
	s28 =	sadd.s32 s3, s28  }
0x128: {  	[tilespmem:s30], [sflag:$0x1] =	stream.linear.gather [hbm4b:s28+s2], $0x80, $0x38;
	[tilespmem:$0x2480] =	vst v63  }
0x129: {  	s28 =	sand.u32 $0x1FFFFFF0, s31  }
0x12a: {  	s30 =	simm.s32 $0x980;
	s28 =	sadd.s32 s3, s28  }
0x12b: {  	[tilespmem:s30], [sflag:$0x1] =	stream.linear.gather [hbm4b:s28+s2], $0x80, $0x38;
	[tilespmem:$0x2480] =	vst v63  }
0x12c: {  	s31 =	spop (v2sf)  }
0x12d: {  	s28 =	sand.u32 $0x1FFFFFF0, s31  }
0x12e: {  	s30 =	simm.s32 $0xA00;
	s31 =	spop (v2sf);
	s28 =	sadd.s32 s3, s28  }
0x12f: {  	[tilespmem:s30], [sflag:$0x1] =	stream.linear.gather [hbm4b:s28+s2], $0x80, $0x38;
	[tilespmem:$0x2480] =	vst v63  }
0x130: {  	s28 =	sand.u32 $0x1FFFFFF0, s31  }
0x131: {  	s30 =	simm.s32 $0xA80;
	s31 =	spop (v2sf);
	s28 =	sadd.s32 s3, s28  }
0x132: {  	[tilespmem:s30], [sflag:$0x1] =	stream.linear.gather [hbm4b:s28+s2], $0x80, $0x38;
	[tilespmem:$0x2480] =	vst v63  }
0x133: {  	s28 =	sand.u32 $0x1FFFFFF0, s31  }
0x134: {  	s30 =	simm.s32 $0xB00;
	s31 =	spop (v2sf);
	s28 =	sadd.s32 s3, s28  }
0x135: {  	[tilespmem:s30], [sflag:$0x1] =	stream.linear.gather [hbm4b:s28+s2], $0x80, $0x38;
	[tilespmem:$0x2480] =	vst v63  }
0x136: {  	s28 =	sand.u32 $0x1FFFFFF0, s31  }
0x137: {  	s30 =	simm.s32 $0xB80;
	s28 =	sadd.s32 s3, s28  }
0x138: {  	[tilespmem:s30], [sflag:$0x1] =	stream.linear.gather [hbm4b:s28+s2], $0x80, $0x38;
	[tilespmem:$0x2480] =	vst v63  }
0x139: {  	s30 =	simm.s32 $0xC00  }
.LBB2_4:
0x13a: {  	v34 =	vld [tilespmem:s26+$0x210];
	_ =	swait.ge [sflag:s6], $0x800  }
0x13b: {  	[sflag:s6] =	ssyncset.done $0x0  }
0x13c: {  	[sflag:s6] =	ssyncadd.s32 $0xFFFFF800  }
0x13d: {  	_ =	swait.ge [sflag:s6], $0x80  }
0x13e: {  	[sflag:s6] =	ssyncset.done $0x0  }
0x13f: {  	[sflag:s6] =	ssyncadd.s32 $0xFFFFFF80  }
0x140: {  	_ =	swait.ge [sflag:s6], $0x80  }
0x141: {  	[sflag:s6] =	ssyncset.done $0x0  }
0x142: {  	[sflag:s6] =	ssyncadd.s32 $0xFFFFFF80  }
0x143: {  	_ =	swait.ge [sflag:s6], $0x80  }
0x144: {  	[sflag:s6] =	ssyncset.done $0x0  }
0x145: {  	[sflag:s6] =	ssyncadd.s32 $0xFFFFFF80  }
0x146: {  	_ =	swait.ge [sflag:s6], $0x80  }
0x147: {  	[sflag:s6] =	ssyncset.done $0x0  }
0x148: {  	[sflag:s6] =	ssyncadd.s32 $0xFFFFFF80  }
0x149: {  	_ =	swait.ge [sflag:s6], $0x80  }
0x14a: {  	[sflag:s6] =	ssyncset.done $0x0  }
0x14b: {  	[sflag:s6] =	ssyncadd.s32 $0xFFFFFF80  }
0x14c: {  	_ =	swait.ge [sflag:s6], $0x80  }
0x14d: {  	[sflag:s6] =	ssyncset.done $0x0  }
0x14e: {  	[sflag:s6] =	ssyncadd.s32 $0xFFFFFF80  }
0x14f: {  	_ =	swait.ge [sflag:s6], $0x80  }
0x150: {  	[sflag:s6] =	ssyncset.done $0x0  }
0x151: {  	[sflag:s6] =	ssyncadd.s32 $0xFFFFFF80  }
0x152: {  	_ =	swait.ge [sflag:s6], $0x80  }
0x153: {  	[sflag:s6] =	ssyncset.done $0x0  }
0x154: {  	[sflag:s6] =	ssyncadd.s32 $0xFFFFFF80  }
0x155: {  	_ =	swait.ge [sflag:s6], $0x80  }
0x156: {  	[sflag:s6] =	ssyncset.done $0x0  }
0x157: {  	[sflag:s6] =	ssyncadd.s32 $0xFFFFFF80  }
0x158: {  	_ =	swait.ge [sflag:s6], $0x80  }
0x159: {  	[sflag:s6] =	ssyncset.done $0x0  }
0x15a: {  	[sflag:s6] =	ssyncadd.s32 $0xFFFFFF80  }
0x15b: {  	_ =	swait.ge [sflag:s6], $0x80  }
0x15c: {  	[sflag:s6] =	ssyncset.done $0x0  }
0x15d: {  	[sflag:s6] =	ssyncadd.s32 $0xFFFFFF80  }
0x15e: {  	_ =	swait.ge [sflag:s6], $0x80  }
0x15f: {  	[sflag:s6] =	ssyncset.done $0x0  }
0x160: {  	[sflag:s6] =	ssyncadd.s32 $0xFFFFFF80  }
0x161: {  	_ =	swait.ge [sflag:s6], $0x80  }
0x162: {  	[sflag:s6] =	ssyncset.done $0x0  }
0x163: {  	[sflag:s6] =	ssyncadd.s32 $0xFFFFFF80  }
0x164: {  	_ =	swait.ge [sflag:s6], $0x80  }
0x165: {  	v2 =	vmul.f32 v4, v2;
	[sflag:s6] =	ssyncset.done $0x0  }
0x166: {  	[sflag:s6] =	ssyncadd.s32 $0xFFFFFF80  }
0x167: {  	v1 =	vadd.f32 v2, v1;
	v2 =	vmul.f32 v6, v3;
	_ =	swait.ge [sflag:s6], $0x80  }
0x168: {  	[sflag:s6] =	ssyncset.done $0x0  }
0x169: {  	v1 =	vadd.f32 v2, v1;
	v2 =	vmul.f32 v9, v5;
	[sflag:s6] =	ssyncadd.s32 $0xFFFFFF80  }
0x16a: {  	v3 =	vshll.u32 v34, $0x4;
	_ =	swait.ge [sflag:s6], $0x80  }
0x16b: {  	v1 =	vadd.f32 v2, v1;
	v2 =	vmul.f32 v10, v7;
	(v2sf) =	vpush v3, $0x0;
	_ =	sdelay $0x1  }
0x16c: {  	v1 =	vadd.f32 v2, v1;
	v2 =	vmul.f32 v13, v11;
	(v2sf) =	vpush v3, $0x1;
	_ =	sdelay $0x1  }
0x16d: {  	v1 =	vadd.f32 v2, v1;
	v2 =	vmul.f32 v17, v15;
	(v2sf) =	vpush v3, $0x2;
	_ =	sdelay $0x1  }
0x16e: {  	v1 =	vadd.f32 v2, v1;
	v2 =	vmul.f32 v19, v18;
	(v2sf) =	vpush v3, $0x3;
	_ =	sdelay $0x1  }
0x16f: {  	v1 =	vadd.f32 v2, v1;
	v2 =	vmul.f32 v22, v20;
	(v2sf) =	vpush v3, $0x4;
	_ =	sdelay $0x1  }
0x170: {  	v1 =	vadd.f32 v2, v1;
	v2 =	vmul.f32 v25, v23;
	(v2sf) =	vpush v3, $0x5;
	_ =	sdelay $0x1  }
0x171: {  	v1 =	vadd.f32 v2, v1;
	v2 =	vmul.f32 v28, v27;
	(v2sf) =	vpush v3, $0x6;
	_ =	sdelay $0x1  }
0x172: {  	v1 =	vadd.f32 v2, v1;
	v2 =	vmul.f32 v32, v29;
	(v2sf) =	vpush v3, $0x7  }
0x173: {  	s28 =	spop (v2sf)  }
0x174: {  	v1 =	vadd.f32 v2, v1;
	v2 =	vmul.f32 v33, v30;
	(v2sf) =	vpush v3, $0x8;
	s28 =	sand.u32 $0x70, s28  }
0x175: {  	s31 =	spop (v2sf);
	v28 =	vor.u32 s28, v0  }
0x176: {  	v1 =	vadd.f32 v2, v1;
	v2 =	vmul.f32 v31, v26;
	(v2sf) =	vpush v3, $0x9;
	s28 =	sand.u32 $0x70, s31  }
0x177: {  	[sflag:s6] =	ssyncset.done $0x0;
	s31 =	spop (v2sf);
	(v2sf) =	vpush v3, $0xA;
	v29 =	vor.u32 s28, v0  }
0x178: {  	v1 =	vadd.f32 v2, v1;
	v2 =	vmul.f32 v24, v21;
	[sflag:s6] =	ssyncadd.s32 $0xFFFFFF80;
	s28 =	sand.u32 $0x70, s31  }
0x179: {  	v30 =	vld [tilespmem:$0xC00];
	s31 =	spop (v2sf);
	v31 =	vor.u32 s28, v0  }
0x17a: {  	v1 =	vadd.f32 v2, v1;
	v2 =	vmul.f32 v16, v14;
	(v2sf) =	vpush v3, $0xB;
	s28 =	sand.u32 $0x70, s31;
	v4 =	vld.idx.msk [tilespmem:v28+s29+$0x0], $0xffff  }
0x17b: {  	v32 =	vld [tilespmem:$0xC80];
	s31 =	spop (v2sf);
	v33 =	vor.u32 s28, v0  }
0x17c: {  	v1 =	vadd.f32 v2, v1;
	(v2sf) =	vpush v3, $0xC;
	s28 =	sand.u32 $0x70, s31;
	v5 =	vld.idx.msk [tilespmem:v29+s7+$0x0], $0xffff  }
0x17d: {  	v2 =	vmul.f32 v12, v8;
	v34 =	vld [tilespmem:$0xD00];
	s31 =	spop (v2sf);
	(v2sf) =	vpush v3, $0xD;
	v35 =	vor.u32 s28, v0  }
0x17e: {  	s28 =	sand.u32 $0x70, s31;
	v7 =	vld.idx.msk [tilespmem:v31+s8+$0x0], $0xffff  }
0x17f: {  	v1 =	vadd.f32 v2, v1;
	v36 =	vld [tilespmem:$0xD80];
	s31 =	spop (v2sf);
	v37 =	vor.u32 s28, v0;
	v2 =	vmul.f32 v4, v30  }
0x180: {  	(v2sf) =	vpush v3, $0xE;
	s28 =	sand.u32 $0x70, s31;
	v10 =	vld.idx.msk [tilespmem:v33+s9+$0x0], $0xffff  }
0x181: {  	v38 =	vld [tilespmem:$0xE00];
	s31 =	spop (v2sf);
	v39 =	vor.u32 s28, v0;
	v1 =	vadd.f32 v2, v1;
	v2 =	vmul.f32 v5, v32  }
0x182: {  	(v2sf) =	vpush v3, $0xF;
	s28 =	sand.u32 $0x70, s31;
	v11 =	vld.idx.msk [tilespmem:v35+s12+$0x0], $0xffff  }
0x183: {  	v40 =	vld [tilespmem:$0xE80];
	v3 =	vor.u32 s28, v0;
	s31 =	spop (v2sf);
	v1 =	vadd.f32 v2, v1;
	v2 =	vmul.f32 v7, v34  }
0x184: {  	v6 =	vld.idx.msk [tilespmem:v37+s13+$0x0], $0xffff;
	s28 =	sand.u32 $0x70, s31  }
0x185: {  	v42 =	vld [tilespmem:$0xF00];
	s31 =	spop (v2sf);
	v41 =	vor.u32 s28, v0;
	v1 =	vadd.f32 v2, v1;
	v2 =	vmul.f32 v10, v36  }
0x186: {  	v9 =	vld.idx.msk [tilespmem:v39+s14+$0x0], $0xffff;
	s28 =	sand.u32 $0x70, s31;
	s31 =	spop (v2sf)  }
0x187: {  	v44 =	vld [tilespmem:$0xF80];
	v43 =	vor.u32 s28, v0;
	s28 =	sand.u32 $0x70, s31;
	v1 =	vadd.f32 v2, v1;
	v2 =	vmul.f32 v11, v38  }
0x188: {  	v3 =	vld.idx.msk [tilespmem:v3+s15+$0x0], $0xffff;
	v45 =	vor.u32 s28, v0  }
0x189: {  	v46 =	vld [tilespmem:$0x1000];
	s31 =	spop (v2sf);
	v1 =	vadd.f32 v2, v1;
	v2 =	vmul.f32 v6, v40  }
0x18a: {  	s28 =	sand.u32 $0x70, s31;
	v47 =	vld.idx.msk [tilespmem:v41+s16+$0x0], $0xffff  }
0x18b: {  	v49 =	vld [tilespmem:$0x1080];
	s31 =	spop (v2sf);
	v48 =	vor.u32 s28, v0;
	v1 =	vadd.f32 v2, v1;
	v2 =	vmul.f32 v9, v42  }
0x18c: {  	s28 =	sand.u32 $0x70, s31;
	s31 =	spop (v2sf);
	v50 =	vld.idx.msk [tilespmem:v43+s17+$0x0], $0xffff  }
0x18d: {  	v51 =	vor.u32 s28, v0;
	s28 =	sand.u32 $0x70, s31;
	v52 =	vld.idx.msk [tilespmem:v45+s19+$0x0], $0xffff;
	v1 =	vadd.f32 v2, v1;
	v2 =	vmul.f32 v3, v44  }
0x18e: {  	v53 =	vor.u32 s28, v0;
	v3 =	vld [tilespmem:$0x1100]  }
0x18f: {  	v54 =	vld [tilespmem:$0x1180];
	s31 =	spop (v2sf);
	v1 =	vadd.f32 v2, v1;
	v2 =	vmul.f32 v47, v46  }
0x190: {  	s28 =	sand.u32 $0x70, s31;
	v55 =	vld.idx.msk [tilespmem:v48+s20+$0x0], $0xffff  }
0x191: {  	v56 =	vld [tilespmem:$0x1200];
	s31 =	spop (v2sf);
	v57 =	vor.u32 s28, v0;
	v1 =	vadd.f32 v2, v1;
	v2 =	vmul.f32 v50, v49  }
0x192: {  	s28 =	sand.u32 $0x70, s31;
	v58 =	vld.idx.msk [tilespmem:v51+s21+$0x0], $0xffff  }
0x193: {  	v59 =	vor.u32 s28, v0;
	v60 =	vld.idx.msk [tilespmem:v53+s22+$0x0], $0xffff;
	v1 =	vadd.f32 v2, v1;
	v2 =	vmul.f32 v52, v3  }
0x194: {  	v3 =	vld [tilespmem:$0x1280]  }
0x195: {  	v61 =	vld [tilespmem:$0x1300];
	v1 =	vadd.f32 v2, v1;
	v2 =	vmul.f32 v55, v54  }
0x196: {  	v62 =	vld.idx.msk [tilespmem:v57+s23+$0x0], $0xffff  }
0x197: {  	v63 =	vld [tilespmem:$0x1380];
	v1 =	vadd.f32 v2, v1;
	v2 =	vmul.f32 v58, v56  }
0x198: {  	v5 =	vld.idx.msk [tilespmem:v59+s24+$0x0], $0xffff  }
0x199: {  	v1 =	vadd.f32 v2, v1;
	v2 =	vmul.f32 v60, v3;
	_ =	sdelay $0x1  }
0x19a: {  	v1 =	vadd.f32 v2, v1;
	v2 =	vmul.f32 v62, v61  }
.Ltmp3:
0x19b: {  	_ = 	snop;
	(pc) =	sbr.rel @p0 .LBB2_6-.Ltmp3, $2  }
0x19c: {  	v1 =	vadd.f32 v2, v1;
	v2 =	vmul.f32 v5, v63;
	_ =	sdelay $0x1  }
0x19d: {  	v1 =	vadd.f32 v2, v1;
	_ =	sdelay $0x1  }
0x19e: {  	v2 =	vld [tilespmem:s26+$0x30];
	_ =	sdelay $0x4  }
0x19f: {  	v2 =	vshll.u32 v2, $0x4  }
0x1a0: {  	(v2sf) =	vpush v2, $0x0;
	_ =	sdelay $0x1  }
0x1a1: {  	(v2sf) =	vpush v2, $0x1;
	_ =	sdelay $0x1  }
0x1a2: {  	v3 =	vld [tilespmem:s26+$0x230];
	_ =	sdelay $0x2  }
0x1a3: {  	(v2sf) =	vpush v2, $0x2;
	_ =	sdelay $0x1  }
0x1a4: {  	v3 =	vshrl.u32 v3, $0x3;
	(v2sf) =	vpush v2, $0x3;
	_ =	sdelay $0x4  }
0x1a5: {  	[tilespmem:s29], [sflag:$0x2] =	stream.indirect_vreg.gather [hbm4b:s4+s2], $0x80, v3, vm0, $0xb8;
	[tilespmem:$0x2480] =	vst v63  }
0x1a6: {  	s28 =	spop (v2sf);
	(v2sf) =	vpush v2, $0x4  }
0x1a7: {  	s26 =	sand.u32 $0x1FFFFFF0, s28  }
0x1a8: {  	s31 =	spop (v2sf);
	(v2sf) =	vpush v2, $0x5;
	s26 =	sadd.s32 s3, s26  }
0x1a9: {  	[tilespmem:s30], [sflag:$0x2] =	stream.linear.gather [hbm4b:s26+s2], $0x80, $0x38;
	[tilespmem:$0x2480] =	vst v63  }
0x1aa: {  	s26 =	sand.u32 $0x1FFFFFF0, s31  }
0x1ab: {  	s28 =	simm.s32 $0xC80;
	s26 =	sadd.s32 s3, s26  }
0x1ac: {  	[tilespmem:s28], [sflag:$0x2] =	stream.linear.gather [hbm4b:s26+s2], $0x80, $0x38;
	[tilespmem:$0x2480] =	vst v63  }
0x1ad: {  	s28 =	spop (v2sf);
	(v2sf) =	vpush v2, $0x6;
	_ =	sdelay $0x1  }
0x1ae: {  	s26 =	sand.u32 $0x1FFFFFF0, s28;
	s28 =	spop (v2sf);
	(v2sf) =	vpush v2, $0x7;
	_ =	sdelay $0x2  }
0x1af: {  	s31 =	simm.s32 $0xD00;
	s26 =	sadd.s32 s3, s26  }
0x1b0: {  	[tilespmem:s31], [sflag:$0x2] =	stream.linear.gather [hbm4b:s26+s2], $0x80, $0x38;
	[tilespmem:$0x2480] =	vst v63  }
0x1b1: {  	s26 =	sand.u32 $0x1FFFFFF0, s28  }
0x1b2: {  	s31 =	simm.s32 $0xD80;
	s26 =	sadd.s32 s3, s26;
	s28 =	spop (v2sf);
	(v2sf) =	vpush v2, $0x8  }
0x1b3: {  	[tilespmem:s31], [sflag:$0x2] =	stream.linear.gather [hbm4b:s26+s2], $0x80, $0x38;
	[tilespmem:$0x2480] =	vst v63  }
0x1b4: {  	s26 =	sand.u32 $0x1FFFFFF0, s28;
	s28 =	spop (v2sf);
	(v2sf) =	vpush v2, $0x9;
	_ =	sdelay $0x1  }
0x1b5: {  	s31 =	simm.s32 $0xE00;
	s26 =	sadd.s32 s3, s26  }
0x1b6: {  	[tilespmem:s31], [sflag:$0x2] =	stream.linear.gather [hbm4b:s26+s2], $0x80, $0x38;
	[tilespmem:$0x2480] =	vst v63  }
0x1b7: {  	s26 =	sand.u32 $0x1FFFFFF0, s28  }
0x1b8: {  	s31 =	simm.s32 $0xE80;
	s26 =	sadd.s32 s3, s26;
	s28 =	spop (v2sf);
	(v2sf) =	vpush v2, $0xA  }
0x1b9: {  	[tilespmem:s31], [sflag:$0x2] =	stream.linear.gather [hbm4b:s26+s2], $0x80, $0x38;
	[tilespmem:$0x2480] =	vst v63  }
0x1ba: {  	s26 =	sand.u32 $0x1FFFFFF0, s28;
	s28 =	spop (v2sf);
	(v2sf) =	vpush v2, $0xB;
	_ =	sdelay $0x2  }
0x1bb: {  	s31 =	simm.s32 $0xF00;
	s26 =	sadd.s32 s3, s26  }
0x1bc: {  	[tilespmem:s31], [sflag:$0x2] =	stream.linear.gather [hbm4b:s26+s2], $0x80, $0x38;
	[tilespmem:$0x2480] =	vst v63  }
0x1bd: {  	s26 =	sand.u32 $0x1FFFFFF0, s28  }
0x1be: {  	s31 =	simm.s32 $0xF80;
	s26 =	sadd.s32 s3, s26;
	s28 =	spop (v2sf);
	(v2sf) =	vpush v2, $0xC  }
0x1bf: {  	[tilespmem:s31], [sflag:$0x2] =	stream.linear.gather [hbm4b:s26+s2], $0x80, $0x38;
	[tilespmem:$0x2480] =	vst v63  }
0x1c0: {  	s26 =	sand.u32 $0x1FFFFFF0, s28;
	s28 =	spop (v2sf);
	(v2sf) =	vpush v2, $0xD;
	_ =	sdelay $0x1  }
0x1c1: {  	s31 =	simm.s32 $0x1000;
	s26 =	sadd.s32 s3, s26  }
0x1c2: {  	[tilespmem:s31], [sflag:$0x2] =	stream.linear.gather [hbm4b:s26+s2], $0x80, $0x38;
	[tilespmem:$0x2480] =	vst v63  }
0x1c3: {  	s26 =	sand.u32 $0x1FFFFFF0, s28  }
0x1c4: {  	s31 =	simm.s32 $0x1080;
	s26 =	sadd.s32 s3, s26;
	s28 =	spop (v2sf);
	(v2sf) =	vpush v2, $0xE  }
0x1c5: {  	[tilespmem:s31], [sflag:$0x2] =	stream.linear.gather [hbm4b:s26+s2], $0x80, $0x38;
	[tilespmem:$0x2480] =	vst v63  }
0x1c6: {  	s26 =	sand.u32 $0x1FFFFFF0, s28;
	s28 =	spop (v2sf);
	(v2sf) =	vpush v2, $0xF  }
0x1c7: {  	s31 =	simm.s32 $0x1100;
	s26 =	sadd.s32 s3, s26  }
0x1c8: {  	[tilespmem:s31], [sflag:$0x2] =	stream.linear.gather [hbm4b:s26+s2], $0x80, $0x38;
	[tilespmem:$0x2480] =	vst v63  }
0x1c9: {  	s26 =	sand.u32 $0x1FFFFFF0, s28  }
0x1ca: {  	s31 =	simm.s32 $0x1180;
	s26 =	sadd.s32 s3, s26  }
0x1cb: {  	[tilespmem:s31], [sflag:$0x2] =	stream.linear.gather [hbm4b:s26+s2], $0x80, $0x38;
	[tilespmem:$0x2480] =	vst v63  }
0x1cc: {  	s28 =	spop (v2sf)  }
0x1cd: {  	s26 =	sand.u32 $0x1FFFFFF0, s28  }
0x1ce: {  	s31 =	simm.s32 $0x1200;
	s28 =	spop (v2sf);
	s26 =	sadd.s32 s3, s26  }
0x1cf: {  	[tilespmem:s31], [sflag:$0x2] =	stream.linear.gather [hbm4b:s26+s2], $0x80, $0x38;
	[tilespmem:$0x2480] =	vst v63  }
0x1d0: {  	s26 =	sand.u32 $0x1FFFFFF0, s28  }
0x1d1: {  	s31 =	simm.s32 $0x1280;
	s26 =	sadd.s32 s3, s26  }
0x1d2: {  	[tilespmem:s31], [sflag:$0x2] =	stream.linear.gather [hbm4b:s26+s2], $0x80, $0x38;
	[tilespmem:$0x2480] =	vst v63  }
0x1d3: {  	s28 =	spop (v2sf)  }
0x1d4: {  	s31 =	simm.s32 $0x1300;
	s26 =	sand.u32 $0x1FFFFFF0, s28  }
.Ltmp4:
0x1d5: {  	s28 =	spop (v2sf);
	s26 =	sadd.s32 s3, s26;
	(pc) =	sbr.rel .LBB2_2-.Ltmp4, $4  }
0x1d6: {  	[tilespmem:s31], [sflag:$0x2] =	stream.linear.gather [hbm4b:s26+s2], $0x80, $0x38;
	[tilespmem:$0x2480] =	vst v63  }
0x1d7: {  	s26 =	sand.u32 $0x1FFFFFF0, s28  }
0x1d8: {  	s25 =	sadd.s32 $0x80, s25;
	s31 =	simm.s32 $0x1380;
	s26 =	sadd.s32 s3, s26  }
0x1d9: {  	[tilespmem:s31], [sflag:$0x2] =	stream.linear.gather [hbm4b:s26+s2], $0x80, $0x38;
	[tilespmem:$0x2480] =	vst v63  }
.LBB2_7:
0x1da: {  	_ =	sfence.sel $0x180000  }
0x1db: {  	[bflag:$0x0] =	sbarrier.arrive $0xFFFF  }
0x1dc: {  	_ =	strace $0x90000047  }
0x1dd: {  	s0 =	stileid.u32;
	[bflag:$0x2] =	sbarrier.arrive $0xFFFF  }
0x1de: {  	p0 =	sne.s32 s0, $0x0;
	s0 =	rddreg [dreg:$0x3]  }
0x1df: {  	s0 =	sadd.s32 @!p0 $0x100000, s0  }
0x1e0: {  	[sflag:s0] =	ssyncadd.tile.s32 @!p0 $0x1;
	_ =	shalt  }
.Lfunc_end2:
_tile_overlayer_lowered:
.L_overlay_start_2:
0x1e1: {  	(tag) =	ssettag $0x2  }
0x1e2: {  	s0 =	rddreg [dreg:$0x0];
	s2 =	stileid.u32  }
0x1e3: {  	s1 =	rddreg [dreg:$0x1];
	p0 =	sne.s32 s2, $0x0  }
0x1e4: {  	s3 =	rddreg [dreg:$0x2];
	[bflag:$0x3] =	sbarrier.arrive $0xFFFF;
	s2 =	simm.s32 @!p0 $0x1C03  }
0x1e5: {  	[timem:s3], [sflag:s2] =	dma.local @!p0 [hbm:s0], s1  }
0x1e6: {  	s0 =	simm.s32 @!p0 $0x3  }
0x1e7: {  	_ =	swait.ge @!p0 [sflag:s0], s1  }
0x1e8: {  	s1 =	ssub.s32 @!p0 $0x0, s1;
	[sflag:s0] =	ssyncset.done @!p0 $0x0  }
0x1e9: {  	[sflag:s0] =	ssyncadd.s32 @!p0 s1  }
0x1ea: {  	[bflag:$0x3] =	sbarrier.arrive $0xFFFF  }
0x1eb: {  	_ =	shalt  }

</sc_bundles>
